<compile_context>
chip_gen: v7x
topology: tpu7x:2x2x1
jax: 0.10.2.dev20260603
libtpu: 0.0.44.dev20260713+nightly
codegen_flags: <defaults>
</compile_context>

<pallas_src>
import jax
import jax.numpy as jnp
from jax import lax
from jax.experimental import pallas as pl
from jax.experimental.pallas import tpu as pltpu
from jax.experimental.pallas import tpu_sc as plsc

_T = 64
_M = 1024
_N = 20000
_L = 512

_NTILES = 32
_TREES_PER_TILE = _T // _NTILES
_W = 16
_NSTRIPS = _N // _W
_SPW = 272
_TG = 8


def _iota16():
    return lax.iota(jnp.int32, 16)


def _wid():
    return lax.axis_index("c") * 16 + lax.axis_index("s")


def _csr_body(ql_hbm, tl_hbm, qperm_hbm, spk_hbm, thist_hbm,
              qlv, tlv, cnt, cnt2, seg, out1k, out512, sbuf):
    w = _wid()
    lanes = _iota16()

    def do_tree(i, _):
        t = w * _TREES_PER_TILE + i
        pltpu.sync_copy(ql_hbm.at[t], qlv)
        pltpu.sync_copy(tl_hbm.at[t], tlv)

        z16 = jnp.zeros((16,), jnp.int32)

        def zero_blk(b, _):
            for u in range(8):
                cnt[pl.ds((b * 8 + u) * 16, 16)] = z16
            return 0
        lax.fori_loop(0, _L // 8, zero_blk, 0)

        def qhist(k, _):
            lv = plsc.load_gather(qlv, [lanes * (_M // 16) + k])
            a = lv * 16 + lanes
            c = plsc.load_gather(cnt, [a])
            plsc.store_scatter(cnt, [a], c + 1)
            return 0
        lax.fori_loop(0, _M // 16, qhist, 0)

        def scan_blk(b2, carry):
            b = b2 * 2
            v0 = cnt[pl.ds(b * 16, 16)]
            v1 = cnt[pl.ds(b * 16 + 16, 16)]
            inc0 = plsc.cumsum(v0)
            inc1 = plsc.cumsum(v1)
            carry0 = carry + inc0[15]
            seg[pl.ds(b * 16, 16)] = inc0 - v0 + carry
            seg[pl.ds(b * 16 + 16, 16)] = inc1 - v1 + carry0
            return carry0 + inc1[15]
        total = lax.fori_loop(0, _L // 2, scan_blk, jnp.int32(0))
        seg[pl.ds(_L * 16, 16)] = jnp.full((16,), total, jnp.int32)

        def spk_blk(b, _):
            wj = b * 16 + lanes
            e0 = jnp.minimum(wj * 2, _L) * 16
            e1 = jnp.minimum(wj * 2 + 1, _L) * 16
            lo = plsc.load_gather(seg, [e0])
            hi = plsc.load_gather(seg, [e1])
            sbuf[pl.ds(b * 16, 16)] = lo | lax.shift_left(hi, 16)
            return 0
        lax.fori_loop(0, _SPW // 16, spk_blk, 0)
        pltpu.sync_copy(sbuf, spk_hbm.at[t])

        def qscat(k, _):
            mv = lanes * (_M // 16) + k
            lv = plsc.load_gather(qlv, [mv])
            a = lv * 16 + lanes
            cur = plsc.load_gather(seg, [a])
            plsc.store_scatter(out1k, [cur], mv)
            plsc.store_scatter(seg, [a], cur + 1)
            return 0
        lax.fori_loop(0, _M // 16, qscat, 0)
        pltpu.sync_copy(out1k, qperm_hbm.at[t])

        def zero_blk2(b, _):
            for u in range(8):
                cnt2[pl.ds((b * 8 + u) * 16, 16)] = z16
            return 0
        lax.fori_loop(0, _L * 2 // 8, zero_blk2, 0)

        def thist_step(k2, _):
            k = k2 * 2
            lv0 = plsc.load_gather(tlv, [lanes * (_N // 16) + k])
            lv1 = plsc.load_gather(tlv, [lanes * (_N // 16) + k + 1])
            a0 = lv0 * 32 + lanes * 2
            a1 = lv1 * 32 + lanes * 2 + 1
            c0 = plsc.load_gather(cnt2, [a0])
            c1 = plsc.load_gather(cnt2, [a1])
            plsc.store_scatter(cnt2, [a0], c0 + 1)
            plsc.store_scatter(cnt2, [a1], c1 + 1)
            return 0
        lax.fori_loop(0, _N // 32, thist_step, 0)

        def tfold(b, _):
            l16 = b * 16 + lanes
            acc = plsc.load_gather(cnt2, [l16 * 32])
            def add_lane(j, acc):
                return acc + plsc.load_gather(cnt2, [l16 * 32 + j])
            acc = lax.fori_loop(1, 32, add_lane, acc)
            out512[pl.ds(b * 16, 16)] = acc
            return 0
        lax.fori_loop(0, _L // 16, tfold, 0)
        pltpu.sync_copy(out512, thist_hbm.at[t])
        return 0

    lax.fori_loop(0, _TREES_PER_TILE, do_tree, 0)


def _join_body(ql_hbm, tl_hbm, qperm_hbm, spk_hbm, thist_hbm,
               out_hbm, rs_stage, qdata_stage,
               qdata, spk, acc, tlb, qlb, qpv, rsl, rsv, osem, tsem):
    c = lax.axis_index("c")
    sidx = lax.axis_index("s")
    w = c * 16 + sidx
    lanes = _iota16()
    pltpu.sync_copy(spk_hbm, spk)

    pltpu.sync_copy(thist_hbm, qdata.at[:, pl.ds(0, _L)])
    pltpu.sync_copy(ql_hbm.at[:, pl.ds(sidx * 64, 64)], qlb)

    for j in range(4):
        def per_tree_rs(t, accv):
            lv = qlb[t, pl.ds(j * 16, 16)]
            h = plsc.load_gather(qdata, [jnp.full((16,), t, jnp.int32), lv])
            return accv + h
        accv = lax.fori_loop(0, _T, per_tree_rs, jnp.zeros((16,), jnp.int32))
        denom = accv.astype(jnp.float32) + jnp.float32(_T * 1e-8)
        rsl[pl.ds(j * 16, 16)] = jnp.float32(1.0) / denom
    pltpu.sync_copy(rsl, rs_stage.at[c, pl.ds(sidx * 64, 64)])
    plsc.subcore_barrier()

    pltpu.sync_copy(rs_stage.at[c], rsv)
    pltpu.sync_copy(qperm_hbm.at[pl.ds(sidx * 4, 4)], qpv)
    for i in range(4):
        def pack_step(j, _):
            mv = qpv[i, pl.ds(j * 16, 16)]
            rb = plsc.bitcast(plsc.load_gather(rsv, [mv]), jnp.int32)
            rb = (rb + 0x8000) & jnp.int32(-65536)
            qpv[i, pl.ds(j * 16, 16)] = rb | mv
            return 0
        lax.fori_loop(0, _M // 16, pack_step, 0)
    pltpu.sync_copy(qpv, qdata_stage.at[c, pl.ds(sidx * 4, 4)])
    plsc.subcore_barrier()

    pltpu.sync_copy(qdata_stage.at[c], qdata)

    npass = (_NSTRIPS + _NTILES - 1) // _NTILES

    def strip_of(si):
        return w + si * _NTILES

    def tl_copy(si):
        return pltpu.make_async_copy(
            tl_hbm.at[:, pl.ds(strip_of(si) * _W, _W)], tlb, tsem)

    def out_copy(si, b):
        return pltpu.make_async_copy(
            acc.at[b], out_hbm.at[:, pl.ds(strip_of(si) * _W, _W)],
            osem.at[b])


    def do_pass(p, _):
        for h in range(2):
            si = p * 2 + h
            b = h

            @pl.when(strip_of(si) < _NSTRIPS)
            def _():
                acc_b = acc.at[b]

                tl_copy(si).start()

                @pl.when(si >= 2)
                def _():
                    out_copy(si - 2, b).wait()

                def zero_rows(r, _):
                    for rr in range(16):
                        acc_b[r * 16 + rr, :] = jnp.zeros((16,), jnp.float32)
                    return 0
                lax.fori_loop(0, _M // 16, zero_rows, 0)
                tl_copy(si).wait()

                def header(t):
                    tlv = tlb[t, :]
                    trow = jnp.full((16,), t, jnp.int32)
                    wv = lax.shift_right_logical(tlv, 1)
                    odd = (tlv & 1) > 0
                    u0 = plsc.load_gather(spk, [trow, wv])
                    u1 = plsc.load_gather(spk, [trow, wv + 1])
                    lo0 = u0 & 0xFFFF
                    hi0 = lax.shift_right_logical(u0, 16)
                    lo1 = u1 & 0xFFFF
                    start = jnp.where(odd, hi0, lo0)
                    ln = jnp.where(odd, lo1, hi0) - start
                    return trow, start, ln

                def per_quad(tq, _):
                    hs = [header(tq * _TG + i) for i in range(_TG)]
                    lnmax = hs[0][2]
                    for _, _, lni in hs[1:]:
                        lnmax = jnp.maximum(lnmax, lni)
                    mx = jnp.max(lnmax)

                    def expand(k2, _):
                        k = k2 * 2
                        qs = []
                        for trow, start, ln in hs:
                            qs.append((plsc.load_gather(
                                qdata, [trow, start + k]), ln > k))
                            qs.append((plsc.load_gather(
                                qdata, [trow, start + k + 1]), ln > k + 1))
                        for q, msk in qs:
                            plsc.addupdate_scatter(
                                acc_b, [q & 0xFFFF, lanes],
                                plsc.bitcast(q & jnp.int32(-65536),
                                             jnp.float32),
                                mask=msk)
                        return 0
                    lax.fori_loop(0, (mx + 1) // 2, expand, 0)
                    return 0
                lax.fori_loop(0, _T // _TG, per_quad, 0)
                out_copy(si, b).start()
        return 0

    lax.fori_loop(0, (npass + 1) // 2, do_pass, 0)

    nstrips = _NSTRIPS // _NTILES + jnp.where(w < _NSTRIPS % _NTILES, 1, 0)

    @pl.when(nstrips >= 2)
    def _():
        out_copy(nstrips - 2, (nstrips - 2) % 2).wait()

    @pl.when(nstrips >= 1)
    def _():
        out_copy(nstrips - 1, (nstrips - 1) % 2).wait()


def _sc_pipeline(ql, tl):
    mesh = plsc.VectorSubcoreMesh(core_axis_name="c", subcore_axis_name="s")

    csr = pl.kernel(
        _csr_body,
        mesh=mesh,
        compiler_params=pltpu.CompilerParams(needs_layout_passes=False, use_tc_tiling_on_sc=False),
        out_type=(
            jax.ShapeDtypeStruct((_T, _M), jnp.int32),
            jax.ShapeDtypeStruct((_T, _SPW), jnp.int32),
            jax.ShapeDtypeStruct((_T, _L), jnp.int32),
        ),
        scratch_types=[
            pltpu.VMEM((_M,), jnp.int32),
            pltpu.VMEM((_N,), jnp.int32),
            pltpu.VMEM((_L * 16,), jnp.int32),
            pltpu.VMEM((_L * 32,), jnp.int32),
            pltpu.VMEM((_L * 16 + 16,), jnp.int32),
            pltpu.VMEM((_M,), jnp.int32),
            pltpu.VMEM((_L,), jnp.int32),
            pltpu.VMEM((_SPW,), jnp.int32),
        ],
    )
    qperm, spk, thist = csr(ql, tl)

    out, _, _ = pl.kernel(
        _join_body,
        mesh=mesh,
        compiler_params=pltpu.CompilerParams(needs_layout_passes=False, use_tc_tiling_on_sc=False),
        out_type=(
            jax.ShapeDtypeStruct((_M, _N), jnp.float32),
            jax.ShapeDtypeStruct((2, _M), jnp.float32),
            jax.ShapeDtypeStruct((2, _T, _M), jnp.int32),
        ),
        scratch_types=[
            pltpu.VMEM((_T, _M), jnp.int32),
            pltpu.VMEM((_T, _SPW), jnp.int32),
            pltpu.VMEM((2, _M, _W), jnp.float32),
            pltpu.VMEM((_T, _W), jnp.int32),
            pltpu.VMEM((_T, 64), jnp.int32),
            pltpu.VMEM((4, _M), jnp.int32),
            pltpu.VMEM((64,), jnp.float32),
            pltpu.VMEM((_M,), jnp.float32),
            pltpu.SemaphoreType.DMA((2,)),
            pltpu.SemaphoreType.DMA,
        ],
    )(ql, tl, qperm, spk, thist)
    return out


def kernel(X, query_leaves, train_leaves):
    del X
    return _sc_pipeline(query_leaves, train_leaves)

# --- scband reference (transcript-rebuilt; emitter-appended) ---
"""Pipeline reference for scband-rfconditioner-5540507812141 (READ-ONLY COPY).

The authoritative reference and input builder live on the scoring server;
editing this copy changes nothing except your own understanding.
"""

import jax, jax.numpy as jnp
import numpy as np

T = 64
M = 1024
N = 20000
D = 64
L = 512

def setup_inputs(seed: int = 0) -> dict:
    key = jax.random.key(seed)
    k1, k2, k3 = jax.random.split(key, 3)
    X = jax.random.normal(k1, (M, D), dtype=jnp.float32)
    query_leaves = jax.random.randint(k2, (T, M), 0, L, dtype=jnp.int32)
    train_leaves = jax.random.randint(k3, (T, N), 0, L, dtype=jnp.int32)
    return {"X": X, "query_leaves": query_leaves, "train_leaves": train_leaves}

def reference(X, query_leaves, train_leaves):
    # QR-forest conditioner: for each query m and each tree t, add 1 to every
    # training point j that falls in the same leaf as the query in tree t.
    # tree.apply(...) is precomputed as per-tree leaf-id tensors.
    T_ = query_leaves.shape[0]
    M_ = query_leaves.shape[1]
    N_ = train_leaves.shape[1]
    def body(carry, xs):
        ql, tl = xs  # ql: [M], tl: [N]
        w = (ql[:, None] == tl[None, :]).astype(jnp.float32)
        return carry + w, None
    init = jnp.zeros((M_, N_), dtype=jnp.float32)
    weights, _ = jax.lax.scan(body, init, (query_leaves, train_leaves))
    weights = weights / T_
    weights = weights / (jnp.sum(weights, axis=1, keepdims=True) + 1e-08)
    return weights

if __name__ == "__main__":
    import jax
    _d = setup_inputs()
    print(jax.jit(kernel)(*tuple(_d.values())))

</pallas_src>

<mosaic_0001>
#map = affine_map<(d0, d1) -> (0, 0)>
#map1 = affine_map<(d0, d1) -> (0, 0, 0)>
module attributes {stable_mosaic.version = 14 : i64} {
  func.func @_join_body(%arg0: i32, %arg1: i32, %arg2: memref<64x1024xi32, #tpu.memory_space<hbm>>, %arg3: memref<64x20000xi32, #tpu.memory_space<hbm>>, %arg4: memref<64x1024xi32, #tpu.memory_space<hbm>>, %arg5: memref<64x272xi32, #tpu.memory_space<hbm>>, %arg6: memref<64x512xi32, #tpu.memory_space<hbm>>, %arg7: memref<1024x20000xf32, #tpu.memory_space<hbm>>, %arg8: memref<2x1024xf32, #tpu.memory_space<hbm>>, %arg9: memref<2x64x1024xi32, #tpu.memory_space<hbm>>, %arg10: memref<64x1024xi32, #tpu.memory_space<vmem>>, %arg11: memref<64x272xi32, #tpu.memory_space<vmem>>, %arg12: memref<2x1024x16xf32, #tpu.memory_space<vmem>>, %arg13: memref<64x16xi32, #tpu.memory_space<vmem>>, %arg14: memref<64x64xi32, #tpu.memory_space<vmem>>, %arg15: memref<4x1024xi32, #tpu.memory_space<vmem>>, %arg16: memref<64xf32, #tpu.memory_space<vmem>>, %arg17: memref<1024xf32, #tpu.memory_space<vmem>>, %arg18: memref<2x!tpu.dma_semaphore, #tpu.memory_space<semaphore_mem>>, %arg19: memref<!tpu.dma_semaphore, #tpu.memory_space<semaphore_mem>>) attributes {dimension_semantics = [#tpu.dimension_semantics<core_parallel>, #tpu.dimension_semantics<subcore_parallel>], iteration_bounds = array<i64: 2, 16>, scalar_prefetch = 0 : i64, scratch_operands = 10 : i64, tpu.core_type = #tpu.core_type<sc_vector_subcore>, window_params = [{transform_indices = #map}, {transform_indices = #map}, {transform_indices = #map}, {transform_indices = #map}, {transform_indices = #map}, {transform_indices = #map}, {transform_indices = #map}, {transform_indices = #map1}]} {
    %mul3A = arith.constant 16 : i32
    %mul3A_0 = arith.muli %arg0, %mul3A : i32
    %add3A = arith.addi %mul3A_0, %arg1 : i32
    %iota3A = tpu.iota {dimensions = array<i32: 0>} : vector<16xi32>
    "tpu.region"() ({
      %run_scoped3A = tpu.sem_alloc : memref<!tpu.dma_semaphore, #tpu.memory_space<semaphore_mem>>
      tpu.enqueue_dma source(%arg5 : memref<64x272xi32, #tpu.memory_space<hbm>>) target(%arg11 : memref<64x272xi32, #tpu.memory_space<vmem>>) target_semaphore(%run_scoped3A : memref<!tpu.dma_semaphore, #tpu.memory_space<semaphore_mem>>)
      tpu.wait_dma2 semaphore(%run_scoped3A : memref<!tpu.dma_semaphore, #tpu.memory_space<semaphore_mem>>) src(%arg5 : memref<64x272xi32, #tpu.memory_space<hbm>>) dst(%arg11 : memref<64x272xi32, #tpu.memory_space<vmem>>)
      tpu.yield
    }) : () -> ()
    "tpu.region"() ({
      %run_scoped3A = tpu.sem_alloc : memref<!tpu.dma_semaphore, #tpu.memory_space<semaphore_mem>>
      %dma_start3A = arith.constant 0 : i32
      %dma_start3A_120 = arith.constant 0 : i32
      %dma_start3A_121 = tpu.memref_slice %arg10[%dma_start3A, %dma_start3A_120] : memref<64x1024xi32, #tpu.memory_space<vmem>> -> memref<64x512xi32, #tpu.memory_space<vmem>>
      %dma_start3A_122 = arith.constant 0 : i32
      %dma_start3A_123 = arith.constant 0 : i32
      %dma_start3A_124 = tpu.memref_slice %arg10[%dma_start3A_122, %dma_start3A_123] : memref<64x1024xi32, #tpu.memory_space<vmem>> -> memref<64x512xi32, #tpu.memory_space<vmem>>
      tpu.enqueue_dma source(%arg6 : memref<64x512xi32, #tpu.memory_space<hbm>>) target(%dma_start3A_124 : memref<64x512xi32, #tpu.memory_space<vmem>>) target_semaphore(%run_scoped3A : memref<!tpu.dma_semaphore, #tpu.memory_space<semaphore_mem>>)
      %dma_wait3A = arith.constant 0 : i32
      %dma_wait3A_125 = arith.constant 0 : i32
      %dma_wait3A_126 = tpu.memref_slice %arg10[%dma_wait3A, %dma_wait3A_125] : memref<64x1024xi32, #tpu.memory_space<vmem>> -> memref<64x512xi32, #tpu.memory_space<vmem>>
      %dma_wait3A_127 = arith.constant 0 : i32
      %dma_wait3A_128 = arith.constant 0 : i32
      %dma_wait3A_129 = tpu.memref_slice %arg10[%dma_wait3A_127, %dma_wait3A_128] : memref<64x1024xi32, #tpu.memory_space<vmem>> -> memref<64x512xi32, #tpu.memory_space<vmem>>
      tpu.wait_dma2 semaphore(%run_scoped3A : memref<!tpu.dma_semaphore, #tpu.memory_space<semaphore_mem>>) src(%arg6 : memref<64x512xi32, #tpu.memory_space<hbm>>) dst(%dma_wait3A_129 : memref<64x512xi32, #tpu.memory_space<vmem>>)
      tpu.yield
    }) : () -> ()
    %mul3A_1 = arith.constant 64 : i32
    %mul3A_2 = arith.muli %arg1, %mul3A_1 : i32
    "tpu.region"() ({
      %run_scoped3A = tpu.sem_alloc : memref<!tpu.dma_semaphore, #tpu.memory_space<semaphore_mem>>
      %dma_start3A = arith.constant 0 : i32
      %dma_start3A_120 = tpu.memref_slice %arg2[%dma_start3A, %mul3A_2] : memref<64x1024xi32, #tpu.memory_space<hbm>> -> memref<64x64xi32, #tpu.memory_space<hbm>>
      %dma_start3A_121 = arith.constant 0 : i32
      %dma_start3A_122 = tpu.memref_slice %arg2[%dma_start3A_121, %mul3A_2] : memref<64x1024xi32, #tpu.memory_space<hbm>> -> memref<64x64xi32, #tpu.memory_space<hbm>>
      tpu.enqueue_dma source(%dma_start3A_122 : memref<64x64xi32, #tpu.memory_space<hbm>>) target(%arg14 : memref<64x64xi32, #tpu.memory_space<vmem>>) target_semaphore(%run_scoped3A : memref<!tpu.dma_semaphore, #tpu.memory_space<semaphore_mem>>)
      %dma_wait3A = arith.constant 0 : i32
      %dma_wait3A_123 = tpu.memref_slice %arg2[%dma_wait3A, %mul3A_2] : memref<64x1024xi32, #tpu.memory_space<hbm>> -> memref<64x64xi32, #tpu.memory_space<hbm>>
      %dma_wait3A_124 = arith.constant 0 : i32
      %dma_wait3A_125 = tpu.memref_slice %arg2[%dma_wait3A_124, %mul3A_2] : memref<64x1024xi32, #tpu.memory_space<hbm>> -> memref<64x64xi32, #tpu.memory_space<hbm>>
      tpu.wait_dma2 semaphore(%run_scoped3A : memref<!tpu.dma_semaphore, #tpu.memory_space<semaphore_mem>>) src(%dma_wait3A_125 : memref<64x64xi32, #tpu.memory_space<hbm>>) dst(%arg14 : memref<64x64xi32, #tpu.memory_space<vmem>>)
      tpu.yield
    }) : () -> ()
    %broadcast_in_dim3A = arith.constant 0 : i32
    %broadcast_in_dim3A_3 = vector.broadcast %broadcast_in_dim3A : i32 to vector<16xi32>
    %scan3A = arith.constant 0 : i32
    %scan3A_4 = arith.constant 64 : i32
    %scan3A_5 = arith.addi %scan3A, %scan3A_4 : i32
    %scan3A_6 = arith.constant 1 : i32
    %scan3A_7 = scf.for %scan3A_120 = %scan3A to %scan3A_5 step %scan3A_6 iter_args(%scan3A_121 = %broadcast_in_dim3A_3) -> (vector<16xi32>)  : i32 {
      %get3A = arith.index_cast %scan3A_120 : i32 to index
      %get3A_122 = arith.constant 0 : index
      %get3A_123 = tpu.vector_load %arg14[%get3A, %get3A_122] {strides = array<i32>} : memref<64x64xi32, #tpu.memory_space<vmem>>, vector<16xi32>,
      %broadcast_in_dim3A_124 = vector.broadcast %scan3A_120 : i32 to vector<16xi32>
      %gather3A = tpu.vector_load_idx %arg10[%broadcast_in_dim3A_124, %get3A_123] : memref<64x1024xi32, #tpu.memory_space<vmem>>[vector<16xi32>, vector<16xi32>], vector<16xi32>,
      %add3A_125 = arith.addi %scan3A_121, %gather3A : vector<16xi32>
      scf.yield %add3A_125 : vector<16xi32>
    }
    %scan3A_8 = arith.constant 64 : i32
    %convert_element_type3A = arith.sitofp %scan3A_7 : vector<16xi32> to vector<16xf32>
    %add3A_9 = arith.constant 6.400000e-07 : f32
    %add3A_10 = vector.broadcast %add3A_9 : f32 to vector<16xf32>
    %add3A_11 = arith.addf %convert_element_type3A, %add3A_10 : vector<16xf32>
    %div3A = arith.constant 1.000000e+00 : f32
    %div3A_12 = vector.broadcast %div3A : f32 to vector<16xf32>
    %div3A_13 = arith.divf %div3A_12, %add3A_11 : vector<16xf32>
    %swap3A = arith.constant 0 : index
    %swap3A_14 = tpu.vector_load %arg16[%swap3A] {strides = array<i32>} : memref<64xf32, #tpu.memory_space<vmem>>, vector<16xf32>,
    tpu.vector_store %arg16[%swap3A], %div3A_13 {strides = array<i32>} : memref<64xf32, #tpu.memory_space<vmem>>, vector<16xf32>,
    %broadcast_in_dim3A_15 = arith.constant 0 : i32
    %broadcast_in_dim3A_16 = vector.broadcast %broadcast_in_dim3A_15 : i32 to vector<16xi32>
    %scan3A_17 = arith.constant 0 : i32
    %scan3A_18 = arith.constant 64 : i32
    %scan3A_19 = arith.addi %scan3A_17, %scan3A_18 : i32
    %scan3A_20 = arith.constant 1 : i32
    %scan3A_21 = scf.for %scan3A_120 = %scan3A_17 to %scan3A_19 step %scan3A_20 iter_args(%scan3A_121 = %broadcast_in_dim3A_16) -> (vector<16xi32>)  : i32 {
      %get3A = arith.index_cast %scan3A_120 : i32 to index
      %get3A_122 = arith.constant 16 : index
      %get3A_123 = tpu.vector_load %arg14[%get3A, %get3A_122] {strides = array<i32>} : memref<64x64xi32, #tpu.memory_space<vmem>>, vector<16xi32>,
      %broadcast_in_dim3A_124 = vector.broadcast %scan3A_120 : i32 to vector<16xi32>
      %gather3A = tpu.vector_load_idx %arg10[%broadcast_in_dim3A_124, %get3A_123] : memref<64x1024xi32, #tpu.memory_space<vmem>>[vector<16xi32>, vector<16xi32>], vector<16xi32>,
      %add3A_125 = arith.addi %scan3A_121, %gather3A : vector<16xi32>
      scf.yield %add3A_125 : vector<16xi32>
    }
    %scan3A_22 = arith.constant 64 : i32
    %convert_element_type3A_23 = arith.sitofp %scan3A_21 : vector<16xi32> to vector<16xf32>
    %add3A_24 = arith.constant 6.400000e-07 : f32
    %add3A_25 = vector.broadcast %add3A_24 : f32 to vector<16xf32>
    %add3A_26 = arith.addf %convert_element_type3A_23, %add3A_25 : vector<16xf32>
    %div3A_27 = arith.constant 1.000000e+00 : f32
    %div3A_28 = vector.broadcast %div3A_27 : f32 to vector<16xf32>
    %div3A_29 = arith.divf %div3A_28, %add3A_26 : vector<16xf32>
    %swap3A_30 = arith.constant 16 : index
    %swap3A_31 = tpu.vector_load %arg16[%swap3A_30] {strides = array<i32>} : memref<64xf32, #tpu.memory_space<vmem>>, vector<16xf32>,
    tpu.vector_store %arg16[%swap3A_30], %div3A_29 {strides = array<i32>} : memref<64xf32, #tpu.memory_space<vmem>>, vector<16xf32>,
    %broadcast_in_dim3A_32 = arith.constant 0 : i32
    %broadcast_in_dim3A_33 = vector.broadcast %broadcast_in_dim3A_32 : i32 to vector<16xi32>
    %scan3A_34 = arith.constant 0 : i32
    %scan3A_35 = arith.constant 64 : i32
    %scan3A_36 = arith.addi %scan3A_34, %scan3A_35 : i32
    %scan3A_37 = arith.constant 1 : i32
    %scan3A_38 = scf.for %scan3A_120 = %scan3A_34 to %scan3A_36 step %scan3A_37 iter_args(%scan3A_121 = %broadcast_in_dim3A_33) -> (vector<16xi32>)  : i32 {
      %get3A = arith.index_cast %scan3A_120 : i32 to index
      %get3A_122 = arith.constant 32 : index
      %get3A_123 = tpu.vector_load %arg14[%get3A, %get3A_122] {strides = array<i32>} : memref<64x64xi32, #tpu.memory_space<vmem>>, vector<16xi32>,
      %broadcast_in_dim3A_124 = vector.broadcast %scan3A_120 : i32 to vector<16xi32>
      %gather3A = tpu.vector_load_idx %arg10[%broadcast_in_dim3A_124, %get3A_123] : memref<64x1024xi32, #tpu.memory_space<vmem>>[vector<16xi32>, vector<16xi32>], vector<16xi32>,
      %add3A_125 = arith.addi %scan3A_121, %gather3A : vector<16xi32>
      scf.yield %add3A_125 : vector<16xi32>
    }
    %scan3A_39 = arith.constant 64 : i32
    %convert_element_type3A_40 = arith.sitofp %scan3A_38 : vector<16xi32> to vector<16xf32>
    %add3A_41 = arith.constant 6.400000e-07 : f32
    %add3A_42 = vector.broadcast %add3A_41 : f32 to vector<16xf32>
    %add3A_43 = arith.addf %convert_element_type3A_40, %add3A_42 : vector<16xf32>
    %div3A_44 = arith.constant 1.000000e+00 : f32
    %div3A_45 = vector.broadcast %div3A_44 : f32 to vector<16xf32>
    %div3A_46 = arith.divf %div3A_45, %add3A_43 : vector<16xf32>
    %swap3A_47 = arith.constant 32 : index
    %swap3A_48 = tpu.vector_load %arg16[%swap3A_47] {strides = array<i32>} : memref<64xf32, #tpu.memory_space<vmem>>, vector<16xf32>,
    tpu.vector_store %arg16[%swap3A_47], %div3A_46 {strides = array<i32>} : memref<64xf32, #tpu.memory_space<vmem>>, vector<16xf32>,
    %broadcast_in_dim3A_49 = arith.constant 0 : i32
    %broadcast_in_dim3A_50 = vector.broadcast %broadcast_in_dim3A_49 : i32 to vector<16xi32>
    %scan3A_51 = arith.constant 0 : i32
    %scan3A_52 = arith.constant 64 : i32
    %scan3A_53 = arith.addi %scan3A_51, %scan3A_52 : i32
    %scan3A_54 = arith.constant 1 : i32
    %scan3A_55 = scf.for %scan3A_120 = %scan3A_51 to %scan3A_53 step %scan3A_54 iter_args(%scan3A_121 = %broadcast_in_dim3A_50) -> (vector<16xi32>)  : i32 {
      %get3A = arith.index_cast %scan3A_120 : i32 to index
      %get3A_122 = arith.constant 48 : index
      %get3A_123 = tpu.vector_load %arg14[%get3A, %get3A_122] {strides = array<i32>} : memref<64x64xi32, #tpu.memory_space<vmem>>, vector<16xi32>,
      %broadcast_in_dim3A_124 = vector.broadcast %scan3A_120 : i32 to vector<16xi32>
      %gather3A = tpu.vector_load_idx %arg10[%broadcast_in_dim3A_124, %get3A_123] : memref<64x1024xi32, #tpu.memory_space<vmem>>[vector<16xi32>, vector<16xi32>], vector<16xi32>,
      %add3A_125 = arith.addi %scan3A_121, %gather3A : vector<16xi32>
      scf.yield %add3A_125 : vector<16xi32>
    }
    %scan3A_56 = arith.constant 64 : i32
    %convert_element_type3A_57 = arith.sitofp %scan3A_55 : vector<16xi32> to vector<16xf32>
    %add3A_58 = arith.constant 6.400000e-07 : f32
    %add3A_59 = vector.broadcast %add3A_58 : f32 to vector<16xf32>
    %add3A_60 = arith.addf %convert_element_type3A_57, %add3A_59 : vector<16xf32>
    %div3A_61 = arith.constant 1.000000e+00 : f32
    %div3A_62 = vector.broadcast %div3A_61 : f32 to vector<16xf32>
    %div3A_63 = arith.divf %div3A_62, %add3A_60 : vector<16xf32>
    %swap3A_64 = arith.constant 48 : index
    %swap3A_65 = tpu.vector_load %arg16[%swap3A_64] {strides = array<i32>} : memref<64xf32, #tpu.memory_space<vmem>>, vector<16xf32>,
    tpu.vector_store %arg16[%swap3A_64], %div3A_63 {strides = array<i32>} : memref<64xf32, #tpu.memory_space<vmem>>, vector<16xf32>,
    %mul3A_66 = arith.constant 64 : i32
    %mul3A_67 = arith.muli %arg1, %mul3A_66 : i32
    "tpu.region"() ({
      %run_scoped3A = tpu.sem_alloc : memref<!tpu.dma_semaphore, #tpu.memory_space<semaphore_mem>>
      %dma_start3A = tpu.memref_slice %arg8[%arg0, %mul3A_67] : memref<2x1024xf32, #tpu.memory_space<hbm>> -> memref<1x64xf32, #tpu.memory_space<hbm>>
      %dma_start3A_120 = tpu.memref_squeeze %dma_start3A : memref<1x64xf32, #tpu.memory_space<hbm>> -> memref<64xf32, #tpu.memory_space<hbm>>
      %dma_start3A_121 = tpu.memref_slice %arg8[%arg0, %mul3A_67] : memref<2x1024xf32, #tpu.memory_space<hbm>> -> memref<1x64xf32, #tpu.memory_space<hbm>>
      %dma_start3A_122 = tpu.memref_squeeze %dma_start3A_121 : memref<1x64xf32, #tpu.memory_space<hbm>> -> memref<64xf32, #tpu.memory_space<hbm>>
      tpu.enqueue_dma source(%arg16 : memref<64xf32, #tpu.memory_space<vmem>>) target(%dma_start3A_122 : memref<64xf32, #tpu.memory_space<hbm>>) target_semaphore(%run_scoped3A : memref<!tpu.dma_semaphore, #tpu.memory_space<semaphore_mem>>)
      %dma_wait3A = tpu.memref_slice %arg8[%arg0, %mul3A_67] : memref<2x1024xf32, #tpu.memory_space<hbm>> -> memref<1x64xf32, #tpu.memory_space<hbm>>
      %dma_wait3A_123 = tpu.memref_squeeze %dma_wait3A : memref<1x64xf32, #tpu.memory_space<hbm>> -> memref<64xf32, #tpu.memory_space<hbm>>
      %dma_wait3A_124 = tpu.memref_slice %arg8[%arg0, %mul3A_67] : memref<2x1024xf32, #tpu.memory_space<hbm>> -> memref<1x64xf32, #tpu.memory_space<hbm>>
      %dma_wait3A_125 = tpu.memref_squeeze %dma_wait3A_124 : memref<1x64xf32, #tpu.memory_space<hbm>> -> memref<64xf32, #tpu.memory_space<hbm>>
      tpu.wait_dma2 semaphore(%run_scoped3A : memref<!tpu.dma_semaphore, #tpu.memory_space<semaphore_mem>>) src(%arg16 : memref<64xf32, #tpu.memory_space<vmem>>) dst(%dma_wait3A_125 : memref<64xf32, #tpu.memory_space<hbm>>)
      tpu.yield
    }) : () -> ()
    %barrier3A = arith.constant 0 : index
    tpu.barrier barrier_id(%barrier3A)
    "tpu.region"() ({
      %run_scoped3A = tpu.sem_alloc : memref<!tpu.dma_semaphore, #tpu.memory_space<semaphore_mem>>
      %dma_start3A = arith.constant 0 : i32
      %dma_start3A_120 = tpu.memref_slice %arg8[%arg0, %dma_start3A] : memref<2x1024xf32, #tpu.memory_space<hbm>> -> memref<1x1024xf32, #tpu.memory_space<hbm>>
      %dma_start3A_121 = tpu.memref_squeeze %dma_start3A_120 : memref<1x1024xf32, #tpu.memory_space<hbm>> -> memref<1024xf32, #tpu.memory_space<hbm>>
      %dma_start3A_122 = arith.constant 0 : i32
      %dma_start3A_123 = tpu.memref_slice %arg8[%arg0, %dma_start3A_122] : memref<2x1024xf32, #tpu.memory_space<hbm>> -> memref<1x1024xf32, #tpu.memory_space<hbm>>
      %dma_start3A_124 = tpu.memref_squeeze %dma_start3A_123 : memref<1x1024xf32, #tpu.memory_space<hbm>> -> memref<1024xf32, #tpu.memory_space<hbm>>
      tpu.enqueue_dma source(%dma_start3A_124 : memref<1024xf32, #tpu.memory_space<hbm>>) target(%arg17 : memref<1024xf32, #tpu.memory_space<vmem>>) target_semaphore(%run_scoped3A : memref<!tpu.dma_semaphore, #tpu.memory_space<semaphore_mem>>)
      %dma_wait3A = arith.constant 0 : i32
      %dma_wait3A_125 = tpu.memref_slice %arg8[%arg0, %dma_wait3A] : memref<2x1024xf32, #tpu.memory_space<hbm>> -> memref<1x1024xf32, #tpu.memory_space<hbm>>
      %dma_wait3A_126 = tpu.memref_squeeze %dma_wait3A_125 : memref<1x1024xf32, #tpu.memory_space<hbm>> -> memref<1024xf32, #tpu.memory_space<hbm>>
      %dma_wait3A_127 = arith.constant 0 : i32
      %dma_wait3A_128 = tpu.memref_slice %arg8[%arg0, %dma_wait3A_127] : memref<2x1024xf32, #tpu.memory_space<hbm>> -> memref<1x1024xf32, #tpu.memory_space<hbm>>
      %dma_wait3A_129 = tpu.memref_squeeze %dma_wait3A_128 : memref<1x1024xf32, #tpu.memory_space<hbm>> -> memref<1024xf32, #tpu.memory_space<hbm>>
      tpu.wait_dma2 semaphore(%run_scoped3A : memref<!tpu.dma_semaphore, #tpu.memory_space<semaphore_mem>>) src(%dma_wait3A_129 : memref<1024xf32, #tpu.memory_space<hbm>>) dst(%arg17 : memref<1024xf32, #tpu.memory_space<vmem>>)
      tpu.yield
    }) : () -> ()
    %mul3A_68 = arith.constant 4 : i32
    %mul3A_69 = arith.muli %arg1, %mul3A_68 : i32
    "tpu.region"() ({
      %run_scoped3A = tpu.sem_alloc : memref<!tpu.dma_semaphore, #tpu.memory_space<semaphore_mem>>
      %dma_start3A = arith.constant 0 : i32
      %dma_start3A_120 = tpu.memref_slice %arg4[%mul3A_69, %dma_start3A] : memref<64x1024xi32, #tpu.memory_space<hbm>> -> memref<4x1024xi32, #tpu.memory_space<hbm>>
      %dma_start3A_121 = arith.constant 0 : i32
      %dma_start3A_122 = tpu.memref_slice %arg4[%mul3A_69, %dma_start3A_121] : memref<64x1024xi32, #tpu.memory_space<hbm>> -> memref<4x1024xi32, #tpu.memory_space<hbm>>
      tpu.enqueue_dma source(%dma_start3A_122 : memref<4x1024xi32, #tpu.memory_space<hbm>>) target(%arg15 : memref<4x1024xi32, #tpu.memory_space<vmem>>) target_semaphore(%run_scoped3A : memref<!tpu.dma_semaphore, #tpu.memory_space<semaphore_mem>>)
      %dma_wait3A = arith.constant 0 : i32
      %dma_wait3A_123 = tpu.memref_slice %arg4[%mul3A_69, %dma_wait3A] : memref<64x1024xi32, #tpu.memory_space<hbm>> -> memref<4x1024xi32, #tpu.memory_space<hbm>>
      %dma_wait3A_124 = arith.constant 0 : i32
      %dma_wait3A_125 = tpu.memref_slice %arg4[%mul3A_69, %dma_wait3A_124] : memref<64x1024xi32, #tpu.memory_space<hbm>> -> memref<4x1024xi32, #tpu.memory_space<hbm>>
      tpu.wait_dma2 semaphore(%run_scoped3A : memref<!tpu.dma_semaphore, #tpu.memory_space<semaphore_mem>>) src(%dma_wait3A_125 : memref<4x1024xi32, #tpu.memory_space<hbm>>) dst(%arg15 : memref<4x1024xi32, #tpu.memory_space<vmem>>)
      tpu.yield
    }) : () -> ()
    %scan3A_70 = arith.constant 0 : i32
    %scan3A_71 = arith.constant 0 : i32
    %scan3A_72 = arith.constant 64 : i32
    %scan3A_73 = arith.addi %scan3A_71, %scan3A_72 : i32
    %scan3A_74 = arith.constant 1 : i32
    %scan3A_75 = scf.for %scan3A_120 = %scan3A_71 to %scan3A_73 step %scan3A_74 iter_args(%scan3A_121 = %scan3A_70) -> (i32)  : i32 {
      %mul3A_122 = arith.constant 16 : i32
      %mul3A_123 = arith.muli %scan3A_120, %mul3A_122 : i32
      %get3A = arith.constant 0 : i32
      %get3A_124 = arith.index_cast %get3A : i32 to index
      %get3A_125 = arith.index_cast %mul3A_123 : i32 to index
      %get3A_126 = tpu.vector_load %arg15[%get3A_124, %get3A_125] {strides = array<i32>} : memref<4x1024xi32, #tpu.memory_space<vmem>>, vector<16xi32>,
      %gather3A = tpu.vector_load_idx %arg17[%get3A_126] : memref<1024xf32, #tpu.memory_space<vmem>>[vector<16xi32>], vector<16xf32>,
      %bitcast3A = vector.bitcast %gather3A : vector<16xf32> to vector<16xi32>
      %add3A_127 = arith.constant 32768 : i32
      %add3A_128 = vector.broadcast %add3A_127 : i32 to vector<16xi32>
      %add3A_129 = arith.addi %bitcast3A, %add3A_128 : vector<16xi32>
      %and3A = arith.constant -65536 : i32
      %and3A_130 = vector.broadcast %and3A : i32 to vector<16xi32>
      %and3A_131 = arith.andi %add3A_129, %and3A_130 : vector<16xi32>
      %or3A = arith.ori %and3A_131, %get3A_126 : vector<16xi32>
      %mul3A_132 = arith.constant 16 : i32
      %mul3A_133 = arith.muli %scan3A_120, %mul3A_132 : i32
      %swap3A_134 = arith.constant 0 : i32
      %swap3A_135 = arith.index_cast %swap3A_134 : i32 to index
      %swap3A_136 = arith.index_cast %mul3A_133 : i32 to index
      %swap3A_137 = tpu.vector_load %arg15[%swap3A_135, %swap3A_136] {strides = array<i32>} : memref<4x1024xi32, #tpu.memory_space<vmem>>, vector<16xi32>,
      tpu.vector_store %arg15[%swap3A_135, %swap3A_136], %or3A {strides = array<i32>} : memref<4x1024xi32, #tpu.memory_space<vmem>>, vector<16xi32>,
      %scan3A_138 = arith.constant 0 : i32
      scf.yield %scan3A_138 : i32
    }
    %scan3A_76 = arith.constant 64 : i32
    %scan3A_77 = arith.constant 0 : i32
    %scan3A_78 = arith.constant 0 : i32
    %scan3A_79 = arith.constant 64 : i32
    %scan3A_80 = arith.addi %scan3A_78, %scan3A_79 : i32
    %scan3A_81 = arith.constant 1 : i32
    %scan3A_82 = scf.for %scan3A_120 = %scan3A_78 to %scan3A_80 step %scan3A_81 iter_args(%scan3A_121 = %scan3A_77) -> (i32)  : i32 {
      %mul3A_122 = arith.constant 16 : i32
      %mul3A_123 = arith.muli %scan3A_120, %mul3A_122 : i32
      %get3A = arith.constant 1 : i32
      %get3A_124 = arith.index_cast %get3A : i32 to index
      %get3A_125 = arith.index_cast %mul3A_123 : i32 to index
      %get3A_126 = tpu.vector_load %arg15[%get3A_124, %get3A_125] {strides = array<i32>} : memref<4x1024xi32, #tpu.memory_space<vmem>>, vector<16xi32>,
      %gather3A = tpu.vector_load_idx %arg17[%get3A_126] : memref<1024xf32, #tpu.memory_space<vmem>>[vector<16xi32>], vector<16xf32>,
      %bitcast3A = vector.bitcast %gather3A : vector<16xf32> to vector<16xi32>
      %add3A_127 = arith.constant 32768 : i32
      %add3A_128 = vector.broadcast %add3A_127 : i32 to vector<16xi32>
      %add3A_129 = arith.addi %bitcast3A, %add3A_128 : vector<16xi32>
      %and3A = arith.constant -65536 : i32
      %and3A_130 = vector.broadcast %and3A : i32 to vector<16xi32>
      %and3A_131 = arith.andi %add3A_129, %and3A_130 : vector<16xi32>
      %or3A = arith.ori %and3A_131, %get3A_126 : vector<16xi32>
      %mul3A_132 = arith.constant 16 : i32
      %mul3A_133 = arith.muli %scan3A_120, %mul3A_132 : i32
      %swap3A_134 = arith.constant 1 : i32
      %swap3A_135 = arith.index_cast %swap3A_134 : i32 to index
      %swap3A_136 = arith.index_cast %mul3A_133 : i32 to index
      %swap3A_137 = tpu.vector_load %arg15[%swap3A_135, %swap3A_136] {strides = array<i32>} : memref<4x1024xi32, #tpu.memory_space<vmem>>, vector<16xi32>,
      tpu.vector_store %arg15[%swap3A_135, %swap3A_136], %or3A {strides = array<i32>} : memref<4x1024xi32, #tpu.memory_space<vmem>>, vector<16xi32>,
      %scan3A_138 = arith.constant 0 : i32
      scf.yield %scan3A_138 : i32
    }
    %scan3A_83 = arith.constant 64 : i32
    %scan3A_84 = arith.constant 0 : i32
    %scan3A_85 = arith.constant 0 : i32
    %scan3A_86 = arith.constant 64 : i32
    %scan3A_87 = arith.addi %scan3A_85, %scan3A_86 : i32
    %scan3A_88 = arith.constant 1 : i32
    %scan3A_89 = scf.for %scan3A_120 = %scan3A_85 to %scan3A_87 step %scan3A_88 iter_args(%scan3A_121 = %scan3A_84) -> (i32)  : i32 {
      %mul3A_122 = arith.constant 16 : i32
      %mul3A_123 = arith.muli %scan3A_120, %mul3A_122 : i32
      %get3A = arith.constant 2 : i32
      %get3A_124 = arith.index_cast %get3A : i32 to index
      %get3A_125 = arith.index_cast %mul3A_123 : i32 to index
      %get3A_126 = tpu.vector_load %arg15[%get3A_124, %get3A_125] {strides = array<i32>} : memref<4x1024xi32, #tpu.memory_space<vmem>>, vector<16xi32>,
      %gather3A = tpu.vector_load_idx %arg17[%get3A_126] : memref<1024xf32, #tpu.memory_space<vmem>>[vector<16xi32>], vector<16xf32>,
      %bitcast3A = vector.bitcast %gather3A : vector<16xf32> to vector<16xi32>
      %add3A_127 = arith.constant 32768 : i32
      %add3A_128 = vector.broadcast %add3A_127 : i32 to vector<16xi32>
      %add3A_129 = arith.addi %bitcast3A, %add3A_128 : vector<16xi32>
      %and3A = arith.constant -65536 : i32
      %and3A_130 = vector.broadcast %and3A : i32 to vector<16xi32>
      %and3A_131 = arith.andi %add3A_129, %and3A_130 : vector<16xi32>
      %or3A = arith.ori %and3A_131, %get3A_126 : vector<16xi32>
      %mul3A_132 = arith.constant 16 : i32
      %mul3A_133 = arith.muli %scan3A_120, %mul3A_132 : i32
      %swap3A_134 = arith.constant 2 : i32
      %swap3A_135 = arith.index_cast %swap3A_134 : i32 to index
      %swap3A_136 = arith.index_cast %mul3A_133 : i32 to index
      %swap3A_137 = tpu.vector_load %arg15[%swap3A_135, %swap3A_136] {strides = array<i32>} : memref<4x1024xi32, #tpu.memory_space<vmem>>, vector<16xi32>,
      tpu.vector_store %arg15[%swap3A_135, %swap3A_136], %or3A {strides = array<i32>} : memref<4x1024xi32, #tpu.memory_space<vmem>>, vector<16xi32>,
      %scan3A_138 = arith.constant 0 : i32
      scf.yield %scan3A_138 : i32
    }
    %scan3A_90 = arith.constant 64 : i32
    %scan3A_91 = arith.constant 0 : i32
    %scan3A_92 = arith.constant 0 : i32
    %scan3A_93 = arith.constant 64 : i32
    %scan3A_94 = arith.addi %scan3A_92, %scan3A_93 : i32
    %scan3A_95 = arith.constant 1 : i32
    %scan3A_96 = scf.for %scan3A_120 = %scan3A_92 to %scan3A_94 step %scan3A_95 iter_args(%scan3A_121 = %scan3A_91) -> (i32)  : i32 {
      %mul3A_122 = arith.constant 16 : i32
      %mul3A_123 = arith.muli %scan3A_120, %mul3A_122 : i32
      %get3A = arith.constant 3 : i32
      %get3A_124 = arith.index_cast %get3A : i32 to index
      %get3A_125 = arith.index_cast %mul3A_123 : i32 to index
      %get3A_126 = tpu.vector_load %arg15[%get3A_124, %get3A_125] {strides = array<i32>} : memref<4x1024xi32, #tpu.memory_space<vmem>>, vector<16xi32>,
      %gather3A = tpu.vector_load_idx %arg17[%get3A_126] : memref<1024xf32, #tpu.memory_space<vmem>>[vector<16xi32>], vector<16xf32>,
      %bitcast3A = vector.bitcast %gather3A : vector<16xf32> to vector<16xi32>
      %add3A_127 = arith.constant 32768 : i32
      %add3A_128 = vector.broadcast %add3A_127 : i32 to vector<16xi32>
      %add3A_129 = arith.addi %bitcast3A, %add3A_128 : vector<16xi32>
      %and3A = arith.constant -65536 : i32
      %and3A_130 = vector.broadcast %and3A : i32 to vector<16xi32>
      %and3A_131 = arith.andi %add3A_129, %and3A_130 : vector<16xi32>
      %or3A = arith.ori %and3A_131, %get3A_126 : vector<16xi32>
      %mul3A_132 = arith.constant 16 : i32
      %mul3A_133 = arith.muli %scan3A_120, %mul3A_132 : i32
      %swap3A_134 = arith.constant 3 : i32
      %swap3A_135 = arith.index_cast %swap3A_134 : i32 to index
      %swap3A_136 = arith.index_cast %mul3A_133 : i32 to index
      %swap3A_137 = tpu.vector_load %arg15[%swap3A_135, %swap3A_136] {strides = array<i32>} : memref<4x1024xi32, #tpu.memory_space<vmem>>, vector<16xi32>,
      tpu.vector_store %arg15[%swap3A_135, %swap3A_136], %or3A {strides = array<i32>} : memref<4x1024xi32, #tpu.memory_space<vmem>>, vector<16xi32>,
      %scan3A_138 = arith.constant 0 : i32
      scf.yield %scan3A_138 : i32
    }
    %scan3A_97 = arith.constant 64 : i32
    %mul3A_98 = arith.constant 4 : i32
    %mul3A_99 = arith.muli %arg1, %mul3A_98 : i32
    "tpu.region"() ({
      %run_scoped3A = tpu.sem_alloc : memref<!tpu.dma_semaphore, #tpu.memory_space<semaphore_mem>>
      %dma_start3A = arith.constant 0 : i32
      %dma_start3A_120 = tpu.memref_slice %arg9[%arg0, %mul3A_99, %dma_start3A] : memref<2x64x1024xi32, #tpu.memory_space<hbm>> -> memref<1x4x1024xi32, #tpu.memory_space<hbm>>
      %dma_start3A_121 = tpu.memref_squeeze %dma_start3A_120 : memref<1x4x1024xi32, #tpu.memory_space<hbm>> -> memref<4x1024xi32, #tpu.memory_space<hbm>>
      %dma_start3A_122 = arith.constant 0 : i32
      %dma_start3A_123 = tpu.memref_slice %arg9[%arg0, %mul3A_99, %dma_start3A_122] : memref<2x64x1024xi32, #tpu.memory_space<hbm>> -> memref<1x4x1024xi32, #tpu.memory_space<hbm>>
      %dma_start3A_124 = tpu.memref_squeeze %dma_start3A_123 : memref<1x4x1024xi32, #tpu.memory_space<hbm>> -> memref<4x1024xi32, #tpu.memory_space<hbm>>
      tpu.enqueue_dma source(%arg15 : memref<4x1024xi32, #tpu.memory_space<vmem>>) target(%dma_start3A_124 : memref<4x1024xi32, #tpu.memory_space<hbm>>) target_semaphore(%run_scoped3A : memref<!tpu.dma_semaphore, #tpu.memory_space<semaphore_mem>>)
      %dma_wait3A = arith.constant 0 : i32
      %dma_wait3A_125 = tpu.memref_slice %arg9[%arg0, %mul3A_99, %dma_wait3A] : memref<2x64x1024xi32, #tpu.memory_space<hbm>> -> memref<1x4x1024xi32, #tpu.memory_space<hbm>>
      %dma_wait3A_126 = tpu.memref_squeeze %dma_wait3A_125 : memref<1x4x1024xi32, #tpu.memory_space<hbm>> -> memref<4x1024xi32, #tpu.memory_space<hbm>>
      %dma_wait3A_127 = arith.constant 0 : i32
      %dma_wait3A_128 = tpu.memref_slice %arg9[%arg0, %mul3A_99, %dma_wait3A_127] : memref<2x64x1024xi32, #tpu.memory_space<hbm>> -> memref<1x4x1024xi32, #tpu.memory_space<hbm>>
      %dma_wait3A_129 = tpu.memref_squeeze %dma_wait3A_128 : memref<1x4x1024xi32, #tpu.memory_space<hbm>> -> memref<4x1024xi32, #tpu.memory_space<hbm>>
      tpu.wait_dma2 semaphore(%run_scoped3A : memref<!tpu.dma_semaphore, #tpu.memory_space<semaphore_mem>>) src(%arg15 : memref<4x1024xi32, #tpu.memory_space<vmem>>) dst(%dma_wait3A_129 : memref<4x1024xi32, #tpu.memory_space<hbm>>)
      tpu.yield
    }) : () -> ()
    %barrier3A_100 = arith.constant 0 : index
    tpu.barrier barrier_id(%barrier3A_100)
    "tpu.region"() ({
      %run_scoped3A = tpu.sem_alloc : memref<!tpu.dma_semaphore, #tpu.memory_space<semaphore_mem>>
      %dma_start3A = arith.constant 0 : i32
      %dma_start3A_120 = arith.constant 0 : i32
      %dma_start3A_121 = tpu.memref_slice %arg9[%arg0, %dma_start3A, %dma_start3A_120] : memref<2x64x1024xi32, #tpu.memory_space<hbm>> -> memref<1x64x1024xi32, #tpu.memory_space<hbm>>
      %dma_start3A_122 = tpu.memref_squeeze %dma_start3A_121 : memref<1x64x1024xi32, #tpu.memory_space<hbm>> -> memref<64x1024xi32, #tpu.memory_space<hbm>>
      %dma_start3A_123 = arith.constant 0 : i32
      %dma_start3A_124 = arith.constant 0 : i32
      %dma_start3A_125 = tpu.memref_slice %arg9[%arg0, %dma_start3A_123, %dma_start3A_124] : memref<2x64x1024xi32, #tpu.memory_space<hbm>> -> memref<1x64x1024xi32, #tpu.memory_space<hbm>>
      %dma_start3A_126 = tpu.memref_squeeze %dma_start3A_125 : memref<1x64x1024xi32, #tpu.memory_space<hbm>> -> memref<64x1024xi32, #tpu.memory_space<hbm>>
      tpu.enqueue_dma source(%dma_start3A_126 : memref<64x1024xi32, #tpu.memory_space<hbm>>) target(%arg10 : memref<64x1024xi32, #tpu.memory_space<vmem>>) target_semaphore(%run_scoped3A : memref<!tpu.dma_semaphore, #tpu.memory_space<semaphore_mem>>)
      %dma_wait3A = arith.constant 0 : i32
      %dma_wait3A_127 = arith.constant 0 : i32
      %dma_wait3A_128 = tpu.memref_slice %arg9[%arg0, %dma_wait3A, %dma_wait3A_127] : memref<2x64x1024xi32, #tpu.memory_space<hbm>> -> memref<1x64x1024xi32, #tpu.memory_space<hbm>>
      %dma_wait3A_129 = tpu.memref_squeeze %dma_wait3A_128 : memref<1x64x1024xi32, #tpu.memory_space<hbm>> -> memref<64x1024xi32, #tpu.memory_space<hbm>>
      %dma_wait3A_130 = arith.constant 0 : i32
      %dma_wait3A_131 = arith.constant 0 : i32
      %dma_wait3A_132 = tpu.memref_slice %arg9[%arg0, %dma_wait3A_130, %dma_wait3A_131] : memref<2x64x1024xi32, #tpu.memory_space<hbm>> -> memref<1x64x1024xi32, #tpu.memory_space<hbm>>
      %dma_wait3A_133 = tpu.memref_squeeze %dma_wait3A_132 : memref<1x64x1024xi32, #tpu.memory_space<hbm>> -> memref<64x1024xi32, #tpu.memory_space<hbm>>
      tpu.wait_dma2 semaphore(%run_scoped3A : memref<!tpu.dma_semaphore, #tpu.memory_space<semaphore_mem>>) src(%dma_wait3A_133 : memref<64x1024xi32, #tpu.memory_space<hbm>>) dst(%arg10 : memref<64x1024xi32, #tpu.memory_space<vmem>>)
      tpu.yield
    }) : () -> ()
    %scan3A_101 = arith.constant 0 : i32
    %scan3A_102 = arith.constant 0 : i32
    %scan3A_103 = arith.constant 20 : i32
    %scan3A_104 = arith.addi %scan3A_102, %scan3A_103 : i32
    %scan3A_105 = arith.constant 1 : i32
    %scan3A_106 = scf.for %scan3A_120 = %scan3A_102 to %scan3A_104 step %scan3A_105 iter_args(%scan3A_121 = %scan3A_101) -> (i32)  : i32 {
      %mul3A_122 = arith.constant 2 : i32
      %mul3A_123 = arith.muli %scan3A_120, %mul3A_122 : i32
      %add3A_124 = arith.constant 0 : i32
      %add3A_125 = arith.addi %mul3A_123, %add3A_124 : i32
      %mul3A_126 = arith.constant 32 : i32
      %mul3A_127 = arith.muli %add3A_125, %mul3A_126 : i32
      %add3A_128 = arith.addi %add3A, %mul3A_127 : i32
      %lt3A_129 = arith.constant 1250 : i32
      %lt3A_130 = arith.cmpi slt, %add3A_128, %lt3A_129 : i32
      %convert_element_type3A_131 = arith.extui %lt3A_130 : i1 to i32
      %cond3A_132 = arith.constant 0 : i32
      %cond3A_133 = arith.cmpi ne, %convert_element_type3A_131, %cond3A_132 : i32
      scf.if %cond3A_133 {
        %mul3A_147 = arith.constant 32 : i32
        %mul3A_148 = arith.muli %add3A_125, %mul3A_147 : i32
        %add3A_149 = arith.addi %add3A, %mul3A_148 : i32
        %mul3A_150 = arith.constant 16 : i32
        %mul3A_151 = arith.muli %add3A_149, %mul3A_150 : i32
        %dma_start3A = arith.constant 0 : i32
        %dma_start3A_152 = tpu.memref_slice %arg3[%dma_start3A, %mul3A_151] : memref<64x20000xi32, #tpu.memory_space<hbm>> -> memref<64x16xi32, #tpu.memory_space<hbm>>
        %dma_start3A_153 = arith.constant 0 : i32
        %dma_start3A_154 = tpu.memref_slice %arg3[%dma_start3A_153, %mul3A_151] : memref<64x20000xi32, #tpu.memory_space<hbm>> -> memref<64x16xi32, #tpu.memory_space<hbm>>
        tpu.enqueue_dma source(%dma_start3A_154 : memref<64x16xi32, #tpu.memory_space<hbm>>) target(%arg13 : memref<64x16xi32, #tpu.memory_space<vmem>>) target_semaphore(%arg19 : memref<!tpu.dma_semaphore, #tpu.memory_space<semaphore_mem>>)
        %ge3A_155 = arith.constant 2 : i32
        %ge3A_156 = arith.cmpi sge, %add3A_125, %ge3A_155 : i32
        %convert_element_type3A_157 = arith.extui %ge3A_156 : i1 to i32
        %cond3A_158 = arith.constant 0 : i32
        %cond3A_159 = arith.cmpi ne, %convert_element_type3A_157, %cond3A_158 : i32
        scf.if %cond3A_159 {
          %sub3A = arith.constant 2 : i32
          %sub3A_205 = arith.subi %add3A_125, %sub3A : i32
          %mul3A_206 = arith.constant 32 : i32
          %mul3A_207 = arith.muli %sub3A_205, %mul3A_206 : i32
          %add3A_208 = arith.addi %add3A, %mul3A_207 : i32
          %mul3A_209 = arith.constant 16 : i32
          %mul3A_210 = arith.muli %add3A_208, %mul3A_209 : i32
          %dma_wait3A_211 = arith.constant 0 : i32
          %dma_wait3A_212 = arith.constant 0 : i32
          %dma_wait3A_213 = arith.constant 0 : i32
          %dma_wait3A_214 = arith.constant 0 : i32
          %dma_wait3A_215 = tpu.memref_slice %arg12[%dma_wait3A_211, %dma_wait3A_213, %dma_wait3A_214] : memref<2x1024x16xf32, #tpu.memory_space<vmem>> -> memref<1x1024x16xf32, #tpu.memory_space<vmem>>
          %dma_wait3A_216 = tpu.memref_squeeze %dma_wait3A_215 : memref<1x1024x16xf32, #tpu.memory_space<vmem>> -> memref<1024x16xf32, #tpu.memory_space<vmem>>
          %dma_wait3A_217 = arith.constant 0 : i32
          %dma_wait3A_218 = tpu.memref_slice %arg7[%dma_wait3A_217, %mul3A_210] : memref<1024x20000xf32, #tpu.memory_space<hbm>> -> memref<1024x16xf32, #tpu.memory_space<hbm>>
          %dma_wait3A_219 = tpu.memref_slice %arg18[%dma_wait3A_212] : memref<2x!tpu.dma_semaphore, #tpu.memory_space<semaphore_mem>> -> memref<1x!tpu.dma_semaphore, #tpu.memory_space<semaphore_mem>>
          %dma_wait3A_220 = tpu.memref_squeeze %dma_wait3A_219 : memref<1x!tpu.dma_semaphore, #tpu.memory_space<semaphore_mem>> -> memref<!tpu.dma_semaphore, #tpu.memory_space<semaphore_mem>>
          %dma_wait3A_221 = arith.constant 0 : i32
          %dma_wait3A_222 = tpu.memref_slice %arg7[%dma_wait3A_221, %mul3A_210] : memref<1024x20000xf32, #tpu.memory_space<hbm>> -> memref<1024x16xf32, #tpu.memory_space<hbm>>
          %dma_wait3A_223 = arith.constant 0 : i32
          %dma_wait3A_224 = arith.constant 0 : i32
          %dma_wait3A_225 = tpu.memref_slice %arg12[%dma_wait3A_211, %dma_wait3A_223, %dma_wait3A_224] : memref<2x1024x16xf32, #tpu.memory_space<vmem>> -> memref<1x1024x16xf32, #tpu.memory_space<vmem>>
          %dma_wait3A_226 = tpu.memref_squeeze %dma_wait3A_225 : memref<1x1024x16xf32, #tpu.memory_space<vmem>> -> memref<1024x16xf32, #tpu.memory_space<vmem>>
          tpu.wait_dma2 semaphore(%dma_wait3A_220 : memref<!tpu.dma_semaphore, #tpu.memory_space<semaphore_mem>>) src(%dma_wait3A_226 : memref<1024x16xf32, #tpu.memory_space<vmem>>) dst(%dma_wait3A_222 : memref<1024x16xf32, #tpu.memory_space<hbm>>)
        } else {
        }
        %scan3A_160 = arith.constant 0 : i32
        %scan3A_161 = arith.constant 0 : i32
        %scan3A_162 = arith.constant 0 : i32
        %scan3A_163 = arith.constant 64 : i32
        %scan3A_164 = arith.addi %scan3A_162, %scan3A_163 : i32
        %scan3A_165 = arith.constant 1 : i32
        %scan3A_166 = scf.for %scan3A_205 = %scan3A_162 to %scan3A_164 step %scan3A_165 iter_args(%scan3A_206 = %scan3A_161) -> (i32)  : i32 {
          %broadcast_in_dim3A_207 = arith.constant 0.000000e+00 : f32
          %broadcast_in_dim3A_208 = vector.broadcast %broadcast_in_dim3A_207 : f32 to vector<16xf32>
          %mul3A_209 = arith.constant 16 : i32
          %mul3A_210 = arith.muli %scan3A_205, %mul3A_209 : i32
          %add3A_211 = arith.constant 0 : i32
          %add3A_212 = arith.addi %mul3A_210, %add3A_211 : i32
          %swap3A_213 = arith.constant 0 : i32
          %swap3A_214 = arith.constant 0 : i32
          %swap3A_215 = tpu.memref_slice %arg12[%scan3A_160, %swap3A_213, %swap3A_214] : memref<2x1024x16xf32, #tpu.memory_space<vmem>> -> memref<1x1024x16xf32, #tpu.memory_space<vmem>>
          %swap3A_216 = tpu.memref_squeeze %swap3A_215 : memref<1x1024x16xf32, #tpu.memory_space<vmem>> -> memref<1024x16xf32, #tpu.memory_space<vmem>>
          %swap3A_217 = arith.index_cast %add3A_212 : i32 to index
          %swap3A_218 = arith.constant 0 : index
          %swap3A_219 = tpu.vector_load %swap3A_216[%swap3A_217, %swap3A_218] {strides = array<i32>} : memref<1024x16xf32, #tpu.memory_space<vmem>>, vector<16xf32>,
          tpu.vector_store %swap3A_216[%swap3A_217, %swap3A_218], %broadcast_in_dim3A_208 {strides = array<i32>} : memref<1024x16xf32, #tpu.memory_space<vmem>>, vector<16xf32>,
          %broadcast_in_dim3A_220 = arith.constant 0.000000e+00 : f32
          %broadcast_in_dim3A_221 = vector.broadcast %broadcast_in_dim3A_220 : f32 to vector<16xf32>
          %mul3A_222 = arith.constant 16 : i32
          %mul3A_223 = arith.muli %scan3A_205, %mul3A_222 : i32
          %add3A_224 = arith.constant 1 : i32
          %add3A_225 = arith.addi %mul3A_223, %add3A_224 : i32
          %swap3A_226 = arith.constant 0 : i32
          %swap3A_227 = arith.constant 0 : i32
          %swap3A_228 = tpu.memref_slice %arg12[%scan3A_160, %swap3A_226, %swap3A_227] : memref<2x1024x16xf32, #tpu.memory_space<vmem>> -> memref<1x1024x16xf32, #tpu.memory_space<vmem>>
          %swap3A_229 = tpu.memref_squeeze %swap3A_228 : memref<1x1024x16xf32, #tpu.memory_space<vmem>> -> memref<1024x16xf32, #tpu.memory_space<vmem>>
          %swap3A_230 = arith.index_cast %add3A_225 : i32 to index
          %swap3A_231 = arith.constant 0 : index
          %swap3A_232 = tpu.vector_load %swap3A_229[%swap3A_230, %swap3A_231] {strides = array<i32>} : memref<1024x16xf32, #tpu.memory_space<vmem>>, vector<16xf32>,
          tpu.vector_store %swap3A_229[%swap3A_230, %swap3A_231], %broadcast_in_dim3A_221 {strides = array<i32>} : memref<1024x16xf32, #tpu.memory_space<vmem>>, vector<16xf32>,
          %broadcast_in_dim3A_233 = arith.constant 0.000000e+00 : f32
          %broadcast_in_dim3A_234 = vector.broadcast %broadcast_in_dim3A_233 : f32 to vector<16xf32>
          %mul3A_235 = arith.constant 16 : i32
          %mul3A_236 = arith.muli %scan3A_205, %mul3A_235 : i32
          %add3A_237 = arith.constant 2 : i32
          %add3A_238 = arith.addi %mul3A_236, %add3A_237 : i32
          %swap3A_239 = arith.constant 0 : i32
          %swap3A_240 = arith.constant 0 : i32
          %swap3A_241 = tpu.memref_slice %arg12[%scan3A_160, %swap3A_239, %swap3A_240] : memref<2x1024x16xf32, #tpu.memory_space<vmem>> -> memref<1x1024x16xf32, #tpu.memory_space<vmem>>
          %swap3A_242 = tpu.memref_squeeze %swap3A_241 : memref<1x1024x16xf32, #tpu.memory_space<vmem>> -> memref<1024x16xf32, #tpu.memory_space<vmem>>
          %swap3A_243 = arith.index_cast %add3A_238 : i32 to index
          %swap3A_244 = arith.constant 0 : index
          %swap3A_245 = tpu.vector_load %swap3A_242[%swap3A_243, %swap3A_244] {strides = array<i32>} : memref<1024x16xf32, #tpu.memory_space<vmem>>, vector<16xf32>,
          tpu.vector_store %swap3A_242[%swap3A_243, %swap3A_244], %broadcast_in_dim3A_234 {strides = array<i32>} : memref<1024x16xf32, #tpu.memory_space<vmem>>, vector<16xf32>,
          %broadcast_in_dim3A_246 = arith.constant 0.000000e+00 : f32
          %broadcast_in_dim3A_247 = vector.broadcast %broadcast_in_dim3A_246 : f32 to vector<16xf32>
          %mul3A_248 = arith.constant 16 : i32
          %mul3A_249 = arith.muli %scan3A_205, %mul3A_248 : i32
          %add3A_250 = arith.constant 3 : i32
          %add3A_251 = arith.addi %mul3A_249, %add3A_250 : i32
          %swap3A_252 = arith.constant 0 : i32
          %swap3A_253 = arith.constant 0 : i32
          %swap3A_254 = tpu.memref_slice %arg12[%scan3A_160, %swap3A_252, %swap3A_253] : memref<2x1024x16xf32, #tpu.memory_space<vmem>> -> memref<1x1024x16xf32, #tpu.memory_space<vmem>>
          %swap3A_255 = tpu.memref_squeeze %swap3A_254 : memref<1x1024x16xf32, #tpu.memory_space<vmem>> -> memref<1024x16xf32, #tpu.memory_space<vmem>>
          %swap3A_256 = arith.index_cast %add3A_251 : i32 to index
          %swap3A_257 = arith.constant 0 : index
          %swap3A_258 = tpu.vector_load %swap3A_255[%swap3A_256, %swap3A_257] {strides = array<i32>} : memref<1024x16xf32, #tpu.memory_space<vmem>>, vector<16xf32>,
          tpu.vector_store %swap3A_255[%swap3A_256, %swap3A_257], %broadcast_in_dim3A_247 {strides = array<i32>} : memref<1024x16xf32, #tpu.memory_space<vmem>>, vector<16xf32>,
          %broadcast_in_dim3A_259 = arith.constant 0.000000e+00 : f32
          %broadcast_in_dim3A_260 = vector.broadcast %broadcast_in_dim3A_259 : f32 to vector<16xf32>
          %mul3A_261 = arith.constant 16 : i32
          %mul3A_262 = arith.muli %scan3A_205, %mul3A_261 : i32
          %add3A_263 = arith.constant 4 : i32
          %add3A_264 = arith.addi %mul3A_262, %add3A_263 : i32
          %swap3A_265 = arith.constant 0 : i32
          %swap3A_266 = arith.constant 0 : i32
          %swap3A_267 = tpu.memref_slice %arg12[%scan3A_160, %swap3A_265, %swap3A_266] : memref<2x1024x16xf32, #tpu.memory_space<vmem>> -> memref<1x1024x16xf32, #tpu.memory_space<vmem>>
          %swap3A_268 = tpu.memref_squeeze %swap3A_267 : memref<1x1024x16xf32, #tpu.memory_space<vmem>> -> memref<1024x16xf32, #tpu.memory_space<vmem>>
          %swap3A_269 = arith.index_cast %add3A_264 : i32 to index
          %swap3A_270 = arith.constant 0 : index
          %swap3A_271 = tpu.vector_load %swap3A_268[%swap3A_269, %swap3A_270] {strides = array<i32>} : memref<1024x16xf32, #tpu.memory_space<vmem>>, vector<16xf32>,
          tpu.vector_store %swap3A_268[%swap3A_269, %swap3A_270], %broadcast_in_dim3A_260 {strides = array<i32>} : memref<1024x16xf32, #tpu.memory_space<vmem>>, vector<16xf32>,
          %broadcast_in_dim3A_272 = arith.constant 0.000000e+00 : f32
          %broadcast_in_dim3A_273 = vector.broadcast %broadcast_in_dim3A_272 : f32 to vector<16xf32>
          %mul3A_274 = arith.constant 16 : i32
          %mul3A_275 = arith.muli %scan3A_205, %mul3A_274 : i32
          %add3A_276 = arith.constant 5 : i32
          %add3A_277 = arith.addi %mul3A_275, %add3A_276 : i32
          %swap3A_278 = arith.constant 0 : i32
          %swap3A_279 = arith.constant 0 : i32
          %swap3A_280 = tpu.memref_slice %arg12[%scan3A_160, %swap3A_278, %swap3A_279] : memref<2x1024x16xf32, #tpu.memory_space<vmem>> -> memref<1x1024x16xf32, #tpu.memory_space<vmem>>
          %swap3A_281 = tpu.memref_squeeze %swap3A_280 : memref<1x1024x16xf32, #tpu.memory_space<vmem>> -> memref<1024x16xf32, #tpu.memory_space<vmem>>
          %swap3A_282 = arith.index_cast %add3A_277 : i32 to index
          %swap3A_283 = arith.constant 0 : index
          %swap3A_284 = tpu.vector_load %swap3A_281[%swap3A_282, %swap3A_283] {strides = array<i32>} : memref<1024x16xf32, #tpu.memory_space<vmem>>, vector<16xf32>,
          tpu.vector_store %swap3A_281[%swap3A_282, %swap3A_283], %broadcast_in_dim3A_273 {strides = array<i32>} : memref<1024x16xf32, #tpu.memory_space<vmem>>, vector<16xf32>,
          %broadcast_in_dim3A_285 = arith.constant 0.000000e+00 : f32
          %broadcast_in_dim3A_286 = vector.broadcast %broadcast_in_dim3A_285 : f32 to vector<16xf32>
          %mul3A_287 = arith.constant 16 : i32
          %mul3A_288 = arith.muli %scan3A_205, %mul3A_287 : i32
          %add3A_289 = arith.constant 6 : i32
          %add3A_290 = arith.addi %mul3A_288, %add3A_289 : i32
          %swap3A_291 = arith.constant 0 : i32
          %swap3A_292 = arith.constant 0 : i32
          %swap3A_293 = tpu.memref_slice %arg12[%scan3A_160, %swap3A_291, %swap3A_292] : memref<2x1024x16xf32, #tpu.memory_space<vmem>> -> memref<1x1024x16xf32, #tpu.memory_space<vmem>>
          %swap3A_294 = tpu.memref_squeeze %swap3A_293 : memref<1x1024x16xf32, #tpu.memory_space<vmem>> -> memref<1024x16xf32, #tpu.memory_space<vmem>>
          %swap3A_295 = arith.index_cast %add3A_290 : i32 to index
          %swap3A_296 = arith.constant 0 : index
          %swap3A_297 = tpu.vector_load %swap3A_294[%swap3A_295, %swap3A_296] {strides = array<i32>} : memref<1024x16xf32, #tpu.memory_space<vmem>>, vector<16xf32>,
          tpu.vector_store %swap3A_294[%swap3A_295, %swap3A_296], %broadcast_in_dim3A_286 {strides = array<i32>} : memref<1024x16xf32, #tpu.memory_space<vmem>>, vector<16xf32>,
          %broadcast_in_dim3A_298 = arith.constant 0.000000e+00 : f32
          %broadcast_in_dim3A_299 = vector.broadcast %broadcast_in_dim3A_298 : f32 to vector<16xf32>
          %mul3A_300 = arith.constant 16 : i32
          %mul3A_301 = arith.muli %scan3A_205, %mul3A_300 : i32
          %add3A_302 = arith.constant 7 : i32
          %add3A_303 = arith.addi %mul3A_301, %add3A_302 : i32
          %swap3A_304 = arith.constant 0 : i32
          %swap3A_305 = arith.constant 0 : i32
          %swap3A_306 = tpu.memref_slice %arg12[%scan3A_160, %swap3A_304, %swap3A_305] : memref<2x1024x16xf32, #tpu.memory_space<vmem>> -> memref<1x1024x16xf32, #tpu.memory_space<vmem>>
          %swap3A_307 = tpu.memref_squeeze %swap3A_306 : memref<1x1024x16xf32, #tpu.memory_space<vmem>> -> memref<1024x16xf32, #tpu.memory_space<vmem>>
          %swap3A_308 = arith.index_cast %add3A_303 : i32 to index
          %swap3A_309 = arith.constant 0 : index
          %swap3A_310 = tpu.vector_load %swap3A_307[%swap3A_308, %swap3A_309] {strides = array<i32>} : memref<1024x16xf32, #tpu.memory_space<vmem>>, vector<16xf32>,
          tpu.vector_store %swap3A_307[%swap3A_308, %swap3A_309], %broadcast_in_dim3A_299 {strides = array<i32>} : memref<1024x16xf32, #tpu.memory_space<vmem>>, vector<16xf32>,
          %broadcast_in_dim3A_311 = arith.constant 0.000000e+00 : f32
          %broadcast_in_dim3A_312 = vector.broadcast %broadcast_in_dim3A_311 : f32 to vector<16xf32>
          %mul3A_313 = arith.constant 16 : i32
          %mul3A_314 = arith.muli %scan3A_205, %mul3A_313 : i32
          %add3A_315 = arith.constant 8 : i32
          %add3A_316 = arith.addi %mul3A_314, %add3A_315 : i32
          %swap3A_317 = arith.constant 0 : i32
          %swap3A_318 = arith.constant 0 : i32
          %swap3A_319 = tpu.memref_slice %arg12[%scan3A_160, %swap3A_317, %swap3A_318] : memref<2x1024x16xf32, #tpu.memory_space<vmem>> -> memref<1x1024x16xf32, #tpu.memory_space<vmem>>
          %swap3A_320 = tpu.memref_squeeze %swap3A_319 : memref<1x1024x16xf32, #tpu.memory_space<vmem>> -> memref<1024x16xf32, #tpu.memory_space<vmem>>
          %swap3A_321 = arith.index_cast %add3A_316 : i32 to index
          %swap3A_322 = arith.constant 0 : index
          %swap3A_323 = tpu.vector_load %swap3A_320[%swap3A_321, %swap3A_322] {strides = array<i32>} : memref<1024x16xf32, #tpu.memory_space<vmem>>, vector<16xf32>,
          tpu.vector_store %swap3A_320[%swap3A_321, %swap3A_322], %broadcast_in_dim3A_312 {strides = array<i32>} : memref<1024x16xf32, #tpu.memory_space<vmem>>, vector<16xf32>,
          %broadcast_in_dim3A_324 = arith.constant 0.000000e+00 : f32
          %broadcast_in_dim3A_325 = vector.broadcast %broadcast_in_dim3A_324 : f32 to vector<16xf32>
          %mul3A_326 = arith.constant 16 : i32
          %mul3A_327 = arith.muli %scan3A_205, %mul3A_326 : i32
          %add3A_328 = arith.constant 9 : i32
          %add3A_329 = arith.addi %mul3A_327, %add3A_328 : i32
          %swap3A_330 = arith.constant 0 : i32
          %swap3A_331 = arith.constant 0 : i32
          %swap3A_332 = tpu.memref_slice %arg12[%scan3A_160, %swap3A_330, %swap3A_331] : memref<2x1024x16xf32, #tpu.memory_space<vmem>> -> memref<1x1024x16xf32, #tpu.memory_space<vmem>>
          %swap3A_333 = tpu.memref_squeeze %swap3A_332 : memref<1x1024x16xf32, #tpu.memory_space<vmem>> -> memref<1024x16xf32, #tpu.memory_space<vmem>>
          %swap3A_334 = arith.index_cast %add3A_329 : i32 to index
          %swap3A_335 = arith.constant 0 : index
          %swap3A_336 = tpu.vector_load %swap3A_333[%swap3A_334, %swap3A_335] {strides = array<i32>} : memref<1024x16xf32, #tpu.memory_space<vmem>>, vector<16xf32>,
          tpu.vector_store %swap3A_333[%swap3A_334, %swap3A_335], %broadcast_in_dim3A_325 {strides = array<i32>} : memref<1024x16xf32, #tpu.memory_space<vmem>>, vector<16xf32>,
          %broadcast_in_dim3A_337 = arith.constant 0.000000e+00 : f32
          %broadcast_in_dim3A_338 = vector.broadcast %broadcast_in_dim3A_337 : f32 to vector<16xf32>
          %mul3A_339 = arith.constant 16 : i32
          %mul3A_340 = arith.muli %scan3A_205, %mul3A_339 : i32
          %add3A_341 = arith.constant 10 : i32
          %add3A_342 = arith.addi %mul3A_340, %add3A_341 : i32
          %swap3A_343 = arith.constant 0 : i32
          %swap3A_344 = arith.constant 0 : i32
          %swap3A_345 = tpu.memref_slice %arg12[%scan3A_160, %swap3A_343, %swap3A_344] : memref<2x1024x16xf32, #tpu.memory_space<vmem>> -> memref<1x1024x16xf32, #tpu.memory_space<vmem>>
          %swap3A_346 = tpu.memref_squeeze %swap3A_345 : memref<1x1024x16xf32, #tpu.memory_space<vmem>> -> memref<1024x16xf32, #tpu.memory_space<vmem>>
          %swap3A_347 = arith.index_cast %add3A_342 : i32 to index
          %swap3A_348 = arith.constant 0 : index
          %swap3A_349 = tpu.vector_load %swap3A_346[%swap3A_347, %swap3A_348] {strides = array<i32>} : memref<1024x16xf32, #tpu.memory_space<vmem>>, vector<16xf32>,
          tpu.vector_store %swap3A_346[%swap3A_347, %swap3A_348], %broadcast_in_dim3A_338 {strides = array<i32>} : memref<1024x16xf32, #tpu.memory_space<vmem>>, vector<16xf32>,
          %broadcast_in_dim3A_350 = arith.constant 0.000000e+00 : f32
          %broadcast_in_dim3A_351 = vector.broadcast %broadcast_in_dim3A_350 : f32 to vector<16xf32>
          %mul3A_352 = arith.constant 16 : i32
          %mul3A_353 = arith.muli %scan3A_205, %mul3A_352 : i32
          %add3A_354 = arith.constant 11 : i32
          %add3A_355 = arith.addi %mul3A_353, %add3A_354 : i32
          %swap3A_356 = arith.constant 0 : i32
          %swap3A_357 = arith.constant 0 : i32
          %swap3A_358 = tpu.memref_slice %arg12[%scan3A_160, %swap3A_356, %swap3A_357] : memref<2x1024x16xf32, #tpu.memory_space<vmem>> -> memref<1x1024x16xf32, #tpu.memory_space<vmem>>
          %swap3A_359 = tpu.memref_squeeze %swap3A_358 : memref<1x1024x16xf32, #tpu.memory_space<vmem>> -> memref<1024x16xf32, #tpu.memory_space<vmem>>
          %swap3A_360 = arith.index_cast %add3A_355 : i32 to index
          %swap3A_361 = arith.constant 0 : index
          %swap3A_362 = tpu.vector_load %swap3A_359[%swap3A_360, %swap3A_361] {strides = array<i32>} : memref<1024x16xf32, #tpu.memory_space<vmem>>, vector<16xf32>,
          tpu.vector_store %swap3A_359[%swap3A_360, %swap3A_361], %broadcast_in_dim3A_351 {strides = array<i32>} : memref<1024x16xf32, #tpu.memory_space<vmem>>, vector<16xf32>,
          %broadcast_in_dim3A_363 = arith.constant 0.000000e+00 : f32
          %broadcast_in_dim3A_364 = vector.broadcast %broadcast_in_dim3A_363 : f32 to vector<16xf32>
          %mul3A_365 = arith.constant 16 : i32
          %mul3A_366 = arith.muli %scan3A_205, %mul3A_365 : i32
          %add3A_367 = arith.constant 12 : i32
          %add3A_368 = arith.addi %mul3A_366, %add3A_367 : i32
          %swap3A_369 = arith.constant 0 : i32
          %swap3A_370 = arith.constant 0 : i32
          %swap3A_371 = tpu.memref_slice %arg12[%scan3A_160, %swap3A_369, %swap3A_370] : memref<2x1024x16xf32, #tpu.memory_space<vmem>> -> memref<1x1024x16xf32, #tpu.memory_space<vmem>>
          %swap3A_372 = tpu.memref_squeeze %swap3A_371 : memref<1x1024x16xf32, #tpu.memory_space<vmem>> -> memref<1024x16xf32, #tpu.memory_space<vmem>>
          %swap3A_373 = arith.index_cast %add3A_368 : i32 to index
          %swap3A_374 = arith.constant 0 : index
          %swap3A_375 = tpu.vector_load %swap3A_372[%swap3A_373, %swap3A_374] {strides = array<i32>} : memref<1024x16xf32, #tpu.memory_space<vmem>>, vector<16xf32>,
          tpu.vector_store %swap3A_372[%swap3A_373, %swap3A_374], %broadcast_in_dim3A_364 {strides = array<i32>} : memref<1024x16xf32, #tpu.memory_space<vmem>>, vector<16xf32>,
          %broadcast_in_dim3A_376 = arith.constant 0.000000e+00 : f32
          %broadcast_in_dim3A_377 = vector.broadcast %broadcast_in_dim3A_376 : f32 to vector<16xf32>
          %mul3A_378 = arith.constant 16 : i32
          %mul3A_379 = arith.muli %scan3A_205, %mul3A_378 : i32
          %add3A_380 = arith.constant 13 : i32
          %add3A_381 = arith.addi %mul3A_379, %add3A_380 : i32
          %swap3A_382 = arith.constant 0 : i32
          %swap3A_383 = arith.constant 0 : i32
          %swap3A_384 = tpu.memref_slice %arg12[%scan3A_160, %swap3A_382, %swap3A_383] : memref<2x1024x16xf32, #tpu.memory_space<vmem>> -> memref<1x1024x16xf32, #tpu.memory_space<vmem>>
          %swap3A_385 = tpu.memref_squeeze %swap3A_384 : memref<1x1024x16xf32, #tpu.memory_space<vmem>> -> memref<1024x16xf32, #tpu.memory_space<vmem>>
          %swap3A_386 = arith.index_cast %add3A_381 : i32 to index
          %swap3A_387 = arith.constant 0 : index
          %swap3A_388 = tpu.vector_load %swap3A_385[%swap3A_386, %swap3A_387] {strides = array<i32>} : memref<1024x16xf32, #tpu.memory_space<vmem>>, vector<16xf32>,
          tpu.vector_store %swap3A_385[%swap3A_386, %swap3A_387], %broadcast_in_dim3A_377 {strides = array<i32>} : memref<1024x16xf32, #tpu.memory_space<vmem>>, vector<16xf32>,
          %broadcast_in_dim3A_389 = arith.constant 0.000000e+00 : f32
          %broadcast_in_dim3A_390 = vector.broadcast %broadcast_in_dim3A_389 : f32 to vector<16xf32>
          %mul3A_391 = arith.constant 16 : i32
          %mul3A_392 = arith.muli %scan3A_205, %mul3A_391 : i32
          %add3A_393 = arith.constant 14 : i32
          %add3A_394 = arith.addi %mul3A_392, %add3A_393 : i32
          %swap3A_395 = arith.constant 0 : i32
          %swap3A_396 = arith.constant 0 : i32
          %swap3A_397 = tpu.memref_slice %arg12[%scan3A_160, %swap3A_395, %swap3A_396] : memref<2x1024x16xf32, #tpu.memory_space<vmem>> -> memref<1x1024x16xf32, #tpu.memory_space<vmem>>
          %swap3A_398 = tpu.memref_squeeze %swap3A_397 : memref<1x1024x16xf32, #tpu.memory_space<vmem>> -> memref<1024x16xf32, #tpu.memory_space<vmem>>
          %swap3A_399 = arith.index_cast %add3A_394 : i32 to index
          %swap3A_400 = arith.constant 0 : index
          %swap3A_401 = tpu.vector_load %swap3A_398[%swap3A_399, %swap3A_400] {strides = array<i32>} : memref<1024x16xf32, #tpu.memory_space<vmem>>, vector<16xf32>,
          tpu.vector_store %swap3A_398[%swap3A_399, %swap3A_400], %broadcast_in_dim3A_390 {strides = array<i32>} : memref<1024x16xf32, #tpu.memory_space<vmem>>, vector<16xf32>,
          %broadcast_in_dim3A_402 = arith.constant 0.000000e+00 : f32
          %broadcast_in_dim3A_403 = vector.broadcast %broadcast_in_dim3A_402 : f32 to vector<16xf32>
          %mul3A_404 = arith.constant 16 : i32
          %mul3A_405 = arith.muli %scan3A_205, %mul3A_404 : i32
          %add3A_406 = arith.constant 15 : i32
          %add3A_407 = arith.addi %mul3A_405, %add3A_406 : i32
          %swap3A_408 = arith.constant 0 : i32
          %swap3A_409 = arith.constant 0 : i32
          %swap3A_410 = tpu.memref_slice %arg12[%scan3A_160, %swap3A_408, %swap3A_409] : memref<2x1024x16xf32, #tpu.memory_space<vmem>> -> memref<1x1024x16xf32, #tpu.memory_space<vmem>>
          %swap3A_411 = tpu.memref_squeeze %swap3A_410 : memref<1x1024x16xf32, #tpu.memory_space<vmem>> -> memref<1024x16xf32, #tpu.memory_space<vmem>>
          %swap3A_412 = arith.index_cast %add3A_407 : i32 to index
          %swap3A_413 = arith.constant 0 : index
          %swap3A_414 = tpu.vector_load %swap3A_411[%swap3A_412, %swap3A_413] {strides = array<i32>} : memref<1024x16xf32, #tpu.memory_space<vmem>>, vector<16xf32>,
          tpu.vector_store %swap3A_411[%swap3A_412, %swap3A_413], %broadcast_in_dim3A_403 {strides = array<i32>} : memref<1024x16xf32, #tpu.memory_space<vmem>>, vector<16xf32>,
          %scan3A_415 = arith.constant 0 : i32
          scf.yield %scan3A_415 : i32
        }
        %scan3A_167 = arith.constant 64 : i32
        %mul3A_168 = arith.constant 32 : i32
        %mul3A_169 = arith.muli %add3A_125, %mul3A_168 : i32
        %add3A_170 = arith.addi %add3A, %mul3A_169 : i32
        %mul3A_171 = arith.constant 16 : i32
        %mul3A_172 = arith.muli %add3A_170, %mul3A_171 : i32
        %dma_wait3A = arith.constant 0 : i32
        %dma_wait3A_173 = tpu.memref_slice %arg3[%dma_wait3A, %mul3A_172] : memref<64x20000xi32, #tpu.memory_space<hbm>> -> memref<64x16xi32, #tpu.memory_space<hbm>>
        %dma_wait3A_174 = arith.constant 0 : i32
        %dma_wait3A_175 = tpu.memref_slice %arg3[%dma_wait3A_174, %mul3A_172] : memref<64x20000xi32, #tpu.memory_space<hbm>> -> memref<64x16xi32, #tpu.memory_space<hbm>>
        tpu.wait_dma2 semaphore(%arg19 : memref<!tpu.dma_semaphore, #tpu.memory_space<semaphore_mem>>) src(%dma_wait3A_175 : memref<64x16xi32, #tpu.memory_space<hbm>>) dst(%arg13 : memref<64x16xi32, #tpu.memory_space<vmem>>)
        %scan3A_176 = arith.constant 0 : i32
        %scan3A_177 = arith.constant 0 : i32
        %scan3A_178 = arith.constant 0 : i32
        %scan3A_179 = arith.constant 8 : i32
        %scan3A_180 = arith.addi %scan3A_178, %scan3A_179 : i32
        %scan3A_181 = arith.constant 1 : i32
        %scan3A_182 = scf.for %scan3A_205 = %scan3A_178 to %scan3A_180 step %scan3A_181 iter_args(%scan3A_206 = %scan3A_177) -> (i32)  : i32 {
          %mul3A_207 = arith.constant 8 : i32
          %mul3A_208 = arith.muli %scan3A_205, %mul3A_207 : i32
          %add3A_209 = arith.constant 0 : i32
          %add3A_210 = arith.addi %mul3A_208, %add3A_209 : i32
          %get3A = arith.index_cast %add3A_210 : i32 to index
          %get3A_211 = arith.constant 0 : index
          %get3A_212 = tpu.vector_load %arg13[%get3A, %get3A_211] {strides = array<i32>} : memref<64x16xi32, #tpu.memory_space<vmem>>, vector<16xi32>,
          %broadcast_in_dim3A_213 = vector.broadcast %add3A_210 : i32 to vector<16xi32>
          %shift_right_logical3A = arith.constant 1 : i32
          %shift_right_logical3A_214 = vector.broadcast %shift_right_logical3A : i32 to vector<16xi32>
          %shift_right_logical3A_215 = arith.shrui %get3A_212, %shift_right_logical3A_214 : vector<16xi32>
          %and3A = arith.constant 1 : i32
          %and3A_216 = vector.broadcast %and3A : i32 to vector<16xi32>
          %and3A_217 = arith.andi %get3A_212, %and3A_216 : vector<16xi32>
          %gt3A = arith.constant 0 : i32
          %gt3A_218 = vector.broadcast %gt3A : i32 to vector<16xi32>
          %gt3A_219 = arith.cmpi sgt, %and3A_217, %gt3A_218 : vector<16xi32>
          %gather3A = tpu.vector_load_idx %arg11[%broadcast_in_dim3A_213, %shift_right_logical3A_215] : memref<64x272xi32, #tpu.memory_space<vmem>>[vector<16xi32>, vector<16xi32>], vector<16xi32>,
          %add3A_220 = arith.constant 1 : i32
          %add3A_221 = vector.broadcast %add3A_220 : i32 to vector<16xi32>
          %add3A_222 = arith.addi %shift_right_logical3A_215, %add3A_221 : vector<16xi32>
          %gather3A_223 = tpu.vector_load_idx %arg11[%broadcast_in_dim3A_213, %add3A_222] : memref<64x272xi32, #tpu.memory_space<vmem>>[vector<16xi32>, vector<16xi32>], vector<16xi32>,
          %and3A_224 = arith.constant 65535 : i32
          %and3A_225 = vector.broadcast %and3A_224 : i32 to vector<16xi32>
          %and3A_226 = arith.andi %gather3A, %and3A_225 : vector<16xi32>
          %shift_right_logical3A_227 = arith.constant 16 : i32
          %shift_right_logical3A_228 = vector.broadcast %shift_right_logical3A_227 : i32 to vector<16xi32>
          %shift_right_logical3A_229 = arith.shrui %gather3A, %shift_right_logical3A_228 : vector<16xi32>
          %and3A_230 = arith.constant 65535 : i32
          %and3A_231 = vector.broadcast %and3A_230 : i32 to vector<16xi32>
          %and3A_232 = arith.andi %gather3A_223, %and3A_231 : vector<16xi32>
          %select_n3A_233 = arith.select %gt3A_219, %shift_right_logical3A_229, %and3A_226 : vector<16xi1>, vector<16xi32>
          %select_n3A_234 = arith.select %gt3A_219, %and3A_232, %shift_right_logical3A_229 : vector<16xi1>, vector<16xi32>
          %sub3A = arith.subi %select_n3A_234, %select_n3A_233 : vector<16xi32>
          %mul3A_235 = arith.constant 8 : i32
          %mul3A_236 = arith.muli %scan3A_205, %mul3A_235 : i32
          %add3A_237 = arith.constant 1 : i32
          %add3A_238 = arith.addi %mul3A_236, %add3A_237 : i32
          %get3A_239 = arith.index_cast %add3A_238 : i32 to index
          %get3A_240 = arith.constant 0 : index
          %get3A_241 = tpu.vector_load %arg13[%get3A_239, %get3A_240] {strides = array<i32>} : memref<64x16xi32, #tpu.memory_space<vmem>>, vector<16xi32>,
          %broadcast_in_dim3A_242 = vector.broadcast %add3A_238 : i32 to vector<16xi32>
          %shift_right_logical3A_243 = arith.constant 1 : i32
          %shift_right_logical3A_244 = vector.broadcast %shift_right_logical3A_243 : i32 to vector<16xi32>
          %shift_right_logical3A_245 = arith.shrui %get3A_241, %shift_right_logical3A_244 : vector<16xi32>
          %and3A_246 = arith.constant 1 : i32
          %and3A_247 = vector.broadcast %and3A_246 : i32 to vector<16xi32>
          %and3A_248 = arith.andi %get3A_241, %and3A_247 : vector<16xi32>
          %gt3A_249 = arith.constant 0 : i32
          %gt3A_250 = vector.broadcast %gt3A_249 : i32 to vector<16xi32>
          %gt3A_251 = arith.cmpi sgt, %and3A_248, %gt3A_250 : vector<16xi32>
          %gather3A_252 = tpu.vector_load_idx %arg11[%broadcast_in_dim3A_242, %shift_right_logical3A_245] : memref<64x272xi32, #tpu.memory_space<vmem>>[vector<16xi32>, vector<16xi32>], vector<16xi32>,
          %add3A_253 = arith.constant 1 : i32
          %add3A_254 = vector.broadcast %add3A_253 : i32 to vector<16xi32>
          %add3A_255 = arith.addi %shift_right_logical3A_245, %add3A_254 : vector<16xi32>
          %gather3A_256 = tpu.vector_load_idx %arg11[%broadcast_in_dim3A_242, %add3A_255] : memref<64x272xi32, #tpu.memory_space<vmem>>[vector<16xi32>, vector<16xi32>], vector<16xi32>,
          %and3A_257 = arith.constant 65535 : i32
          %and3A_258 = vector.broadcast %and3A_257 : i32 to vector<16xi32>
          %and3A_259 = arith.andi %gather3A_252, %and3A_258 : vector<16xi32>
          %shift_right_logical3A_260 = arith.constant 16 : i32
          %shift_right_logical3A_261 = vector.broadcast %shift_right_logical3A_260 : i32 to vector<16xi32>
          %shift_right_logical3A_262 = arith.shrui %gather3A_252, %shift_right_logical3A_261 : vector<16xi32>
          %and3A_263 = arith.constant 65535 : i32
          %and3A_264 = vector.broadcast %and3A_263 : i32 to vector<16xi32>
          %and3A_265 = arith.andi %gather3A_256, %and3A_264 : vector<16xi32>
          %select_n3A_266 = arith.select %gt3A_251, %shift_right_logical3A_262, %and3A_259 : vector<16xi1>, vector<16xi32>
          %select_n3A_267 = arith.select %gt3A_251, %and3A_265, %shift_right_logical3A_262 : vector<16xi1>, vector<16xi32>
          %sub3A_268 = arith.subi %select_n3A_267, %select_n3A_266 : vector<16xi32>
          %mul3A_269 = arith.constant 8 : i32
          %mul3A_270 = arith.muli %scan3A_205, %mul3A_269 : i32
          %add3A_271 = arith.constant 2 : i32
          %add3A_272 = arith.addi %mul3A_270, %add3A_271 : i32
          %get3A_273 = arith.index_cast %add3A_272 : i32 to index
          %get3A_274 = arith.constant 0 : index
          %get3A_275 = tpu.vector_load %arg13[%get3A_273, %get3A_274] {strides = array<i32>} : memref<64x16xi32, #tpu.memory_space<vmem>>, vector<16xi32>,
          %broadcast_in_dim3A_276 = vector.broadcast %add3A_272 : i32 to vector<16xi32>
          %shift_right_logical3A_277 = arith.constant 1 : i32
          %shift_right_logical3A_278 = vector.broadcast %shift_right_logical3A_277 : i32 to vector<16xi32>
          %shift_right_logical3A_279 = arith.shrui %get3A_275, %shift_right_logical3A_278 : vector<16xi32>
          %and3A_280 = arith.constant 1 : i32
          %and3A_281 = vector.broadcast %and3A_280 : i32 to vector<16xi32>
          %and3A_282 = arith.andi %get3A_275, %and3A_281 : vector<16xi32>
          %gt3A_283 = arith.constant 0 : i32
          %gt3A_284 = vector.broadcast %gt3A_283 : i32 to vector<16xi32>
          %gt3A_285 = arith.cmpi sgt, %and3A_282, %gt3A_284 : vector<16xi32>
          %gather3A_286 = tpu.vector_load_idx %arg11[%broadcast_in_dim3A_276, %shift_right_logical3A_279] : memref<64x272xi32, #tpu.memory_space<vmem>>[vector<16xi32>, vector<16xi32>], vector<16xi32>,
          %add3A_287 = arith.constant 1 : i32
          %add3A_288 = vector.broadcast %add3A_287 : i32 to vector<16xi32>
          %add3A_289 = arith.addi %shift_right_logical3A_279, %add3A_288 : vector<16xi32>
          %gather3A_290 = tpu.vector_load_idx %arg11[%broadcast_in_dim3A_276, %add3A_289] : memref<64x272xi32, #tpu.memory_space<vmem>>[vector<16xi32>, vector<16xi32>], vector<16xi32>,
          %and3A_291 = arith.constant 65535 : i32
          %and3A_292 = vector.broadcast %and3A_291 : i32 to vector<16xi32>
          %and3A_293 = arith.andi %gather3A_286, %and3A_292 : vector<16xi32>
          %shift_right_logical3A_294 = arith.constant 16 : i32
          %shift_right_logical3A_295 = vector.broadcast %shift_right_logical3A_294 : i32 to vector<16xi32>
          %shift_right_logical3A_296 = arith.shrui %gather3A_286, %shift_right_logical3A_295 : vector<16xi32>
          %and3A_297 = arith.constant 65535 : i32
          %and3A_298 = vector.broadcast %and3A_297 : i32 to vector<16xi32>
          %and3A_299 = arith.andi %gather3A_290, %and3A_298 : vector<16xi32>
          %select_n3A_300 = arith.select %gt3A_285, %shift_right_logical3A_296, %and3A_293 : vector<16xi1>, vector<16xi32>
          %select_n3A_301 = arith.select %gt3A_285, %and3A_299, %shift_right_logical3A_296 : vector<16xi1>, vector<16xi32>
          %sub3A_302 = arith.subi %select_n3A_301, %select_n3A_300 : vector<16xi32>
          %mul3A_303 = arith.constant 8 : i32
          %mul3A_304 = arith.muli %scan3A_205, %mul3A_303 : i32
          %add3A_305 = arith.constant 3 : i32
          %add3A_306 = arith.addi %mul3A_304, %add3A_305 : i32
          %get3A_307 = arith.index_cast %add3A_306 : i32 to index
          %get3A_308 = arith.constant 0 : index
          %get3A_309 = tpu.vector_load %arg13[%get3A_307, %get3A_308] {strides = array<i32>} : memref<64x16xi32, #tpu.memory_space<vmem>>, vector<16xi32>,
          %broadcast_in_dim3A_310 = vector.broadcast %add3A_306 : i32 to vector<16xi32>
          %shift_right_logical3A_311 = arith.constant 1 : i32
          %shift_right_logical3A_312 = vector.broadcast %shift_right_logical3A_311 : i32 to vector<16xi32>
          %shift_right_logical3A_313 = arith.shrui %get3A_309, %shift_right_logical3A_312 : vector<16xi32>
          %and3A_314 = arith.constant 1 : i32
          %and3A_315 = vector.broadcast %and3A_314 : i32 to vector<16xi32>
          %and3A_316 = arith.andi %get3A_309, %and3A_315 : vector<16xi32>
          %gt3A_317 = arith.constant 0 : i32
          %gt3A_318 = vector.broadcast %gt3A_317 : i32 to vector<16xi32>
          %gt3A_319 = arith.cmpi sgt, %and3A_316, %gt3A_318 : vector<16xi32>
          %gather3A_320 = tpu.vector_load_idx %arg11[%broadcast_in_dim3A_310, %shift_right_logical3A_313] : memref<64x272xi32, #tpu.memory_space<vmem>>[vector<16xi32>, vector<16xi32>], vector<16xi32>,
          %add3A_321 = arith.constant 1 : i32
          %add3A_322 = vector.broadcast %add3A_321 : i32 to vector<16xi32>
          %add3A_323 = arith.addi %shift_right_logical3A_313, %add3A_322 : vector<16xi32>
          %gather3A_324 = tpu.vector_load_idx %arg11[%broadcast_in_dim3A_310, %add3A_323] : memref<64x272xi32, #tpu.memory_space<vmem>>[vector<16xi32>, vector<16xi32>], vector<16xi32>,
          %and3A_325 = arith.constant 65535 : i32
          %and3A_326 = vector.broadcast %and3A_325 : i32 to vector<16xi32>
          %and3A_327 = arith.andi %gather3A_320, %and3A_326 : vector<16xi32>
          %shift_right_logical3A_328 = arith.constant 16 : i32
          %shift_right_logical3A_329 = vector.broadcast %shift_right_logical3A_328 : i32 to vector<16xi32>
          %shift_right_logical3A_330 = arith.shrui %gather3A_320, %shift_right_logical3A_329 : vector<16xi32>
          %and3A_331 = arith.constant 65535 : i32
          %and3A_332 = vector.broadcast %and3A_331 : i32 to vector<16xi32>
          %and3A_333 = arith.andi %gather3A_324, %and3A_332 : vector<16xi32>
          %select_n3A_334 = arith.select %gt3A_319, %shift_right_logical3A_330, %and3A_327 : vector<16xi1>, vector<16xi32>
          %select_n3A_335 = arith.select %gt3A_319, %and3A_333, %shift_right_logical3A_330 : vector<16xi1>, vector<16xi32>
          %sub3A_336 = arith.subi %select_n3A_335, %select_n3A_334 : vector<16xi32>
          %mul3A_337 = arith.constant 8 : i32
          %mul3A_338 = arith.muli %scan3A_205, %mul3A_337 : i32
          %add3A_339 = arith.constant 4 : i32
          %add3A_340 = arith.addi %mul3A_338, %add3A_339 : i32
          %get3A_341 = arith.index_cast %add3A_340 : i32 to index
          %get3A_342 = arith.constant 0 : index
          %get3A_343 = tpu.vector_load %arg13[%get3A_341, %get3A_342] {strides = array<i32>} : memref<64x16xi32, #tpu.memory_space<vmem>>, vector<16xi32>,
          %broadcast_in_dim3A_344 = vector.broadcast %add3A_340 : i32 to vector<16xi32>
          %shift_right_logical3A_345 = arith.constant 1 : i32
          %shift_right_logical3A_346 = vector.broadcast %shift_right_logical3A_345 : i32 to vector<16xi32>
          %shift_right_logical3A_347 = arith.shrui %get3A_343, %shift_right_logical3A_346 : vector<16xi32>
          %and3A_348 = arith.constant 1 : i32
          %and3A_349 = vector.broadcast %and3A_348 : i32 to vector<16xi32>
          %and3A_350 = arith.andi %get3A_343, %and3A_349 : vector<16xi32>
          %gt3A_351 = arith.constant 0 : i32
          %gt3A_352 = vector.broadcast %gt3A_351 : i32 to vector<16xi32>
          %gt3A_353 = arith.cmpi sgt, %and3A_350, %gt3A_352 : vector<16xi32>
          %gather3A_354 = tpu.vector_load_idx %arg11[%broadcast_in_dim3A_344, %shift_right_logical3A_347] : memref<64x272xi32, #tpu.memory_space<vmem>>[vector<16xi32>, vector<16xi32>], vector<16xi32>,
          %add3A_355 = arith.constant 1 : i32
          %add3A_356 = vector.broadcast %add3A_355 : i32 to vector<16xi32>
          %add3A_357 = arith.addi %shift_right_logical3A_347, %add3A_356 : vector<16xi32>
          %gather3A_358 = tpu.vector_load_idx %arg11[%broadcast_in_dim3A_344, %add3A_357] : memref<64x272xi32, #tpu.memory_space<vmem>>[vector<16xi32>, vector<16xi32>], vector<16xi32>,
          %and3A_359 = arith.constant 65535 : i32
          %and3A_360 = vector.broadcast %and3A_359 : i32 to vector<16xi32>
          %and3A_361 = arith.andi %gather3A_354, %and3A_360 : vector<16xi32>
          %shift_right_logical3A_362 = arith.constant 16 : i32
          %shift_right_logical3A_363 = vector.broadcast %shift_right_logical3A_362 : i32 to vector<16xi32>
          %shift_right_logical3A_364 = arith.shrui %gather3A_354, %shift_right_logical3A_363 : vector<16xi32>
          %and3A_365 = arith.constant 65535 : i32
          %and3A_366 = vector.broadcast %and3A_365 : i32 to vector<16xi32>
          %and3A_367 = arith.andi %gather3A_358, %and3A_366 : vector<16xi32>
          %select_n3A_368 = arith.select %gt3A_353, %shift_right_logical3A_364, %and3A_361 : vector<16xi1>, vector<16xi32>
          %select_n3A_369 = arith.select %gt3A_353, %and3A_367, %shift_right_logical3A_364 : vector<16xi1>, vector<16xi32>
          %sub3A_370 = arith.subi %select_n3A_369, %select_n3A_368 : vector<16xi32>
          %mul3A_371 = arith.constant 8 : i32
          %mul3A_372 = arith.muli %scan3A_205, %mul3A_371 : i32
          %add3A_373 = arith.constant 5 : i32
          %add3A_374 = arith.addi %mul3A_372, %add3A_373 : i32
          %get3A_375 = arith.index_cast %add3A_374 : i32 to index
          %get3A_376 = arith.constant 0 : index
          %get3A_377 = tpu.vector_load %arg13[%get3A_375, %get3A_376] {strides = array<i32>} : memref<64x16xi32, #tpu.memory_space<vmem>>, vector<16xi32>,
          %broadcast_in_dim3A_378 = vector.broadcast %add3A_374 : i32 to vector<16xi32>
          %shift_right_logical3A_379 = arith.constant 1 : i32
          %shift_right_logical3A_380 = vector.broadcast %shift_right_logical3A_379 : i32 to vector<16xi32>
          %shift_right_logical3A_381 = arith.shrui %get3A_377, %shift_right_logical3A_380 : vector<16xi32>
          %and3A_382 = arith.constant 1 : i32
          %and3A_383 = vector.broadcast %and3A_382 : i32 to vector<16xi32>
          %and3A_384 = arith.andi %get3A_377, %and3A_383 : vector<16xi32>
          %gt3A_385 = arith.constant 0 : i32
          %gt3A_386 = vector.broadcast %gt3A_385 : i32 to vector<16xi32>
          %gt3A_387 = arith.cmpi sgt, %and3A_384, %gt3A_386 : vector<16xi32>
          %gather3A_388 = tpu.vector_load_idx %arg11[%broadcast_in_dim3A_378, %shift_right_logical3A_381] : memref<64x272xi32, #tpu.memory_space<vmem>>[vector<16xi32>, vector<16xi32>], vector<16xi32>,
          %add3A_389 = arith.constant 1 : i32
          %add3A_390 = vector.broadcast %add3A_389 : i32 to vector<16xi32>
          %add3A_391 = arith.addi %shift_right_logical3A_381, %add3A_390 : vector<16xi32>
          %gather3A_392 = tpu.vector_load_idx %arg11[%broadcast_in_dim3A_378, %add3A_391] : memref<64x272xi32, #tpu.memory_space<vmem>>[vector<16xi32>, vector<16xi32>], vector<16xi32>,
          %and3A_393 = arith.constant 65535 : i32
          %and3A_394 = vector.broadcast %and3A_393 : i32 to vector<16xi32>
          %and3A_395 = arith.andi %gather3A_388, %and3A_394 : vector<16xi32>
          %shift_right_logical3A_396 = arith.constant 16 : i32
          %shift_right_logical3A_397 = vector.broadcast %shift_right_logical3A_396 : i32 to vector<16xi32>
          %shift_right_logical3A_398 = arith.shrui %gather3A_388, %shift_right_logical3A_397 : vector<16xi32>
          %and3A_399 = arith.constant 65535 : i32
          %and3A_400 = vector.broadcast %and3A_399 : i32 to vector<16xi32>
          %and3A_401 = arith.andi %gather3A_392, %and3A_400 : vector<16xi32>
          %select_n3A_402 = arith.select %gt3A_387, %shift_right_logical3A_398, %and3A_395 : vector<16xi1>, vector<16xi32>
          %select_n3A_403 = arith.select %gt3A_387, %and3A_401, %shift_right_logical3A_398 : vector<16xi1>, vector<16xi32>
          %sub3A_404 = arith.subi %select_n3A_403, %select_n3A_402 : vector<16xi32>
          %mul3A_405 = arith.constant 8 : i32
          %mul3A_406 = arith.muli %scan3A_205, %mul3A_405 : i32
          %add3A_407 = arith.constant 6 : i32
          %add3A_408 = arith.addi %mul3A_406, %add3A_407 : i32
          %get3A_409 = arith.index_cast %add3A_408 : i32 to index
          %get3A_410 = arith.constant 0 : index
          %get3A_411 = tpu.vector_load %arg13[%get3A_409, %get3A_410] {strides = array<i32>} : memref<64x16xi32, #tpu.memory_space<vmem>>, vector<16xi32>,
          %broadcast_in_dim3A_412 = vector.broadcast %add3A_408 : i32 to vector<16xi32>
          %shift_right_logical3A_413 = arith.constant 1 : i32
          %shift_right_logical3A_414 = vector.broadcast %shift_right_logical3A_413 : i32 to vector<16xi32>
          %shift_right_logical3A_415 = arith.shrui %get3A_411, %shift_right_logical3A_414 : vector<16xi32>
          %and3A_416 = arith.constant 1 : i32
          %and3A_417 = vector.broadcast %and3A_416 : i32 to vector<16xi32>
          %and3A_418 = arith.andi %get3A_411, %and3A_417 : vector<16xi32>
          %gt3A_419 = arith.constant 0 : i32
          %gt3A_420 = vector.broadcast %gt3A_419 : i32 to vector<16xi32>
          %gt3A_421 = arith.cmpi sgt, %and3A_418, %gt3A_420 : vector<16xi32>
          %gather3A_422 = tpu.vector_load_idx %arg11[%broadcast_in_dim3A_412, %shift_right_logical3A_415] : memref<64x272xi32, #tpu.memory_space<vmem>>[vector<16xi32>, vector<16xi32>], vector<16xi32>,
          %add3A_423 = arith.constant 1 : i32
          %add3A_424 = vector.broadcast %add3A_423 : i32 to vector<16xi32>
          %add3A_425 = arith.addi %shift_right_logical3A_415, %add3A_424 : vector<16xi32>
          %gather3A_426 = tpu.vector_load_idx %arg11[%broadcast_in_dim3A_412, %add3A_425] : memref<64x272xi32, #tpu.memory_space<vmem>>[vector<16xi32>, vector<16xi32>], vector<16xi32>,
          %and3A_427 = arith.constant 65535 : i32
          %and3A_428 = vector.broadcast %and3A_427 : i32 to vector<16xi32>
          %and3A_429 = arith.andi %gather3A_422, %and3A_428 : vector<16xi32>
          %shift_right_logical3A_430 = arith.constant 16 : i32
          %shift_right_logical3A_431 = vector.broadcast %shift_right_logical3A_430 : i32 to vector<16xi32>
          %shift_right_logical3A_432 = arith.shrui %gather3A_422, %shift_right_logical3A_431 : vector<16xi32>
          %and3A_433 = arith.constant 65535 : i32
          %and3A_434 = vector.broadcast %and3A_433 : i32 to vector<16xi32>
          %and3A_435 = arith.andi %gather3A_426, %and3A_434 : vector<16xi32>
          %select_n3A_436 = arith.select %gt3A_421, %shift_right_logical3A_432, %and3A_429 : vector<16xi1>, vector<16xi32>
          %select_n3A_437 = arith.select %gt3A_421, %and3A_435, %shift_right_logical3A_432 : vector<16xi1>, vector<16xi32>
          %sub3A_438 = arith.subi %select_n3A_437, %select_n3A_436 : vector<16xi32>
          %mul3A_439 = arith.constant 8 : i32
          %mul3A_440 = arith.muli %scan3A_205, %mul3A_439 : i32
          %add3A_441 = arith.constant 7 : i32
          %add3A_442 = arith.addi %mul3A_440, %add3A_441 : i32
          %get3A_443 = arith.index_cast %add3A_442 : i32 to index
          %get3A_444 = arith.constant 0 : index
          %get3A_445 = tpu.vector_load %arg13[%get3A_443, %get3A_444] {strides = array<i32>} : memref<64x16xi32, #tpu.memory_space<vmem>>, vector<16xi32>,
          %broadcast_in_dim3A_446 = vector.broadcast %add3A_442 : i32 to vector<16xi32>
          %shift_right_logical3A_447 = arith.constant 1 : i32
          %shift_right_logical3A_448 = vector.broadcast %shift_right_logical3A_447 : i32 to vector<16xi32>
          %shift_right_logical3A_449 = arith.shrui %get3A_445, %shift_right_logical3A_448 : vector<16xi32>
          %and3A_450 = arith.constant 1 : i32
          %and3A_451 = vector.broadcast %and3A_450 : i32 to vector<16xi32>
          %and3A_452 = arith.andi %get3A_445, %and3A_451 : vector<16xi32>
          %gt3A_453 = arith.constant 0 : i32
          %gt3A_454 = vector.broadcast %gt3A_453 : i32 to vector<16xi32>
          %gt3A_455 = arith.cmpi sgt, %and3A_452, %gt3A_454 : vector<16xi32>
          %gather3A_456 = tpu.vector_load_idx %arg11[%broadcast_in_dim3A_446, %shift_right_logical3A_449] : memref<64x272xi32, #tpu.memory_space<vmem>>[vector<16xi32>, vector<16xi32>], vector<16xi32>,
          %add3A_457 = arith.constant 1 : i32
          %add3A_458 = vector.broadcast %add3A_457 : i32 to vector<16xi32>
          %add3A_459 = arith.addi %shift_right_logical3A_449, %add3A_458 : vector<16xi32>
          %gather3A_460 = tpu.vector_load_idx %arg11[%broadcast_in_dim3A_446, %add3A_459] : memref<64x272xi32, #tpu.memory_space<vmem>>[vector<16xi32>, vector<16xi32>], vector<16xi32>,
          %and3A_461 = arith.constant 65535 : i32
          %and3A_462 = vector.broadcast %and3A_461 : i32 to vector<16xi32>
          %and3A_463 = arith.andi %gather3A_456, %and3A_462 : vector<16xi32>
          %shift_right_logical3A_464 = arith.constant 16 : i32
          %shift_right_logical3A_465 = vector.broadcast %shift_right_logical3A_464 : i32 to vector<16xi32>
          %shift_right_logical3A_466 = arith.shrui %gather3A_456, %shift_right_logical3A_465 : vector<16xi32>
          %and3A_467 = arith.constant 65535 : i32
          %and3A_468 = vector.broadcast %and3A_467 : i32 to vector<16xi32>
          %and3A_469 = arith.andi %gather3A_460, %and3A_468 : vector<16xi32>
          %select_n3A_470 = arith.select %gt3A_455, %shift_right_logical3A_466, %and3A_463 : vector<16xi1>, vector<16xi32>
          %select_n3A_471 = arith.select %gt3A_455, %and3A_469, %shift_right_logical3A_466 : vector<16xi1>, vector<16xi32>
          %sub3A_472 = arith.subi %select_n3A_471, %select_n3A_470 : vector<16xi32>
          %max3A = arith.maxsi %sub3A, %sub3A_268 : vector<16xi32>
          %max3A_473 = arith.maxsi %max3A, %sub3A_302 : vector<16xi32>
          %max3A_474 = arith.maxsi %max3A_473, %sub3A_336 : vector<16xi32>
          %max3A_475 = arith.maxsi %max3A_474, %sub3A_370 : vector<16xi32>
          %max3A_476 = arith.maxsi %max3A_475, %sub3A_404 : vector<16xi32>
          %max3A_477 = arith.maxsi %max3A_476, %sub3A_438 : vector<16xi32>
          %max3A_478 = arith.maxsi %max3A_477, %sub3A_472 : vector<16xi32>
          %reduce_max3A = arith.constant true
          %reduce_max3A_479 = vector.broadcast %reduce_max3A : i1 to vector<16xi1>
          %reduce_max3A_480 = arith.constant -2147483648 : i32
          %reduce_max3A_481 = vector.broadcast %reduce_max3A_480 : i32 to vector<16xi32>
          %reduce_max3A_482 = arith.xori %max3A_478, %reduce_max3A_481 : vector<16xi32>
          %reduce_max3A_483 = tpu.scan <max>, %reduce_max3A_482 masked %reduce_max3A_479 : vector<16xi32>, vector<16xi1> -> vector<16xi32>
          %reduce_max3A_484 = arith.xori %reduce_max3A_483, %reduce_max3A_481 : vector<16xi32>
          %reduce_max3A_485 = vector.extract %reduce_max3A_484[15] : i32 from vector<16xi32>
          %add3A_486 = arith.constant 1 : i32
          %add3A_487 = arith.addi %reduce_max3A_485, %add3A_486 : i32
          %jit3A_488 = arith.constant 2 : i32
          %div3A_489 = arith.divsi %add3A_487, %jit3A_488 : i32
          %sign3A = arith.constant 0 : i32
          %sign3A_490 = arith.cmpi sgt, %add3A_487, %sign3A : i32
          %sign3A_491 = arith.extui %sign3A_490 : i1 to i32
          %sign3A_492 = arith.constant 0 : i32
          %sign3A_493 = arith.cmpi slt, %add3A_487, %sign3A_492 : i32
          %sign3A_494 = arith.extui %sign3A_493 : i1 to i32
          %sign3A_495 = arith.subi %sign3A_491, %sign3A_494 : i32
          %sign3A_496 = arith.constant 0 : i32
          %sign3A_497 = arith.cmpi sgt, %jit3A_488, %sign3A_496 : i32
          %sign3A_498 = arith.extui %sign3A_497 : i1 to i32
          %sign3A_499 = arith.constant 0 : i32
          %sign3A_500 = arith.cmpi slt, %jit3A_488, %sign3A_499 : i32
          %sign3A_501 = arith.extui %sign3A_500 : i1 to i32
          %sign3A_502 = arith.subi %sign3A_498, %sign3A_501 : i32
          %ne3A = arith.cmpi ne, %sign3A_495, %sign3A_502 : i32
          %rem3A = arith.remsi %add3A_487, %jit3A_488 : i32
          %ne3A_503 = arith.constant 0 : i32
          %ne3A_504 = arith.cmpi ne, %rem3A, %ne3A_503 : i32
          %and3A_505 = arith.andi %ne3A, %ne3A_504 : i1
          %sub3A_506 = arith.constant 1 : i32
          %sub3A_507 = arith.subi %div3A_489, %sub3A_506 : i32
          %select_n3A_508 = arith.select %and3A_505, %sub3A_507, %div3A_489 : i32
          %while3A = arith.constant 0 : i32
          %while3A_509 = arith.constant 0 : i32
          %while3A_510 = arith.subi %select_n3A_508, %while3A : i32
          %while3A_511 = arith.addi %while3A, %while3A_510 : i32
          %while3A_512 = arith.constant 1 : i32
          %while3A_513 = arith.divsi %while3A_510, %while3A_512 : i32
          %while3A_514 = arith.muli %while3A_513, %while3A_512 : i32
          %while3A_515 = arith.addi %while3A, %while3A_514 : i32
          %while3A_516 = arith.constant 1 : i32
          %while3A_517 = scf.for %while3A_521 = %while3A to %while3A_515 step %while3A_516 iter_args(%while3A_522 = %while3A_509) -> (i32)  : i32 {
            %mul3A_523 = arith.constant 2 : i32
            %mul3A_524 = arith.muli %while3A_521, %mul3A_523 : i32
            %add3A_525 = vector.broadcast %mul3A_524 : i32 to vector<16xi32>
            %add3A_526 = arith.addi %select_n3A_233, %add3A_525 : vector<16xi32>
            %gather3A_527 = tpu.vector_load_idx %arg10[%broadcast_in_dim3A_213, %add3A_526] : memref<64x1024xi32, #tpu.memory_space<vmem>>[vector<16xi32>, vector<16xi32>], vector<16xi32>,
            %gt3A_528 = vector.broadcast %mul3A_524 : i32 to vector<16xi32>
            %gt3A_529 = arith.cmpi sgt, %sub3A, %gt3A_528 : vector<16xi32>
            %add3A_530 = vector.broadcast %mul3A_524 : i32 to vector<16xi32>
            %add3A_531 = arith.addi %select_n3A_233, %add3A_530 : vector<16xi32>
            %add3A_532 = arith.constant 1 : i32
            %add3A_533 = vector.broadcast %add3A_532 : i32 to vector<16xi32>
            %add3A_534 = arith.addi %add3A_531, %add3A_533 : vector<16xi32>
            %gather3A_535 = tpu.vector_load_idx %arg10[%broadcast_in_dim3A_213, %add3A_534] : memref<64x1024xi32, #tpu.memory_space<vmem>>[vector<16xi32>, vector<16xi32>], vector<16xi32>,
            %add3A_536 = arith.constant 1 : i32
            %add3A_537 = arith.addi %mul3A_524, %add3A_536 : i32
            %gt3A_538 = vector.broadcast %add3A_537 : i32 to vector<16xi32>
            %gt3A_539 = arith.cmpi sgt, %sub3A, %gt3A_538 : vector<16xi32>
            %add3A_540 = vector.broadcast %mul3A_524 : i32 to vector<16xi32>
            %add3A_541 = arith.addi %select_n3A_266, %add3A_540 : vector<16xi32>
            %gather3A_542 = tpu.vector_load_idx %arg10[%broadcast_in_dim3A_242, %add3A_541] : memref<64x1024xi32, #tpu.memory_space<vmem>>[vector<16xi32>, vector<16xi32>], vector<16xi32>,
            %gt3A_543 = vector.broadcast %mul3A_524 : i32 to vector<16xi32>
            %gt3A_544 = arith.cmpi sgt, %sub3A_268, %gt3A_543 : vector<16xi32>
            %add3A_545 = vector.broadcast %mul3A_524 : i32 to vector<16xi32>
            %add3A_546 = arith.addi %select_n3A_266, %add3A_545 : vector<16xi32>
            %add3A_547 = arith.constant 1 : i32
            %add3A_548 = vector.broadcast %add3A_547 : i32 to vector<16xi32>
            %add3A_549 = arith.addi %add3A_546, %add3A_548 : vector<16xi32>
            %gather3A_550 = tpu.vector_load_idx %arg10[%broadcast_in_dim3A_242, %add3A_549] : memref<64x1024xi32, #tpu.memory_space<vmem>>[vector<16xi32>, vector<16xi32>], vector<16xi32>,
            %add3A_551 = arith.constant 1 : i32
            %add3A_552 = arith.addi %mul3A_524, %add3A_551 : i32
            %gt3A_553 = vector.broadcast %add3A_552 : i32 to vector<16xi32>
            %gt3A_554 = arith.cmpi sgt, %sub3A_268, %gt3A_553 : vector<16xi32>
            %add3A_555 = vector.broadcast %mul3A_524 : i32 to vector<16xi32>
            %add3A_556 = arith.addi %select_n3A_300, %add3A_555 : vector<16xi32>
            %gather3A_557 = tpu.vector_load_idx %arg10[%broadcast_in_dim3A_276, %add3A_556] : memref<64x1024xi32, #tpu.memory_space<vmem>>[vector<16xi32>, vector<16xi32>], vector<16xi32>,
            %gt3A_558 = vector.broadcast %mul3A_524 : i32 to vector<16xi32>
            %gt3A_559 = arith.cmpi sgt, %sub3A_302, %gt3A_558 : vector<16xi32>
            %add3A_560 = vector.broadcast %mul3A_524 : i32 to vector<16xi32>
            %add3A_561 = arith.addi %select_n3A_300, %add3A_560 : vector<16xi32>
            %add3A_562 = arith.constant 1 : i32
            %add3A_563 = vector.broadcast %add3A_562 : i32 to vector<16xi32>
            %add3A_564 = arith.addi %add3A_561, %add3A_563 : vector<16xi32>
            %gather3A_565 = tpu.vector_load_idx %arg10[%broadcast_in_dim3A_276, %add3A_564] : memref<64x1024xi32, #tpu.memory_space<vmem>>[vector<16xi32>, vector<16xi32>], vector<16xi32>,
            %add3A_566 = arith.constant 1 : i32
            %add3A_567 = arith.addi %mul3A_524, %add3A_566 : i32
            %gt3A_568 = vector.broadcast %add3A_567 : i32 to vector<16xi32>
            %gt3A_569 = arith.cmpi sgt, %sub3A_302, %gt3A_568 : vector<16xi32>
            %add3A_570 = vector.broadcast %mul3A_524 : i32 to vector<16xi32>
            %add3A_571 = arith.addi %select_n3A_334, %add3A_570 : vector<16xi32>
            %gather3A_572 = tpu.vector_load_idx %arg10[%broadcast_in_dim3A_310, %add3A_571] : memref<64x1024xi32, #tpu.memory_space<vmem>>[vector<16xi32>, vector<16xi32>], vector<16xi32>,
            %gt3A_573 = vector.broadcast %mul3A_524 : i32 to vector<16xi32>
            %gt3A_574 = arith.cmpi sgt, %sub3A_336, %gt3A_573 : vector<16xi32>
            %add3A_575 = vector.broadcast %mul3A_524 : i32 to vector<16xi32>
            %add3A_576 = arith.addi %select_n3A_334, %add3A_575 : vector<16xi32>
            %add3A_577 = arith.constant 1 : i32
            %add3A_578 = vector.broadcast %add3A_577 : i32 to vector<16xi32>
            %add3A_579 = arith.addi %add3A_576, %add3A_578 : vector<16xi32>
            %gather3A_580 = tpu.vector_load_idx %arg10[%broadcast_in_dim3A_310, %add3A_579] : memref<64x1024xi32, #tpu.memory_space<vmem>>[vector<16xi32>, vector<16xi32>], vector<16xi32>,
            %add3A_581 = arith.constant 1 : i32
            %add3A_582 = arith.addi %mul3A_524, %add3A_581 : i32
            %gt3A_583 = vector.broadcast %add3A_582 : i32 to vector<16xi32>
            %gt3A_584 = arith.cmpi sgt, %sub3A_336, %gt3A_583 : vector<16xi32>
            %add3A_585 = vector.broadcast %mul3A_524 : i32 to vector<16xi32>
            %add3A_586 = arith.addi %select_n3A_368, %add3A_585 : vector<16xi32>
            %gather3A_587 = tpu.vector_load_idx %arg10[%broadcast_in_dim3A_344, %add3A_586] : memref<64x1024xi32, #tpu.memory_space<vmem>>[vector<16xi32>, vector<16xi32>], vector<16xi32>,
            %gt3A_588 = vector.broadcast %mul3A_524 : i32 to vector<16xi32>
            %gt3A_589 = arith.cmpi sgt, %sub3A_370, %gt3A_588 : vector<16xi32>
            %add3A_590 = vector.broadcast %mul3A_524 : i32 to vector<16xi32>
            %add3A_591 = arith.addi %select_n3A_368, %add3A_590 : vector<16xi32>
            %add3A_592 = arith.constant 1 : i32
            %add3A_593 = vector.broadcast %add3A_592 : i32 to vector<16xi32>
            %add3A_594 = arith.addi %add3A_591, %add3A_593 : vector<16xi32>
            %gather3A_595 = tpu.vector_load_idx %arg10[%broadcast_in_dim3A_344, %add3A_594] : memref<64x1024xi32, #tpu.memory_space<vmem>>[vector<16xi32>, vector<16xi32>], vector<16xi32>,
            %add3A_596 = arith.constant 1 : i32
            %add3A_597 = arith.addi %mul3A_524, %add3A_596 : i32
            %gt3A_598 = vector.broadcast %add3A_597 : i32 to vector<16xi32>
            %gt3A_599 = arith.cmpi sgt, %sub3A_370, %gt3A_598 : vector<16xi32>
            %add3A_600 = vector.broadcast %mul3A_524 : i32 to vector<16xi32>
            %add3A_601 = arith.addi %select_n3A_402, %add3A_600 : vector<16xi32>
            %gather3A_602 = tpu.vector_load_idx %arg10[%broadcast_in_dim3A_378, %add3A_601] : memref<64x1024xi32, #tpu.memory_space<vmem>>[vector<16xi32>, vector<16xi32>], vector<16xi32>,
            %gt3A_603 = vector.broadcast %mul3A_524 : i32 to vector<16xi32>
            %gt3A_604 = arith.cmpi sgt, %sub3A_404, %gt3A_603 : vector<16xi32>
            %add3A_605 = vector.broadcast %mul3A_524 : i32 to vector<16xi32>
            %add3A_606 = arith.addi %select_n3A_402, %add3A_605 : vector<16xi32>
            %add3A_607 = arith.constant 1 : i32
            %add3A_608 = vector.broadcast %add3A_607 : i32 to vector<16xi32>
            %add3A_609 = arith.addi %add3A_606, %add3A_608 : vector<16xi32>
            %gather3A_610 = tpu.vector_load_idx %arg10[%broadcast_in_dim3A_378, %add3A_609] : memref<64x1024xi32, #tpu.memory_space<vmem>>[vector<16xi32>, vector<16xi32>], vector<16xi32>,
            %add3A_611 = arith.constant 1 : i32
            %add3A_612 = arith.addi %mul3A_524, %add3A_611 : i32
            %gt3A_613 = vector.broadcast %add3A_612 : i32 to vector<16xi32>
            %gt3A_614 = arith.cmpi sgt, %sub3A_404, %gt3A_613 : vector<16xi32>
            %add3A_615 = vector.broadcast %mul3A_524 : i32 to vector<16xi32>
            %add3A_616 = arith.addi %select_n3A_436, %add3A_615 : vector<16xi32>
            %gather3A_617 = tpu.vector_load_idx %arg10[%broadcast_in_dim3A_412, %add3A_616] : memref<64x1024xi32, #tpu.memory_space<vmem>>[vector<16xi32>, vector<16xi32>], vector<16xi32>,
            %gt3A_618 = vector.broadcast %mul3A_524 : i32 to vector<16xi32>
            %gt3A_619 = arith.cmpi sgt, %sub3A_438, %gt3A_618 : vector<16xi32>
            %add3A_620 = vector.broadcast %mul3A_524 : i32 to vector<16xi32>
            %add3A_621 = arith.addi %select_n3A_436, %add3A_620 : vector<16xi32>
            %add3A_622 = arith.constant 1 : i32
            %add3A_623 = vector.broadcast %add3A_622 : i32 to vector<16xi32>
            %add3A_624 = arith.addi %add3A_621, %add3A_623 : vector<16xi32>
            %gather3A_625 = tpu.vector_load_idx %arg10[%broadcast_in_dim3A_412, %add3A_624] : memref<64x1024xi32, #tpu.memory_space<vmem>>[vector<16xi32>, vector<16xi32>], vector<16xi32>,
            %add3A_626 = arith.constant 1 : i32
            %add3A_627 = arith.addi %mul3A_524, %add3A_626 : i32
            %gt3A_628 = vector.broadcast %add3A_627 : i32 to vector<16xi32>
            %gt3A_629 = arith.cmpi sgt, %sub3A_438, %gt3A_628 : vector<16xi32>
            %add3A_630 = vector.broadcast %mul3A_524 : i32 to vector<16xi32>
            %add3A_631 = arith.addi %select_n3A_470, %add3A_630 : vector<16xi32>
            %gather3A_632 = tpu.vector_load_idx %arg10[%broadcast_in_dim3A_446, %add3A_631] : memref<64x1024xi32, #tpu.memory_space<vmem>>[vector<16xi32>, vector<16xi32>], vector<16xi32>,
            %gt3A_633 = vector.broadcast %mul3A_524 : i32 to vector<16xi32>
            %gt3A_634 = arith.cmpi sgt, %sub3A_472, %gt3A_633 : vector<16xi32>
            %add3A_635 = vector.broadcast %mul3A_524 : i32 to vector<16xi32>
            %add3A_636 = arith.addi %select_n3A_470, %add3A_635 : vector<16xi32>
            %add3A_637 = arith.constant 1 : i32
            %add3A_638 = vector.broadcast %add3A_637 : i32 to vector<16xi32>
            %add3A_639 = arith.addi %add3A_636, %add3A_638 : vector<16xi32>
            %gather3A_640 = tpu.vector_load_idx %arg10[%broadcast_in_dim3A_446, %add3A_639] : memref<64x1024xi32, #tpu.memory_space<vmem>>[vector<16xi32>, vector<16xi32>], vector<16xi32>,
            %add3A_641 = arith.constant 1 : i32
            %add3A_642 = arith.addi %mul3A_524, %add3A_641 : i32
            %gt3A_643 = vector.broadcast %add3A_642 : i32 to vector<16xi32>
            %gt3A_644 = arith.cmpi sgt, %sub3A_472, %gt3A_643 : vector<16xi32>
            %and3A_645 = arith.constant 65535 : i32
            %and3A_646 = vector.broadcast %and3A_645 : i32 to vector<16xi32>
            %and3A_647 = arith.andi %gather3A_527, %and3A_646 : vector<16xi32>
            %and3A_648 = arith.constant -65536 : i32
            %and3A_649 = vector.broadcast %and3A_648 : i32 to vector<16xi32>
            %and3A_650 = arith.andi %gather3A_527, %and3A_649 : vector<16xi32>
            %bitcast3A = vector.bitcast %and3A_650 : vector<16xi32> to vector<16xf32>
            %scatter3A = arith.constant 0 : i32
            %scatter3A_651 = arith.constant 0 : i32
            %scatter3A_652 = tpu.memref_slice %arg12[%scan3A_176, %scatter3A, %scatter3A_651] : memref<2x1024x16xf32, #tpu.memory_space<vmem>> -> memref<1x1024x16xf32, #tpu.memory_space<vmem>>
            %scatter3A_653 = tpu.memref_squeeze %scatter3A_652 : memref<1x1024x16xf32, #tpu.memory_space<vmem>> -> memref<1024x16xf32, #tpu.memory_space<vmem>>
            tpu.vector_store_idx %scatter3A_653[%and3A_647, %iota3A], %bitcast3A masked %gt3A_529 {add = true} : memref<1024x16xf32, #tpu.memory_space<vmem>>[vector<16xi32>, vector<16xi32>], vector<16xf32>, vector<16xi1>
            %and3A_654 = arith.constant 65535 : i32
            %and3A_655 = vector.broadcast %and3A_654 : i32 to vector<16xi32>
            %and3A_656 = arith.andi %gather3A_535, %and3A_655 : vector<16xi32>
            %and3A_657 = arith.constant -65536 : i32
            %and3A_658 = vector.broadcast %and3A_657 : i32 to vector<16xi32>
            %and3A_659 = arith.andi %gather3A_535, %and3A_658 : vector<16xi32>
            %bitcast3A_660 = vector.bitcast %and3A_659 : vector<16xi32> to vector<16xf32>
            %scatter3A_661 = arith.constant 0 : i32
            %scatter3A_662 = arith.constant 0 : i32
            %scatter3A_663 = tpu.memref_slice %arg12[%scan3A_176, %scatter3A_661, %scatter3A_662] : memref<2x1024x16xf32, #tpu.memory_space<vmem>> -> memref<1x1024x16xf32, #tpu.memory_space<vmem>>
            %scatter3A_664 = tpu.memref_squeeze %scatter3A_663 : memref<1x1024x16xf32, #tpu.memory_space<vmem>> -> memref<1024x16xf32, #tpu.memory_space<vmem>>
            tpu.vector_store_idx %scatter3A_664[%and3A_656, %iota3A], %bitcast3A_660 masked %gt3A_539 {add = true} : memref<1024x16xf32, #tpu.memory_space<vmem>>[vector<16xi32>, vector<16xi32>], vector<16xf32>, vector<16xi1>
            %and3A_665 = arith.constant 65535 : i32
            %and3A_666 = vector.broadcast %and3A_665 : i32 to vector<16xi32>
            %and3A_667 = arith.andi %gather3A_542, %and3A_666 : vector<16xi32>
            %and3A_668 = arith.constant -65536 : i32
            %and3A_669 = vector.broadcast %and3A_668 : i32 to vector<16xi32>
            %and3A_670 = arith.andi %gather3A_542, %and3A_669 : vector<16xi32>
            %bitcast3A_671 = vector.bitcast %and3A_670 : vector<16xi32> to vector<16xf32>
            %scatter3A_672 = arith.constant 0 : i32
            %scatter3A_673 = arith.constant 0 : i32
            %scatter3A_674 = tpu.memref_slice %arg12[%scan3A_176, %scatter3A_672, %scatter3A_673] : memref<2x1024x16xf32, #tpu.memory_space<vmem>> -> memref<1x1024x16xf32, #tpu.memory_space<vmem>>
            %scatter3A_675 = tpu.memref_squeeze %scatter3A_674 : memref<1x1024x16xf32, #tpu.memory_space<vmem>> -> memref<1024x16xf32, #tpu.memory_space<vmem>>
            tpu.vector_store_idx %scatter3A_675[%and3A_667, %iota3A], %bitcast3A_671 masked %gt3A_544 {add = true} : memref<1024x16xf32, #tpu.memory_space<vmem>>[vector<16xi32>, vector<16xi32>], vector<16xf32>, vector<16xi1>
            %and3A_676 = arith.constant 65535 : i32
            %and3A_677 = vector.broadcast %and3A_676 : i32 to vector<16xi32>
            %and3A_678 = arith.andi %gather3A_550, %and3A_677 : vector<16xi32>
            %and3A_679 = arith.constant -65536 : i32
            %and3A_680 = vector.broadcast %and3A_679 : i32 to vector<16xi32>
            %and3A_681 = arith.andi %gather3A_550, %and3A_680 : vector<16xi32>
            %bitcast3A_682 = vector.bitcast %and3A_681 : vector<16xi32> to vector<16xf32>
            %scatter3A_683 = arith.constant 0 : i32
            %scatter3A_684 = arith.constant 0 : i32
            %scatter3A_685 = tpu.memref_slice %arg12[%scan3A_176, %scatter3A_683, %scatter3A_684] : memref<2x1024x16xf32, #tpu.memory_space<vmem>> -> memref<1x1024x16xf32, #tpu.memory_space<vmem>>
            %scatter3A_686 = tpu.memref_squeeze %scatter3A_685 : memref<1x1024x16xf32, #tpu.memory_space<vmem>> -> memref<1024x16xf32, #tpu.memory_space<vmem>>
            tpu.vector_store_idx %scatter3A_686[%and3A_678, %iota3A], %bitcast3A_682 masked %gt3A_554 {add = true} : memref<1024x16xf32, #tpu.memory_space<vmem>>[vector<16xi32>, vector<16xi32>], vector<16xf32>, vector<16xi1>
            %and3A_687 = arith.constant 65535 : i32
            %and3A_688 = vector.broadcast %and3A_687 : i32 to vector<16xi32>
            %and3A_689 = arith.andi %gather3A_557, %and3A_688 : vector<16xi32>
            %and3A_690 = arith.constant -65536 : i32
            %and3A_691 = vector.broadcast %and3A_690 : i32 to vector<16xi32>
            %and3A_692 = arith.andi %gather3A_557, %and3A_691 : vector<16xi32>
            %bitcast3A_693 = vector.bitcast %and3A_692 : vector<16xi32> to vector<16xf32>
            %scatter3A_694 = arith.constant 0 : i32
            %scatter3A_695 = arith.constant 0 : i32
            %scatter3A_696 = tpu.memref_slice %arg12[%scan3A_176, %scatter3A_694, %scatter3A_695] : memref<2x1024x16xf32, #tpu.memory_space<vmem>> -> memref<1x1024x16xf32, #tpu.memory_space<vmem>>
            %scatter3A_697 = tpu.memref_squeeze %scatter3A_696 : memref<1x1024x16xf32, #tpu.memory_space<vmem>> -> memref<1024x16xf32, #tpu.memory_space<vmem>>
            tpu.vector_store_idx %scatter3A_697[%and3A_689, %iota3A], %bitcast3A_693 masked %gt3A_559 {add = true} : memref<1024x16xf32, #tpu.memory_space<vmem>>[vector<16xi32>, vector<16xi32>], vector<16xf32>, vector<16xi1>
            %and3A_698 = arith.constant 65535 : i32
            %and3A_699 = vector.broadcast %and3A_698 : i32 to vector<16xi32>
            %and3A_700 = arith.andi %gather3A_565, %and3A_699 : vector<16xi32>
            %and3A_701 = arith.constant -65536 : i32
            %and3A_702 = vector.broadcast %and3A_701 : i32 to vector<16xi32>
            %and3A_703 = arith.andi %gather3A_565, %and3A_702 : vector<16xi32>
            %bitcast3A_704 = vector.bitcast %and3A_703 : vector<16xi32> to vector<16xf32>
            %scatter3A_705 = arith.constant 0 : i32
            %scatter3A_706 = arith.constant 0 : i32
            %scatter3A_707 = tpu.memref_slice %arg12[%scan3A_176, %scatter3A_705, %scatter3A_706] : memref<2x1024x16xf32, #tpu.memory_space<vmem>> -> memref<1x1024x16xf32, #tpu.memory_space<vmem>>
            %scatter3A_708 = tpu.memref_squeeze %scatter3A_707 : memref<1x1024x16xf32, #tpu.memory_space<vmem>> -> memref<1024x16xf32, #tpu.memory_space<vmem>>
            tpu.vector_store_idx %scatter3A_708[%and3A_700, %iota3A], %bitcast3A_704 masked %gt3A_569 {add = true} : memref<1024x16xf32, #tpu.memory_space<vmem>>[vector<16xi32>, vector<16xi32>], vector<16xf32>, vector<16xi1>
            %and3A_709 = arith.constant 65535 : i32
            %and3A_710 = vector.broadcast %and3A_709 : i32 to vector<16xi32>
            %and3A_711 = arith.andi %gather3A_572, %and3A_710 : vector<16xi32>
            %and3A_712 = arith.constant -65536 : i32
            %and3A_713 = vector.broadcast %and3A_712 : i32 to vector<16xi32>
            %and3A_714 = arith.andi %gather3A_572, %and3A_713 : vector<16xi32>
            %bitcast3A_715 = vector.bitcast %and3A_714 : vector<16xi32> to vector<16xf32>
            %scatter3A_716 = arith.constant 0 : i32
            %scatter3A_717 = arith.constant 0 : i32
            %scatter3A_718 = tpu.memref_slice %arg12[%scan3A_176, %scatter3A_716, %scatter3A_717] : memref<2x1024x16xf32, #tpu.memory_space<vmem>> -> memref<1x1024x16xf32, #tpu.memory_space<vmem>>
            %scatter3A_719 = tpu.memref_squeeze %scatter3A_718 : memref<1x1024x16xf32, #tpu.memory_space<vmem>> -> memref<1024x16xf32, #tpu.memory_space<vmem>>
            tpu.vector_store_idx %scatter3A_719[%and3A_711, %iota3A], %bitcast3A_715 masked %gt3A_574 {add = true} : memref<1024x16xf32, #tpu.memory_space<vmem>>[vector<16xi32>, vector<16xi32>], vector<16xf32>, vector<16xi1>
            %and3A_720 = arith.constant 65535 : i32
            %and3A_721 = vector.broadcast %and3A_720 : i32 to vector<16xi32>
            %and3A_722 = arith.andi %gather3A_580, %and3A_721 : vector<16xi32>
            %and3A_723 = arith.constant -65536 : i32
            %and3A_724 = vector.broadcast %and3A_723 : i32 to vector<16xi32>
            %and3A_725 = arith.andi %gather3A_580, %and3A_724 : vector<16xi32>
            %bitcast3A_726 = vector.bitcast %and3A_725 : vector<16xi32> to vector<16xf32>
            %scatter3A_727 = arith.constant 0 : i32
            %scatter3A_728 = arith.constant 0 : i32
            %scatter3A_729 = tpu.memref_slice %arg12[%scan3A_176, %scatter3A_727, %scatter3A_728] : memref<2x1024x16xf32, #tpu.memory_space<vmem>> -> memref<1x1024x16xf32, #tpu.memory_space<vmem>>
            %scatter3A_730 = tpu.memref_squeeze %scatter3A_729 : memref<1x1024x16xf32, #tpu.memory_space<vmem>> -> memref<1024x16xf32, #tpu.memory_space<vmem>>
            tpu.vector_store_idx %scatter3A_730[%and3A_722, %iota3A], %bitcast3A_726 masked %gt3A_584 {add = true} : memref<1024x16xf32, #tpu.memory_space<vmem>>[vector<16xi32>, vector<16xi32>], vector<16xf32>, vector<16xi1>
            %and3A_731 = arith.constant 65535 : i32
            %and3A_732 = vector.broadcast %and3A_731 : i32 to vector<16xi32>
            %and3A_733 = arith.andi %gather3A_587, %and3A_732 : vector<16xi32>
            %and3A_734 = arith.constant -65536 : i32
            %and3A_735 = vector.broadcast %and3A_734 : i32 to vector<16xi32>
            %and3A_736 = arith.andi %gather3A_587, %and3A_735 : vector<16xi32>
            %bitcast3A_737 = vector.bitcast %and3A_736 : vector<16xi32> to vector<16xf32>
            %scatter3A_738 = arith.constant 0 : i32
            %scatter3A_739 = arith.constant 0 : i32
            %scatter3A_740 = tpu.memref_slice %arg12[%scan3A_176, %scatter3A_738, %scatter3A_739] : memref<2x1024x16xf32, #tpu.memory_space<vmem>> -> memref<1x1024x16xf32, #tpu.memory_space<vmem>>
            %scatter3A_741 = tpu.memref_squeeze %scatter3A_740 : memref<1x1024x16xf32, #tpu.memory_space<vmem>> -> memref<1024x16xf32, #tpu.memory_space<vmem>>
            tpu.vector_store_idx %scatter3A_741[%and3A_733, %iota3A], %bitcast3A_737 masked %gt3A_589 {add = true} : memref<1024x16xf32, #tpu.memory_space<vmem>>[vector<16xi32>, vector<16xi32>], vector<16xf32>, vector<16xi1>
            %and3A_742 = arith.constant 65535 : i32
            %and3A_743 = vector.broadcast %and3A_742 : i32 to vector<16xi32>
            %and3A_744 = arith.andi %gather3A_595, %and3A_743 : vector<16xi32>
            %and3A_745 = arith.constant -65536 : i32
            %and3A_746 = vector.broadcast %and3A_745 : i32 to vector<16xi32>
            %and3A_747 = arith.andi %gather3A_595, %and3A_746 : vector<16xi32>
            %bitcast3A_748 = vector.bitcast %and3A_747 : vector<16xi32> to vector<16xf32>
            %scatter3A_749 = arith.constant 0 : i32
            %scatter3A_750 = arith.constant 0 : i32
            %scatter3A_751 = tpu.memref_slice %arg12[%scan3A_176, %scatter3A_749, %scatter3A_750] : memref<2x1024x16xf32, #tpu.memory_space<vmem>> -> memref<1x1024x16xf32, #tpu.memory_space<vmem>>
            %scatter3A_752 = tpu.memref_squeeze %scatter3A_751 : memref<1x1024x16xf32, #tpu.memory_space<vmem>> -> memref<1024x16xf32, #tpu.memory_space<vmem>>
            tpu.vector_store_idx %scatter3A_752[%and3A_744, %iota3A], %bitcast3A_748 masked %gt3A_599 {add = true} : memref<1024x16xf32, #tpu.memory_space<vmem>>[vector<16xi32>, vector<16xi32>], vector<16xf32>, vector<16xi1>
            %and3A_753 = arith.constant 65535 : i32
            %and3A_754 = vector.broadcast %and3A_753 : i32 to vector<16xi32>
            %and3A_755 = arith.andi %gather3A_602, %and3A_754 : vector<16xi32>
            %and3A_756 = arith.constant -65536 : i32
            %and3A_757 = vector.broadcast %and3A_756 : i32 to vector<16xi32>
            %and3A_758 = arith.andi %gather3A_602, %and3A_757 : vector<16xi32>
            %bitcast3A_759 = vector.bitcast %and3A_758 : vector<16xi32> to vector<16xf32>
            %scatter3A_760 = arith.constant 0 : i32
            %scatter3A_761 = arith.constant 0 : i32
            %scatter3A_762 = tpu.memref_slice %arg12[%scan3A_176, %scatter3A_760, %scatter3A_761] : memref<2x1024x16xf32, #tpu.memory_space<vmem>> -> memref<1x1024x16xf32, #tpu.memory_space<vmem>>
            %scatter3A_763 = tpu.memref_squeeze %scatter3A_762 : memref<1x1024x16xf32, #tpu.memory_space<vmem>> -> memref<1024x16xf32, #tpu.memory_space<vmem>>
            tpu.vector_store_idx %scatter3A_763[%and3A_755, %iota3A], %bitcast3A_759 masked %gt3A_604 {add = true} : memref<1024x16xf32, #tpu.memory_space<vmem>>[vector<16xi32>, vector<16xi32>], vector<16xf32>, vector<16xi1>
            %and3A_764 = arith.constant 65535 : i32
            %and3A_765 = vector.broadcast %and3A_764 : i32 to vector<16xi32>
            %and3A_766 = arith.andi %gather3A_610, %and3A_765 : vector<16xi32>
            %and3A_767 = arith.constant -65536 : i32
            %and3A_768 = vector.broadcast %and3A_767 : i32 to vector<16xi32>
            %and3A_769 = arith.andi %gather3A_610, %and3A_768 : vector<16xi32>
            %bitcast3A_770 = vector.bitcast %and3A_769 : vector<16xi32> to vector<16xf32>
            %scatter3A_771 = arith.constant 0 : i32
            %scatter3A_772 = arith.constant 0 : i32
            %scatter3A_773 = tpu.memref_slice %arg12[%scan3A_176, %scatter3A_771, %scatter3A_772] : memref<2x1024x16xf32, #tpu.memory_space<vmem>> -> memref<1x1024x16xf32, #tpu.memory_space<vmem>>
            %scatter3A_774 = tpu.memref_squeeze %scatter3A_773 : memref<1x1024x16xf32, #tpu.memory_space<vmem>> -> memref<1024x16xf32, #tpu.memory_space<vmem>>
            tpu.vector_store_idx %scatter3A_774[%and3A_766, %iota3A], %bitcast3A_770 masked %gt3A_614 {add = true} : memref<1024x16xf32, #tpu.memory_space<vmem>>[vector<16xi32>, vector<16xi32>], vector<16xf32>, vector<16xi1>
            %and3A_775 = arith.constant 65535 : i32
            %and3A_776 = vector.broadcast %and3A_775 : i32 to vector<16xi32>
            %and3A_777 = arith.andi %gather3A_617, %and3A_776 : vector<16xi32>
            %and3A_778 = arith.constant -65536 : i32
            %and3A_779 = vector.broadcast %and3A_778 : i32 to vector<16xi32>
            %and3A_780 = arith.andi %gather3A_617, %and3A_779 : vector<16xi32>
            %bitcast3A_781 = vector.bitcast %and3A_780 : vector<16xi32> to vector<16xf32>
            %scatter3A_782 = arith.constant 0 : i32
            %scatter3A_783 = arith.constant 0 : i32
            %scatter3A_784 = tpu.memref_slice %arg12[%scan3A_176, %scatter3A_782, %scatter3A_783] : memref<2x1024x16xf32, #tpu.memory_space<vmem>> -> memref<1x1024x16xf32, #tpu.memory_space<vmem>>
            %scatter3A_785 = tpu.memref_squeeze %scatter3A_784 : memref<1x1024x16xf32, #tpu.memory_space<vmem>> -> memref<1024x16xf32, #tpu.memory_space<vmem>>
            tpu.vector_store_idx %scatter3A_785[%and3A_777, %iota3A], %bitcast3A_781 masked %gt3A_619 {add = true} : memref<1024x16xf32, #tpu.memory_space<vmem>>[vector<16xi32>, vector<16xi32>], vector<16xf32>, vector<16xi1>
            %and3A_786 = arith.constant 65535 : i32
            %and3A_787 = vector.broadcast %and3A_786 : i32 to vector<16xi32>
            %and3A_788 = arith.andi %gather3A_625, %and3A_787 : vector<16xi32>
            %and3A_789 = arith.constant -65536 : i32
            %and3A_790 = vector.broadcast %and3A_789 : i32 to vector<16xi32>
            %and3A_791 = arith.andi %gather3A_625, %and3A_790 : vector<16xi32>
            %bitcast3A_792 = vector.bitcast %and3A_791 : vector<16xi32> to vector<16xf32>
            %scatter3A_793 = arith.constant 0 : i32
            %scatter3A_794 = arith.constant 0 : i32
            %scatter3A_795 = tpu.memref_slice %arg12[%scan3A_176, %scatter3A_793, %scatter3A_794] : memref<2x1024x16xf32, #tpu.memory_space<vmem>> -> memref<1x1024x16xf32, #tpu.memory_space<vmem>>
            %scatter3A_796 = tpu.memref_squeeze %scatter3A_795 : memref<1x1024x16xf32, #tpu.memory_space<vmem>> -> memref<1024x16xf32, #tpu.memory_space<vmem>>
            tpu.vector_store_idx %scatter3A_796[%and3A_788, %iota3A], %bitcast3A_792 masked %gt3A_629 {add = true} : memref<1024x16xf32, #tpu.memory_space<vmem>>[vector<16xi32>, vector<16xi32>], vector<16xf32>, vector<16xi1>
            %and3A_797 = arith.constant 65535 : i32
            %and3A_798 = vector.broadcast %and3A_797 : i32 to vector<16xi32>
            %and3A_799 = arith.andi %gather3A_632, %and3A_798 : vector<16xi32>
            %and3A_800 = arith.constant -65536 : i32
            %and3A_801 = vector.broadcast %and3A_800 : i32 to vector<16xi32>
            %and3A_802 = arith.andi %gather3A_632, %and3A_801 : vector<16xi32>
            %bitcast3A_803 = vector.bitcast %and3A_802 : vector<16xi32> to vector<16xf32>
            %scatter3A_804 = arith.constant 0 : i32
            %scatter3A_805 = arith.constant 0 : i32
            %scatter3A_806 = tpu.memref_slice %arg12[%scan3A_176, %scatter3A_804, %scatter3A_805] : memref<2x1024x16xf32, #tpu.memory_space<vmem>> -> memref<1x1024x16xf32, #tpu.memory_space<vmem>>
            %scatter3A_807 = tpu.memref_squeeze %scatter3A_806 : memref<1x1024x16xf32, #tpu.memory_space<vmem>> -> memref<1024x16xf32, #tpu.memory_space<vmem>>
            tpu.vector_store_idx %scatter3A_807[%and3A_799, %iota3A], %bitcast3A_803 masked %gt3A_634 {add = true} : memref<1024x16xf32, #tpu.memory_space<vmem>>[vector<16xi32>, vector<16xi32>], vector<16xf32>, vector<16xi1>
            %and3A_808 = arith.constant 65535 : i32
            %and3A_809 = vector.broadcast %and3A_808 : i32 to vector<16xi32>
            %and3A_810 = arith.andi %gather3A_640, %and3A_809 : vector<16xi32>
            %and3A_811 = arith.constant -65536 : i32
            %and3A_812 = vector.broadcast %and3A_811 : i32 to vector<16xi32>
            %and3A_813 = arith.andi %gather3A_640, %and3A_812 : vector<16xi32>
            %bitcast3A_814 = vector.bitcast %and3A_813 : vector<16xi32> to vector<16xf32>
            %scatter3A_815 = arith.constant 0 : i32
            %scatter3A_816 = arith.constant 0 : i32
            %scatter3A_817 = tpu.memref_slice %arg12[%scan3A_176, %scatter3A_815, %scatter3A_816] : memref<2x1024x16xf32, #tpu.memory_space<vmem>> -> memref<1x1024x16xf32, #tpu.memory_space<vmem>>
            %scatter3A_818 = tpu.memref_squeeze %scatter3A_817 : memref<1x1024x16xf32, #tpu.memory_space<vmem>> -> memref<1024x16xf32, #tpu.memory_space<vmem>>
            tpu.vector_store_idx %scatter3A_818[%and3A_810, %iota3A], %bitcast3A_814 masked %gt3A_644 {add = true} : memref<1024x16xf32, #tpu.memory_space<vmem>>[vector<16xi32>, vector<16xi32>], vector<16xf32>, vector<16xi1>
            %while3A_819 = arith.constant 0 : i32
            scf.yield %while3A_819 : i32
          }
          %while3A_518 = arith.constant 1 : i32
          %while3A_519 = scf.for %while3A_521 = %while3A_515 to %while3A_511 step %while3A_518 iter_args(%while3A_522 = %while3A_517) -> (i32)  : i32 {
            %mul3A_523 = arith.constant 2 : i32
            %mul3A_524 = arith.muli %while3A_521, %mul3A_523 : i32
            %add3A_525 = vector.broadcast %mul3A_524 : i32 to vector<16xi32>
            %add3A_526 = arith.addi %select_n3A_233, %add3A_525 : vector<16xi32>
            %gather3A_527 = tpu.vector_load_idx %arg10[%broadcast_in_dim3A_213, %add3A_526] : memref<64x1024xi32, #tpu.memory_space<vmem>>[vector<16xi32>, vector<16xi32>], vector<16xi32>,
            %gt3A_528 = vector.broadcast %mul3A_524 : i32 to vector<16xi32>
            %gt3A_529 = arith.cmpi sgt, %sub3A, %gt3A_528 : vector<16xi32>
            %add3A_530 = vector.broadcast %mul3A_524 : i32 to vector<16xi32>
            %add3A_531 = arith.addi %select_n3A_233, %add3A_530 : vector<16xi32>
            %add3A_532 = arith.constant 1 : i32
            %add3A_533 = vector.broadcast %add3A_532 : i32 to vector<16xi32>
            %add3A_534 = arith.addi %add3A_531, %add3A_533 : vector<16xi32>
            %gather3A_535 = tpu.vector_load_idx %arg10[%broadcast_in_dim3A_213, %add3A_534] : memref<64x1024xi32, #tpu.memory_space<vmem>>[vector<16xi32>, vector<16xi32>], vector<16xi32>,
            %add3A_536 = arith.constant 1 : i32
            %add3A_537 = arith.addi %mul3A_524, %add3A_536 : i32
            %gt3A_538 = vector.broadcast %add3A_537 : i32 to vector<16xi32>
            %gt3A_539 = arith.cmpi sgt, %sub3A, %gt3A_538 : vector<16xi32>
            %add3A_540 = vector.broadcast %mul3A_524 : i32 to vector<16xi32>
            %add3A_541 = arith.addi %select_n3A_266, %add3A_540 : vector<16xi32>
            %gather3A_542 = tpu.vector_load_idx %arg10[%broadcast_in_dim3A_242, %add3A_541] : memref<64x1024xi32, #tpu.memory_space<vmem>>[vector<16xi32>, vector<16xi32>], vector<16xi32>,
            %gt3A_543 = vector.broadcast %mul3A_524 : i32 to vector<16xi32>
            %gt3A_544 = arith.cmpi sgt, %sub3A_268, %gt3A_543 : vector<16xi32>
            %add3A_545 = vector.broadcast %mul3A_524 : i32 to vector<16xi32>
            %add3A_546 = arith.addi %select_n3A_266, %add3A_545 : vector<16xi32>
            %add3A_547 = arith.constant 1 : i32
            %add3A_548 = vector.broadcast %add3A_547 : i32 to vector<16xi32>
            %add3A_549 = arith.addi %add3A_546, %add3A_548 : vector<16xi32>
            %gather3A_550 = tpu.vector_load_idx %arg10[%broadcast_in_dim3A_242, %add3A_549] : memref<64x1024xi32, #tpu.memory_space<vmem>>[vector<16xi32>, vector<16xi32>], vector<16xi32>,
            %add3A_551 = arith.constant 1 : i32
            %add3A_552 = arith.addi %mul3A_524, %add3A_551 : i32
            %gt3A_553 = vector.broadcast %add3A_552 : i32 to vector<16xi32>
            %gt3A_554 = arith.cmpi sgt, %sub3A_268, %gt3A_553 : vector<16xi32>
            %add3A_555 = vector.broadcast %mul3A_524 : i32 to vector<16xi32>
            %add3A_556 = arith.addi %select_n3A_300, %add3A_555 : vector<16xi32>
            %gather3A_557 = tpu.vector_load_idx %arg10[%broadcast_in_dim3A_276, %add3A_556] : memref<64x1024xi32, #tpu.memory_space<vmem>>[vector<16xi32>, vector<16xi32>], vector<16xi32>,
            %gt3A_558 = vector.broadcast %mul3A_524 : i32 to vector<16xi32>
            %gt3A_559 = arith.cmpi sgt, %sub3A_302, %gt3A_558 : vector<16xi32>
            %add3A_560 = vector.broadcast %mul3A_524 : i32 to vector<16xi32>
            %add3A_561 = arith.addi %select_n3A_300, %add3A_560 : vector<16xi32>
            %add3A_562 = arith.constant 1 : i32
            %add3A_563 = vector.broadcast %add3A_562 : i32 to vector<16xi32>
            %add3A_564 = arith.addi %add3A_561, %add3A_563 : vector<16xi32>
            %gather3A_565 = tpu.vector_load_idx %arg10[%broadcast_in_dim3A_276, %add3A_564] : memref<64x1024xi32, #tpu.memory_space<vmem>>[vector<16xi32>, vector<16xi32>], vector<16xi32>,
            %add3A_566 = arith.constant 1 : i32
            %add3A_567 = arith.addi %mul3A_524, %add3A_566 : i32
            %gt3A_568 = vector.broadcast %add3A_567 : i32 to vector<16xi32>
            %gt3A_569 = arith.cmpi sgt, %sub3A_302, %gt3A_568 : vector<16xi32>
            %add3A_570 = vector.broadcast %mul3A_524 : i32 to vector<16xi32>
            %add3A_571 = arith.addi %select_n3A_334, %add3A_570 : vector<16xi32>
            %gather3A_572 = tpu.vector_load_idx %arg10[%broadcast_in_dim3A_310, %add3A_571] : memref<64x1024xi32, #tpu.memory_space<vmem>>[vector<16xi32>, vector<16xi32>], vector<16xi32>,
            %gt3A_573 = vector.broadcast %mul3A_524 : i32 to vector<16xi32>
            %gt3A_574 = arith.cmpi sgt, %sub3A_336, %gt3A_573 : vector<16xi32>
            %add3A_575 = vector.broadcast %mul3A_524 : i32 to vector<16xi32>
            %add3A_576 = arith.addi %select_n3A_334, %add3A_575 : vector<16xi32>
            %add3A_577 = arith.constant 1 : i32
            %add3A_578 = vector.broadcast %add3A_577 : i32 to vector<16xi32>
            %add3A_579 = arith.addi %add3A_576, %add3A_578 : vector<16xi32>
            %gather3A_580 = tpu.vector_load_idx %arg10[%broadcast_in_dim3A_310, %add3A_579] : memref<64x1024xi32, #tpu.memory_space<vmem>>[vector<16xi32>, vector<16xi32>], vector<16xi32>,
            %add3A_581 = arith.constant 1 : i32
            %add3A_582 = arith.addi %mul3A_524, %add3A_581 : i32
            %gt3A_583 = vector.broadcast %add3A_582 : i32 to vector<16xi32>
            %gt3A_584 = arith.cmpi sgt, %sub3A_336, %gt3A_583 : vector<16xi32>
            %add3A_585 = vector.broadcast %mul3A_524 : i32 to vector<16xi32>
            %add3A_586 = arith.addi %select_n3A_368, %add3A_585 : vector<16xi32>
            %gather3A_587 = tpu.vector_load_idx %arg10[%broadcast_in_dim3A_344, %add3A_586] : memref<64x1024xi32, #tpu.memory_space<vmem>>[vector<16xi32>, vector<16xi32>], vector<16xi32>,
            %gt3A_588 = vector.broadcast %mul3A_524 : i32 to vector<16xi32>
            %gt3A_589 = arith.cmpi sgt, %sub3A_370, %gt3A_588 : vector<16xi32>
            %add3A_590 = vector.broadcast %mul3A_524 : i32 to vector<16xi32>
            %add3A_591 = arith.addi %select_n3A_368, %add3A_590 : vector<16xi32>
            %add3A_592 = arith.constant 1 : i32
            %add3A_593 = vector.broadcast %add3A_592 : i32 to vector<16xi32>
            %add3A_594 = arith.addi %add3A_591, %add3A_593 : vector<16xi32>
            %gather3A_595 = tpu.vector_load_idx %arg10[%broadcast_in_dim3A_344, %add3A_594] : memref<64x1024xi32, #tpu.memory_space<vmem>>[vector<16xi32>, vector<16xi32>], vector<16xi32>,
            %add3A_596 = arith.constant 1 : i32
            %add3A_597 = arith.addi %mul3A_524, %add3A_596 : i32
            %gt3A_598 = vector.broadcast %add3A_597 : i32 to vector<16xi32>
            %gt3A_599 = arith.cmpi sgt, %sub3A_370, %gt3A_598 : vector<16xi32>
            %add3A_600 = vector.broadcast %mul3A_524 : i32 to vector<16xi32>
            %add3A_601 = arith.addi %select_n3A_402, %add3A_600 : vector<16xi32>
            %gather3A_602 = tpu.vector_load_idx %arg10[%broadcast_in_dim3A_378, %add3A_601] : memref<64x1024xi32, #tpu.memory_space<vmem>>[vector<16xi32>, vector<16xi32>], vector<16xi32>,
            %gt3A_603 = vector.broadcast %mul3A_524 : i32 to vector<16xi32>
            %gt3A_604 = arith.cmpi sgt, %sub3A_404, %gt3A_603 : vector<16xi32>
            %add3A_605 = vector.broadcast %mul3A_524 : i32 to vector<16xi32>
            %add3A_606 = arith.addi %select_n3A_402, %add3A_605 : vector<16xi32>
            %add3A_607 = arith.constant 1 : i32
            %add3A_608 = vector.broadcast %add3A_607 : i32 to vector<16xi32>
            %add3A_609 = arith.addi %add3A_606, %add3A_608 : vector<16xi32>
            %gather3A_610 = tpu.vector_load_idx %arg10[%broadcast_in_dim3A_378, %add3A_609] : memref<64x1024xi32, #tpu.memory_space<vmem>>[vector<16xi32>, vector<16xi32>], vector<16xi32>,
            %add3A_611 = arith.constant 1 : i32
            %add3A_612 = arith.addi %mul3A_524, %add3A_611 : i32
            %gt3A_613 = vector.broadcast %add3A_612 : i32 to vector<16xi32>
            %gt3A_614 = arith.cmpi sgt, %sub3A_404, %gt3A_613 : vector<16xi32>
            %add3A_615 = vector.broadcast %mul3A_524 : i32 to vector<16xi32>
            %add3A_616 = arith.addi %select_n3A_436, %add3A_615 : vector<16xi32>
            %gather3A_617 = tpu.vector_load_idx %arg10[%broadcast_in_dim3A_412, %add3A_616] : memref<64x1024xi32, #tpu.memory_space<vmem>>[vector<16xi32>, vector<16xi32>], vector<16xi32>,
            %gt3A_618 = vector.broadcast %mul3A_524 : i32 to vector<16xi32>
            %gt3A_619 = arith.cmpi sgt, %sub3A_438, %gt3A_618 : vector<16xi32>
            %add3A_620 = vector.broadcast %mul3A_524 : i32 to vector<16xi32>
            %add3A_621 = arith.addi %select_n3A_436, %add3A_620 : vector<16xi32>
            %add3A_622 = arith.constant 1 : i32
            %add3A_623 = vector.broadcast %add3A_622 : i32 to vector<16xi32>
            %add3A_624 = arith.addi %add3A_621, %add3A_623 : vector<16xi32>
            %gather3A_625 = tpu.vector_load_idx %arg10[%broadcast_in_dim3A_412, %add3A_624] : memref<64x1024xi32, #tpu.memory_space<vmem>>[vector<16xi32>, vector<16xi32>], vector<16xi32>,
            %add3A_626 = arith.constant 1 : i32
            %add3A_627 = arith.addi %mul3A_524, %add3A_626 : i32
            %gt3A_628 = vector.broadcast %add3A_627 : i32 to vector<16xi32>
            %gt3A_629 = arith.cmpi sgt, %sub3A_438, %gt3A_628 : vector<16xi32>
            %add3A_630 = vector.broadcast %mul3A_524 : i32 to vector<16xi32>
            %add3A_631 = arith.addi %select_n3A_470, %add3A_630 : vector<16xi32>
            %gather3A_632 = tpu.vector_load_idx %arg10[%broadcast_in_dim3A_446, %add3A_631] : memref<64x1024xi32, #tpu.memory_space<vmem>>[vector<16xi32>, vector<16xi32>], vector<16xi32>,
            %gt3A_633 = vector.broadcast %mul3A_524 : i32 to vector<16xi32>
            %gt3A_634 = arith.cmpi sgt, %sub3A_472, %gt3A_633 : vector<16xi32>
            %add3A_635 = vector.broadcast %mul3A_524 : i32 to vector<16xi32>
            %add3A_636 = arith.addi %select_n3A_470, %add3A_635 : vector<16xi32>
            %add3A_637 = arith.constant 1 : i32
            %add3A_638 = vector.broadcast %add3A_637 : i32 to vector<16xi32>
            %add3A_639 = arith.addi %add3A_636, %add3A_638 : vector<16xi32>
            %gather3A_640 = tpu.vector_load_idx %arg10[%broadcast_in_dim3A_446, %add3A_639] : memref<64x1024xi32, #tpu.memory_space<vmem>>[vector<16xi32>, vector<16xi32>], vector<16xi32>,
            %add3A_641 = arith.constant 1 : i32
            %add3A_642 = arith.addi %mul3A_524, %add3A_641 : i32
            %gt3A_643 = vector.broadcast %add3A_642 : i32 to vector<16xi32>
            %gt3A_644 = arith.cmpi sgt, %sub3A_472, %gt3A_643 : vector<16xi32>
            %and3A_645 = arith.constant 65535 : i32
            %and3A_646 = vector.broadcast %and3A_645 : i32 to vector<16xi32>
            %and3A_647 = arith.andi %gather3A_527, %and3A_646 : vector<16xi32>
            %and3A_648 = arith.constant -65536 : i32
            %and3A_649 = vector.broadcast %and3A_648 : i32 to vector<16xi32>
            %and3A_650 = arith.andi %gather3A_527, %and3A_649 : vector<16xi32>
            %bitcast3A = vector.bitcast %and3A_650 : vector<16xi32> to vector<16xf32>
            %scatter3A = arith.constant 0 : i32
            %scatter3A_651 = arith.constant 0 : i32
            %scatter3A_652 = tpu.memref_slice %arg12[%scan3A_176, %scatter3A, %scatter3A_651] : memref<2x1024x16xf32, #tpu.memory_space<vmem>> -> memref<1x1024x16xf32, #tpu.memory_space<vmem>>
            %scatter3A_653 = tpu.memref_squeeze %scatter3A_652 : memref<1x1024x16xf32, #tpu.memory_space<vmem>> -> memref<1024x16xf32, #tpu.memory_space<vmem>>
            tpu.vector_store_idx %scatter3A_653[%and3A_647, %iota3A], %bitcast3A masked %gt3A_529 {add = true} : memref<1024x16xf32, #tpu.memory_space<vmem>>[vector<16xi32>, vector<16xi32>], vector<16xf32>, vector<16xi1>
            %and3A_654 = arith.constant 65535 : i32
            %and3A_655 = vector.broadcast %and3A_654 : i32 to vector<16xi32>
            %and3A_656 = arith.andi %gather3A_535, %and3A_655 : vector<16xi32>
            %and3A_657 = arith.constant -65536 : i32
            %and3A_658 = vector.broadcast %and3A_657 : i32 to vector<16xi32>
            %and3A_659 = arith.andi %gather3A_535, %and3A_658 : vector<16xi32>
            %bitcast3A_660 = vector.bitcast %and3A_659 : vector<16xi32> to vector<16xf32>
            %scatter3A_661 = arith.constant 0 : i32
            %scatter3A_662 = arith.constant 0 : i32
            %scatter3A_663 = tpu.memref_slice %arg12[%scan3A_176, %scatter3A_661, %scatter3A_662] : memref<2x1024x16xf32, #tpu.memory_space<vmem>> -> memref<1x1024x16xf32, #tpu.memory_space<vmem>>
            %scatter3A_664 = tpu.memref_squeeze %scatter3A_663 : memref<1x1024x16xf32, #tpu.memory_space<vmem>> -> memref<1024x16xf32, #tpu.memory_space<vmem>>
            tpu.vector_store_idx %scatter3A_664[%and3A_656, %iota3A], %bitcast3A_660 masked %gt3A_539 {add = true} : memref<1024x16xf32, #tpu.memory_space<vmem>>[vector<16xi32>, vector<16xi32>], vector<16xf32>, vector<16xi1>
            %and3A_665 = arith.constant 65535 : i32
            %and3A_666 = vector.broadcast %and3A_665 : i32 to vector<16xi32>
            %and3A_667 = arith.andi %gather3A_542, %and3A_666 : vector<16xi32>
            %and3A_668 = arith.constant -65536 : i32
            %and3A_669 = vector.broadcast %and3A_668 : i32 to vector<16xi32>
            %and3A_670 = arith.andi %gather3A_542, %and3A_669 : vector<16xi32>
            %bitcast3A_671 = vector.bitcast %and3A_670 : vector<16xi32> to vector<16xf32>
            %scatter3A_672 = arith.constant 0 : i32
            %scatter3A_673 = arith.constant 0 : i32
            %scatter3A_674 = tpu.memref_slice %arg12[%scan3A_176, %scatter3A_672, %scatter3A_673] : memref<2x1024x16xf32, #tpu.memory_space<vmem>> -> memref<1x1024x16xf32, #tpu.memory_space<vmem>>
            %scatter3A_675 = tpu.memref_squeeze %scatter3A_674 : memref<1x1024x16xf32, #tpu.memory_space<vmem>> -> memref<1024x16xf32, #tpu.memory_space<vmem>>
            tpu.vector_store_idx %scatter3A_675[%and3A_667, %iota3A], %bitcast3A_671 masked %gt3A_544 {add = true} : memref<1024x16xf32, #tpu.memory_space<vmem>>[vector<16xi32>, vector<16xi32>], vector<16xf32>, vector<16xi1>
            %and3A_676 = arith.constant 65535 : i32
            %and3A_677 = vector.broadcast %and3A_676 : i32 to vector<16xi32>
            %and3A_678 = arith.andi %gather3A_550, %and3A_677 : vector<16xi32>
            %and3A_679 = arith.constant -65536 : i32
            %and3A_680 = vector.broadcast %and3A_679 : i32 to vector<16xi32>
            %and3A_681 = arith.andi %gather3A_550, %and3A_680 : vector<16xi32>
            %bitcast3A_682 = vector.bitcast %and3A_681 : vector<16xi32> to vector<16xf32>
            %scatter3A_683 = arith.constant 0 : i32
            %scatter3A_684 = arith.constant 0 : i32
            %scatter3A_685 = tpu.memref_slice %arg12[%scan3A_176, %scatter3A_683, %scatter3A_684] : memref<2x1024x16xf32, #tpu.memory_space<vmem>> -> memref<1x1024x16xf32, #tpu.memory_space<vmem>>
            %scatter3A_686 = tpu.memref_squeeze %scatter3A_685 : memref<1x1024x16xf32, #tpu.memory_space<vmem>> -> memref<1024x16xf32, #tpu.memory_space<vmem>>
            tpu.vector_store_idx %scatter3A_686[%and3A_678, %iota3A], %bitcast3A_682 masked %gt3A_554 {add = true} : memref<1024x16xf32, #tpu.memory_space<vmem>>[vector<16xi32>, vector<16xi32>], vector<16xf32>, vector<16xi1>
            %and3A_687 = arith.constant 65535 : i32
            %and3A_688 = vector.broadcast %and3A_687 : i32 to vector<16xi32>
            %and3A_689 = arith.andi %gather3A_557, %and3A_688 : vector<16xi32>
            %and3A_690 = arith.constant -65536 : i32
            %and3A_691 = vector.broadcast %and3A_690 : i32 to vector<16xi32>
            %and3A_692 = arith.andi %gather3A_557, %and3A_691 : vector<16xi32>
            %bitcast3A_693 = vector.bitcast %and3A_692 : vector<16xi32> to vector<16xf32>
            %scatter3A_694 = arith.constant 0 : i32
            %scatter3A_695 = arith.constant 0 : i32
            %scatter3A_696 = tpu.memref_slice %arg12[%scan3A_176, %scatter3A_694, %scatter3A_695] : memref<2x1024x16xf32, #tpu.memory_space<vmem>> -> memref<1x1024x16xf32, #tpu.memory_space<vmem>>
            %scatter3A_697 = tpu.memref_squeeze %scatter3A_696 : memref<1x1024x16xf32, #tpu.memory_space<vmem>> -> memref<1024x16xf32, #tpu.memory_space<vmem>>
            tpu.vector_store_idx %scatter3A_697[%and3A_689, %iota3A], %bitcast3A_693 masked %gt3A_559 {add = true} : memref<1024x16xf32, #tpu.memory_space<vmem>>[vector<16xi32>, vector<16xi32>], vector<16xf32>, vector<16xi1>
            %and3A_698 = arith.constant 65535 : i32
            %and3A_699 = vector.broadcast %and3A_698 : i32 to vector<16xi32>
            %and3A_700 = arith.andi %gather3A_565, %and3A_699 : vector<16xi32>
            %and3A_701 = arith.constant -65536 : i32
            %and3A_702 = vector.broadcast %and3A_701 : i32 to vector<16xi32>
            %and3A_703 = arith.andi %gather3A_565, %and3A_702 : vector<16xi32>
            %bitcast3A_704 = vector.bitcast %and3A_703 : vector<16xi32> to vector<16xf32>
            %scatter3A_705 = arith.constant 0 : i32
            %scatter3A_706 = arith.constant 0 : i32
            %scatter3A_707 = tpu.memref_slice %arg12[%scan3A_176, %scatter3A_705, %scatter3A_706] : memref<2x1024x16xf32, #tpu.memory_space<vmem>> -> memref<1x1024x16xf32, #tpu.memory_space<vmem>>
            %scatter3A_708 = tpu.memref_squeeze %scatter3A_707 : memref<1x1024x16xf32, #tpu.memory_space<vmem>> -> memref<1024x16xf32, #tpu.memory_space<vmem>>
            tpu.vector_store_idx %scatter3A_708[%and3A_700, %iota3A], %bitcast3A_704 masked %gt3A_569 {add = true} : memref<1024x16xf32, #tpu.memory_space<vmem>>[vector<16xi32>, vector<16xi32>], vector<16xf32>, vector<16xi1>
            %and3A_709 = arith.constant 65535 : i32
            %and3A_710 = vector.broadcast %and3A_709 : i32 to vector<16xi32>
            %and3A_711 = arith.andi %gather3A_572, %and3A_710 : vector<16xi32>
            %and3A_712 = arith.constant -65536 : i32
            %and3A_713 = vector.broadcast %and3A_712 : i32 to vector<16xi32>
            %and3A_714 = arith.andi %gather3A_572, %and3A_713 : vector<16xi32>
            %bitcast3A_715 = vector.bitcast %and3A_714 : vector<16xi32> to vector<16xf32>
            %scatter3A_716 = arith.constant 0 : i32
            %scatter3A_717 = arith.constant 0 : i32
            %scatter3A_718 = tpu.memref_slice %arg12[%scan3A_176, %scatter3A_716, %scatter3A_717] : memref<2x1024x16xf32, #tpu.memory_space<vmem>> -> memref<1x1024x16xf32, #tpu.memory_space<vmem>>
            %scatter3A_719 = tpu.memref_squeeze %scatter3A_718 : memref<1x1024x16xf32, #tpu.memory_space<vmem>> -> memref<1024x16xf32, #tpu.memory_space<vmem>>
            tpu.vector_store_idx %scatter3A_719[%and3A_711, %iota3A], %bitcast3A_715 masked %gt3A_574 {add = true} : memref<1024x16xf32, #tpu.memory_space<vmem>>[vector<16xi32>, vector<16xi32>], vector<16xf32>, vector<16xi1>
            %and3A_720 = arith.constant 65535 : i32
            %and3A_721 = vector.broadcast %and3A_720 : i32 to vector<16xi32>
            %and3A_722 = arith.andi %gather3A_580, %and3A_721 : vector<16xi32>
            %and3A_723 = arith.constant -65536 : i32
            %and3A_724 = vector.broadcast %and3A_723 : i32 to vector<16xi32>
            %and3A_725 = arith.andi %gather3A_580, %and3A_724 : vector<16xi32>
            %bitcast3A_726 = vector.bitcast %and3A_725 : vector<16xi32> to vector<16xf32>
            %scatter3A_727 = arith.constant 0 : i32
            %scatter3A_728 = arith.constant 0 : i32
            %scatter3A_729 = tpu.memref_slice %arg12[%scan3A_176, %scatter3A_727, %scatter3A_728] : memref<2x1024x16xf32, #tpu.memory_space<vmem>> -> memref<1x1024x16xf32, #tpu.memory_space<vmem>>
            %scatter3A_730 = tpu.memref_squeeze %scatter3A_729 : memref<1x1024x16xf32, #tpu.memory_space<vmem>> -> memref<1024x16xf32, #tpu.memory_space<vmem>>
            tpu.vector_store_idx %scatter3A_730[%and3A_722, %iota3A], %bitcast3A_726 masked %gt3A_584 {add = true} : memref<1024x16xf32, #tpu.memory_space<vmem>>[vector<16xi32>, vector<16xi32>], vector<16xf32>, vector<16xi1>
            %and3A_731 = arith.constant 65535 : i32
            %and3A_732 = vector.broadcast %and3A_731 : i32 to vector<16xi32>
            %and3A_733 = arith.andi %gather3A_587, %and3A_732 : vector<16xi32>
            %and3A_734 = arith.constant -65536 : i32
            %and3A_735 = vector.broadcast %and3A_734 : i32 to vector<16xi32>
            %and3A_736 = arith.andi %gather3A_587, %and3A_735 : vector<16xi32>
            %bitcast3A_737 = vector.bitcast %and3A_736 : vector<16xi32> to vector<16xf32>
            %scatter3A_738 = arith.constant 0 : i32
            %scatter3A_739 = arith.constant 0 : i32
            %scatter3A_740 = tpu.memref_slice %arg12[%scan3A_176, %scatter3A_738, %scatter3A_739] : memref<2x1024x16xf32, #tpu.memory_space<vmem>> -> memref<1x1024x16xf32, #tpu.memory_space<vmem>>
            %scatter3A_741 = tpu.memref_squeeze %scatter3A_740 : memref<1x1024x16xf32, #tpu.memory_space<vmem>> -> memref<1024x16xf32, #tpu.memory_space<vmem>>
            tpu.vector_store_idx %scatter3A_741[%and3A_733, %iota3A], %bitcast3A_737 masked %gt3A_589 {add = true} : memref<1024x16xf32, #tpu.memory_space<vmem>>[vector<16xi32>, vector<16xi32>], vector<16xf32>, vector<16xi1>
            %and3A_742 = arith.constant 65535 : i32
            %and3A_743 = vector.broadcast %and3A_742 : i32 to vector<16xi32>
            %and3A_744 = arith.andi %gather3A_595, %and3A_743 : vector<16xi32>
            %and3A_745 = arith.constant -65536 : i32
            %and3A_746 = vector.broadcast %and3A_745 : i32 to vector<16xi32>
            %and3A_747 = arith.andi %gather3A_595, %and3A_746 : vector<16xi32>
            %bitcast3A_748 = vector.bitcast %and3A_747 : vector<16xi32> to vector<16xf32>
            %scatter3A_749 = arith.constant 0 : i32
            %scatter3A_750 = arith.constant 0 : i32
            %scatter3A_751 = tpu.memref_slice %arg12[%scan3A_176, %scatter3A_749, %scatter3A_750] : memref<2x1024x16xf32, #tpu.memory_space<vmem>> -> memref<1x1024x16xf32, #tpu.memory_space<vmem>>
            %scatter3A_752 = tpu.memref_squeeze %scatter3A_751 : memref<1x1024x16xf32, #tpu.memory_space<vmem>> -> memref<1024x16xf32, #tpu.memory_space<vmem>>
            tpu.vector_store_idx %scatter3A_752[%and3A_744, %iota3A], %bitcast3A_748 masked %gt3A_599 {add = true} : memref<1024x16xf32, #tpu.memory_space<vmem>>[vector<16xi32>, vector<16xi32>], vector<16xf32>, vector<16xi1>
            %and3A_753 = arith.constant 65535 : i32
            %and3A_754 = vector.broadcast %and3A_753 : i32 to vector<16xi32>
            %and3A_755 = arith.andi %gather3A_602, %and3A_754 : vector<16xi32>
            %and3A_756 = arith.constant -65536 : i32
            %and3A_757 = vector.broadcast %and3A_756 : i32 to vector<16xi32>
            %and3A_758 = arith.andi %gather3A_602, %and3A_757 : vector<16xi32>
            %bitcast3A_759 = vector.bitcast %and3A_758 : vector<16xi32> to vector<16xf32>
            %scatter3A_760 = arith.constant 0 : i32
            %scatter3A_761 = arith.constant 0 : i32
            %scatter3A_762 = tpu.memref_slice %arg12[%scan3A_176, %scatter3A_760, %scatter3A_761] : memref<2x1024x16xf32, #tpu.memory_space<vmem>> -> memref<1x1024x16xf32, #tpu.memory_space<vmem>>
            %scatter3A_763 = tpu.memref_squeeze %scatter3A_762 : memref<1x1024x16xf32, #tpu.memory_space<vmem>> -> memref<1024x16xf32, #tpu.memory_space<vmem>>
            tpu.vector_store_idx %scatter3A_763[%and3A_755, %iota3A], %bitcast3A_759 masked %gt3A_604 {add = true} : memref<1024x16xf32, #tpu.memory_space<vmem>>[vector<16xi32>, vector<16xi32>], vector<16xf32>, vector<16xi1>
            %and3A_764 = arith.constant 65535 : i32
            %and3A_765 = vector.broadcast %and3A_764 : i32 to vector<16xi32>
            %and3A_766 = arith.andi %gather3A_610, %and3A_765 : vector<16xi32>
            %and3A_767 = arith.constant -65536 : i32
            %and3A_768 = vector.broadcast %and3A_767 : i32 to vector<16xi32>
            %and3A_769 = arith.andi %gather3A_610, %and3A_768 : vector<16xi32>
            %bitcast3A_770 = vector.bitcast %and3A_769 : vector<16xi32> to vector<16xf32>
            %scatter3A_771 = arith.constant 0 : i32
            %scatter3A_772 = arith.constant 0 : i32
            %scatter3A_773 = tpu.memref_slice %arg12[%scan3A_176, %scatter3A_771, %scatter3A_772] : memref<2x1024x16xf32, #tpu.memory_space<vmem>> -> memref<1x1024x16xf32, #tpu.memory_space<vmem>>
            %scatter3A_774 = tpu.memref_squeeze %scatter3A_773 : memref<1x1024x16xf32, #tpu.memory_space<vmem>> -> memref<1024x16xf32, #tpu.memory_space<vmem>>
            tpu.vector_store_idx %scatter3A_774[%and3A_766, %iota3A], %bitcast3A_770 masked %gt3A_614 {add = true} : memref<1024x16xf32, #tpu.memory_space<vmem>>[vector<16xi32>, vector<16xi32>], vector<16xf32>, vector<16xi1>
            %and3A_775 = arith.constant 65535 : i32
            %and3A_776 = vector.broadcast %and3A_775 : i32 to vector<16xi32>
            %and3A_777 = arith.andi %gather3A_617, %and3A_776 : vector<16xi32>
            %and3A_778 = arith.constant -65536 : i32
            %and3A_779 = vector.broadcast %and3A_778 : i32 to vector<16xi32>
            %and3A_780 = arith.andi %gather3A_617, %and3A_779 : vector<16xi32>
            %bitcast3A_781 = vector.bitcast %and3A_780 : vector<16xi32> to vector<16xf32>
            %scatter3A_782 = arith.constant 0 : i32
            %scatter3A_783 = arith.constant 0 : i32
            %scatter3A_784 = tpu.memref_slice %arg12[%scan3A_176, %scatter3A_782, %scatter3A_783] : memref<2x1024x16xf32, #tpu.memory_space<vmem>> -> memref<1x1024x16xf32, #tpu.memory_space<vmem>>
            %scatter3A_785 = tpu.memref_squeeze %scatter3A_784 : memref<1x1024x16xf32, #tpu.memory_space<vmem>> -> memref<1024x16xf32, #tpu.memory_space<vmem>>
            tpu.vector_store_idx %scatter3A_785[%and3A_777, %iota3A], %bitcast3A_781 masked %gt3A_619 {add = true} : memref<1024x16xf32, #tpu.memory_space<vmem>>[vector<16xi32>, vector<16xi32>], vector<16xf32>, vector<16xi1>
            %and3A_786 = arith.constant 65535 : i32
            %and3A_787 = vector.broadcast %and3A_786 : i32 to vector<16xi32>
            %and3A_788 = arith.andi %gather3A_625, %and3A_787 : vector<16xi32>
            %and3A_789 = arith.constant -65536 : i32
            %and3A_790 = vector.broadcast %and3A_789 : i32 to vector<16xi32>
            %and3A_791 = arith.andi %gather3A_625, %and3A_790 : vector<16xi32>
            %bitcast3A_792 = vector.bitcast %and3A_791 : vector<16xi32> to vector<16xf32>
            %scatter3A_793 = arith.constant 0 : i32
            %scatter3A_794 = arith.constant 0 : i32
            %scatter3A_795 = tpu.memref_slice %arg12[%scan3A_176, %scatter3A_793, %scatter3A_794] : memref<2x1024x16xf32, #tpu.memory_space<vmem>> -> memref<1x1024x16xf32, #tpu.memory_space<vmem>>
            %scatter3A_796 = tpu.memref_squeeze %scatter3A_795 : memref<1x1024x16xf32, #tpu.memory_space<vmem>> -> memref<1024x16xf32, #tpu.memory_space<vmem>>
            tpu.vector_store_idx %scatter3A_796[%and3A_788, %iota3A], %bitcast3A_792 masked %gt3A_629 {add = true} : memref<1024x16xf32, #tpu.memory_space<vmem>>[vector<16xi32>, vector<16xi32>], vector<16xf32>, vector<16xi1>
            %and3A_797 = arith.constant 65535 : i32
            %and3A_798 = vector.broadcast %and3A_797 : i32 to vector<16xi32>
            %and3A_799 = arith.andi %gather3A_632, %and3A_798 : vector<16xi32>
            %and3A_800 = arith.constant -65536 : i32
            %and3A_801 = vector.broadcast %and3A_800 : i32 to vector<16xi32>
            %and3A_802 = arith.andi %gather3A_632, %and3A_801 : vector<16xi32>
            %bitcast3A_803 = vector.bitcast %and3A_802 : vector<16xi32> to vector<16xf32>
            %scatter3A_804 = arith.constant 0 : i32
            %scatter3A_805 = arith.constant 0 : i32
            %scatter3A_806 = tpu.memref_slice %arg12[%scan3A_176, %scatter3A_804, %scatter3A_805] : memref<2x1024x16xf32, #tpu.memory_space<vmem>> -> memref<1x1024x16xf32, #tpu.memory_space<vmem>>
            %scatter3A_807 = tpu.memref_squeeze %scatter3A_806 : memref<1x1024x16xf32, #tpu.memory_space<vmem>> -> memref<1024x16xf32, #tpu.memory_space<vmem>>
            tpu.vector_store_idx %scatter3A_807[%and3A_799, %iota3A], %bitcast3A_803 masked %gt3A_634 {add = true} : memref<1024x16xf32, #tpu.memory_space<vmem>>[vector<16xi32>, vector<16xi32>], vector<16xf32>, vector<16xi1>
            %and3A_808 = arith.constant 65535 : i32
            %and3A_809 = vector.broadcast %and3A_808 : i32 to vector<16xi32>
            %and3A_810 = arith.andi %gather3A_640, %and3A_809 : vector<16xi32>
            %and3A_811 = arith.constant -65536 : i32
            %and3A_812 = vector.broadcast %and3A_811 : i32 to vector<16xi32>
            %and3A_813 = arith.andi %gather3A_640, %and3A_812 : vector<16xi32>
            %bitcast3A_814 = vector.bitcast %and3A_813 : vector<16xi32> to vector<16xf32>
            %scatter3A_815 = arith.constant 0 : i32
            %scatter3A_816 = arith.constant 0 : i32
            %scatter3A_817 = tpu.memref_slice %arg12[%scan3A_176, %scatter3A_815, %scatter3A_816] : memref<2x1024x16xf32, #tpu.memory_space<vmem>> -> memref<1x1024x16xf32, #tpu.memory_space<vmem>>
            %scatter3A_818 = tpu.memref_squeeze %scatter3A_817 : memref<1x1024x16xf32, #tpu.memory_space<vmem>> -> memref<1024x16xf32, #tpu.memory_space<vmem>>
            tpu.vector_store_idx %scatter3A_818[%and3A_810, %iota3A], %bitcast3A_814 masked %gt3A_644 {add = true} : memref<1024x16xf32, #tpu.memory_space<vmem>>[vector<16xi32>, vector<16xi32>], vector<16xf32>, vector<16xi1>
            %while3A_819 = arith.constant 0 : i32
            scf.yield %while3A_819 : i32
          }
          %scan3A_520 = arith.constant 0 : i32
          scf.yield %scan3A_520 : i32
        }
        %scan3A_183 = arith.constant 8 : i32
        %mul3A_184 = arith.constant 32 : i32
        %mul3A_185 = arith.muli %add3A_125, %mul3A_184 : i32
        %add3A_186 = arith.addi %add3A, %mul3A_185 : i32
        %mul3A_187 = arith.constant 16 : i32
        %mul3A_188 = arith.muli %add3A_186, %mul3A_187 : i32
        %dma_start3A_189 = arith.constant 0 : i32
        %dma_start3A_190 = arith.constant 0 : i32
        %dma_start3A_191 = arith.constant 0 : i32
        %dma_start3A_192 = arith.constant 0 : i32
        %dma_start3A_193 = tpu.memref_slice %arg12[%dma_start3A_189, %dma_start3A_191, %dma_start3A_192] : memref<2x1024x16xf32, #tpu.memory_space<vmem>> -> memref<1x1024x16xf32, #tpu.memory_space<vmem>>
        %dma_start3A_194 = tpu.memref_squeeze %dma_start3A_193 : memref<1x1024x16xf32, #tpu.memory_space<vmem>> -> memref<1024x16xf32, #tpu.memory_space<vmem>>
        %dma_start3A_195 = arith.constant 0 : i32
        %dma_start3A_196 = tpu.memref_slice %arg7[%dma_start3A_195, %mul3A_188] : memref<1024x20000xf32, #tpu.memory_space<hbm>> -> memref<1024x16xf32, #tpu.memory_space<hbm>>
        %dma_start3A_197 = tpu.memref_slice %arg18[%dma_start3A_190] : memref<2x!tpu.dma_semaphore, #tpu.memory_space<semaphore_mem>> -> memref<1x!tpu.dma_semaphore, #tpu.memory_space<semaphore_mem>>
        %dma_start3A_198 = tpu.memref_squeeze %dma_start3A_197 : memref<1x!tpu.dma_semaphore, #tpu.memory_space<semaphore_mem>> -> memref<!tpu.dma_semaphore, #tpu.memory_space<semaphore_mem>>
        %dma_start3A_199 = arith.constant 0 : i32
        %dma_start3A_200 = tpu.memref_slice %arg7[%dma_start3A_199, %mul3A_188] : memref<1024x20000xf32, #tpu.memory_space<hbm>> -> memref<1024x16xf32, #tpu.memory_space<hbm>>
        %dma_start3A_201 = arith.constant 0 : i32
        %dma_start3A_202 = arith.constant 0 : i32
        %dma_start3A_203 = tpu.memref_slice %arg12[%dma_start3A_189, %dma_start3A_201, %dma_start3A_202] : memref<2x1024x16xf32, #tpu.memory_space<vmem>> -> memref<1x1024x16xf32, #tpu.memory_space<vmem>>
        %dma_start3A_204 = tpu.memref_squeeze %dma_start3A_203 : memref<1x1024x16xf32, #tpu.memory_space<vmem>> -> memref<1024x16xf32, #tpu.memory_space<vmem>>
        tpu.enqueue_dma source(%dma_start3A_204 : memref<1024x16xf32, #tpu.memory_space<vmem>>) target(%dma_start3A_200 : memref<1024x16xf32, #tpu.memory_space<hbm>>) target_semaphore(%dma_start3A_198 : memref<!tpu.dma_semaphore, #tpu.memory_space<semaphore_mem>>)
      } else {
      }
      %mul3A_134 = arith.constant 2 : i32
      %mul3A_135 = arith.muli %scan3A_120, %mul3A_134 : i32
      %add3A_136 = arith.constant 1 : i32
      %add3A_137 = arith.addi %mul3A_135, %add3A_136 : i32
      %mul3A_138 = arith.constant 32 : i32
      %mul3A_139 = arith.muli %add3A_137, %mul3A_138 : i32
      %add3A_140 = arith.addi %add3A, %mul3A_139 : i32
      %lt3A_141 = arith.constant 1250 : i32
      %lt3A_142 = arith.cmpi slt, %add3A_140, %lt3A_141 : i32
      %convert_element_type3A_143 = arith.extui %lt3A_142 : i1 to i32
      %cond3A_144 = arith.constant 0 : i32
      %cond3A_145 = arith.cmpi ne, %convert_element_type3A_143, %cond3A_144 : i32
      scf.if %cond3A_145 {
        %mul3A_147 = arith.constant 32 : i32
        %mul3A_148 = arith.muli %add3A_137, %mul3A_147 : i32
        %add3A_149 = arith.addi %add3A, %mul3A_148 : i32
        %mul3A_150 = arith.constant 16 : i32
        %mul3A_151 = arith.muli %add3A_149, %mul3A_150 : i32
        %dma_start3A = arith.constant 0 : i32
        %dma_start3A_152 = tpu.memref_slice %arg3[%dma_start3A, %mul3A_151] : memref<64x20000xi32, #tpu.memory_space<hbm>> -> memref<64x16xi32, #tpu.memory_space<hbm>>
        %dma_start3A_153 = arith.constant 0 : i32
        %dma_start3A_154 = tpu.memref_slice %arg3[%dma_start3A_153, %mul3A_151] : memref<64x20000xi32, #tpu.memory_space<hbm>> -> memref<64x16xi32, #tpu.memory_space<hbm>>
        tpu.enqueue_dma source(%dma_start3A_154 : memref<64x16xi32, #tpu.memory_space<hbm>>) target(%arg13 : memref<64x16xi32, #tpu.memory_space<vmem>>) target_semaphore(%arg19 : memref<!tpu.dma_semaphore, #tpu.memory_space<semaphore_mem>>)
        %ge3A_155 = arith.constant 2 : i32
        %ge3A_156 = arith.cmpi sge, %add3A_137, %ge3A_155 : i32
        %convert_element_type3A_157 = arith.extui %ge3A_156 : i1 to i32
        %cond3A_158 = arith.constant 0 : i32
        %cond3A_159 = arith.cmpi ne, %convert_element_type3A_157, %cond3A_158 : i32
        scf.if %cond3A_159 {
          %sub3A = arith.constant 2 : i32
          %sub3A_205 = arith.subi %add3A_137, %sub3A : i32
          %mul3A_206 = arith.constant 32 : i32
          %mul3A_207 = arith.muli %sub3A_205, %mul3A_206 : i32
          %add3A_208 = arith.addi %add3A, %mul3A_207 : i32
          %mul3A_209 = arith.constant 16 : i32
          %mul3A_210 = arith.muli %add3A_208, %mul3A_209 : i32
          %dma_wait3A_211 = arith.constant 1 : i32
          %dma_wait3A_212 = arith.constant 1 : i32
          %dma_wait3A_213 = arith.constant 0 : i32
          %dma_wait3A_214 = arith.constant 0 : i32
          %dma_wait3A_215 = tpu.memref_slice %arg12[%dma_wait3A_211, %dma_wait3A_213, %dma_wait3A_214] : memref<2x1024x16xf32, #tpu.memory_space<vmem>> -> memref<1x1024x16xf32, #tpu.memory_space<vmem>>
          %dma_wait3A_216 = tpu.memref_squeeze %dma_wait3A_215 : memref<1x1024x16xf32, #tpu.memory_space<vmem>> -> memref<1024x16xf32, #tpu.memory_space<vmem>>
          %dma_wait3A_217 = arith.constant 0 : i32
          %dma_wait3A_218 = tpu.memref_slice %arg7[%dma_wait3A_217, %mul3A_210] : memref<1024x20000xf32, #tpu.memory_space<hbm>> -> memref<1024x16xf32, #tpu.memory_space<hbm>>
          %dma_wait3A_219 = tpu.memref_slice %arg18[%dma_wait3A_212] : memref<2x!tpu.dma_semaphore, #tpu.memory_space<semaphore_mem>> -> memref<1x!tpu.dma_semaphore, #tpu.memory_space<semaphore_mem>>
          %dma_wait3A_220 = tpu.memref_squeeze %dma_wait3A_219 : memref<1x!tpu.dma_semaphore, #tpu.memory_space<semaphore_mem>> -> memref<!tpu.dma_semaphore, #tpu.memory_space<semaphore_mem>>
          %dma_wait3A_221 = arith.constant 0 : i32
          %dma_wait3A_222 = tpu.memref_slice %arg7[%dma_wait3A_221, %mul3A_210] : memref<1024x20000xf32, #tpu.memory_space<hbm>> -> memref<1024x16xf32, #tpu.memory_space<hbm>>
          %dma_wait3A_223 = arith.constant 0 : i32
          %dma_wait3A_224 = arith.constant 0 : i32
          %dma_wait3A_225 = tpu.memref_slice %arg12[%dma_wait3A_211, %dma_wait3A_223, %dma_wait3A_224] : memref<2x1024x16xf32, #tpu.memory_space<vmem>> -> memref<1x1024x16xf32, #tpu.memory_space<vmem>>
          %dma_wait3A_226 = tpu.memref_squeeze %dma_wait3A_225 : memref<1x1024x16xf32, #tpu.memory_space<vmem>> -> memref<1024x16xf32, #tpu.memory_space<vmem>>
          tpu.wait_dma2 semaphore(%dma_wait3A_220 : memref<!tpu.dma_semaphore, #tpu.memory_space<semaphore_mem>>) src(%dma_wait3A_226 : memref<1024x16xf32, #tpu.memory_space<vmem>>) dst(%dma_wait3A_222 : memref<1024x16xf32, #tpu.memory_space<hbm>>)
        } else {
        }
        %scan3A_160 = arith.constant 1 : i32
        %scan3A_161 = arith.constant 0 : i32
        %scan3A_162 = arith.constant 0 : i32
        %scan3A_163 = arith.constant 64 : i32
        %scan3A_164 = arith.addi %scan3A_162, %scan3A_163 : i32
        %scan3A_165 = arith.constant 1 : i32
        %scan3A_166 = scf.for %scan3A_205 = %scan3A_162 to %scan3A_164 step %scan3A_165 iter_args(%scan3A_206 = %scan3A_161) -> (i32)  : i32 {
          %broadcast_in_dim3A_207 = arith.constant 0.000000e+00 : f32
          %broadcast_in_dim3A_208 = vector.broadcast %broadcast_in_dim3A_207 : f32 to vector<16xf32>
          %mul3A_209 = arith.constant 16 : i32
          %mul3A_210 = arith.muli %scan3A_205, %mul3A_209 : i32
          %add3A_211 = arith.constant 0 : i32
          %add3A_212 = arith.addi %mul3A_210, %add3A_211 : i32
          %swap3A_213 = arith.constant 0 : i32
          %swap3A_214 = arith.constant 0 : i32
          %swap3A_215 = tpu.memref_slice %arg12[%scan3A_160, %swap3A_213, %swap3A_214] : memref<2x1024x16xf32, #tpu.memory_space<vmem>> -> memref<1x1024x16xf32, #tpu.memory_space<vmem>>
          %swap3A_216 = tpu.memref_squeeze %swap3A_215 : memref<1x1024x16xf32, #tpu.memory_space<vmem>> -> memref<1024x16xf32, #tpu.memory_space<vmem>>
          %swap3A_217 = arith.index_cast %add3A_212 : i32 to index
          %swap3A_218 = arith.constant 0 : index
          %swap3A_219 = tpu.vector_load %swap3A_216[%swap3A_217, %swap3A_218] {strides = array<i32>} : memref<1024x16xf32, #tpu.memory_space<vmem>>, vector<16xf32>,
          tpu.vector_store %swap3A_216[%swap3A_217, %swap3A_218], %broadcast_in_dim3A_208 {strides = array<i32>} : memref<1024x16xf32, #tpu.memory_space<vmem>>, vector<16xf32>,
          %broadcast_in_dim3A_220 = arith.constant 0.000000e+00 : f32
          %broadcast_in_dim3A_221 = vector.broadcast %broadcast_in_dim3A_220 : f32 to vector<16xf32>
          %mul3A_222 = arith.constant 16 : i32
          %mul3A_223 = arith.muli %scan3A_205, %mul3A_222 : i32
          %add3A_224 = arith.constant 1 : i32
          %add3A_225 = arith.addi %mul3A_223, %add3A_224 : i32
          %swap3A_226 = arith.constant 0 : i32
          %swap3A_227 = arith.constant 0 : i32
          %swap3A_228 = tpu.memref_slice %arg12[%scan3A_160, %swap3A_226, %swap3A_227] : memref<2x1024x16xf32, #tpu.memory_space<vmem>> -> memref<1x1024x16xf32, #tpu.memory_space<vmem>>
          %swap3A_229 = tpu.memref_squeeze %swap3A_228 : memref<1x1024x16xf32, #tpu.memory_space<vmem>> -> memref<1024x16xf32, #tpu.memory_space<vmem>>
          %swap3A_230 = arith.index_cast %add3A_225 : i32 to index
          %swap3A_231 = arith.constant 0 : index
          %swap3A_232 = tpu.vector_load %swap3A_229[%swap3A_230, %swap3A_231] {strides = array<i32>} : memref<1024x16xf32, #tpu.memory_space<vmem>>, vector<16xf32>,
          tpu.vector_store %swap3A_229[%swap3A_230, %swap3A_231], %broadcast_in_dim3A_221 {strides = array<i32>} : memref<1024x16xf32, #tpu.memory_space<vmem>>, vector<16xf32>,
          %broadcast_in_dim3A_233 = arith.constant 0.000000e+00 : f32
          %broadcast_in_dim3A_234 = vector.broadcast %broadcast_in_dim3A_233 : f32 to vector<16xf32>
          %mul3A_235 = arith.constant 16 : i32
          %mul3A_236 = arith.muli %scan3A_205, %mul3A_235 : i32
          %add3A_237 = arith.constant 2 : i32
          %add3A_238 = arith.addi %mul3A_236, %add3A_237 : i32
          %swap3A_239 = arith.constant 0 : i32
          %swap3A_240 = arith.constant 0 : i32
          %swap3A_241 = tpu.memref_slice %arg12[%scan3A_160, %swap3A_239, %swap3A_240] : memref<2x1024x16xf32, #tpu.memory_space<vmem>> -> memref<1x1024x16xf32, #tpu.memory_space<vmem>>
          %swap3A_242 = tpu.memref_squeeze %swap3A_241 : memref<1x1024x16xf32, #tpu.memory_space<vmem>> -> memref<1024x16xf32, #tpu.memory_space<vmem>>
          %swap3A_243 = arith.index_cast %add3A_238 : i32 to index
          %swap3A_244 = arith.constant 0 : index
          %swap3A_245 = tpu.vector_load %swap3A_242[%swap3A_243, %swap3A_244] {strides = array<i32>} : memref<1024x16xf32, #tpu.memory_space<vmem>>, vector<16xf32>,
          tpu.vector_store %swap3A_242[%swap3A_243, %swap3A_244], %broadcast_in_dim3A_234 {strides = array<i32>} : memref<1024x16xf32, #tpu.memory_space<vmem>>, vector<16xf32>,
          %broadcast_in_dim3A_246 = arith.constant 0.000000e+00 : f32
          %broadcast_in_dim3A_247 = vector.broadcast %broadcast_in_dim3A_246 : f32 to vector<16xf32>
          %mul3A_248 = arith.constant 16 : i32
          %mul3A_249 = arith.muli %scan3A_205, %mul3A_248 : i32
          %add3A_250 = arith.constant 3 : i32
          %add3A_251 = arith.addi %mul3A_249, %add3A_250 : i32
          %swap3A_252 = arith.constant 0 : i32
          %swap3A_253 = arith.constant 0 : i32
          %swap3A_254 = tpu.memref_slice %arg12[%scan3A_160, %swap3A_252, %swap3A_253] : memref<2x1024x16xf32, #tpu.memory_space<vmem>> -> memref<1x1024x16xf32, #tpu.memory_space<vmem>>
          %swap3A_255 = tpu.memref_squeeze %swap3A_254 : memref<1x1024x16xf32, #tpu.memory_space<vmem>> -> memref<1024x16xf32, #tpu.memory_space<vmem>>
          %swap3A_256 = arith.index_cast %add3A_251 : i32 to index
          %swap3A_257 = arith.constant 0 : index
          %swap3A_258 = tpu.vector_load %swap3A_255[%swap3A_256, %swap3A_257] {strides = array<i32>} : memref<1024x16xf32, #tpu.memory_space<vmem>>, vector<16xf32>,
          tpu.vector_store %swap3A_255[%swap3A_256, %swap3A_257], %broadcast_in_dim3A_247 {strides = array<i32>} : memref<1024x16xf32, #tpu.memory_space<vmem>>, vector<16xf32>,
          %broadcast_in_dim3A_259 = arith.constant 0.000000e+00 : f32
          %broadcast_in_dim3A_260 = vector.broadcast %broadcast_in_dim3A_259 : f32 to vector<16xf32>
          %mul3A_261 = arith.constant 16 : i32
          %mul3A_262 = arith.muli %scan3A_205, %mul3A_261 : i32
          %add3A_263 = arith.constant 4 : i32
          %add3A_264 = arith.addi %mul3A_262, %add3A_263 : i32
          %swap3A_265 = arith.constant 0 : i32
          %swap3A_266 = arith.constant 0 : i32
          %swap3A_267 = tpu.memref_slice %arg12[%scan3A_160, %swap3A_265, %swap3A_266] : memref<2x1024x16xf32, #tpu.memory_space<vmem>> -> memref<1x1024x16xf32, #tpu.memory_space<vmem>>
          %swap3A_268 = tpu.memref_squeeze %swap3A_267 : memref<1x1024x16xf32, #tpu.memory_space<vmem>> -> memref<1024x16xf32, #tpu.memory_space<vmem>>
          %swap3A_269 = arith.index_cast %add3A_264 : i32 to index
          %swap3A_270 = arith.constant 0 : index
          %swap3A_271 = tpu.vector_load %swap3A_268[%swap3A_269, %swap3A_270] {strides = array<i32>} : memref<1024x16xf32, #tpu.memory_space<vmem>>, vector<16xf32>,
          tpu.vector_store %swap3A_268[%swap3A_269, %swap3A_270], %broadcast_in_dim3A_260 {strides = array<i32>} : memref<1024x16xf32, #tpu.memory_space<vmem>>, vector<16xf32>,
          %broadcast_in_dim3A_272 = arith.constant 0.000000e+00 : f32
          %broadcast_in_dim3A_273 = vector.broadcast %broadcast_in_dim3A_272 : f32 to vector<16xf32>
          %mul3A_274 = arith.constant 16 : i32
          %mul3A_275 = arith.muli %scan3A_205, %mul3A_274 : i32
          %add3A_276 = arith.constant 5 : i32
          %add3A_277 = arith.addi %mul3A_275, %add3A_276 : i32
          %swap3A_278 = arith.constant 0 : i32
          %swap3A_279 = arith.constant 0 : i32
          %swap3A_280 = tpu.memref_slice %arg12[%scan3A_160, %swap3A_278, %swap3A_279] : memref<2x1024x16xf32, #tpu.memory_space<vmem>> -> memref<1x1024x16xf32, #tpu.memory_space<vmem>>
          %swap3A_281 = tpu.memref_squeeze %swap3A_280 : memref<1x1024x16xf32, #tpu.memory_space<vmem>> -> memref<1024x16xf32, #tpu.memory_space<vmem>>
          %swap3A_282 = arith.index_cast %add3A_277 : i32 to index
          %swap3A_283 = arith.constant 0 : index
          %swap3A_284 = tpu.vector_load %swap3A_281[%swap3A_282, %swap3A_283] {strides = array<i32>} : memref<1024x16xf32, #tpu.memory_space<vmem>>, vector<16xf32>,
          tpu.vector_store %swap3A_281[%swap3A_282, %swap3A_283], %broadcast_in_dim3A_273 {strides = array<i32>} : memref<1024x16xf32, #tpu.memory_space<vmem>>, vector<16xf32>,
          %broadcast_in_dim3A_285 = arith.constant 0.000000e+00 : f32
          %broadcast_in_dim3A_286 = vector.broadcast %broadcast_in_dim3A_285 : f32 to vector<16xf32>
          %mul3A_287 = arith.constant 16 : i32
          %mul3A_288 = arith.muli %scan3A_205, %mul3A_287 : i32
          %add3A_289 = arith.constant 6 : i32
          %add3A_290 = arith.addi %mul3A_288, %add3A_289 : i32
          %swap3A_291 = arith.constant 0 : i32
          %swap3A_292 = arith.constant 0 : i32
          %swap3A_293 = tpu.memref_slice %arg12[%scan3A_160, %swap3A_291, %swap3A_292] : memref<2x1024x16xf32, #tpu.memory_space<vmem>> -> memref<1x1024x16xf32, #tpu.memory_space<vmem>>
          %swap3A_294 = tpu.memref_squeeze %swap3A_293 : memref<1x1024x16xf32, #tpu.memory_space<vmem>> -> memref<1024x16xf32, #tpu.memory_space<vmem>>
          %swap3A_295 = arith.index_cast %add3A_290 : i32 to index
          %swap3A_296 = arith.constant 0 : index
          %swap3A_297 = tpu.vector_load %swap3A_294[%swap3A_295, %swap3A_296] {strides = array<i32>} : memref<1024x16xf32, #tpu.memory_space<vmem>>, vector<16xf32>,
          tpu.vector_store %swap3A_294[%swap3A_295, %swap3A_296], %broadcast_in_dim3A_286 {strides = array<i32>} : memref<1024x16xf32, #tpu.memory_space<vmem>>, vector<16xf32>,
          %broadcast_in_dim3A_298 = arith.constant 0.000000e+00 : f32
          %broadcast_in_dim3A_299 = vector.broadcast %broadcast_in_dim3A_298 : f32 to vector<16xf32>
          %mul3A_300 = arith.constant 16 : i32
          %mul3A_301 = arith.muli %scan3A_205, %mul3A_300 : i32
          %add3A_302 = arith.constant 7 : i32
          %add3A_303 = arith.addi %mul3A_301, %add3A_302 : i32
          %swap3A_304 = arith.constant 0 : i32
          %swap3A_305 = arith.constant 0 : i32
          %swap3A_306 = tpu.memref_slice %arg12[%scan3A_160, %swap3A_304, %swap3A_305] : memref<2x1024x16xf32, #tpu.memory_space<vmem>> -> memref<1x1024x16xf32, #tpu.memory_space<vmem>>
          %swap3A_307 = tpu.memref_squeeze %swap3A_306 : memref<1x1024x16xf32, #tpu.memory_space<vmem>> -> memref<1024x16xf32, #tpu.memory_space<vmem>>
          %swap3A_308 = arith.index_cast %add3A_303 : i32 to index
          %swap3A_309 = arith.constant 0 : index
          %swap3A_310 = tpu.vector_load %swap3A_307[%swap3A_308, %swap3A_309] {strides = array<i32>} : memref<1024x16xf32, #tpu.memory_space<vmem>>, vector<16xf32>,
          tpu.vector_store %swap3A_307[%swap3A_308, %swap3A_309], %broadcast_in_dim3A_299 {strides = array<i32>} : memref<1024x16xf32, #tpu.memory_space<vmem>>, vector<16xf32>,
          %broadcast_in_dim3A_311 = arith.constant 0.000000e+00 : f32
          %broadcast_in_dim3A_312 = vector.broadcast %broadcast_in_dim3A_311 : f32 to vector<16xf32>
          %mul3A_313 = arith.constant 16 : i32
          %mul3A_314 = arith.muli %scan3A_205, %mul3A_313 : i32
          %add3A_315 = arith.constant 8 : i32
          %add3A_316 = arith.addi %mul3A_314, %add3A_315 : i32
          %swap3A_317 = arith.constant 0 : i32
          %swap3A_318 = arith.constant 0 : i32
          %swap3A_319 = tpu.memref_slice %arg12[%scan3A_160, %swap3A_317, %swap3A_318] : memref<2x1024x16xf32, #tpu.memory_space<vmem>> -> memref<1x1024x16xf32, #tpu.memory_space<vmem>>
          %swap3A_320 = tpu.memref_squeeze %swap3A_319 : memref<1x1024x16xf32, #tpu.memory_space<vmem>> -> memref<1024x16xf32, #tpu.memory_space<vmem>>
          %swap3A_321 = arith.index_cast %add3A_316 : i32 to index
          %swap3A_322 = arith.constant 0 : index
          %swap3A_323 = tpu.vector_load %swap3A_320[%swap3A_321, %swap3A_322] {strides = array<i32>} : memref<1024x16xf32, #tpu.memory_space<vmem>>, vector<16xf32>,
          tpu.vector_store %swap3A_320[%swap3A_321, %swap3A_322], %broadcast_in_dim3A_312 {strides = array<i32>} : memref<1024x16xf32, #tpu.memory_space<vmem>>, vector<16xf32>,
          %broadcast_in_dim3A_324 = arith.constant 0.000000e+00 : f32
          %broadcast_in_dim3A_325 = vector.broadcast %broadcast_in_dim3A_324 : f32 to vector<16xf32>
          %mul3A_326 = arith.constant 16 : i32
          %mul3A_327 = arith.muli %scan3A_205, %mul3A_326 : i32
          %add3A_328 = arith.constant 9 : i32
          %add3A_329 = arith.addi %mul3A_327, %add3A_328 : i32
          %swap3A_330 = arith.constant 0 : i32
          %swap3A_331 = arith.constant 0 : i32
          %swap3A_332 = tpu.memref_slice %arg12[%scan3A_160, %swap3A_330, %swap3A_331] : memref<2x1024x16xf32, #tpu.memory_space<vmem>> -> memref<1x1024x16xf32, #tpu.memory_space<vmem>>
          %swap3A_333 = tpu.memref_squeeze %swap3A_332 : memref<1x1024x16xf32, #tpu.memory_space<vmem>> -> memref<1024x16xf32, #tpu.memory_space<vmem>>
          %swap3A_334 = arith.index_cast %add3A_329 : i32 to index
          %swap3A_335 = arith.constant 0 : index
          %swap3A_336 = tpu.vector_load %swap3A_333[%swap3A_334, %swap3A_335] {strides = array<i32>} : memref<1024x16xf32, #tpu.memory_space<vmem>>, vector<16xf32>,
          tpu.vector_store %swap3A_333[%swap3A_334, %swap3A_335], %broadcast_in_dim3A_325 {strides = array<i32>} : memref<1024x16xf32, #tpu.memory_space<vmem>>, vector<16xf32>,
          %broadcast_in_dim3A_337 = arith.constant 0.000000e+00 : f32
          %broadcast_in_dim3A_338 = vector.broadcast %broadcast_in_dim3A_337 : f32 to vector<16xf32>
          %mul3A_339 = arith.constant 16 : i32
          %mul3A_340 = arith.muli %scan3A_205, %mul3A_339 : i32
          %add3A_341 = arith.constant 10 : i32
          %add3A_342 = arith.addi %mul3A_340, %add3A_341 : i32
          %swap3A_343 = arith.constant 0 : i32
          %swap3A_344 = arith.constant 0 : i32
          %swap3A_345 = tpu.memref_slice %arg12[%scan3A_160, %swap3A_343, %swap3A_344] : memref<2x1024x16xf32, #tpu.memory_space<vmem>> -> memref<1x1024x16xf32, #tpu.memory_space<vmem>>
          %swap3A_346 = tpu.memref_squeeze %swap3A_345 : memref<1x1024x16xf32, #tpu.memory_space<vmem>> -> memref<1024x16xf32, #tpu.memory_space<vmem>>
          %swap3A_347 = arith.index_cast %add3A_342 : i32 to index
          %swap3A_348 = arith.constant 0 : index
          %swap3A_349 = tpu.vector_load %swap3A_346[%swap3A_347, %swap3A_348] {strides = array<i32>} : memref<1024x16xf32, #tpu.memory_space<vmem>>, vector<16xf32>,
          tpu.vector_store %swap3A_346[%swap3A_347, %swap3A_348], %broadcast_in_dim3A_338 {strides = array<i32>} : memref<1024x16xf32, #tpu.memory_space<vmem>>, vector<16xf32>,
          %broadcast_in_dim3A_350 = arith.constant 0.000000e+00 : f32
          %broadcast_in_dim3A_351 = vector.broadcast %broadcast_in_dim3A_350 : f32 to vector<16xf32>
          %mul3A_352 = arith.constant 16 : i32
          %mul3A_353 = arith.muli %scan3A_205, %mul3A_352 : i32
          %add3A_354 = arith.constant 11 : i32
          %add3A_355 = arith.addi %mul3A_353, %add3A_354 : i32
          %swap3A_356 = arith.constant 0 : i32
          %swap3A_357 = arith.constant 0 : i32
          %swap3A_358 = tpu.memref_slice %arg12[%scan3A_160, %swap3A_356, %swap3A_357] : memref<2x1024x16xf32, #tpu.memory_space<vmem>> -> memref<1x1024x16xf32, #tpu.memory_space<vmem>>
          %swap3A_359 = tpu.memref_squeeze %swap3A_358 : memref<1x1024x16xf32, #tpu.memory_space<vmem>> -> memref<1024x16xf32, #tpu.memory_space<vmem>>
          %swap3A_360 = arith.index_cast %add3A_355 : i32 to index
          %swap3A_361 = arith.constant 0 : index
          %swap3A_362 = tpu.vector_load %swap3A_359[%swap3A_360, %swap3A_361] {strides = array<i32>} : memref<1024x16xf32, #tpu.memory_space<vmem>>, vector<16xf32>,
          tpu.vector_store %swap3A_359[%swap3A_360, %swap3A_361], %broadcast_in_dim3A_351 {strides = array<i32>} : memref<1024x16xf32, #tpu.memory_space<vmem>>, vector<16xf32>,
          %broadcast_in_dim3A_363 = arith.constant 0.000000e+00 : f32
          %broadcast_in_dim3A_364 = vector.broadcast %broadcast_in_dim3A_363 : f32 to vector<16xf32>
          %mul3A_365 = arith.constant 16 : i32
          %mul3A_366 = arith.muli %scan3A_205, %mul3A_365 : i32
          %add3A_367 = arith.constant 12 : i32
          %add3A_368 = arith.addi %mul3A_366, %add3A_367 : i32
          %swap3A_369 = arith.constant 0 : i32
          %swap3A_370 = arith.constant 0 : i32
          %swap3A_371 = tpu.memref_slice %arg12[%scan3A_160, %swap3A_369, %swap3A_370] : memref<2x1024x16xf32, #tpu.memory_space<vmem>> -> memref<1x1024x16xf32, #tpu.memory_space<vmem>>
          %swap3A_372 = tpu.memref_squeeze %swap3A_371 : memref<1x1024x16xf32, #tpu.memory_space<vmem>> -> memref<1024x16xf32, #tpu.memory_space<vmem>>
          %swap3A_373 = arith.index_cast %add3A_368 : i32 to index
          %swap3A_374 = arith.constant 0 : index
          %swap3A_375 = tpu.vector_load %swap3A_372[%swap3A_373, %swap3A_374] {strides = array<i32>} : memref<1024x16xf32, #tpu.memory_space<vmem>>, vector<16xf32>,
          tpu.vector_store %swap3A_372[%swap3A_373, %swap3A_374], %broadcast_in_dim3A_364 {strides = array<i32>} : memref<1024x16xf32, #tpu.memory_space<vmem>>, vector<16xf32>,
          %broadcast_in_dim3A_376 = arith.constant 0.000000e+00 : f32
          %broadcast_in_dim3A_377 = vector.broadcast %broadcast_in_dim3A_376 : f32 to vector<16xf32>
          %mul3A_378 = arith.constant 16 : i32
          %mul3A_379 = arith.muli %scan3A_205, %mul3A_378 : i32
          %add3A_380 = arith.constant 13 : i32
          %add3A_381 = arith.addi %mul3A_379, %add3A_380 : i32
          %swap3A_382 = arith.constant 0 : i32
          %swap3A_383 = arith.constant 0 : i32
          %swap3A_384 = tpu.memref_slice %arg12[%scan3A_160, %swap3A_382, %swap3A_383] : memref<2x1024x16xf32, #tpu.memory_space<vmem>> -> memref<1x1024x16xf32, #tpu.memory_space<vmem>>
          %swap3A_385 = tpu.memref_squeeze %swap3A_384 : memref<1x1024x16xf32, #tpu.memory_space<vmem>> -> memref<1024x16xf32, #tpu.memory_space<vmem>>
          %swap3A_386 = arith.index_cast %add3A_381 : i32 to index
          %swap3A_387 = arith.constant 0 : index
          %swap3A_388 = tpu.vector_load %swap3A_385[%swap3A_386, %swap3A_387] {strides = array<i32>} : memref<1024x16xf32, #tpu.memory_space<vmem>>, vector<16xf32>,
          tpu.vector_store %swap3A_385[%swap3A_386, %swap3A_387], %broadcast_in_dim3A_377 {strides = array<i32>} : memref<1024x16xf32, #tpu.memory_space<vmem>>, vector<16xf32>,
          %broadcast_in_dim3A_389 = arith.constant 0.000000e+00 : f32
          %broadcast_in_dim3A_390 = vector.broadcast %broadcast_in_dim3A_389 : f32 to vector<16xf32>
          %mul3A_391 = arith.constant 16 : i32
          %mul3A_392 = arith.muli %scan3A_205, %mul3A_391 : i32
          %add3A_393 = arith.constant 14 : i32
          %add3A_394 = arith.addi %mul3A_392, %add3A_393 : i32
          %swap3A_395 = arith.constant 0 : i32
          %swap3A_396 = arith.constant 0 : i32
          %swap3A_397 = tpu.memref_slice %arg12[%scan3A_160, %swap3A_395, %swap3A_396] : memref<2x1024x16xf32, #tpu.memory_space<vmem>> -> memref<1x1024x16xf32, #tpu.memory_space<vmem>>
          %swap3A_398 = tpu.memref_squeeze %swap3A_397 : memref<1x1024x16xf32, #tpu.memory_space<vmem>> -> memref<1024x16xf32, #tpu.memory_space<vmem>>
          %swap3A_399 = arith.index_cast %add3A_394 : i32 to index
          %swap3A_400 = arith.constant 0 : index
          %swap3A_401 = tpu.vector_load %swap3A_398[%swap3A_399, %swap3A_400] {strides = array<i32>} : memref<1024x16xf32, #tpu.memory_space<vmem>>, vector<16xf32>,
          tpu.vector_store %swap3A_398[%swap3A_399, %swap3A_400], %broadcast_in_dim3A_390 {strides = array<i32>} : memref<1024x16xf32, #tpu.memory_space<vmem>>, vector<16xf32>,
          %broadcast_in_dim3A_402 = arith.constant 0.000000e+00 : f32
          %broadcast_in_dim3A_403 = vector.broadcast %broadcast_in_dim3A_402 : f32 to vector<16xf32>
          %mul3A_404 = arith.constant 16 : i32
          %mul3A_405 = arith.muli %scan3A_205, %mul3A_404 : i32
          %add3A_406 = arith.constant 15 : i32
          %add3A_407 = arith.addi %mul3A_405, %add3A_406 : i32
          %swap3A_408 = arith.constant 0 : i32
          %swap3A_409 = arith.constant 0 : i32
          %swap3A_410 = tpu.memref_slice %arg12[%scan3A_160, %swap3A_408, %swap3A_409] : memref<2x1024x16xf32, #tpu.memory_space<vmem>> -> memref<1x1024x16xf32, #tpu.memory_space<vmem>>
          %swap3A_411 = tpu.memref_squeeze %swap3A_410 : memref<1x1024x16xf32, #tpu.memory_space<vmem>> -> memref<1024x16xf32, #tpu.memory_space<vmem>>
          %swap3A_412 = arith.index_cast %add3A_407 : i32 to index
          %swap3A_413 = arith.constant 0 : index
          %swap3A_414 = tpu.vector_load %swap3A_411[%swap3A_412, %swap3A_413] {strides = array<i32>} : memref<1024x16xf32, #tpu.memory_space<vmem>>, vector<16xf32>,
          tpu.vector_store %swap3A_411[%swap3A_412, %swap3A_413], %broadcast_in_dim3A_403 {strides = array<i32>} : memref<1024x16xf32, #tpu.memory_space<vmem>>, vector<16xf32>,
          %scan3A_415 = arith.constant 0 : i32
          scf.yield %scan3A_415 : i32
        }
        %scan3A_167 = arith.constant 64 : i32
        %mul3A_168 = arith.constant 32 : i32
        %mul3A_169 = arith.muli %add3A_137, %mul3A_168 : i32
        %add3A_170 = arith.addi %add3A, %mul3A_169 : i32
        %mul3A_171 = arith.constant 16 : i32
        %mul3A_172 = arith.muli %add3A_170, %mul3A_171 : i32
        %dma_wait3A = arith.constant 0 : i32
        %dma_wait3A_173 = tpu.memref_slice %arg3[%dma_wait3A, %mul3A_172] : memref<64x20000xi32, #tpu.memory_space<hbm>> -> memref<64x16xi32, #tpu.memory_space<hbm>>
        %dma_wait3A_174 = arith.constant 0 : i32
        %dma_wait3A_175 = tpu.memref_slice %arg3[%dma_wait3A_174, %mul3A_172] : memref<64x20000xi32, #tpu.memory_space<hbm>> -> memref<64x16xi32, #tpu.memory_space<hbm>>
        tpu.wait_dma2 semaphore(%arg19 : memref<!tpu.dma_semaphore, #tpu.memory_space<semaphore_mem>>) src(%dma_wait3A_175 : memref<64x16xi32, #tpu.memory_space<hbm>>) dst(%arg13 : memref<64x16xi32, #tpu.memory_space<vmem>>)
        %scan3A_176 = arith.constant 1 : i32
        %scan3A_177 = arith.constant 0 : i32
        %scan3A_178 = arith.constant 0 : i32
        %scan3A_179 = arith.constant 8 : i32
        %scan3A_180 = arith.addi %scan3A_178, %scan3A_179 : i32
        %scan3A_181 = arith.constant 1 : i32
        %scan3A_182 = scf.for %scan3A_205 = %scan3A_178 to %scan3A_180 step %scan3A_181 iter_args(%scan3A_206 = %scan3A_177) -> (i32)  : i32 {
          %mul3A_207 = arith.constant 8 : i32
          %mul3A_208 = arith.muli %scan3A_205, %mul3A_207 : i32
          %add3A_209 = arith.constant 0 : i32
          %add3A_210 = arith.addi %mul3A_208, %add3A_209 : i32
          %get3A = arith.index_cast %add3A_210 : i32 to index
          %get3A_211 = arith.constant 0 : index
          %get3A_212 = tpu.vector_load %arg13[%get3A, %get3A_211] {strides = array<i32>} : memref<64x16xi32, #tpu.memory_space<vmem>>, vector<16xi32>,
          %broadcast_in_dim3A_213 = vector.broadcast %add3A_210 : i32 to vector<16xi32>
          %shift_right_logical3A = arith.constant 1 : i32
          %shift_right_logical3A_214 = vector.broadcast %shift_right_logical3A : i32 to vector<16xi32>
          %shift_right_logical3A_215 = arith.shrui %get3A_212, %shift_right_logical3A_214 : vector<16xi32>
          %and3A = arith.constant 1 : i32
          %and3A_216 = vector.broadcast %and3A : i32 to vector<16xi32>
          %and3A_217 = arith.andi %get3A_212, %and3A_216 : vector<16xi32>
          %gt3A = arith.constant 0 : i32
          %gt3A_218 = vector.broadcast %gt3A : i32 to vector<16xi32>
          %gt3A_219 = arith.cmpi sgt, %and3A_217, %gt3A_218 : vector<16xi32>
          %gather3A = tpu.vector_load_idx %arg11[%broadcast_in_dim3A_213, %shift_right_logical3A_215] : memref<64x272xi32, #tpu.memory_space<vmem>>[vector<16xi32>, vector<16xi32>], vector<16xi32>,
          %add3A_220 = arith.constant 1 : i32
          %add3A_221 = vector.broadcast %add3A_220 : i32 to vector<16xi32>
          %add3A_222 = arith.addi %shift_right_logical3A_215, %add3A_221 : vector<16xi32>
          %gather3A_223 = tpu.vector_load_idx %arg11[%broadcast_in_dim3A_213, %add3A_222] : memref<64x272xi32, #tpu.memory_space<vmem>>[vector<16xi32>, vector<16xi32>], vector<16xi32>,
          %and3A_224 = arith.constant 65535 : i32
          %and3A_225 = vector.broadcast %and3A_224 : i32 to vector<16xi32>
          %and3A_226 = arith.andi %gather3A, %and3A_225 : vector<16xi32>
          %shift_right_logical3A_227 = arith.constant 16 : i32
          %shift_right_logical3A_228 = vector.broadcast %shift_right_logical3A_227 : i32 to vector<16xi32>
          %shift_right_logical3A_229 = arith.shrui %gather3A, %shift_right_logical3A_228 : vector<16xi32>
          %and3A_230 = arith.constant 65535 : i32
          %and3A_231 = vector.broadcast %and3A_230 : i32 to vector<16xi32>
          %and3A_232 = arith.andi %gather3A_223, %and3A_231 : vector<16xi32>
          %select_n3A_233 = arith.select %gt3A_219, %shift_right_logical3A_229, %and3A_226 : vector<16xi1>, vector<16xi32>
          %select_n3A_234 = arith.select %gt3A_219, %and3A_232, %shift_right_logical3A_229 : vector<16xi1>, vector<16xi32>
          %sub3A = arith.subi %select_n3A_234, %select_n3A_233 : vector<16xi32>
          %mul3A_235 = arith.constant 8 : i32
          %mul3A_236 = arith.muli %scan3A_205, %mul3A_235 : i32
          %add3A_237 = arith.constant 1 : i32
          %add3A_238 = arith.addi %mul3A_236, %add3A_237 : i32
          %get3A_239 = arith.index_cast %add3A_238 : i32 to index
          %get3A_240 = arith.constant 0 : index
          %get3A_241 = tpu.vector_load %arg13[%get3A_239, %get3A_240] {strides = array<i32>} : memref<64x16xi32, #tpu.memory_space<vmem>>, vector<16xi32>,
          %broadcast_in_dim3A_242 = vector.broadcast %add3A_238 : i32 to vector<16xi32>
          %shift_right_logical3A_243 = arith.constant 1 : i32
          %shift_right_logical3A_244 = vector.broadcast %shift_right_logical3A_243 : i32 to vector<16xi32>
          %shift_right_logical3A_245 = arith.shrui %get3A_241, %shift_right_logical3A_244 : vector<16xi32>
          %and3A_246 = arith.constant 1 : i32
          %and3A_247 = vector.broadcast %and3A_246 : i32 to vector<16xi32>
          %and3A_248 = arith.andi %get3A_241, %and3A_247 : vector<16xi32>
          %gt3A_249 = arith.constant 0 : i32
          %gt3A_250 = vector.broadcast %gt3A_249 : i32 to vector<16xi32>
          %gt3A_251 = arith.cmpi sgt, %and3A_248, %gt3A_250 : vector<16xi32>
          %gather3A_252 = tpu.vector_load_idx %arg11[%broadcast_in_dim3A_242, %shift_right_logical3A_245] : memref<64x272xi32, #tpu.memory_space<vmem>>[vector<16xi32>, vector<16xi32>], vector<16xi32>,
          %add3A_253 = arith.constant 1 : i32
          %add3A_254 = vector.broadcast %add3A_253 : i32 to vector<16xi32>
          %add3A_255 = arith.addi %shift_right_logical3A_245, %add3A_254 : vector<16xi32>
          %gather3A_256 = tpu.vector_load_idx %arg11[%broadcast_in_dim3A_242, %add3A_255] : memref<64x272xi32, #tpu.memory_space<vmem>>[vector<16xi32>, vector<16xi32>], vector<16xi32>,
          %and3A_257 = arith.constant 65535 : i32
          %and3A_258 = vector.broadcast %and3A_257 : i32 to vector<16xi32>
          %and3A_259 = arith.andi %gather3A_252, %and3A_258 : vector<16xi32>
          %shift_right_logical3A_260 = arith.constant 16 : i32
          %shift_right_logical3A_261 = vector.broadcast %shift_right_logical3A_260 : i32 to vector<16xi32>
          %shift_right_logical3A_262 = arith.shrui %gather3A_252, %shift_right_logical3A_261 : vector<16xi32>
          %and3A_263 = arith.constant 65535 : i32
          %and3A_264 = vector.broadcast %and3A_263 : i32 to vector<16xi32>
          %and3A_265 = arith.andi %gather3A_256, %and3A_264 : vector<16xi32>
          %select_n3A_266 = arith.select %gt3A_251, %shift_right_logical3A_262, %and3A_259 : vector<16xi1>, vector<16xi32>
          %select_n3A_267 = arith.select %gt3A_251, %and3A_265, %shift_right_logical3A_262 : vector<16xi1>, vector<16xi32>
          %sub3A_268 = arith.subi %select_n3A_267, %select_n3A_266 : vector<16xi32>
          %mul3A_269 = arith.constant 8 : i32
          %mul3A_270 = arith.muli %scan3A_205, %mul3A_269 : i32
          %add3A_271 = arith.constant 2 : i32
          %add3A_272 = arith.addi %mul3A_270, %add3A_271 : i32
          %get3A_273 = arith.index_cast %add3A_272 : i32 to index
          %get3A_274 = arith.constant 0 : index
          %get3A_275 = tpu.vector_load %arg13[%get3A_273, %get3A_274] {strides = array<i32>} : memref<64x16xi32, #tpu.memory_space<vmem>>, vector<16xi32>,
          %broadcast_in_dim3A_276 = vector.broadcast %add3A_272 : i32 to vector<16xi32>
          %shift_right_logical3A_277 = arith.constant 1 : i32
          %shift_right_logical3A_278 = vector.broadcast %shift_right_logical3A_277 : i32 to vector<16xi32>
          %shift_right_logical3A_279 = arith.shrui %get3A_275, %shift_right_logical3A_278 : vector<16xi32>
          %and3A_280 = arith.constant 1 : i32
          %and3A_281 = vector.broadcast %and3A_280 : i32 to vector<16xi32>
          %and3A_282 = arith.andi %get3A_275, %and3A_281 : vector<16xi32>
          %gt3A_283 = arith.constant 0 : i32
          %gt3A_284 = vector.broadcast %gt3A_283 : i32 to vector<16xi32>
          %gt3A_285 = arith.cmpi sgt, %and3A_282, %gt3A_284 : vector<16xi32>
          %gather3A_286 = tpu.vector_load_idx %arg11[%broadcast_in_dim3A_276, %shift_right_logical3A_279] : memref<64x272xi32, #tpu.memory_space<vmem>>[vector<16xi32>, vector<16xi32>], vector<16xi32>,
          %add3A_287 = arith.constant 1 : i32
          %add3A_288 = vector.broadcast %add3A_287 : i32 to vector<16xi32>
          %add3A_289 = arith.addi %shift_right_logical3A_279, %add3A_288 : vector<16xi32>
          %gather3A_290 = tpu.vector_load_idx %arg11[%broadcast_in_dim3A_276, %add3A_289] : memref<64x272xi32, #tpu.memory_space<vmem>>[vector<16xi32>, vector<16xi32>], vector<16xi32>,
          %and3A_291 = arith.constant 65535 : i32
          %and3A_292 = vector.broadcast %and3A_291 : i32 to vector<16xi32>
          %and3A_293 = arith.andi %gather3A_286, %and3A_292 : vector<16xi32>
          %shift_right_logical3A_294 = arith.constant 16 : i32
          %shift_right_logical3A_295 = vector.broadcast %shift_right_logical3A_294 : i32 to vector<16xi32>
          %shift_right_logical3A_296 = arith.shrui %gather3A_286, %shift_right_logical3A_295 : vector<16xi32>
          %and3A_297 = arith.constant 65535 : i32
          %and3A_298 = vector.broadcast %and3A_297 : i32 to vector<16xi32>
          %and3A_299 = arith.andi %gather3A_290, %and3A_298 : vector<16xi32>
          %select_n3A_300 = arith.select %gt3A_285, %shift_right_logical3A_296, %and3A_293 : vector<16xi1>, vector<16xi32>
          %select_n3A_301 = arith.select %gt3A_285, %and3A_299, %shift_right_logical3A_296 : vector<16xi1>, vector<16xi32>
          %sub3A_302 = arith.subi %select_n3A_301, %select_n3A_300 : vector<16xi32>
          %mul3A_303 = arith.constant 8 : i32
          %mul3A_304 = arith.muli %scan3A_205, %mul3A_303 : i32
          %add3A_305 = arith.constant 3 : i32
          %add3A_306 = arith.addi %mul3A_304, %add3A_305 : i32
          %get3A_307 = arith.index_cast %add3A_306 : i32 to index
          %get3A_308 = arith.constant 0 : index
          %get3A_309 = tpu.vector_load %arg13[%get3A_307, %get3A_308] {strides = array<i32>} : memref<64x16xi32, #tpu.memory_space<vmem>>, vector<16xi32>,
          %broadcast_in_dim3A_310 = vector.broadcast %add3A_306 : i32 to vector<16xi32>
          %shift_right_logical3A_311 = arith.constant 1 : i32
          %shift_right_logical3A_312 = vector.broadcast %shift_right_logical3A_311 : i32 to vector<16xi32>
          %shift_right_logical3A_313 = arith.shrui %get3A_309, %shift_right_logical3A_312 : vector<16xi32>
          %and3A_314 = arith.constant 1 : i32
          %and3A_315 = vector.broadcast %and3A_314 : i32 to vector<16xi32>
          %and3A_316 = arith.andi %get3A_309, %and3A_315 : vector<16xi32>
          %gt3A_317 = arith.constant 0 : i32
          %gt3A_318 = vector.broadcast %gt3A_317 : i32 to vector<16xi32>
          %gt3A_319 = arith.cmpi sgt, %and3A_316, %gt3A_318 : vector<16xi32>
          %gather3A_320 = tpu.vector_load_idx %arg11[%broadcast_in_dim3A_310, %shift_right_logical3A_313] : memref<64x272xi32, #tpu.memory_space<vmem>>[vector<16xi32>, vector<16xi32>], vector<16xi32>,
          %add3A_321 = arith.constant 1 : i32
          %add3A_322 = vector.broadcast %add3A_321 : i32 to vector<16xi32>
          %add3A_323 = arith.addi %shift_right_logical3A_313, %add3A_322 : vector<16xi32>
          %gather3A_324 = tpu.vector_load_idx %arg11[%broadcast_in_dim3A_310, %add3A_323] : memref<64x272xi32, #tpu.memory_space<vmem>>[vector<16xi32>, vector<16xi32>], vector<16xi32>,
          %and3A_325 = arith.constant 65535 : i32
          %and3A_326 = vector.broadcast %and3A_325 : i32 to vector<16xi32>
          %and3A_327 = arith.andi %gather3A_320, %and3A_326 : vector<16xi32>
          %shift_right_logical3A_328 = arith.constant 16 : i32
          %shift_right_logical3A_329 = vector.broadcast %shift_right_logical3A_328 : i32 to vector<16xi32>
          %shift_right_logical3A_330 = arith.shrui %gather3A_320, %shift_right_logical3A_329 : vector<16xi32>
          %and3A_331 = arith.constant 65535 : i32
          %and3A_332 = vector.broadcast %and3A_331 : i32 to vector<16xi32>
          %and3A_333 = arith.andi %gather3A_324, %and3A_332 : vector<16xi32>
          %select_n3A_334 = arith.select %gt3A_319, %shift_right_logical3A_330, %and3A_327 : vector<16xi1>, vector<16xi32>
          %select_n3A_335 = arith.select %gt3A_319, %and3A_333, %shift_right_logical3A_330 : vector<16xi1>, vector<16xi32>
          %sub3A_336 = arith.subi %select_n3A_335, %select_n3A_334 : vector<16xi32>
          %mul3A_337 = arith.constant 8 : i32
          %mul3A_338 = arith.muli %scan3A_205, %mul3A_337 : i32
          %add3A_339 = arith.constant 4 : i32
          %add3A_340 = arith.addi %mul3A_338, %add3A_339 : i32
          %get3A_341 = arith.index_cast %add3A_340 : i32 to index
          %get3A_342 = arith.constant 0 : index
          %get3A_343 = tpu.vector_load %arg13[%get3A_341, %get3A_342] {strides = array<i32>} : memref<64x16xi32, #tpu.memory_space<vmem>>, vector<16xi32>,
          %broadcast_in_dim3A_344 = vector.broadcast %add3A_340 : i32 to vector<16xi32>
          %shift_right_logical3A_345 = arith.constant 1 : i32
          %shift_right_logical3A_346 = vector.broadcast %shift_right_logical3A_345 : i32 to vector<16xi32>
          %shift_right_logical3A_347 = arith.shrui %get3A_343, %shift_right_logical3A_346 : vector<16xi32>
          %and3A_348 = arith.constant 1 : i32
          %and3A_349 = vector.broadcast %and3A_348 : i32 to vector<16xi32>
          %and3A_350 = arith.andi %get3A_343, %and3A_349 : vector<16xi32>
          %gt3A_351 = arith.constant 0 : i32
          %gt3A_352 = vector.broadcast %gt3A_351 : i32 to vector<16xi32>
          %gt3A_353 = arith.cmpi sgt, %and3A_350, %gt3A_352 : vector<16xi32>
          %gather3A_354 = tpu.vector_load_idx %arg11[%broadcast_in_dim3A_344, %shift_right_logical3A_347] : memref<64x272xi32, #tpu.memory_space<vmem>>[vector<16xi32>, vector<16xi32>], vector<16xi32>,
          %add3A_355 = arith.constant 1 : i32
          %add3A_356 = vector.broadcast %add3A_355 : i32 to vector<16xi32>
          %add3A_357 = arith.addi %shift_right_logical3A_347, %add3A_356 : vector<16xi32>
          %gather3A_358 = tpu.vector_load_idx %arg11[%broadcast_in_dim3A_344, %add3A_357] : memref<64x272xi32, #tpu.memory_space<vmem>>[vector<16xi32>, vector<16xi32>], vector<16xi32>,
          %and3A_359 = arith.constant 65535 : i32
          %and3A_360 = vector.broadcast %and3A_359 : i32 to vector<16xi32>
          %and3A_361 = arith.andi %gather3A_354, %and3A_360 : vector<16xi32>
          %shift_right_logical3A_362 = arith.constant 16 : i32
          %shift_right_logical3A_363 = vector.broadcast %shift_right_logical3A_362 : i32 to vector<16xi32>
          %shift_right_logical3A_364 = arith.shrui %gather3A_354, %shift_right_logical3A_363 : vector<16xi32>
          %and3A_365 = arith.constant 65535 : i32
          %and3A_366 = vector.broadcast %and3A_365 : i32 to vector<16xi32>
          %and3A_367 = arith.andi %gather3A_358, %and3A_366 : vector<16xi32>
          %select_n3A_368 = arith.select %gt3A_353, %shift_right_logical3A_364, %and3A_361 : vector<16xi1>, vector<16xi32>
          %select_n3A_369 = arith.select %gt3A_353, %and3A_367, %shift_right_logical3A_364 : vector<16xi1>, vector<16xi32>
          %sub3A_370 = arith.subi %select_n3A_369, %select_n3A_368 : vector<16xi32>
          %mul3A_371 = arith.constant 8 : i32
          %mul3A_372 = arith.muli %scan3A_205, %mul3A_371 : i32
          %add3A_373 = arith.constant 5 : i32
          %add3A_374 = arith.addi %mul3A_372, %add3A_373 : i32
          %get3A_375 = arith.index_cast %add3A_374 : i32 to index
          %get3A_376 = arith.constant 0 : index
          %get3A_377 = tpu.vector_load %arg13[%get3A_375, %get3A_376] {strides = array<i32>} : memref<64x16xi32, #tpu.memory_space<vmem>>, vector<16xi32>,
          %broadcast_in_dim3A_378 = vector.broadcast %add3A_374 : i32 to vector<16xi32>
          %shift_right_logical3A_379 = arith.constant 1 : i32
          %shift_right_logical3A_380 = vector.broadcast %shift_right_logical3A_379 : i32 to vector<16xi32>
          %shift_right_logical3A_381 = arith.shrui %get3A_377, %shift_right_logical3A_380 : vector<16xi32>
          %and3A_382 = arith.constant 1 : i32
          %and3A_383 = vector.broadcast %and3A_382 : i32 to vector<16xi32>
          %and3A_384 = arith.andi %get3A_377, %and3A_383 : vector<16xi32>
          %gt3A_385 = arith.constant 0 : i32
          %gt3A_386 = vector.broadcast %gt3A_385 : i32 to vector<16xi32>
          %gt3A_387 = arith.cmpi sgt, %and3A_384, %gt3A_386 : vector<16xi32>
          %gather3A_388 = tpu.vector_load_idx %arg11[%broadcast_in_dim3A_378, %shift_right_logical3A_381] : memref<64x272xi32, #tpu.memory_space<vmem>>[vector<16xi32>, vector<16xi32>], vector<16xi32>,
          %add3A_389 = arith.constant 1 : i32
          %add3A_390 = vector.broadcast %add3A_389 : i32 to vector<16xi32>
          %add3A_391 = arith.addi %shift_right_logical3A_381, %add3A_390 : vector<16xi32>
          %gather3A_392 = tpu.vector_load_idx %arg11[%broadcast_in_dim3A_378, %add3A_391] : memref<64x272xi32, #tpu.memory_space<vmem>>[vector<16xi32>, vector<16xi32>], vector<16xi32>,
          %and3A_393 = arith.constant 65535 : i32
          %and3A_394 = vector.broadcast %and3A_393 : i32 to vector<16xi32>
          %and3A_395 = arith.andi %gather3A_388, %and3A_394 : vector<16xi32>
          %shift_right_logical3A_396 = arith.constant 16 : i32
          %shift_right_logical3A_397 = vector.broadcast %shift_right_logical3A_396 : i32 to vector<16xi32>
          %shift_right_logical3A_398 = arith.shrui %gather3A_388, %shift_right_logical3A_397 : vector<16xi32>
          %and3A_399 = arith.constant 65535 : i32
          %and3A_400 = vector.broadcast %and3A_399 : i32 to vector<16xi32>
          %and3A_401 = arith.andi %gather3A_392, %and3A_400 : vector<16xi32>
          %select_n3A_402 = arith.select %gt3A_387, %shift_right_logical3A_398, %and3A_395 : vector<16xi1>, vector<16xi32>
          %select_n3A_403 = arith.select %gt3A_387, %and3A_401, %shift_right_logical3A_398 : vector<16xi1>, vector<16xi32>
          %sub3A_404 = arith.subi %select_n3A_403, %select_n3A_402 : vector<16xi32>
          %mul3A_405 = arith.constant 8 : i32
          %mul3A_406 = arith.muli %scan3A_205, %mul3A_405 : i32
          %add3A_407 = arith.constant 6 : i32
          %add3A_408 = arith.addi %mul3A_406, %add3A_407 : i32
          %get3A_409 = arith.index_cast %add3A_408 : i32 to index
          %get3A_410 = arith.constant 0 : index
          %get3A_411 = tpu.vector_load %arg13[%get3A_409, %get3A_410] {strides = array<i32>} : memref<64x16xi32, #tpu.memory_space<vmem>>, vector<16xi32>,
          %broadcast_in_dim3A_412 = vector.broadcast %add3A_408 : i32 to vector<16xi32>
          %shift_right_logical3A_413 = arith.constant 1 : i32
          %shift_right_logical3A_414 = vector.broadcast %shift_right_logical3A_413 : i32 to vector<16xi32>
          %shift_right_logical3A_415 = arith.shrui %get3A_411, %shift_right_logical3A_414 : vector<16xi32>
          %and3A_416 = arith.constant 1 : i32
          %and3A_417 = vector.broadcast %and3A_416 : i32 to vector<16xi32>
          %and3A_418 = arith.andi %get3A_411, %and3A_417 : vector<16xi32>
          %gt3A_419 = arith.constant 0 : i32
          %gt3A_420 = vector.broadcast %gt3A_419 : i32 to vector<16xi32>
          %gt3A_421 = arith.cmpi sgt, %and3A_418, %gt3A_420 : vector<16xi32>
          %gather3A_422 = tpu.vector_load_idx %arg11[%broadcast_in_dim3A_412, %shift_right_logical3A_415] : memref<64x272xi32, #tpu.memory_space<vmem>>[vector<16xi32>, vector<16xi32>], vector<16xi32>,
          %add3A_423 = arith.constant 1 : i32
          %add3A_424 = vector.broadcast %add3A_423 : i32 to vector<16xi32>
          %add3A_425 = arith.addi %shift_right_logical3A_415, %add3A_424 : vector<16xi32>
          %gather3A_426 = tpu.vector_load_idx %arg11[%broadcast_in_dim3A_412, %add3A_425] : memref<64x272xi32, #tpu.memory_space<vmem>>[vector<16xi32>, vector<16xi32>], vector<16xi32>,
          %and3A_427 = arith.constant 65535 : i32
          %and3A_428 = vector.broadcast %and3A_427 : i32 to vector<16xi32>
          %and3A_429 = arith.andi %gather3A_422, %and3A_428 : vector<16xi32>
          %shift_right_logical3A_430 = arith.constant 16 : i32
          %shift_right_logical3A_431 = vector.broadcast %shift_right_logical3A_430 : i32 to vector<16xi32>
          %shift_right_logical3A_432 = arith.shrui %gather3A_422, %shift_right_logical3A_431 : vector<16xi32>
          %and3A_433 = arith.constant 65535 : i32
          %and3A_434 = vector.broadcast %and3A_433 : i32 to vector<16xi32>
          %and3A_435 = arith.andi %gather3A_426, %and3A_434 : vector<16xi32>
          %select_n3A_436 = arith.select %gt3A_421, %shift_right_logical3A_432, %and3A_429 : vector<16xi1>, vector<16xi32>
          %select_n3A_437 = arith.select %gt3A_421, %and3A_435, %shift_right_logical3A_432 : vector<16xi1>, vector<16xi32>
          %sub3A_438 = arith.subi %select_n3A_437, %select_n3A_436 : vector<16xi32>
          %mul3A_439 = arith.constant 8 : i32
          %mul3A_440 = arith.muli %scan3A_205, %mul3A_439 : i32
          %add3A_441 = arith.constant 7 : i32
          %add3A_442 = arith.addi %mul3A_440, %add3A_441 : i32
          %get3A_443 = arith.index_cast %add3A_442 : i32 to index
          %get3A_444 = arith.constant 0 : index
          %get3A_445 = tpu.vector_load %arg13[%get3A_443, %get3A_444] {strides = array<i32>} : memref<64x16xi32, #tpu.memory_space<vmem>>, vector<16xi32>,
          %broadcast_in_dim3A_446 = vector.broadcast %add3A_442 : i32 to vector<16xi32>
          %shift_right_logical3A_447 = arith.constant 1 : i32
          %shift_right_logical3A_448 = vector.broadcast %shift_right_logical3A_447 : i32 to vector<16xi32>
          %shift_right_logical3A_449 = arith.shrui %get3A_445, %shift_right_logical3A_448 : vector<16xi32>
          %and3A_450 = arith.constant 1 : i32
          %and3A_451 = vector.broadcast %and3A_450 : i32 to vector<16xi32>
          %and3A_452 = arith.andi %get3A_445, %and3A_451 : vector<16xi32>
          %gt3A_453 = arith.constant 0 : i32
          %gt3A_454 = vector.broadcast %gt3A_453 : i32 to vector<16xi32>
          %gt3A_455 = arith.cmpi sgt, %and3A_452, %gt3A_454 : vector<16xi32>
          %gather3A_456 = tpu.vector_load_idx %arg11[%broadcast_in_dim3A_446, %shift_right_logical3A_449] : memref<64x272xi32, #tpu.memory_space<vmem>>[vector<16xi32>, vector<16xi32>], vector<16xi32>,
          %add3A_457 = arith.constant 1 : i32
          %add3A_458 = vector.broadcast %add3A_457 : i32 to vector<16xi32>
          %add3A_459 = arith.addi %shift_right_logical3A_449, %add3A_458 : vector<16xi32>
          %gather3A_460 = tpu.vector_load_idx %arg11[%broadcast_in_dim3A_446, %add3A_459] : memref<64x272xi32, #tpu.memory_space<vmem>>[vector<16xi32>, vector<16xi32>], vector<16xi32>,
          %and3A_461 = arith.constant 65535 : i32
          %and3A_462 = vector.broadcast %and3A_461 : i32 to vector<16xi32>
          %and3A_463 = arith.andi %gather3A_456, %and3A_462 : vector<16xi32>
          %shift_right_logical3A_464 = arith.constant 16 : i32
          %shift_right_logical3A_465 = vector.broadcast %shift_right_logical3A_464 : i32 to vector<16xi32>
          %shift_right_logical3A_466 = arith.shrui %gather3A_456, %shift_right_logical3A_465 : vector<16xi32>
          %and3A_467 = arith.constant 65535 : i32
          %and3A_468 = vector.broadcast %and3A_467 : i32 to vector<16xi32>
          %and3A_469 = arith.andi %gather3A_460, %and3A_468 : vector<16xi32>
          %select_n3A_470 = arith.select %gt3A_455, %shift_right_logical3A_466, %and3A_463 : vector<16xi1>, vector<16xi32>
          %select_n3A_471 = arith.select %gt3A_455, %and3A_469, %shift_right_logical3A_466 : vector<16xi1>, vector<16xi32>
          %sub3A_472 = arith.subi %select_n3A_471, %select_n3A_470 : vector<16xi32>
          %max3A = arith.maxsi %sub3A, %sub3A_268 : vector<16xi32>
          %max3A_473 = arith.maxsi %max3A, %sub3A_302 : vector<16xi32>
          %max3A_474 = arith.maxsi %max3A_473, %sub3A_336 : vector<16xi32>
          %max3A_475 = arith.maxsi %max3A_474, %sub3A_370 : vector<16xi32>
          %max3A_476 = arith.maxsi %max3A_475, %sub3A_404 : vector<16xi32>
          %max3A_477 = arith.maxsi %max3A_476, %sub3A_438 : vector<16xi32>
          %max3A_478 = arith.maxsi %max3A_477, %sub3A_472 : vector<16xi32>
          %reduce_max3A = arith.constant true
          %reduce_max3A_479 = vector.broadcast %reduce_max3A : i1 to vector<16xi1>
          %reduce_max3A_480 = arith.constant -2147483648 : i32
          %reduce_max3A_481 = vector.broadcast %reduce_max3A_480 : i32 to vector<16xi32>
          %reduce_max3A_482 = arith.xori %max3A_478, %reduce_max3A_481 : vector<16xi32>
          %reduce_max3A_483 = tpu.scan <max>, %reduce_max3A_482 masked %reduce_max3A_479 : vector<16xi32>, vector<16xi1> -> vector<16xi32>
          %reduce_max3A_484 = arith.xori %reduce_max3A_483, %reduce_max3A_481 : vector<16xi32>
          %reduce_max3A_485 = vector.extract %reduce_max3A_484[15] : i32 from vector<16xi32>
          %add3A_486 = arith.constant 1 : i32
          %add3A_487 = arith.addi %reduce_max3A_485, %add3A_486 : i32
          %jit3A_488 = arith.constant 2 : i32
          %div3A_489 = arith.divsi %add3A_487, %jit3A_488 : i32
          %sign3A = arith.constant 0 : i32
          %sign3A_490 = arith.cmpi sgt, %add3A_487, %sign3A : i32
          %sign3A_491 = arith.extui %sign3A_490 : i1 to i32
          %sign3A_492 = arith.constant 0 : i32
          %sign3A_493 = arith.cmpi slt, %add3A_487, %sign3A_492 : i32
          %sign3A_494 = arith.extui %sign3A_493 : i1 to i32
          %sign3A_495 = arith.subi %sign3A_491, %sign3A_494 : i32
          %sign3A_496 = arith.constant 0 : i32
          %sign3A_497 = arith.cmpi sgt, %jit3A_488, %sign3A_496 : i32
          %sign3A_498 = arith.extui %sign3A_497 : i1 to i32
          %sign3A_499 = arith.constant 0 : i32
          %sign3A_500 = arith.cmpi slt, %jit3A_488, %sign3A_499 : i32
          %sign3A_501 = arith.extui %sign3A_500 : i1 to i32
          %sign3A_502 = arith.subi %sign3A_498, %sign3A_501 : i32
          %ne3A = arith.cmpi ne, %sign3A_495, %sign3A_502 : i32
          %rem3A = arith.remsi %add3A_487, %jit3A_488 : i32
          %ne3A_503 = arith.constant 0 : i32
          %ne3A_504 = arith.cmpi ne, %rem3A, %ne3A_503 : i32
          %and3A_505 = arith.andi %ne3A, %ne3A_504 : i1
          %sub3A_506 = arith.constant 1 : i32
          %sub3A_507 = arith.subi %div3A_489, %sub3A_506 : i32
          %select_n3A_508 = arith.select %and3A_505, %sub3A_507, %div3A_489 : i32
          %while3A = arith.constant 0 : i32
          %while3A_509 = arith.constant 0 : i32
          %while3A_510 = arith.subi %select_n3A_508, %while3A : i32
          %while3A_511 = arith.addi %while3A, %while3A_510 : i32
          %while3A_512 = arith.constant 1 : i32
          %while3A_513 = arith.divsi %while3A_510, %while3A_512 : i32
          %while3A_514 = arith.muli %while3A_513, %while3A_512 : i32
          %while3A_515 = arith.addi %while3A, %while3A_514 : i32
          %while3A_516 = arith.constant 1 : i32
          %while3A_517 = scf.for %while3A_521 = %while3A to %while3A_515 step %while3A_516 iter_args(%while3A_522 = %while3A_509) -> (i32)  : i32 {
            %mul3A_523 = arith.constant 2 : i32
            %mul3A_524 = arith.muli %while3A_521, %mul3A_523 : i32
            %add3A_525 = vector.broadcast %mul3A_524 : i32 to vector<16xi32>
            %add3A_526 = arith.addi %select_n3A_233, %add3A_525 : vector<16xi32>
            %gather3A_527 = tpu.vector_load_idx %arg10[%broadcast_in_dim3A_213, %add3A_526] : memref<64x1024xi32, #tpu.memory_space<vmem>>[vector<16xi32>, vector<16xi32>], vector<16xi32>,
            %gt3A_528 = vector.broadcast %mul3A_524 : i32 to vector<16xi32>
            %gt3A_529 = arith.cmpi sgt, %sub3A, %gt3A_528 : vector<16xi32>
            %add3A_530 = vector.broadcast %mul3A_524 : i32 to vector<16xi32>
            %add3A_531 = arith.addi %select_n3A_233, %add3A_530 : vector<16xi32>
            %add3A_532 = arith.constant 1 : i32
            %add3A_533 = vector.broadcast %add3A_532 : i32 to vector<16xi32>
            %add3A_534 = arith.addi %add3A_531, %add3A_533 : vector<16xi32>
            %gather3A_535 = tpu.vector_load_idx %arg10[%broadcast_in_dim3A_213, %add3A_534] : memref<64x1024xi32, #tpu.memory_space<vmem>>[vector<16xi32>, vector<16xi32>], vector<16xi32>,
            %add3A_536 = arith.constant 1 : i32
            %add3A_537 = arith.addi %mul3A_524, %add3A_536 : i32
            %gt3A_538 = vector.broadcast %add3A_537 : i32 to vector<16xi32>
            %gt3A_539 = arith.cmpi sgt, %sub3A, %gt3A_538 : vector<16xi32>
            %add3A_540 = vector.broadcast %mul3A_524 : i32 to vector<16xi32>
            %add3A_541 = arith.addi %select_n3A_266, %add3A_540 : vector<16xi32>
            %gather3A_542 = tpu.vector_load_idx %arg10[%broadcast_in_dim3A_242, %add3A_541] : memref<64x1024xi32, #tpu.memory_space<vmem>>[vector<16xi32>, vector<16xi32>], vector<16xi32>,
            %gt3A_543 = vector.broadcast %mul3A_524 : i32 to vector<16xi32>
            %gt3A_544 = arith.cmpi sgt, %sub3A_268, %gt3A_543 : vector<16xi32>
            %add3A_545 = vector.broadcast %mul3A_524 : i32 to vector<16xi32>
            %add3A_546 = arith.addi %select_n3A_266, %add3A_545 : vector<16xi32>
            %add3A_547 = arith.constant 1 : i32
            %add3A_548 = vector.broadcast %add3A_547 : i32 to vector<16xi32>
            %add3A_549 = arith.addi %add3A_546, %add3A_548 : vector<16xi32>
            %gather3A_550 = tpu.vector_load_idx %arg10[%broadcast_in_dim3A_242, %add3A_549] : memref<64x1024xi32, #tpu.memory_space<vmem>>[vector<16xi32>, vector<16xi32>], vector<16xi32>,
            %add3A_551 = arith.constant 1 : i32
            %add3A_552 = arith.addi %mul3A_524, %add3A_551 : i32
            %gt3A_553 = vector.broadcast %add3A_552 : i32 to vector<16xi32>
            %gt3A_554 = arith.cmpi sgt, %sub3A_268, %gt3A_553 : vector<16xi32>
            %add3A_555 = vector.broadcast %mul3A_524 : i32 to vector<16xi32>
            %add3A_556 = arith.addi %select_n3A_300, %add3A_555 : vector<16xi32>
            %gather3A_557 = tpu.vector_load_idx %arg10[%broadcast_in_dim3A_276, %add3A_556] : memref<64x1024xi32, #tpu.memory_space<vmem>>[vector<16xi32>, vector<16xi32>], vector<16xi32>,
            %gt3A_558 = vector.broadcast %mul3A_524 : i32 to vector<16xi32>
            %gt3A_559 = arith.cmpi sgt, %sub3A_302, %gt3A_558 : vector<16xi32>
            %add3A_560 = vector.broadcast %mul3A_524 : i32 to vector<16xi32>
            %add3A_561 = arith.addi %select_n3A_300, %add3A_560 : vector<16xi32>
            %add3A_562 = arith.constant 1 : i32
            %add3A_563 = vector.broadcast %add3A_562 : i32 to vector<16xi32>
            %add3A_564 = arith.addi %add3A_561, %add3A_563 : vector<16xi32>
            %gather3A_565 = tpu.vector_load_idx %arg10[%broadcast_in_dim3A_276, %add3A_564] : memref<64x1024xi32, #tpu.memory_space<vmem>>[vector<16xi32>, vector<16xi32>], vector<16xi32>,
            %add3A_566 = arith.constant 1 : i32
            %add3A_567 = arith.addi %mul3A_524, %add3A_566 : i32
            %gt3A_568 = vector.broadcast %add3A_567 : i32 to vector<16xi32>
            %gt3A_569 = arith.cmpi sgt, %sub3A_302, %gt3A_568 : vector<16xi32>
            %add3A_570 = vector.broadcast %mul3A_524 : i32 to vector<16xi32>
            %add3A_571 = arith.addi %select_n3A_334, %add3A_570 : vector<16xi32>
            %gather3A_572 = tpu.vector_load_idx %arg10[%broadcast_in_dim3A_310, %add3A_571] : memref<64x1024xi32, #tpu.memory_space<vmem>>[vector<16xi32>, vector<16xi32>], vector<16xi32>,
            %gt3A_573 = vector.broadcast %mul3A_524 : i32 to vector<16xi32>
            %gt3A_574 = arith.cmpi sgt, %sub3A_336, %gt3A_573 : vector<16xi32>
            %add3A_575 = vector.broadcast %mul3A_524 : i32 to vector<16xi32>
            %add3A_576 = arith.addi %select_n3A_334, %add3A_575 : vector<16xi32>
            %add3A_577 = arith.constant 1 : i32
            %add3A_578 = vector.broadcast %add3A_577 : i32 to vector<16xi32>
            %add3A_579 = arith.addi %add3A_576, %add3A_578 : vector<16xi32>
            %gather3A_580 = tpu.vector_load_idx %arg10[%broadcast_in_dim3A_310, %add3A_579] : memref<64x1024xi32, #tpu.memory_space<vmem>>[vector<16xi32>, vector<16xi32>], vector<16xi32>,
            %add3A_581 = arith.constant 1 : i32
            %add3A_582 = arith.addi %mul3A_524, %add3A_581 : i32
            %gt3A_583 = vector.broadcast %add3A_582 : i32 to vector<16xi32>
            %gt3A_584 = arith.cmpi sgt, %sub3A_336, %gt3A_583 : vector<16xi32>
            %add3A_585 = vector.broadcast %mul3A_524 : i32 to vector<16xi32>
            %add3A_586 = arith.addi %select_n3A_368, %add3A_585 : vector<16xi32>
            %gather3A_587 = tpu.vector_load_idx %arg10[%broadcast_in_dim3A_344, %add3A_586] : memref<64x1024xi32, #tpu.memory_space<vmem>>[vector<16xi32>, vector<16xi32>], vector<16xi32>,
            %gt3A_588 = vector.broadcast %mul3A_524 : i32 to vector<16xi32>
            %gt3A_589 = arith.cmpi sgt, %sub3A_370, %gt3A_588 : vector<16xi32>
            %add3A_590 = vector.broadcast %mul3A_524 : i32 to vector<16xi32>
            %add3A_591 = arith.addi %select_n3A_368, %add3A_590 : vector<16xi32>
            %add3A_592 = arith.constant 1 : i32
            %add3A_593 = vector.broadcast %add3A_592 : i32 to vector<16xi32>
            %add3A_594 = arith.addi %add3A_591, %add3A_593 : vector<16xi32>
            %gather3A_595 = tpu.vector_load_idx %arg10[%broadcast_in_dim3A_344, %add3A_594] : memref<64x1024xi32, #tpu.memory_space<vmem>>[vector<16xi32>, vector<16xi32>], vector<16xi32>,
            %add3A_596 = arith.constant 1 : i32
            %add3A_597 = arith.addi %mul3A_524, %add3A_596 : i32
            %gt3A_598 = vector.broadcast %add3A_597 : i32 to vector<16xi32>
            %gt3A_599 = arith.cmpi sgt, %sub3A_370, %gt3A_598 : vector<16xi32>
            %add3A_600 = vector.broadcast %mul3A_524 : i32 to vector<16xi32>
            %add3A_601 = arith.addi %select_n3A_402, %add3A_600 : vector<16xi32>
            %gather3A_602 = tpu.vector_load_idx %arg10[%broadcast_in_dim3A_378, %add3A_601] : memref<64x1024xi32, #tpu.memory_space<vmem>>[vector<16xi32>, vector<16xi32>], vector<16xi32>,
            %gt3A_603 = vector.broadcast %mul3A_524 : i32 to vector<16xi32>
            %gt3A_604 = arith.cmpi sgt, %sub3A_404, %gt3A_603 : vector<16xi32>
            %add3A_605 = vector.broadcast %mul3A_524 : i32 to vector<16xi32>
            %add3A_606 = arith.addi %select_n3A_402, %add3A_605 : vector<16xi32>
            %add3A_607 = arith.constant 1 : i32
            %add3A_608 = vector.broadcast %add3A_607 : i32 to vector<16xi32>
            %add3A_609 = arith.addi %add3A_606, %add3A_608 : vector<16xi32>
            %gather3A_610 = tpu.vector_load_idx %arg10[%broadcast_in_dim3A_378, %add3A_609] : memref<64x1024xi32, #tpu.memory_space<vmem>>[vector<16xi32>, vector<16xi32>], vector<16xi32>,
            %add3A_611 = arith.constant 1 : i32
            %add3A_612 = arith.addi %mul3A_524, %add3A_611 : i32
            %gt3A_613 = vector.broadcast %add3A_612 : i32 to vector<16xi32>
            %gt3A_614 = arith.cmpi sgt, %sub3A_404, %gt3A_613 : vector<16xi32>
            %add3A_615 = vector.broadcast %mul3A_524 : i32 to vector<16xi32>
            %add3A_616 = arith.addi %select_n3A_436, %add3A_615 : vector<16xi32>
            %gather3A_617 = tpu.vector_load_idx %arg10[%broadcast_in_dim3A_412, %add3A_616] : memref<64x1024xi32, #tpu.memory_space<vmem>>[vector<16xi32>, vector<16xi32>], vector<16xi32>,
            %gt3A_618 = vector.broadcast %mul3A_524 : i32 to vector<16xi32>
            %gt3A_619 = arith.cmpi sgt, %sub3A_438, %gt3A_618 : vector<16xi32>
            %add3A_620 = vector.broadcast %mul3A_524 : i32 to vector<16xi32>
            %add3A_621 = arith.addi %select_n3A_436, %add3A_620 : vector<16xi32>
            %add3A_622 = arith.constant 1 : i32
            %add3A_623 = vector.broadcast %add3A_622 : i32 to vector<16xi32>
            %add3A_624 = arith.addi %add3A_621, %add3A_623 : vector<16xi32>
            %gather3A_625 = tpu.vector_load_idx %arg10[%broadcast_in_dim3A_412, %add3A_624] : memref<64x1024xi32, #tpu.memory_space<vmem>>[vector<16xi32>, vector<16xi32>], vector<16xi32>,
            %add3A_626 = arith.constant 1 : i32
            %add3A_627 = arith.addi %mul3A_524, %add3A_626 : i32
            %gt3A_628 = vector.broadcast %add3A_627 : i32 to vector<16xi32>
            %gt3A_629 = arith.cmpi sgt, %sub3A_438, %gt3A_628 : vector<16xi32>
            %add3A_630 = vector.broadcast %mul3A_524 : i32 to vector<16xi32>
            %add3A_631 = arith.addi %select_n3A_470, %add3A_630 : vector<16xi32>
            %gather3A_632 = tpu.vector_load_idx %arg10[%broadcast_in_dim3A_446, %add3A_631] : memref<64x1024xi32, #tpu.memory_space<vmem>>[vector<16xi32>, vector<16xi32>], vector<16xi32>,
            %gt3A_633 = vector.broadcast %mul3A_524 : i32 to vector<16xi32>
            %gt3A_634 = arith.cmpi sgt, %sub3A_472, %gt3A_633 : vector<16xi32>
            %add3A_635 = vector.broadcast %mul3A_524 : i32 to vector<16xi32>
            %add3A_636 = arith.addi %select_n3A_470, %add3A_635 : vector<16xi32>
            %add3A_637 = arith.constant 1 : i32
            %add3A_638 = vector.broadcast %add3A_637 : i32 to vector<16xi32>
            %add3A_639 = arith.addi %add3A_636, %add3A_638 : vector<16xi32>
            %gather3A_640 = tpu.vector_load_idx %arg10[%broadcast_in_dim3A_446, %add3A_639] : memref<64x1024xi32, #tpu.memory_space<vmem>>[vector<16xi32>, vector<16xi32>], vector<16xi32>,
            %add3A_641 = arith.constant 1 : i32
            %add3A_642 = arith.addi %mul3A_524, %add3A_641 : i32
            %gt3A_643 = vector.broadcast %add3A_642 : i32 to vector<16xi32>
            %gt3A_644 = arith.cmpi sgt, %sub3A_472, %gt3A_643 : vector<16xi32>
            %and3A_645 = arith.constant 65535 : i32
            %and3A_646 = vector.broadcast %and3A_645 : i32 to vector<16xi32>
            %and3A_647 = arith.andi %gather3A_527, %and3A_646 : vector<16xi32>
            %and3A_648 = arith.constant -65536 : i32
            %and3A_649 = vector.broadcast %and3A_648 : i32 to vector<16xi32>
            %and3A_650 = arith.andi %gather3A_527, %and3A_649 : vector<16xi32>
            %bitcast3A = vector.bitcast %and3A_650 : vector<16xi32> to vector<16xf32>
            %scatter3A = arith.constant 0 : i32
            %scatter3A_651 = arith.constant 0 : i32
            %scatter3A_652 = tpu.memref_slice %arg12[%scan3A_176, %scatter3A, %scatter3A_651] : memref<2x1024x16xf32, #tpu.memory_space<vmem>> -> memref<1x1024x16xf32, #tpu.memory_space<vmem>>
            %scatter3A_653 = tpu.memref_squeeze %scatter3A_652 : memref<1x1024x16xf32, #tpu.memory_space<vmem>> -> memref<1024x16xf32, #tpu.memory_space<vmem>>
            tpu.vector_store_idx %scatter3A_653[%and3A_647, %iota3A], %bitcast3A masked %gt3A_529 {add = true} : memref<1024x16xf32, #tpu.memory_space<vmem>>[vector<16xi32>, vector<16xi32>], vector<16xf32>, vector<16xi1>
            %and3A_654 = arith.constant 65535 : i32
            %and3A_655 = vector.broadcast %and3A_654 : i32 to vector<16xi32>
            %and3A_656 = arith.andi %gather3A_535, %and3A_655 : vector<16xi32>
            %and3A_657 = arith.constant -65536 : i32
            %and3A_658 = vector.broadcast %and3A_657 : i32 to vector<16xi32>
            %and3A_659 = arith.andi %gather3A_535, %and3A_658 : vector<16xi32>
            %bitcast3A_660 = vector.bitcast %and3A_659 : vector<16xi32> to vector<16xf32>
            %scatter3A_661 = arith.constant 0 : i32
            %scatter3A_662 = arith.constant 0 : i32
            %scatter3A_663 = tpu.memref_slice %arg12[%scan3A_176, %scatter3A_661, %scatter3A_662] : memref<2x1024x16xf32, #tpu.memory_space<vmem>> -> memref<1x1024x16xf32, #tpu.memory_space<vmem>>
            %scatter3A_664 = tpu.memref_squeeze %scatter3A_663 : memref<1x1024x16xf32, #tpu.memory_space<vmem>> -> memref<1024x16xf32, #tpu.memory_space<vmem>>
            tpu.vector_store_idx %scatter3A_664[%and3A_656, %iota3A], %bitcast3A_660 masked %gt3A_539 {add = true} : memref<1024x16xf32, #tpu.memory_space<vmem>>[vector<16xi32>, vector<16xi32>], vector<16xf32>, vector<16xi1>
            %and3A_665 = arith.constant 65535 : i32
            %and3A_666 = vector.broadcast %and3A_665 : i32 to vector<16xi32>
            %and3A_667 = arith.andi %gather3A_542, %and3A_666 : vector<16xi32>
            %and3A_668 = arith.constant -65536 : i32
            %and3A_669 = vector.broadcast %and3A_668 : i32 to vector<16xi32>
            %and3A_670 = arith.andi %gather3A_542, %and3A_669 : vector<16xi32>
            %bitcast3A_671 = vector.bitcast %and3A_670 : vector<16xi32> to vector<16xf32>
            %scatter3A_672 = arith.constant 0 : i32
            %scatter3A_673 = arith.constant 0 : i32
            %scatter3A_674 = tpu.memref_slice %arg12[%scan3A_176, %scatter3A_672, %scatter3A_673] : memref<2x1024x16xf32, #tpu.memory_space<vmem>> -> memref<1x1024x16xf32, #tpu.memory_space<vmem>>
            %scatter3A_675 = tpu.memref_squeeze %scatter3A_674 : memref<1x1024x16xf32, #tpu.memory_space<vmem>> -> memref<1024x16xf32, #tpu.memory_space<vmem>>
            tpu.vector_store_idx %scatter3A_675[%and3A_667, %iota3A], %bitcast3A_671 masked %gt3A_544 {add = true} : memref<1024x16xf32, #tpu.memory_space<vmem>>[vector<16xi32>, vector<16xi32>], vector<16xf32>, vector<16xi1>
            %and3A_676 = arith.constant 65535 : i32
            %and3A_677 = vector.broadcast %and3A_676 : i32 to vector<16xi32>
            %and3A_678 = arith.andi %gather3A_550, %and3A_677 : vector<16xi32>
            %and3A_679 = arith.constant -65536 : i32
            %and3A_680 = vector.broadcast %and3A_679 : i32 to vector<16xi32>
            %and3A_681 = arith.andi %gather3A_550, %and3A_680 : vector<16xi32>
            %bitcast3A_682 = vector.bitcast %and3A_681 : vector<16xi32> to vector<16xf32>
            %scatter3A_683 = arith.constant 0 : i32
            %scatter3A_684 = arith.constant 0 : i32
            %scatter3A_685 = tpu.memref_slice %arg12[%scan3A_176, %scatter3A_683, %scatter3A_684] : memref<2x1024x16xf32, #tpu.memory_space<vmem>> -> memref<1x1024x16xf32, #tpu.memory_space<vmem>>
            %scatter3A_686 = tpu.memref_squeeze %scatter3A_685 : memref<1x1024x16xf32, #tpu.memory_space<vmem>> -> memref<1024x16xf32, #tpu.memory_space<vmem>>
            tpu.vector_store_idx %scatter3A_686[%and3A_678, %iota3A], %bitcast3A_682 masked %gt3A_554 {add = true} : memref<1024x16xf32, #tpu.memory_space<vmem>>[vector<16xi32>, vector<16xi32>], vector<16xf32>, vector<16xi1>
            %and3A_687 = arith.constant 65535 : i32
            %and3A_688 = vector.broadcast %and3A_687 : i32 to vector<16xi32>
            %and3A_689 = arith.andi %gather3A_557, %and3A_688 : vector<16xi32>
            %and3A_690 = arith.constant -65536 : i32
            %and3A_691 = vector.broadcast %and3A_690 : i32 to vector<16xi32>
            %and3A_692 = arith.andi %gather3A_557, %and3A_691 : vector<16xi32>
            %bitcast3A_693 = vector.bitcast %and3A_692 : vector<16xi32> to vector<16xf32>
            %scatter3A_694 = arith.constant 0 : i32
            %scatter3A_695 = arith.constant 0 : i32
            %scatter3A_696 = tpu.memref_slice %arg12[%scan3A_176, %scatter3A_694, %scatter3A_695] : memref<2x1024x16xf32, #tpu.memory_space<vmem>> -> memref<1x1024x16xf32, #tpu.memory_space<vmem>>
            %scatter3A_697 = tpu.memref_squeeze %scatter3A_696 : memref<1x1024x16xf32, #tpu.memory_space<vmem>> -> memref<1024x16xf32, #tpu.memory_space<vmem>>
            tpu.vector_store_idx %scatter3A_697[%and3A_689, %iota3A], %bitcast3A_693 masked %gt3A_559 {add = true} : memref<1024x16xf32, #tpu.memory_space<vmem>>[vector<16xi32>, vector<16xi32>], vector<16xf32>, vector<16xi1>
            %and3A_698 = arith.constant 65535 : i32
            %and3A_699 = vector.broadcast %and3A_698 : i32 to vector<16xi32>
            %and3A_700 = arith.andi %gather3A_565, %and3A_699 : vector<16xi32>
            %and3A_701 = arith.constant -65536 : i32
            %and3A_702 = vector.broadcast %and3A_701 : i32 to vector<16xi32>
            %and3A_703 = arith.andi %gather3A_565, %and3A_702 : vector<16xi32>
            %bitcast3A_704 = vector.bitcast %and3A_703 : vector<16xi32> to vector<16xf32>
            %scatter3A_705 = arith.constant 0 : i32
            %scatter3A_706 = arith.constant 0 : i32
            %scatter3A_707 = tpu.memref_slice %arg12[%scan3A_176, %scatter3A_705, %scatter3A_706] : memref<2x1024x16xf32, #tpu.memory_space<vmem>> -> memref<1x1024x16xf32, #tpu.memory_space<vmem>>
            %scatter3A_708 = tpu.memref_squeeze %scatter3A_707 : memref<1x1024x16xf32, #tpu.memory_space<vmem>> -> memref<1024x16xf32, #tpu.memory_space<vmem>>
            tpu.vector_store_idx %scatter3A_708[%and3A_700, %iota3A], %bitcast3A_704 masked %gt3A_569 {add = true} : memref<1024x16xf32, #tpu.memory_space<vmem>>[vector<16xi32>, vector<16xi32>], vector<16xf32>, vector<16xi1>
            %and3A_709 = arith.constant 65535 : i32
            %and3A_710 = vector.broadcast %and3A_709 : i32 to vector<16xi32>
            %and3A_711 = arith.andi %gather3A_572, %and3A_710 : vector<16xi32>
            %and3A_712 = arith.constant -65536 : i32
            %and3A_713 = vector.broadcast %and3A_712 : i32 to vector<16xi32>
            %and3A_714 = arith.andi %gather3A_572, %and3A_713 : vector<16xi32>
            %bitcast3A_715 = vector.bitcast %and3A_714 : vector<16xi32> to vector<16xf32>
            %scatter3A_716 = arith.constant 0 : i32
            %scatter3A_717 = arith.constant 0 : i32
            %scatter3A_718 = tpu.memref_slice %arg12[%scan3A_176, %scatter3A_716, %scatter3A_717] : memref<2x1024x16xf32, #tpu.memory_space<vmem>> -> memref<1x1024x16xf32, #tpu.memory_space<vmem>>
            %scatter3A_719 = tpu.memref_squeeze %scatter3A_718 : memref<1x1024x16xf32, #tpu.memory_space<vmem>> -> memref<1024x16xf32, #tpu.memory_space<vmem>>
            tpu.vector_store_idx %scatter3A_719[%and3A_711, %iota3A], %bitcast3A_715 masked %gt3A_574 {add = true} : memref<1024x16xf32, #tpu.memory_space<vmem>>[vector<16xi32>, vector<16xi32>], vector<16xf32>, vector<16xi1>
            %and3A_720 = arith.constant 65535 : i32
            %and3A_721 = vector.broadcast %and3A_720 : i32 to vector<16xi32>
            %and3A_722 = arith.andi %gather3A_580, %and3A_721 : vector<16xi32>
            %and3A_723 = arith.constant -65536 : i32
            %and3A_724 = vector.broadcast %and3A_723 : i32 to vector<16xi32>
            %and3A_725 = arith.andi %gather3A_580, %and3A_724 : vector<16xi32>
            %bitcast3A_726 = vector.bitcast %and3A_725 : vector<16xi32> to vector<16xf32>
            %scatter3A_727 = arith.constant 0 : i32
            %scatter3A_728 = arith.constant 0 : i32
            %scatter3A_729 = tpu.memref_slice %arg12[%scan3A_176, %scatter3A_727, %scatter3A_728] : memref<2x1024x16xf32, #tpu.memory_space<vmem>> -> memref<1x1024x16xf32, #tpu.memory_space<vmem>>
            %scatter3A_730 = tpu.memref_squeeze %scatter3A_729 : memref<1x1024x16xf32, #tpu.memory_space<vmem>> -> memref<1024x16xf32, #tpu.memory_space<vmem>>
            tpu.vector_store_idx %scatter3A_730[%and3A_722, %iota3A], %bitcast3A_726 masked %gt3A_584 {add = true} : memref<1024x16xf32, #tpu.memory_space<vmem>>[vector<16xi32>, vector<16xi32>], vector<16xf32>, vector<16xi1>
            %and3A_731 = arith.constant 65535 : i32
            %and3A_732 = vector.broadcast %and3A_731 : i32 to vector<16xi32>
            %and3A_733 = arith.andi %gather3A_587, %and3A_732 : vector<16xi32>
            %and3A_734 = arith.constant -65536 : i32
            %and3A_735 = vector.broadcast %and3A_734 : i32 to vector<16xi32>
            %and3A_736 = arith.andi %gather3A_587, %and3A_735 : vector<16xi32>
            %bitcast3A_737 = vector.bitcast %and3A_736 : vector<16xi32> to vector<16xf32>
            %scatter3A_738 = arith.constant 0 : i32
            %scatter3A_739 = arith.constant 0 : i32
            %scatter3A_740 = tpu.memref_slice %arg12[%scan3A_176, %scatter3A_738, %scatter3A_739] : memref<2x1024x16xf32, #tpu.memory_space<vmem>> -> memref<1x1024x16xf32, #tpu.memory_space<vmem>>
            %scatter3A_741 = tpu.memref_squeeze %scatter3A_740 : memref<1x1024x16xf32, #tpu.memory_space<vmem>> -> memref<1024x16xf32, #tpu.memory_space<vmem>>
            tpu.vector_store_idx %scatter3A_741[%and3A_733, %iota3A], %bitcast3A_737 masked %gt3A_589 {add = true} : memref<1024x16xf32, #tpu.memory_space<vmem>>[vector<16xi32>, vector<16xi32>], vector<16xf32>, vector<16xi1>
            %and3A_742 = arith.constant 65535 : i32
            %and3A_743 = vector.broadcast %and3A_742 : i32 to vector<16xi32>
            %and3A_744 = arith.andi %gather3A_595, %and3A_743 : vector<16xi32>
            %and3A_745 = arith.constant -65536 : i32
            %and3A_746 = vector.broadcast %and3A_745 : i32 to vector<16xi32>
            %and3A_747 = arith.andi %gather3A_595, %and3A_746 : vector<16xi32>
            %bitcast3A_748 = vector.bitcast %and3A_747 : vector<16xi32> to vector<16xf32>
            %scatter3A_749 = arith.constant 0 : i32
            %scatter3A_750 = arith.constant 0 : i32
            %scatter3A_751 = tpu.memref_slice %arg12[%scan3A_176, %scatter3A_749, %scatter3A_750] : memref<2x1024x16xf32, #tpu.memory_space<vmem>> -> memref<1x1024x16xf32, #tpu.memory_space<vmem>>
            %scatter3A_752 = tpu.memref_squeeze %scatter3A_751 : memref<1x1024x16xf32, #tpu.memory_space<vmem>> -> memref<1024x16xf32, #tpu.memory_space<vmem>>
            tpu.vector_store_idx %scatter3A_752[%and3A_744, %iota3A], %bitcast3A_748 masked %gt3A_599 {add = true} : memref<1024x16xf32, #tpu.memory_space<vmem>>[vector<16xi32>, vector<16xi32>], vector<16xf32>, vector<16xi1>
            %and3A_753 = arith.constant 65535 : i32
            %and3A_754 = vector.broadcast %and3A_753 : i32 to vector<16xi32>
            %and3A_755 = arith.andi %gather3A_602, %and3A_754 : vector<16xi32>
            %and3A_756 = arith.constant -65536 : i32
            %and3A_757 = vector.broadcast %and3A_756 : i32 to vector<16xi32>
            %and3A_758 = arith.andi %gather3A_602, %and3A_757 : vector<16xi32>
            %bitcast3A_759 = vector.bitcast %and3A_758 : vector<16xi32> to vector<16xf32>
            %scatter3A_760 = arith.constant 0 : i32
            %scatter3A_761 = arith.constant 0 : i32
            %scatter3A_762 = tpu.memref_slice %arg12[%scan3A_176, %scatter3A_760, %scatter3A_761] : memref<2x1024x16xf32, #tpu.memory_space<vmem>> -> memref<1x1024x16xf32, #tpu.memory_space<vmem>>
            %scatter3A_763 = tpu.memref_squeeze %scatter3A_762 : memref<1x1024x16xf32, #tpu.memory_space<vmem>> -> memref<1024x16xf32, #tpu.memory_space<vmem>>
            tpu.vector_store_idx %scatter3A_763[%and3A_755, %iota3A], %bitcast3A_759 masked %gt3A_604 {add = true} : memref<1024x16xf32, #tpu.memory_space<vmem>>[vector<16xi32>, vector<16xi32>], vector<16xf32>, vector<16xi1>
            %and3A_764 = arith.constant 65535 : i32
            %and3A_765 = vector.broadcast %and3A_764 : i32 to vector<16xi32>
            %and3A_766 = arith.andi %gather3A_610, %and3A_765 : vector<16xi32>
            %and3A_767 = arith.constant -65536 : i32
            %and3A_768 = vector.broadcast %and3A_767 : i32 to vector<16xi32>
            %and3A_769 = arith.andi %gather3A_610, %and3A_768 : vector<16xi32>
            %bitcast3A_770 = vector.bitcast %and3A_769 : vector<16xi32> to vector<16xf32>
            %scatter3A_771 = arith.constant 0 : i32
            %scatter3A_772 = arith.constant 0 : i32
            %scatter3A_773 = tpu.memref_slice %arg12[%scan3A_176, %scatter3A_771, %scatter3A_772] : memref<2x1024x16xf32, #tpu.memory_space<vmem>> -> memref<1x1024x16xf32, #tpu.memory_space<vmem>>
            %scatter3A_774 = tpu.memref_squeeze %scatter3A_773 : memref<1x1024x16xf32, #tpu.memory_space<vmem>> -> memref<1024x16xf32, #tpu.memory_space<vmem>>
            tpu.vector_store_idx %scatter3A_774[%and3A_766, %iota3A], %bitcast3A_770 masked %gt3A_614 {add = true} : memref<1024x16xf32, #tpu.memory_space<vmem>>[vector<16xi32>, vector<16xi32>], vector<16xf32>, vector<16xi1>
            %and3A_775 = arith.constant 65535 : i32
            %and3A_776 = vector.broadcast %and3A_775 : i32 to vector<16xi32>
            %and3A_777 = arith.andi %gather3A_617, %and3A_776 : vector<16xi32>
            %and3A_778 = arith.constant -65536 : i32
            %and3A_779 = vector.broadcast %and3A_778 : i32 to vector<16xi32>
            %and3A_780 = arith.andi %gather3A_617, %and3A_779 : vector<16xi32>
            %bitcast3A_781 = vector.bitcast %and3A_780 : vector<16xi32> to vector<16xf32>
            %scatter3A_782 = arith.constant 0 : i32
            %scatter3A_783 = arith.constant 0 : i32
            %scatter3A_784 = tpu.memref_slice %arg12[%scan3A_176, %scatter3A_782, %scatter3A_783] : memref<2x1024x16xf32, #tpu.memory_space<vmem>> -> memref<1x1024x16xf32, #tpu.memory_space<vmem>>
            %scatter3A_785 = tpu.memref_squeeze %scatter3A_784 : memref<1x1024x16xf32, #tpu.memory_space<vmem>> -> memref<1024x16xf32, #tpu.memory_space<vmem>>
            tpu.vector_store_idx %scatter3A_785[%and3A_777, %iota3A], %bitcast3A_781 masked %gt3A_619 {add = true} : memref<1024x16xf32, #tpu.memory_space<vmem>>[vector<16xi32>, vector<16xi32>], vector<16xf32>, vector<16xi1>
            %and3A_786 = arith.constant 65535 : i32
            %and3A_787 = vector.broadcast %and3A_786 : i32 to vector<16xi32>
            %and3A_788 = arith.andi %gather3A_625, %and3A_787 : vector<16xi32>
            %and3A_789 = arith.constant -65536 : i32
            %and3A_790 = vector.broadcast %and3A_789 : i32 to vector<16xi32>
            %and3A_791 = arith.andi %gather3A_625, %and3A_790 : vector<16xi32>
            %bitcast3A_792 = vector.bitcast %and3A_791 : vector<16xi32> to vector<16xf32>
            %scatter3A_793 = arith.constant 0 : i32
            %scatter3A_794 = arith.constant 0 : i32
            %scatter3A_795 = tpu.memref_slice %arg12[%scan3A_176, %scatter3A_793, %scatter3A_794] : memref<2x1024x16xf32, #tpu.memory_space<vmem>> -> memref<1x1024x16xf32, #tpu.memory_space<vmem>>
            %scatter3A_796 = tpu.memref_squeeze %scatter3A_795 : memref<1x1024x16xf32, #tpu.memory_space<vmem>> -> memref<1024x16xf32, #tpu.memory_space<vmem>>
            tpu.vector_store_idx %scatter3A_796[%and3A_788, %iota3A], %bitcast3A_792 masked %gt3A_629 {add = true} : memref<1024x16xf32, #tpu.memory_space<vmem>>[vector<16xi32>, vector<16xi32>], vector<16xf32>, vector<16xi1>
            %and3A_797 = arith.constant 65535 : i32
            %and3A_798 = vector.broadcast %and3A_797 : i32 to vector<16xi32>
            %and3A_799 = arith.andi %gather3A_632, %and3A_798 : vector<16xi32>
            %and3A_800 = arith.constant -65536 : i32
            %and3A_801 = vector.broadcast %and3A_800 : i32 to vector<16xi32>
            %and3A_802 = arith.andi %gather3A_632, %and3A_801 : vector<16xi32>
            %bitcast3A_803 = vector.bitcast %and3A_802 : vector<16xi32> to vector<16xf32>
            %scatter3A_804 = arith.constant 0 : i32
            %scatter3A_805 = arith.constant 0 : i32
            %scatter3A_806 = tpu.memref_slice %arg12[%scan3A_176, %scatter3A_804, %scatter3A_805] : memref<2x1024x16xf32, #tpu.memory_space<vmem>> -> memref<1x1024x16xf32, #tpu.memory_space<vmem>>
            %scatter3A_807 = tpu.memref_squeeze %scatter3A_806 : memref<1x1024x16xf32, #tpu.memory_space<vmem>> -> memref<1024x16xf32, #tpu.memory_space<vmem>>
            tpu.vector_store_idx %scatter3A_807[%and3A_799, %iota3A], %bitcast3A_803 masked %gt3A_634 {add = true} : memref<1024x16xf32, #tpu.memory_space<vmem>>[vector<16xi32>, vector<16xi32>], vector<16xf32>, vector<16xi1>
            %and3A_808 = arith.constant 65535 : i32
            %and3A_809 = vector.broadcast %and3A_808 : i32 to vector<16xi32>
            %and3A_810 = arith.andi %gather3A_640, %and3A_809 : vector<16xi32>
            %and3A_811 = arith.constant -65536 : i32
            %and3A_812 = vector.broadcast %and3A_811 : i32 to vector<16xi32>
            %and3A_813 = arith.andi %gather3A_640, %and3A_812 : vector<16xi32>
            %bitcast3A_814 = vector.bitcast %and3A_813 : vector<16xi32> to vector<16xf32>
            %scatter3A_815 = arith.constant 0 : i32
            %scatter3A_816 = arith.constant 0 : i32
            %scatter3A_817 = tpu.memref_slice %arg12[%scan3A_176, %scatter3A_815, %scatter3A_816] : memref<2x1024x16xf32, #tpu.memory_space<vmem>> -> memref<1x1024x16xf32, #tpu.memory_space<vmem>>
            %scatter3A_818 = tpu.memref_squeeze %scatter3A_817 : memref<1x1024x16xf32, #tpu.memory_space<vmem>> -> memref<1024x16xf32, #tpu.memory_space<vmem>>
            tpu.vector_store_idx %scatter3A_818[%and3A_810, %iota3A], %bitcast3A_814 masked %gt3A_644 {add = true} : memref<1024x16xf32, #tpu.memory_space<vmem>>[vector<16xi32>, vector<16xi32>], vector<16xf32>, vector<16xi1>
            %while3A_819 = arith.constant 0 : i32
            scf.yield %while3A_819 : i32
          }
          %while3A_518 = arith.constant 1 : i32
          %while3A_519 = scf.for %while3A_521 = %while3A_515 to %while3A_511 step %while3A_518 iter_args(%while3A_522 = %while3A_517) -> (i32)  : i32 {
            %mul3A_523 = arith.constant 2 : i32
            %mul3A_524 = arith.muli %while3A_521, %mul3A_523 : i32
            %add3A_525 = vector.broadcast %mul3A_524 : i32 to vector<16xi32>
            %add3A_526 = arith.addi %select_n3A_233, %add3A_525 : vector<16xi32>
            %gather3A_527 = tpu.vector_load_idx %arg10[%broadcast_in_dim3A_213, %add3A_526] : memref<64x1024xi32, #tpu.memory_space<vmem>>[vector<16xi32>, vector<16xi32>], vector<16xi32>,
            %gt3A_528 = vector.broadcast %mul3A_524 : i32 to vector<16xi32>
            %gt3A_529 = arith.cmpi sgt, %sub3A, %gt3A_528 : vector<16xi32>
            %add3A_530 = vector.broadcast %mul3A_524 : i32 to vector<16xi32>
            %add3A_531 = arith.addi %select_n3A_233, %add3A_530 : vector<16xi32>
            %add3A_532 = arith.constant 1 : i32
            %add3A_533 = vector.broadcast %add3A_532 : i32 to vector<16xi32>
            %add3A_534 = arith.addi %add3A_531, %add3A_533 : vector<16xi32>
            %gather3A_535 = tpu.vector_load_idx %arg10[%broadcast_in_dim3A_213, %add3A_534] : memref<64x1024xi32, #tpu.memory_space<vmem>>[vector<16xi32>, vector<16xi32>], vector<16xi32>,
            %add3A_536 = arith.constant 1 : i32
            %add3A_537 = arith.addi %mul3A_524, %add3A_536 : i32
            %gt3A_538 = vector.broadcast %add3A_537 : i32 to vector<16xi32>
            %gt3A_539 = arith.cmpi sgt, %sub3A, %gt3A_538 : vector<16xi32>
            %add3A_540 = vector.broadcast %mul3A_524 : i32 to vector<16xi32>
            %add3A_541 = arith.addi %select_n3A_266, %add3A_540 : vector<16xi32>
            %gather3A_542 = tpu.vector_load_idx %arg10[%broadcast_in_dim3A_242, %add3A_541] : memref<64x1024xi32, #tpu.memory_space<vmem>>[vector<16xi32>, vector<16xi32>], vector<16xi32>,
            %gt3A_543 = vector.broadcast %mul3A_524 : i32 to vector<16xi32>
            %gt3A_544 = arith.cmpi sgt, %sub3A_268, %gt3A_543 : vector<16xi32>
            %add3A_545 = vector.broadcast %mul3A_524 : i32 to vector<16xi32>
            %add3A_546 = arith.addi %select_n3A_266, %add3A_545 : vector<16xi32>
            %add3A_547 = arith.constant 1 : i32
            %add3A_548 = vector.broadcast %add3A_547 : i32 to vector<16xi32>
            %add3A_549 = arith.addi %add3A_546, %add3A_548 : vector<16xi32>
            %gather3A_550 = tpu.vector_load_idx %arg10[%broadcast_in_dim3A_242, %add3A_549] : memref<64x1024xi32, #tpu.memory_space<vmem>>[vector<16xi32>, vector<16xi32>], vector<16xi32>,
            %add3A_551 = arith.constant 1 : i32
            %add3A_552 = arith.addi %mul3A_524, %add3A_551 : i32
            %gt3A_553 = vector.broadcast %add3A_552 : i32 to vector<16xi32>
            %gt3A_554 = arith.cmpi sgt, %sub3A_268, %gt3A_553 : vector<16xi32>
            %add3A_555 = vector.broadcast %mul3A_524 : i32 to vector<16xi32>
            %add3A_556 = arith.addi %select_n3A_300, %add3A_555 : vector<16xi32>
            %gather3A_557 = tpu.vector_load_idx %arg10[%broadcast_in_dim3A_276, %add3A_556] : memref<64x1024xi32, #tpu.memory_space<vmem>>[vector<16xi32>, vector<16xi32>], vector<16xi32>,
            %gt3A_558 = vector.broadcast %mul3A_524 : i32 to vector<16xi32>
            %gt3A_559 = arith.cmpi sgt, %sub3A_302, %gt3A_558 : vector<16xi32>
            %add3A_560 = vector.broadcast %mul3A_524 : i32 to vector<16xi32>
            %add3A_561 = arith.addi %select_n3A_300, %add3A_560 : vector<16xi32>
            %add3A_562 = arith.constant 1 : i32
            %add3A_563 = vector.broadcast %add3A_562 : i32 to vector<16xi32>
            %add3A_564 = arith.addi %add3A_561, %add3A_563 : vector<16xi32>
            %gather3A_565 = tpu.vector_load_idx %arg10[%broadcast_in_dim3A_276, %add3A_564] : memref<64x1024xi32, #tpu.memory_space<vmem>>[vector<16xi32>, vector<16xi32>], vector<16xi32>,
            %add3A_566 = arith.constant 1 : i32
            %add3A_567 = arith.addi %mul3A_524, %add3A_566 : i32
            %gt3A_568 = vector.broadcast %add3A_567 : i32 to vector<16xi32>
            %gt3A_569 = arith.cmpi sgt, %sub3A_302, %gt3A_568 : vector<16xi32>
            %add3A_570 = vector.broadcast %mul3A_524 : i32 to vector<16xi32>
            %add3A_571 = arith.addi %select_n3A_334, %add3A_570 : vector<16xi32>
            %gather3A_572 = tpu.vector_load_idx %arg10[%broadcast_in_dim3A_310, %add3A_571] : memref<64x1024xi32, #tpu.memory_space<vmem>>[vector<16xi32>, vector<16xi32>], vector<16xi32>,
            %gt3A_573 = vector.broadcast %mul3A_524 : i32 to vector<16xi32>
            %gt3A_574 = arith.cmpi sgt, %sub3A_336, %gt3A_573 : vector<16xi32>
            %add3A_575 = vector.broadcast %mul3A_524 : i32 to vector<16xi32>
            %add3A_576 = arith.addi %select_n3A_334, %add3A_575 : vector<16xi32>
            %add3A_577 = arith.constant 1 : i32
            %add3A_578 = vector.broadcast %add3A_577 : i32 to vector<16xi32>
            %add3A_579 = arith.addi %add3A_576, %add3A_578 : vector<16xi32>
            %gather3A_580 = tpu.vector_load_idx %arg10[%broadcast_in_dim3A_310, %add3A_579] : memref<64x1024xi32, #tpu.memory_space<vmem>>[vector<16xi32>, vector<16xi32>], vector<16xi32>,
            %add3A_581 = arith.constant 1 : i32
            %add3A_582 = arith.addi %mul3A_524, %add3A_581 : i32
            %gt3A_583 = vector.broadcast %add3A_582 : i32 to vector<16xi32>
            %gt3A_584 = arith.cmpi sgt, %sub3A_336, %gt3A_583 : vector<16xi32>
            %add3A_585 = vector.broadcast %mul3A_524 : i32 to vector<16xi32>
            %add3A_586 = arith.addi %select_n3A_368, %add3A_585 : vector<16xi32>
            %gather3A_587 = tpu.vector_load_idx %arg10[%broadcast_in_dim3A_344, %add3A_586] : memref<64x1024xi32, #tpu.memory_space<vmem>>[vector<16xi32>, vector<16xi32>], vector<16xi32>,
            %gt3A_588 = vector.broadcast %mul3A_524 : i32 to vector<16xi32>
            %gt3A_589 = arith.cmpi sgt, %sub3A_370, %gt3A_588 : vector<16xi32>
            %add3A_590 = vector.broadcast %mul3A_524 : i32 to vector<16xi32>
            %add3A_591 = arith.addi %select_n3A_368, %add3A_590 : vector<16xi32>
            %add3A_592 = arith.constant 1 : i32
            %add3A_593 = vector.broadcast %add3A_592 : i32 to vector<16xi32>
            %add3A_594 = arith.addi %add3A_591, %add3A_593 : vector<16xi32>
            %gather3A_595 = tpu.vector_load_idx %arg10[%broadcast_in_dim3A_344, %add3A_594] : memref<64x1024xi32, #tpu.memory_space<vmem>>[vector<16xi32>, vector<16xi32>], vector<16xi32>,
            %add3A_596 = arith.constant 1 : i32
            %add3A_597 = arith.addi %mul3A_524, %add3A_596 : i32
            %gt3A_598 = vector.broadcast %add3A_597 : i32 to vector<16xi32>
            %gt3A_599 = arith.cmpi sgt, %sub3A_370, %gt3A_598 : vector<16xi32>
            %add3A_600 = vector.broadcast %mul3A_524 : i32 to vector<16xi32>
            %add3A_601 = arith.addi %select_n3A_402, %add3A_600 : vector<16xi32>
            %gather3A_602 = tpu.vector_load_idx %arg10[%broadcast_in_dim3A_378, %add3A_601] : memref<64x1024xi32, #tpu.memory_space<vmem>>[vector<16xi32>, vector<16xi32>], vector<16xi32>,
            %gt3A_603 = vector.broadcast %mul3A_524 : i32 to vector<16xi32>
            %gt3A_604 = arith.cmpi sgt, %sub3A_404, %gt3A_603 : vector<16xi32>
            %add3A_605 = vector.broadcast %mul3A_524 : i32 to vector<16xi32>
            %add3A_606 = arith.addi %select_n3A_402, %add3A_605 : vector<16xi32>
            %add3A_607 = arith.constant 1 : i32
            %add3A_608 = vector.broadcast %add3A_607 : i32 to vector<16xi32>
            %add3A_609 = arith.addi %add3A_606, %add3A_608 : vector<16xi32>
            %gather3A_610 = tpu.vector_load_idx %arg10[%broadcast_in_dim3A_378, %add3A_609] : memref<64x1024xi32, #tpu.memory_space<vmem>>[vector<16xi32>, vector<16xi32>], vector<16xi32>,
            %add3A_611 = arith.constant 1 : i32
            %add3A_612 = arith.addi %mul3A_524, %add3A_611 : i32
            %gt3A_613 = vector.broadcast %add3A_612 : i32 to vector<16xi32>
            %gt3A_614 = arith.cmpi sgt, %sub3A_404, %gt3A_613 : vector<16xi32>
            %add3A_615 = vector.broadcast %mul3A_524 : i32 to vector<16xi32>
            %add3A_616 = arith.addi %select_n3A_436, %add3A_615 : vector<16xi32>
            %gather3A_617 = tpu.vector_load_idx %arg10[%broadcast_in_dim3A_412, %add3A_616] : memref<64x1024xi32, #tpu.memory_space<vmem>>[vector<16xi32>, vector<16xi32>], vector<16xi32>,
            %gt3A_618 = vector.broadcast %mul3A_524 : i32 to vector<16xi32>
            %gt3A_619 = arith.cmpi sgt, %sub3A_438, %gt3A_618 : vector<16xi32>
            %add3A_620 = vector.broadcast %mul3A_524 : i32 to vector<16xi32>
            %add3A_621 = arith.addi %select_n3A_436, %add3A_620 : vector<16xi32>
            %add3A_622 = arith.constant 1 : i32
            %add3A_623 = vector.broadcast %add3A_622 : i32 to vector<16xi32>
            %add3A_624 = arith.addi %add3A_621, %add3A_623 : vector<16xi32>
            %gather3A_625 = tpu.vector_load_idx %arg10[%broadcast_in_dim3A_412, %add3A_624] : memref<64x1024xi32, #tpu.memory_space<vmem>>[vector<16xi32>, vector<16xi32>], vector<16xi32>,
            %add3A_626 = arith.constant 1 : i32
            %add3A_627 = arith.addi %mul3A_524, %add3A_626 : i32
            %gt3A_628 = vector.broadcast %add3A_627 : i32 to vector<16xi32>
            %gt3A_629 = arith.cmpi sgt, %sub3A_438, %gt3A_628 : vector<16xi32>
            %add3A_630 = vector.broadcast %mul3A_524 : i32 to vector<16xi32>
            %add3A_631 = arith.addi %select_n3A_470, %add3A_630 : vector<16xi32>
            %gather3A_632 = tpu.vector_load_idx %arg10[%broadcast_in_dim3A_446, %add3A_631] : memref<64x1024xi32, #tpu.memory_space<vmem>>[vector<16xi32>, vector<16xi32>], vector<16xi32>,
            %gt3A_633 = vector.broadcast %mul3A_524 : i32 to vector<16xi32>
            %gt3A_634 = arith.cmpi sgt, %sub3A_472, %gt3A_633 : vector<16xi32>
            %add3A_635 = vector.broadcast %mul3A_524 : i32 to vector<16xi32>
            %add3A_636 = arith.addi %select_n3A_470, %add3A_635 : vector<16xi32>
            %add3A_637 = arith.constant 1 : i32
            %add3A_638 = vector.broadcast %add3A_637 : i32 to vector<16xi32>
            %add3A_639 = arith.addi %add3A_636, %add3A_638 : vector<16xi32>
            %gather3A_640 = tpu.vector_load_idx %arg10[%broadcast_in_dim3A_446, %add3A_639] : memref<64x1024xi32, #tpu.memory_space<vmem>>[vector<16xi32>, vector<16xi32>], vector<16xi32>,
            %add3A_641 = arith.constant 1 : i32
            %add3A_642 = arith.addi %mul3A_524, %add3A_641 : i32
            %gt3A_643 = vector.broadcast %add3A_642 : i32 to vector<16xi32>
            %gt3A_644 = arith.cmpi sgt, %sub3A_472, %gt3A_643 : vector<16xi32>
            %and3A_645 = arith.constant 65535 : i32
            %and3A_646 = vector.broadcast %and3A_645 : i32 to vector<16xi32>
            %and3A_647 = arith.andi %gather3A_527, %and3A_646 : vector<16xi32>
            %and3A_648 = arith.constant -65536 : i32
            %and3A_649 = vector.broadcast %and3A_648 : i32 to vector<16xi32>
            %and3A_650 = arith.andi %gather3A_527, %and3A_649 : vector<16xi32>
            %bitcast3A = vector.bitcast %and3A_650 : vector<16xi32> to vector<16xf32>
            %scatter3A = arith.constant 0 : i32
            %scatter3A_651 = arith.constant 0 : i32
            %scatter3A_652 = tpu.memref_slice %arg12[%scan3A_176, %scatter3A, %scatter3A_651] : memref<2x1024x16xf32, #tpu.memory_space<vmem>> -> memref<1x1024x16xf32, #tpu.memory_space<vmem>>
            %scatter3A_653 = tpu.memref_squeeze %scatter3A_652 : memref<1x1024x16xf32, #tpu.memory_space<vmem>> -> memref<1024x16xf32, #tpu.memory_space<vmem>>
            tpu.vector_store_idx %scatter3A_653[%and3A_647, %iota3A], %bitcast3A masked %gt3A_529 {add = true} : memref<1024x16xf32, #tpu.memory_space<vmem>>[vector<16xi32>, vector<16xi32>], vector<16xf32>, vector<16xi1>
            %and3A_654 = arith.constant 65535 : i32
            %and3A_655 = vector.broadcast %and3A_654 : i32 to vector<16xi32>
            %and3A_656 = arith.andi %gather3A_535, %and3A_655 : vector<16xi32>
            %and3A_657 = arith.constant -65536 : i32
            %and3A_658 = vector.broadcast %and3A_657 : i32 to vector<16xi32>
            %and3A_659 = arith.andi %gather3A_535, %and3A_658 : vector<16xi32>
            %bitcast3A_660 = vector.bitcast %and3A_659 : vector<16xi32> to vector<16xf32>
            %scatter3A_661 = arith.constant 0 : i32
            %scatter3A_662 = arith.constant 0 : i32
            %scatter3A_663 = tpu.memref_slice %arg12[%scan3A_176, %scatter3A_661, %scatter3A_662] : memref<2x1024x16xf32, #tpu.memory_space<vmem>> -> memref<1x1024x16xf32, #tpu.memory_space<vmem>>
            %scatter3A_664 = tpu.memref_squeeze %scatter3A_663 : memref<1x1024x16xf32, #tpu.memory_space<vmem>> -> memref<1024x16xf32, #tpu.memory_space<vmem>>
            tpu.vector_store_idx %scatter3A_664[%and3A_656, %iota3A], %bitcast3A_660 masked %gt3A_539 {add = true} : memref<1024x16xf32, #tpu.memory_space<vmem>>[vector<16xi32>, vector<16xi32>], vector<16xf32>, vector<16xi1>
            %and3A_665 = arith.constant 65535 : i32
            %and3A_666 = vector.broadcast %and3A_665 : i32 to vector<16xi32>
            %and3A_667 = arith.andi %gather3A_542, %and3A_666 : vector<16xi32>
            %and3A_668 = arith.constant -65536 : i32
            %and3A_669 = vector.broadcast %and3A_668 : i32 to vector<16xi32>
            %and3A_670 = arith.andi %gather3A_542, %and3A_669 : vector<16xi32>
            %bitcast3A_671 = vector.bitcast %and3A_670 : vector<16xi32> to vector<16xf32>
            %scatter3A_672 = arith.constant 0 : i32
            %scatter3A_673 = arith.constant 0 : i32
            %scatter3A_674 = tpu.memref_slice %arg12[%scan3A_176, %scatter3A_672, %scatter3A_673] : memref<2x1024x16xf32, #tpu.memory_space<vmem>> -> memref<1x1024x16xf32, #tpu.memory_space<vmem>>
            %scatter3A_675 = tpu.memref_squeeze %scatter3A_674 : memref<1x1024x16xf32, #tpu.memory_space<vmem>> -> memref<1024x16xf32, #tpu.memory_space<vmem>>
            tpu.vector_store_idx %scatter3A_675[%and3A_667, %iota3A], %bitcast3A_671 masked %gt3A_544 {add = true} : memref<1024x16xf32, #tpu.memory_space<vmem>>[vector<16xi32>, vector<16xi32>], vector<16xf32>, vector<16xi1>
            %and3A_676 = arith.constant 65535 : i32
            %and3A_677 = vector.broadcast %and3A_676 : i32 to vector<16xi32>
            %and3A_678 = arith.andi %gather3A_550, %and3A_677 : vector<16xi32>
            %and3A_679 = arith.constant -65536 : i32
            %and3A_680 = vector.broadcast %and3A_679 : i32 to vector<16xi32>
            %and3A_681 = arith.andi %gather3A_550, %and3A_680 : vector<16xi32>
            %bitcast3A_682 = vector.bitcast %and3A_681 : vector<16xi32> to vector<16xf32>
            %scatter3A_683 = arith.constant 0 : i32
            %scatter3A_684 = arith.constant 0 : i32
            %scatter3A_685 = tpu.memref_slice %arg12[%scan3A_176, %scatter3A_683, %scatter3A_684] : memref<2x1024x16xf32, #tpu.memory_space<vmem>> -> memref<1x1024x16xf32, #tpu.memory_space<vmem>>
            %scatter3A_686 = tpu.memref_squeeze %scatter3A_685 : memref<1x1024x16xf32, #tpu.memory_space<vmem>> -> memref<1024x16xf32, #tpu.memory_space<vmem>>
            tpu.vector_store_idx %scatter3A_686[%and3A_678, %iota3A], %bitcast3A_682 masked %gt3A_554 {add = true} : memref<1024x16xf32, #tpu.memory_space<vmem>>[vector<16xi32>, vector<16xi32>], vector<16xf32>, vector<16xi1>
            %and3A_687 = arith.constant 65535 : i32
            %and3A_688 = vector.broadcast %and3A_687 : i32 to vector<16xi32>
            %and3A_689 = arith.andi %gather3A_557, %and3A_688 : vector<16xi32>
            %and3A_690 = arith.constant -65536 : i32
            %and3A_691 = vector.broadcast %and3A_690 : i32 to vector<16xi32>
            %and3A_692 = arith.andi %gather3A_557, %and3A_691 : vector<16xi32>
            %bitcast3A_693 = vector.bitcast %and3A_692 : vector<16xi32> to vector<16xf32>
            %scatter3A_694 = arith.constant 0 : i32
            %scatter3A_695 = arith.constant 0 : i32
            %scatter3A_696 = tpu.memref_slice %arg12[%scan3A_176, %scatter3A_694, %scatter3A_695] : memref<2x1024x16xf32, #tpu.memory_space<vmem>> -> memref<1x1024x16xf32, #tpu.memory_space<vmem>>
            %scatter3A_697 = tpu.memref_squeeze %scatter3A_696 : memref<1x1024x16xf32, #tpu.memory_space<vmem>> -> memref<1024x16xf32, #tpu.memory_space<vmem>>
            tpu.vector_store_idx %scatter3A_697[%and3A_689, %iota3A], %bitcast3A_693 masked %gt3A_559 {add = true} : memref<1024x16xf32, #tpu.memory_space<vmem>>[vector<16xi32>, vector<16xi32>], vector<16xf32>, vector<16xi1>
            %and3A_698 = arith.constant 65535 : i32
            %and3A_699 = vector.broadcast %and3A_698 : i32 to vector<16xi32>
            %and3A_700 = arith.andi %gather3A_565, %and3A_699 : vector<16xi32>
            %and3A_701 = arith.constant -65536 : i32
            %and3A_702 = vector.broadcast %and3A_701 : i32 to vector<16xi32>
            %and3A_703 = arith.andi %gather3A_565, %and3A_702 : vector<16xi32>
            %bitcast3A_704 = vector.bitcast %and3A_703 : vector<16xi32> to vector<16xf32>
            %scatter3A_705 = arith.constant 0 : i32
            %scatter3A_706 = arith.constant 0 : i32
            %scatter3A_707 = tpu.memref_slice %arg12[%scan3A_176, %scatter3A_705, %scatter3A_706] : memref<2x1024x16xf32, #tpu.memory_space<vmem>> -> memref<1x1024x16xf32, #tpu.memory_space<vmem>>
            %scatter3A_708 = tpu.memref_squeeze %scatter3A_707 : memref<1x1024x16xf32, #tpu.memory_space<vmem>> -> memref<1024x16xf32, #tpu.memory_space<vmem>>
            tpu.vector_store_idx %scatter3A_708[%and3A_700, %iota3A], %bitcast3A_704 masked %gt3A_569 {add = true} : memref<1024x16xf32, #tpu.memory_space<vmem>>[vector<16xi32>, vector<16xi32>], vector<16xf32>, vector<16xi1>
            %and3A_709 = arith.constant 65535 : i32
            %and3A_710 = vector.broadcast %and3A_709 : i32 to vector<16xi32>
            %and3A_711 = arith.andi %gather3A_572, %and3A_710 : vector<16xi32>
            %and3A_712 = arith.constant -65536 : i32
            %and3A_713 = vector.broadcast %and3A_712 : i32 to vector<16xi32>
            %and3A_714 = arith.andi %gather3A_572, %and3A_713 : vector<16xi32>
            %bitcast3A_715 = vector.bitcast %and3A_714 : vector<16xi32> to vector<16xf32>
            %scatter3A_716 = arith.constant 0 : i32
            %scatter3A_717 = arith.constant 0 : i32
            %scatter3A_718 = tpu.memref_slice %arg12[%scan3A_176, %scatter3A_716, %scatter3A_717] : memref<2x1024x16xf32, #tpu.memory_space<vmem>> -> memref<1x1024x16xf32, #tpu.memory_space<vmem>>
            %scatter3A_719 = tpu.memref_squeeze %scatter3A_718 : memref<1x1024x16xf32, #tpu.memory_space<vmem>> -> memref<1024x16xf32, #tpu.memory_space<vmem>>
            tpu.vector_store_idx %scatter3A_719[%and3A_711, %iota3A], %bitcast3A_715 masked %gt3A_574 {add = true} : memref<1024x16xf32, #tpu.memory_space<vmem>>[vector<16xi32>, vector<16xi32>], vector<16xf32>, vector<16xi1>
            %and3A_720 = arith.constant 65535 : i32
            %and3A_721 = vector.broadcast %and3A_720 : i32 to vector<16xi32>
            %and3A_722 = arith.andi %gather3A_580, %and3A_721 : vector<16xi32>
            %and3A_723 = arith.constant -65536 : i32
            %and3A_724 = vector.broadcast %and3A_723 : i32 to vector<16xi32>
            %and3A_725 = arith.andi %gather3A_580, %and3A_724 : vector<16xi32>
            %bitcast3A_726 = vector.bitcast %and3A_725 : vector<16xi32> to vector<16xf32>
            %scatter3A_727 = arith.constant 0 : i32
            %scatter3A_728 = arith.constant 0 : i32
            %scatter3A_729 = tpu.memref_slice %arg12[%scan3A_176, %scatter3A_727, %scatter3A_728] : memref<2x1024x16xf32, #tpu.memory_space<vmem>> -> memref<1x1024x16xf32, #tpu.memory_space<vmem>>
            %scatter3A_730 = tpu.memref_squeeze %scatter3A_729 : memref<1x1024x16xf32, #tpu.memory_space<vmem>> -> memref<1024x16xf32, #tpu.memory_space<vmem>>
            tpu.vector_store_idx %scatter3A_730[%and3A_722, %iota3A], %bitcast3A_726 masked %gt3A_584 {add = true} : memref<1024x16xf32, #tpu.memory_space<vmem>>[vector<16xi32>, vector<16xi32>], vector<16xf32>, vector<16xi1>
            %and3A_731 = arith.constant 65535 : i32
            %and3A_732 = vector.broadcast %and3A_731 : i32 to vector<16xi32>
            %and3A_733 = arith.andi %gather3A_587, %and3A_732 : vector<16xi32>
            %and3A_734 = arith.constant -65536 : i32
            %and3A_735 = vector.broadcast %and3A_734 : i32 to vector<16xi32>
            %and3A_736 = arith.andi %gather3A_587, %and3A_735 : vector<16xi32>
            %bitcast3A_737 = vector.bitcast %and3A_736 : vector<16xi32> to vector<16xf32>
            %scatter3A_738 = arith.constant 0 : i32
            %scatter3A_739 = arith.constant 0 : i32
            %scatter3A_740 = tpu.memref_slice %arg12[%scan3A_176, %scatter3A_738, %scatter3A_739] : memref<2x1024x16xf32, #tpu.memory_space<vmem>> -> memref<1x1024x16xf32, #tpu.memory_space<vmem>>
            %scatter3A_741 = tpu.memref_squeeze %scatter3A_740 : memref<1x1024x16xf32, #tpu.memory_space<vmem>> -> memref<1024x16xf32, #tpu.memory_space<vmem>>
            tpu.vector_store_idx %scatter3A_741[%and3A_733, %iota3A], %bitcast3A_737 masked %gt3A_589 {add = true} : memref<1024x16xf32, #tpu.memory_space<vmem>>[vector<16xi32>, vector<16xi32>], vector<16xf32>, vector<16xi1>
            %and3A_742 = arith.constant 65535 : i32
            %and3A_743 = vector.broadcast %and3A_742 : i32 to vector<16xi32>
            %and3A_744 = arith.andi %gather3A_595, %and3A_743 : vector<16xi32>
            %and3A_745 = arith.constant -65536 : i32
            %and3A_746 = vector.broadcast %and3A_745 : i32 to vector<16xi32>
            %and3A_747 = arith.andi %gather3A_595, %and3A_746 : vector<16xi32>
            %bitcast3A_748 = vector.bitcast %and3A_747 : vector<16xi32> to vector<16xf32>
            %scatter3A_749 = arith.constant 0 : i32
            %scatter3A_750 = arith.constant 0 : i32
            %scatter3A_751 = tpu.memref_slice %arg12[%scan3A_176, %scatter3A_749, %scatter3A_750] : memref<2x1024x16xf32, #tpu.memory_space<vmem>> -> memref<1x1024x16xf32, #tpu.memory_space<vmem>>
            %scatter3A_752 = tpu.memref_squeeze %scatter3A_751 : memref<1x1024x16xf32, #tpu.memory_space<vmem>> -> memref<1024x16xf32, #tpu.memory_space<vmem>>
            tpu.vector_store_idx %scatter3A_752[%and3A_744, %iota3A], %bitcast3A_748 masked %gt3A_599 {add = true} : memref<1024x16xf32, #tpu.memory_space<vmem>>[vector<16xi32>, vector<16xi32>], vector<16xf32>, vector<16xi1>
            %and3A_753 = arith.constant 65535 : i32
            %and3A_754 = vector.broadcast %and3A_753 : i32 to vector<16xi32>
            %and3A_755 = arith.andi %gather3A_602, %and3A_754 : vector<16xi32>
            %and3A_756 = arith.constant -65536 : i32
            %and3A_757 = vector.broadcast %and3A_756 : i32 to vector<16xi32>
            %and3A_758 = arith.andi %gather3A_602, %and3A_757 : vector<16xi32>
            %bitcast3A_759 = vector.bitcast %and3A_758 : vector<16xi32> to vector<16xf32>
            %scatter3A_760 = arith.constant 0 : i32
            %scatter3A_761 = arith.constant 0 : i32
            %scatter3A_762 = tpu.memref_slice %arg12[%scan3A_176, %scatter3A_760, %scatter3A_761] : memref<2x1024x16xf32, #tpu.memory_space<vmem>> -> memref<1x1024x16xf32, #tpu.memory_space<vmem>>
            %scatter3A_763 = tpu.memref_squeeze %scatter3A_762 : memref<1x1024x16xf32, #tpu.memory_space<vmem>> -> memref<1024x16xf32, #tpu.memory_space<vmem>>
            tpu.vector_store_idx %scatter3A_763[%and3A_755, %iota3A], %bitcast3A_759 masked %gt3A_604 {add = true} : memref<1024x16xf32, #tpu.memory_space<vmem>>[vector<16xi32>, vector<16xi32>], vector<16xf32>, vector<16xi1>
            %and3A_764 = arith.constant 65535 : i32
            %and3A_765 = vector.broadcast %and3A_764 : i32 to vector<16xi32>
            %and3A_766 = arith.andi %gather3A_610, %and3A_765 : vector<16xi32>
            %and3A_767 = arith.constant -65536 : i32
            %and3A_768 = vector.broadcast %and3A_767 : i32 to vector<16xi32>
            %and3A_769 = arith.andi %gather3A_610, %and3A_768 : vector<16xi32>
            %bitcast3A_770 = vector.bitcast %and3A_769 : vector<16xi32> to vector<16xf32>
            %scatter3A_771 = arith.constant 0 : i32
            %scatter3A_772 = arith.constant 0 : i32
            %scatter3A_773 = tpu.memref_slice %arg12[%scan3A_176, %scatter3A_771, %scatter3A_772] : memref<2x1024x16xf32, #tpu.memory_space<vmem>> -> memref<1x1024x16xf32, #tpu.memory_space<vmem>>
            %scatter3A_774 = tpu.memref_squeeze %scatter3A_773 : memref<1x1024x16xf32, #tpu.memory_space<vmem>> -> memref<1024x16xf32, #tpu.memory_space<vmem>>
            tpu.vector_store_idx %scatter3A_774[%and3A_766, %iota3A], %bitcast3A_770 masked %gt3A_614 {add = true} : memref<1024x16xf32, #tpu.memory_space<vmem>>[vector<16xi32>, vector<16xi32>], vector<16xf32>, vector<16xi1>
            %and3A_775 = arith.constant 65535 : i32
            %and3A_776 = vector.broadcast %and3A_775 : i32 to vector<16xi32>
            %and3A_777 = arith.andi %gather3A_617, %and3A_776 : vector<16xi32>
            %and3A_778 = arith.constant -65536 : i32
            %and3A_779 = vector.broadcast %and3A_778 : i32 to vector<16xi32>
            %and3A_780 = arith.andi %gather3A_617, %and3A_779 : vector<16xi32>
            %bitcast3A_781 = vector.bitcast %and3A_780 : vector<16xi32> to vector<16xf32>
            %scatter3A_782 = arith.constant 0 : i32
            %scatter3A_783 = arith.constant 0 : i32
            %scatter3A_784 = tpu.memref_slice %arg12[%scan3A_176, %scatter3A_782, %scatter3A_783] : memref<2x1024x16xf32, #tpu.memory_space<vmem>> -> memref<1x1024x16xf32, #tpu.memory_space<vmem>>
            %scatter3A_785 = tpu.memref_squeeze %scatter3A_784 : memref<1x1024x16xf32, #tpu.memory_space<vmem>> -> memref<1024x16xf32, #tpu.memory_space<vmem>>
            tpu.vector_store_idx %scatter3A_785[%and3A_777, %iota3A], %bitcast3A_781 masked %gt3A_619 {add = true} : memref<1024x16xf32, #tpu.memory_space<vmem>>[vector<16xi32>, vector<16xi32>], vector<16xf32>, vector<16xi1>
            %and3A_786 = arith.constant 65535 : i32
            %and3A_787 = vector.broadcast %and3A_786 : i32 to vector<16xi32>
            %and3A_788 = arith.andi %gather3A_625, %and3A_787 : vector<16xi32>
            %and3A_789 = arith.constant -65536 : i32
            %and3A_790 = vector.broadcast %and3A_789 : i32 to vector<16xi32>
            %and3A_791 = arith.andi %gather3A_625, %and3A_790 : vector<16xi32>
            %bitcast3A_792 = vector.bitcast %and3A_791 : vector<16xi32> to vector<16xf32>
            %scatter3A_793 = arith.constant 0 : i32
            %scatter3A_794 = arith.constant 0 : i32
            %scatter3A_795 = tpu.memref_slice %arg12[%scan3A_176, %scatter3A_793, %scatter3A_794] : memref<2x1024x16xf32, #tpu.memory_space<vmem>> -> memref<1x1024x16xf32, #tpu.memory_space<vmem>>
            %scatter3A_796 = tpu.memref_squeeze %scatter3A_795 : memref<1x1024x16xf32, #tpu.memory_space<vmem>> -> memref<1024x16xf32, #tpu.memory_space<vmem>>
            tpu.vector_store_idx %scatter3A_796[%and3A_788, %iota3A], %bitcast3A_792 masked %gt3A_629 {add = true} : memref<1024x16xf32, #tpu.memory_space<vmem>>[vector<16xi32>, vector<16xi32>], vector<16xf32>, vector<16xi1>
            %and3A_797 = arith.constant 65535 : i32
            %and3A_798 = vector.broadcast %and3A_797 : i32 to vector<16xi32>
            %and3A_799 = arith.andi %gather3A_632, %and3A_798 : vector<16xi32>
            %and3A_800 = arith.constant -65536 : i32
            %and3A_801 = vector.broadcast %and3A_800 : i32 to vector<16xi32>
            %and3A_802 = arith.andi %gather3A_632, %and3A_801 : vector<16xi32>
            %bitcast3A_803 = vector.bitcast %and3A_802 : vector<16xi32> to vector<16xf32>
            %scatter3A_804 = arith.constant 0 : i32
            %scatter3A_805 = arith.constant 0 : i32
            %scatter3A_806 = tpu.memref_slice %arg12[%scan3A_176, %scatter3A_804, %scatter3A_805] : memref<2x1024x16xf32, #tpu.memory_space<vmem>> -> memref<1x1024x16xf32, #tpu.memory_space<vmem>>
            %scatter3A_807 = tpu.memref_squeeze %scatter3A_806 : memref<1x1024x16xf32, #tpu.memory_space<vmem>> -> memref<1024x16xf32, #tpu.memory_space<vmem>>
            tpu.vector_store_idx %scatter3A_807[%and3A_799, %iota3A], %bitcast3A_803 masked %gt3A_634 {add = true} : memref<1024x16xf32, #tpu.memory_space<vmem>>[vector<16xi32>, vector<16xi32>], vector<16xf32>, vector<16xi1>
            %and3A_808 = arith.constant 65535 : i32
            %and3A_809 = vector.broadcast %and3A_808 : i32 to vector<16xi32>
            %and3A_810 = arith.andi %gather3A_640, %and3A_809 : vector<16xi32>
            %and3A_811 = arith.constant -65536 : i32
            %and3A_812 = vector.broadcast %and3A_811 : i32 to vector<16xi32>
            %and3A_813 = arith.andi %gather3A_640, %and3A_812 : vector<16xi32>
            %bitcast3A_814 = vector.bitcast %and3A_813 : vector<16xi32> to vector<16xf32>
            %scatter3A_815 = arith.constant 0 : i32
            %scatter3A_816 = arith.constant 0 : i32
            %scatter3A_817 = tpu.memref_slice %arg12[%scan3A_176, %scatter3A_815, %scatter3A_816] : memref<2x1024x16xf32, #tpu.memory_space<vmem>> -> memref<1x1024x16xf32, #tpu.memory_space<vmem>>
            %scatter3A_818 = tpu.memref_squeeze %scatter3A_817 : memref<1x1024x16xf32, #tpu.memory_space<vmem>> -> memref<1024x16xf32, #tpu.memory_space<vmem>>
            tpu.vector_store_idx %scatter3A_818[%and3A_810, %iota3A], %bitcast3A_814 masked %gt3A_644 {add = true} : memref<1024x16xf32, #tpu.memory_space<vmem>>[vector<16xi32>, vector<16xi32>], vector<16xf32>, vector<16xi1>
            %while3A_819 = arith.constant 0 : i32
            scf.yield %while3A_819 : i32
          }
          %scan3A_520 = arith.constant 0 : i32
          scf.yield %scan3A_520 : i32
        }
        %scan3A_183 = arith.constant 8 : i32
        %mul3A_184 = arith.constant 32 : i32
        %mul3A_185 = arith.muli %add3A_137, %mul3A_184 : i32
        %add3A_186 = arith.addi %add3A, %mul3A_185 : i32
        %mul3A_187 = arith.constant 16 : i32
        %mul3A_188 = arith.muli %add3A_186, %mul3A_187 : i32
        %dma_start3A_189 = arith.constant 1 : i32
        %dma_start3A_190 = arith.constant 1 : i32
        %dma_start3A_191 = arith.constant 0 : i32
        %dma_start3A_192 = arith.constant 0 : i32
        %dma_start3A_193 = tpu.memref_slice %arg12[%dma_start3A_189, %dma_start3A_191, %dma_start3A_192] : memref<2x1024x16xf32, #tpu.memory_space<vmem>> -> memref<1x1024x16xf32, #tpu.memory_space<vmem>>
        %dma_start3A_194 = tpu.memref_squeeze %dma_start3A_193 : memref<1x1024x16xf32, #tpu.memory_space<vmem>> -> memref<1024x16xf32, #tpu.memory_space<vmem>>
        %dma_start3A_195 = arith.constant 0 : i32
        %dma_start3A_196 = tpu.memref_slice %arg7[%dma_start3A_195, %mul3A_188] : memref<1024x20000xf32, #tpu.memory_space<hbm>> -> memref<1024x16xf32, #tpu.memory_space<hbm>>
        %dma_start3A_197 = tpu.memref_slice %arg18[%dma_start3A_190] : memref<2x!tpu.dma_semaphore, #tpu.memory_space<semaphore_mem>> -> memref<1x!tpu.dma_semaphore, #tpu.memory_space<semaphore_mem>>
        %dma_start3A_198 = tpu.memref_squeeze %dma_start3A_197 : memref<1x!tpu.dma_semaphore, #tpu.memory_space<semaphore_mem>> -> memref<!tpu.dma_semaphore, #tpu.memory_space<semaphore_mem>>
        %dma_start3A_199 = arith.constant 0 : i32
        %dma_start3A_200 = tpu.memref_slice %arg7[%dma_start3A_199, %mul3A_188] : memref<1024x20000xf32, #tpu.memory_space<hbm>> -> memref<1024x16xf32, #tpu.memory_space<hbm>>
        %dma_start3A_201 = arith.constant 0 : i32
        %dma_start3A_202 = arith.constant 0 : i32
        %dma_start3A_203 = tpu.memref_slice %arg12[%dma_start3A_189, %dma_start3A_201, %dma_start3A_202] : memref<2x1024x16xf32, #tpu.memory_space<vmem>> -> memref<1x1024x16xf32, #tpu.memory_space<vmem>>
        %dma_start3A_204 = tpu.memref_squeeze %dma_start3A_203 : memref<1x1024x16xf32, #tpu.memory_space<vmem>> -> memref<1024x16xf32, #tpu.memory_space<vmem>>
        tpu.enqueue_dma source(%dma_start3A_204 : memref<1024x16xf32, #tpu.memory_space<vmem>>) target(%dma_start3A_200 : memref<1024x16xf32, #tpu.memory_space<hbm>>) target_semaphore(%dma_start3A_198 : memref<!tpu.dma_semaphore, #tpu.memory_space<semaphore_mem>>)
      } else {
      }
      %scan3A_146 = arith.constant 0 : i32
      scf.yield %scan3A_146 : i32
    }
    %scan3A_107 = arith.constant 20 : i32
    %lt3A = arith.constant 2 : i32
    %lt3A_108 = arith.cmpi slt, %add3A, %lt3A : i32
    %jit3A = arith.constant 1 : i32
    %jit3A_109 = arith.constant 0 : i32
    %select_n3A = arith.select %lt3A_108, %jit3A, %jit3A_109 : i32
    %add3A_110 = arith.constant 39 : i32
    %add3A_111 = arith.addi %add3A_110, %select_n3A : i32
    %ge3A = arith.constant 2 : i32
    %ge3A_112 = arith.cmpi sge, %add3A_111, %ge3A : i32
    %convert_element_type3A_113 = arith.extui %ge3A_112 : i1 to i32
    %cond3A = arith.constant 0 : i32
    %cond3A_114 = arith.cmpi ne, %convert_element_type3A_113, %cond3A : i32
    scf.if %cond3A_114 {
      %sub3A = arith.constant 2 : i32
      %sub3A_120 = arith.subi %add3A_111, %sub3A : i32
      %sub3A_121 = arith.constant 2 : i32
      %sub3A_122 = arith.subi %add3A_111, %sub3A_121 : i32
      %jit3A_123 = arith.constant 2 : i32
      %eq3A = arith.constant 0 : i32
      %eq3A_124 = arith.cmpi eq, %jit3A_123, %eq3A : i32
      %jit3A_125 = arith.constant 1 : i32
      %select_n3A_126 = arith.select %eq3A_124, %jit3A_125, %jit3A_123 : i32
      %rem3A = arith.remsi %sub3A_122, %select_n3A_126 : i32
      %ne3A = arith.constant 0 : i32
      %ne3A_127 = arith.cmpi ne, %rem3A, %ne3A : i32
      %lt3A_128 = arith.constant 0 : i32
      %lt3A_129 = arith.cmpi slt, %rem3A, %lt3A_128 : i32
      %lt3A_130 = arith.constant 0 : i32
      %lt3A_131 = arith.cmpi slt, %select_n3A_126, %lt3A_130 : i32
      %ne3A_132 = arith.xori %lt3A_129, %lt3A_131 : i1
      %and3A = arith.andi %ne3A_132, %ne3A_127 : i1
      %add3A_133 = arith.addi %rem3A, %select_n3A_126 : i32
      %select_n3A_134 = arith.select %and3A, %add3A_133, %rem3A : i32
      %mul3A_135 = arith.constant 32 : i32
      %mul3A_136 = arith.muli %sub3A_120, %mul3A_135 : i32
      %add3A_137 = arith.addi %add3A, %mul3A_136 : i32
      %mul3A_138 = arith.constant 16 : i32
      %mul3A_139 = arith.muli %add3A_137, %mul3A_138 : i32
      %dma_wait3A = arith.constant 0 : i32
      %dma_wait3A_140 = arith.constant 0 : i32
      %dma_wait3A_141 = tpu.memref_slice %arg12[%select_n3A_134, %dma_wait3A, %dma_wait3A_140] : memref<2x1024x16xf32, #tpu.memory_space<vmem>> -> memref<1x1024x16xf32, #tpu.memory_space<vmem>>
      %dma_wait3A_142 = tpu.memref_squeeze %dma_wait3A_141 : memref<1x1024x16xf32, #tpu.memory_space<vmem>> -> memref<1024x16xf32, #tpu.memory_space<vmem>>
      %dma_wait3A_143 = arith.constant 0 : i32
      %dma_wait3A_144 = tpu.memref_slice %arg7[%dma_wait3A_143, %mul3A_139] : memref<1024x20000xf32, #tpu.memory_space<hbm>> -> memref<1024x16xf32, #tpu.memory_space<hbm>>
      %dma_wait3A_145 = tpu.memref_slice %arg18[%select_n3A_134] : memref<2x!tpu.dma_semaphore, #tpu.memory_space<semaphore_mem>> -> memref<1x!tpu.dma_semaphore, #tpu.memory_space<semaphore_mem>>
      %dma_wait3A_146 = tpu.memref_squeeze %dma_wait3A_145 : memref<1x!tpu.dma_semaphore, #tpu.memory_space<semaphore_mem>> -> memref<!tpu.dma_semaphore, #tpu.memory_space<semaphore_mem>>
      %dma_wait3A_147 = arith.constant 0 : i32
      %dma_wait3A_148 = tpu.memref_slice %arg7[%dma_wait3A_147, %mul3A_139] : memref<1024x20000xf32, #tpu.memory_space<hbm>> -> memref<1024x16xf32, #tpu.memory_space<hbm>>
      %dma_wait3A_149 = arith.constant 0 : i32
      %dma_wait3A_150 = arith.constant 0 : i32
      %dma_wait3A_151 = tpu.memref_slice %arg12[%select_n3A_134, %dma_wait3A_149, %dma_wait3A_150] : memref<2x1024x16xf32, #tpu.memory_space<vmem>> -> memref<1x1024x16xf32, #tpu.memory_space<vmem>>
      %dma_wait3A_152 = tpu.memref_squeeze %dma_wait3A_151 : memref<1x1024x16xf32, #tpu.memory_space<vmem>> -> memref<1024x16xf32, #tpu.memory_space<vmem>>
      tpu.wait_dma2 semaphore(%dma_wait3A_146 : memref<!tpu.dma_semaphore, #tpu.memory_space<semaphore_mem>>) src(%dma_wait3A_152 : memref<1024x16xf32, #tpu.memory_space<vmem>>) dst(%dma_wait3A_148 : memref<1024x16xf32, #tpu.memory_space<hbm>>)
    } else {
    }
    %ge3A_115 = arith.constant 1 : i32
    %ge3A_116 = arith.cmpi sge, %add3A_111, %ge3A_115 : i32
    %convert_element_type3A_117 = arith.extui %ge3A_116 : i1 to i32
    %cond3A_118 = arith.constant 0 : i32
    %cond3A_119 = arith.cmpi ne, %convert_element_type3A_117, %cond3A_118 : i32
    scf.if %cond3A_119 {
      %sub3A = arith.constant 1 : i32
      %sub3A_120 = arith.subi %add3A_111, %sub3A : i32
      %sub3A_121 = arith.constant 1 : i32
      %sub3A_122 = arith.subi %add3A_111, %sub3A_121 : i32
      %jit3A_123 = arith.constant 2 : i32
      %eq3A = arith.constant 0 : i32
      %eq3A_124 = arith.cmpi eq, %jit3A_123, %eq3A : i32
      %jit3A_125 = arith.constant 1 : i32
      %select_n3A_126 = arith.select %eq3A_124, %jit3A_125, %jit3A_123 : i32
      %rem3A = arith.remsi %sub3A_122, %select_n3A_126 : i32
      %ne3A = arith.constant 0 : i32
      %ne3A_127 = arith.cmpi ne, %rem3A, %ne3A : i32
      %lt3A_128 = arith.constant 0 : i32
      %lt3A_129 = arith.cmpi slt, %rem3A, %lt3A_128 : i32
      %lt3A_130 = arith.constant 0 : i32
      %lt3A_131 = arith.cmpi slt, %select_n3A_126, %lt3A_130 : i32
      %ne3A_132 = arith.xori %lt3A_129, %lt3A_131 : i1
      %and3A = arith.andi %ne3A_132, %ne3A_127 : i1
      %add3A_133 = arith.addi %rem3A, %select_n3A_126 : i32
      %select_n3A_134 = arith.select %and3A, %add3A_133, %rem3A : i32
      %mul3A_135 = arith.constant 32 : i32
      %mul3A_136 = arith.muli %sub3A_120, %mul3A_135 : i32
      %add3A_137 = arith.addi %add3A, %mul3A_136 : i32
      %mul3A_138 = arith.constant 16 : i32
      %mul3A_139 = arith.muli %add3A_137, %mul3A_138 : i32
      %dma_wait3A = arith.constant 0 : i32
      %dma_wait3A_140 = arith.constant 0 : i32
      %dma_wait3A_141 = tpu.memref_slice %arg12[%select_n3A_134, %dma_wait3A, %dma_wait3A_140] : memref<2x1024x16xf32, #tpu.memory_space<vmem>> -> memref<1x1024x16xf32, #tpu.memory_space<vmem>>
      %dma_wait3A_142 = tpu.memref_squeeze %dma_wait3A_141 : memref<1x1024x16xf32, #tpu.memory_space<vmem>> -> memref<1024x16xf32, #tpu.memory_space<vmem>>
      %dma_wait3A_143 = arith.constant 0 : i32
      %dma_wait3A_144 = tpu.memref_slice %arg7[%dma_wait3A_143, %mul3A_139] : memref<1024x20000xf32, #tpu.memory_space<hbm>> -> memref<1024x16xf32, #tpu.memory_space<hbm>>
      %dma_wait3A_145 = tpu.memref_slice %arg18[%select_n3A_134] : memref<2x!tpu.dma_semaphore, #tpu.memory_space<semaphore_mem>> -> memref<1x!tpu.dma_semaphore, #tpu.memory_space<semaphore_mem>>
      %dma_wait3A_146 = tpu.memref_squeeze %dma_wait3A_145 : memref<1x!tpu.dma_semaphore, #tpu.memory_space<semaphore_mem>> -> memref<!tpu.dma_semaphore, #tpu.memory_space<semaphore_mem>>
      %dma_wait3A_147 = arith.constant 0 : i32
      %dma_wait3A_148 = tpu.memref_slice %arg7[%dma_wait3A_147, %mul3A_139] : memref<1024x20000xf32, #tpu.memory_space<hbm>> -> memref<1024x16xf32, #tpu.memory_space<hbm>>
      %dma_wait3A_149 = arith.constant 0 : i32
      %dma_wait3A_150 = arith.constant 0 : i32
      %dma_wait3A_151 = tpu.memref_slice %arg12[%select_n3A_134, %dma_wait3A_149, %dma_wait3A_150] : memref<2x1024x16xf32, #tpu.memory_space<vmem>> -> memref<1x1024x16xf32, #tpu.memory_space<vmem>>
      %dma_wait3A_152 = tpu.memref_squeeze %dma_wait3A_151 : memref<1x1024x16xf32, #tpu.memory_space<vmem>> -> memref<1024x16xf32, #tpu.memory_space<vmem>>
      tpu.wait_dma2 semaphore(%dma_wait3A_146 : memref<!tpu.dma_semaphore, #tpu.memory_space<semaphore_mem>>) src(%dma_wait3A_152 : memref<1024x16xf32, #tpu.memory_space<vmem>>) dst(%dma_wait3A_148 : memref<1024x16xf32, #tpu.memory_space<hbm>>)
    } else {
    }
    return
  }
}

#map = affine_map<(d0, d1) -> (0, 0)>
module attributes {stable_mosaic.version = 14 : i64} {
  func.func @_csr_body(%arg0: i32, %arg1: i32, %arg2: memref<64x1024xi32, #tpu.memory_space<hbm>>, %arg3: memref<64x20000xi32, #tpu.memory_space<hbm>>, %arg4: memref<64x1024xi32, #tpu.memory_space<hbm>>, %arg5: memref<64x272xi32, #tpu.memory_space<hbm>>, %arg6: memref<64x512xi32, #tpu.memory_space<hbm>>, %arg7: memref<1024xi32, #tpu.memory_space<vmem>>, %arg8: memref<20000xi32, #tpu.memory_space<vmem>>, %arg9: memref<8192xi32, #tpu.memory_space<vmem>>, %arg10: memref<16384xi32, #tpu.memory_space<vmem>>, %arg11: memref<8208xi32, #tpu.memory_space<vmem>>, %arg12: memref<1024xi32, #tpu.memory_space<vmem>>, %arg13: memref<512xi32, #tpu.memory_space<vmem>>, %arg14: memref<272xi32, #tpu.memory_space<vmem>>) attributes {dimension_semantics = [#tpu.dimension_semantics<core_parallel>, #tpu.dimension_semantics<subcore_parallel>], iteration_bounds = array<i64: 2, 16>, scalar_prefetch = 0 : i64, scratch_operands = 8 : i64, tpu.core_type = #tpu.core_type<sc_vector_subcore>, window_params = [{transform_indices = #map}, {transform_indices = #map}, {transform_indices = #map}, {transform_indices = #map}, {transform_indices = #map}]} {
    %mul3A = arith.constant 16 : i32
    %mul3A_0 = arith.muli %arg0, %mul3A : i32
    %add3A = arith.addi %mul3A_0, %arg1 : i32
    %iota3A = tpu.iota {dimensions = array<i32: 0>} : vector<16xi32>
    %scan3A = arith.constant 0 : i32
    %scan3A_1 = arith.constant 0 : i32
    %scan3A_2 = arith.constant 2 : i32
    %scan3A_3 = arith.addi %scan3A_1, %scan3A_2 : i32
    %scan3A_4 = arith.constant 1 : i32
    %scan3A_5 = scf.for %scan3A_7 = %scan3A_1 to %scan3A_3 step %scan3A_4 iter_args(%scan3A_8 = %scan3A) -> (i32)  : i32 {
      %mul3A_9 = arith.constant 2 : i32
      %mul3A_10 = arith.muli %add3A, %mul3A_9 : i32
      %add3A_11 = arith.addi %mul3A_10, %scan3A_7 : i32
      "tpu.region"() ({
        %run_scoped3A = tpu.sem_alloc : memref<!tpu.dma_semaphore, #tpu.memory_space<semaphore_mem>>
        %dma_start3A = arith.constant 0 : i32
        %dma_start3A_72 = tpu.memref_slice %arg2[%add3A_11, %dma_start3A] : memref<64x1024xi32, #tpu.memory_space<hbm>> -> memref<1x1024xi32, #tpu.memory_space<hbm>>
        %dma_start3A_73 = tpu.memref_squeeze %dma_start3A_72 : memref<1x1024xi32, #tpu.memory_space<hbm>> -> memref<1024xi32, #tpu.memory_space<hbm>>
        %dma_start3A_74 = arith.constant 0 : i32
        %dma_start3A_75 = tpu.memref_slice %arg2[%add3A_11, %dma_start3A_74] : memref<64x1024xi32, #tpu.memory_space<hbm>> -> memref<1x1024xi32, #tpu.memory_space<hbm>>
        %dma_start3A_76 = tpu.memref_squeeze %dma_start3A_75 : memref<1x1024xi32, #tpu.memory_space<hbm>> -> memref<1024xi32, #tpu.memory_space<hbm>>
        tpu.enqueue_dma source(%dma_start3A_76 : memref<1024xi32, #tpu.memory_space<hbm>>) target(%arg7 : memref<1024xi32, #tpu.memory_space<vmem>>) target_semaphore(%run_scoped3A : memref<!tpu.dma_semaphore, #tpu.memory_space<semaphore_mem>>)
        %dma_wait3A = arith.constant 0 : i32
        %dma_wait3A_77 = tpu.memref_slice %arg2[%add3A_11, %dma_wait3A] : memref<64x1024xi32, #tpu.memory_space<hbm>> -> memref<1x1024xi32, #tpu.memory_space<hbm>>
        %dma_wait3A_78 = tpu.memref_squeeze %dma_wait3A_77 : memref<1x1024xi32, #tpu.memory_space<hbm>> -> memref<1024xi32, #tpu.memory_space<hbm>>
        %dma_wait3A_79 = arith.constant 0 : i32
        %dma_wait3A_80 = tpu.memref_slice %arg2[%add3A_11, %dma_wait3A_79] : memref<64x1024xi32, #tpu.memory_space<hbm>> -> memref<1x1024xi32, #tpu.memory_space<hbm>>
        %dma_wait3A_81 = tpu.memref_squeeze %dma_wait3A_80 : memref<1x1024xi32, #tpu.memory_space<hbm>> -> memref<1024xi32, #tpu.memory_space<hbm>>
        tpu.wait_dma2 semaphore(%run_scoped3A : memref<!tpu.dma_semaphore, #tpu.memory_space<semaphore_mem>>) src(%dma_wait3A_81 : memref<1024xi32, #tpu.memory_space<hbm>>) dst(%arg7 : memref<1024xi32, #tpu.memory_space<vmem>>)
        tpu.yield
      }) : () -> ()
      "tpu.region"() ({
        %run_scoped3A = tpu.sem_alloc : memref<!tpu.dma_semaphore, #tpu.memory_space<semaphore_mem>>
        %dma_start3A = arith.constant 0 : i32
        %dma_start3A_72 = tpu.memref_slice %arg3[%add3A_11, %dma_start3A] : memref<64x20000xi32, #tpu.memory_space<hbm>> -> memref<1x20000xi32, #tpu.memory_space<hbm>>
        %dma_start3A_73 = tpu.memref_squeeze %dma_start3A_72 : memref<1x20000xi32, #tpu.memory_space<hbm>> -> memref<20000xi32, #tpu.memory_space<hbm>>
        %dma_start3A_74 = arith.constant 0 : i32
        %dma_start3A_75 = tpu.memref_slice %arg3[%add3A_11, %dma_start3A_74] : memref<64x20000xi32, #tpu.memory_space<hbm>> -> memref<1x20000xi32, #tpu.memory_space<hbm>>
        %dma_start3A_76 = tpu.memref_squeeze %dma_start3A_75 : memref<1x20000xi32, #tpu.memory_space<hbm>> -> memref<20000xi32, #tpu.memory_space<hbm>>
        tpu.enqueue_dma source(%dma_start3A_76 : memref<20000xi32, #tpu.memory_space<hbm>>) target(%arg8 : memref<20000xi32, #tpu.memory_space<vmem>>) target_semaphore(%run_scoped3A : memref<!tpu.dma_semaphore, #tpu.memory_space<semaphore_mem>>)
        %dma_wait3A = arith.constant 0 : i32
        %dma_wait3A_77 = tpu.memref_slice %arg3[%add3A_11, %dma_wait3A] : memref<64x20000xi32, #tpu.memory_space<hbm>> -> memref<1x20000xi32, #tpu.memory_space<hbm>>
        %dma_wait3A_78 = tpu.memref_squeeze %dma_wait3A_77 : memref<1x20000xi32, #tpu.memory_space<hbm>> -> memref<20000xi32, #tpu.memory_space<hbm>>
        %dma_wait3A_79 = arith.constant 0 : i32
        %dma_wait3A_80 = tpu.memref_slice %arg3[%add3A_11, %dma_wait3A_79] : memref<64x20000xi32, #tpu.memory_space<hbm>> -> memref<1x20000xi32, #tpu.memory_space<hbm>>
        %dma_wait3A_81 = tpu.memref_squeeze %dma_wait3A_80 : memref<1x20000xi32, #tpu.memory_space<hbm>> -> memref<20000xi32, #tpu.memory_space<hbm>>
        tpu.wait_dma2 semaphore(%run_scoped3A : memref<!tpu.dma_semaphore, #tpu.memory_space<semaphore_mem>>) src(%dma_wait3A_81 : memref<20000xi32, #tpu.memory_space<hbm>>) dst(%arg8 : memref<20000xi32, #tpu.memory_space<vmem>>)
        tpu.yield
      }) : () -> ()
      %broadcast_in_dim3A = arith.constant 0 : i32
      %broadcast_in_dim3A_12 = vector.broadcast %broadcast_in_dim3A : i32 to vector<16xi32>
      %scan3A_13 = arith.constant 0 : i32
      %scan3A_14 = arith.constant 0 : i32
      %scan3A_15 = arith.constant 64 : i32
      %scan3A_16 = arith.addi %scan3A_14, %scan3A_15 : i32
      %scan3A_17 = arith.constant 1 : i32
      %scan3A_18 = scf.for %scan3A_72 = %scan3A_14 to %scan3A_16 step %scan3A_17 iter_args(%scan3A_73 = %scan3A_13) -> (i32)  : i32 {
        %mul3A_74 = arith.constant 8 : i32
        %mul3A_75 = arith.muli %scan3A_72, %mul3A_74 : i32
        %add3A_76 = arith.constant 0 : i32
        %add3A_77 = arith.addi %mul3A_75, %add3A_76 : i32
        %mul3A_78 = arith.constant 16 : i32
        %mul3A_79 = arith.muli %add3A_77, %mul3A_78 : i32
        %swap3A_80 = arith.index_cast %mul3A_79 : i32 to index
        %swap3A_81 = tpu.vector_load %arg9[%swap3A_80] {strides = array<i32>} : memref<8192xi32, #tpu.memory_space<vmem>>, vector<16xi32>,
        tpu.vector_store %arg9[%swap3A_80], %broadcast_in_dim3A_12 {strides = array<i32>} : memref<8192xi32, #tpu.memory_space<vmem>>, vector<16xi32>,
        %mul3A_82 = arith.constant 8 : i32
        %mul3A_83 = arith.muli %scan3A_72, %mul3A_82 : i32
        %add3A_84 = arith.constant 1 : i32
        %add3A_85 = arith.addi %mul3A_83, %add3A_84 : i32
        %mul3A_86 = arith.constant 16 : i32
        %mul3A_87 = arith.muli %add3A_85, %mul3A_86 : i32
        %swap3A_88 = arith.index_cast %mul3A_87 : i32 to index
        %swap3A_89 = tpu.vector_load %arg9[%swap3A_88] {strides = array<i32>} : memref<8192xi32, #tpu.memory_space<vmem>>, vector<16xi32>,
        tpu.vector_store %arg9[%swap3A_88], %broadcast_in_dim3A_12 {strides = array<i32>} : memref<8192xi32, #tpu.memory_space<vmem>>, vector<16xi32>,
        %mul3A_90 = arith.constant 8 : i32
        %mul3A_91 = arith.muli %scan3A_72, %mul3A_90 : i32
        %add3A_92 = arith.constant 2 : i32
        %add3A_93 = arith.addi %mul3A_91, %add3A_92 : i32
        %mul3A_94 = arith.constant 16 : i32
        %mul3A_95 = arith.muli %add3A_93, %mul3A_94 : i32
        %swap3A_96 = arith.index_cast %mul3A_95 : i32 to index
        %swap3A_97 = tpu.vector_load %arg9[%swap3A_96] {strides = array<i32>} : memref<8192xi32, #tpu.memory_space<vmem>>, vector<16xi32>,
        tpu.vector_store %arg9[%swap3A_96], %broadcast_in_dim3A_12 {strides = array<i32>} : memref<8192xi32, #tpu.memory_space<vmem>>, vector<16xi32>,
        %mul3A_98 = arith.constant 8 : i32
        %mul3A_99 = arith.muli %scan3A_72, %mul3A_98 : i32
        %add3A_100 = arith.constant 3 : i32
        %add3A_101 = arith.addi %mul3A_99, %add3A_100 : i32
        %mul3A_102 = arith.constant 16 : i32
        %mul3A_103 = arith.muli %add3A_101, %mul3A_102 : i32
        %swap3A_104 = arith.index_cast %mul3A_103 : i32 to index
        %swap3A_105 = tpu.vector_load %arg9[%swap3A_104] {strides = array<i32>} : memref<8192xi32, #tpu.memory_space<vmem>>, vector<16xi32>,
        tpu.vector_store %arg9[%swap3A_104], %broadcast_in_dim3A_12 {strides = array<i32>} : memref<8192xi32, #tpu.memory_space<vmem>>, vector<16xi32>,
        %mul3A_106 = arith.constant 8 : i32
        %mul3A_107 = arith.muli %scan3A_72, %mul3A_106 : i32
        %add3A_108 = arith.constant 4 : i32
        %add3A_109 = arith.addi %mul3A_107, %add3A_108 : i32
        %mul3A_110 = arith.constant 16 : i32
        %mul3A_111 = arith.muli %add3A_109, %mul3A_110 : i32
        %swap3A_112 = arith.index_cast %mul3A_111 : i32 to index
        %swap3A_113 = tpu.vector_load %arg9[%swap3A_112] {strides = array<i32>} : memref<8192xi32, #tpu.memory_space<vmem>>, vector<16xi32>,
        tpu.vector_store %arg9[%swap3A_112], %broadcast_in_dim3A_12 {strides = array<i32>} : memref<8192xi32, #tpu.memory_space<vmem>>, vector<16xi32>,
        %mul3A_114 = arith.constant 8 : i32
        %mul3A_115 = arith.muli %scan3A_72, %mul3A_114 : i32
        %add3A_116 = arith.constant 5 : i32
        %add3A_117 = arith.addi %mul3A_115, %add3A_116 : i32
        %mul3A_118 = arith.constant 16 : i32
        %mul3A_119 = arith.muli %add3A_117, %mul3A_118 : i32
        %swap3A_120 = arith.index_cast %mul3A_119 : i32 to index
        %swap3A_121 = tpu.vector_load %arg9[%swap3A_120] {strides = array<i32>} : memref<8192xi32, #tpu.memory_space<vmem>>, vector<16xi32>,
        tpu.vector_store %arg9[%swap3A_120], %broadcast_in_dim3A_12 {strides = array<i32>} : memref<8192xi32, #tpu.memory_space<vmem>>, vector<16xi32>,
        %mul3A_122 = arith.constant 8 : i32
        %mul3A_123 = arith.muli %scan3A_72, %mul3A_122 : i32
        %add3A_124 = arith.constant 6 : i32
        %add3A_125 = arith.addi %mul3A_123, %add3A_124 : i32
        %mul3A_126 = arith.constant 16 : i32
        %mul3A_127 = arith.muli %add3A_125, %mul3A_126 : i32
        %swap3A_128 = arith.index_cast %mul3A_127 : i32 to index
        %swap3A_129 = tpu.vector_load %arg9[%swap3A_128] {strides = array<i32>} : memref<8192xi32, #tpu.memory_space<vmem>>, vector<16xi32>,
        tpu.vector_store %arg9[%swap3A_128], %broadcast_in_dim3A_12 {strides = array<i32>} : memref<8192xi32, #tpu.memory_space<vmem>>, vector<16xi32>,
        %mul3A_130 = arith.constant 8 : i32
        %mul3A_131 = arith.muli %scan3A_72, %mul3A_130 : i32
        %add3A_132 = arith.constant 7 : i32
        %add3A_133 = arith.addi %mul3A_131, %add3A_132 : i32
        %mul3A_134 = arith.constant 16 : i32
        %mul3A_135 = arith.muli %add3A_133, %mul3A_134 : i32
        %swap3A_136 = arith.index_cast %mul3A_135 : i32 to index
        %swap3A_137 = tpu.vector_load %arg9[%swap3A_136] {strides = array<i32>} : memref<8192xi32, #tpu.memory_space<vmem>>, vector<16xi32>,
        tpu.vector_store %arg9[%swap3A_136], %broadcast_in_dim3A_12 {strides = array<i32>} : memref<8192xi32, #tpu.memory_space<vmem>>, vector<16xi32>,
        %scan3A_138 = arith.constant 0 : i32
        scf.yield %scan3A_138 : i32
      }
      %scan3A_19 = arith.constant 64 : i32
      %scan3A_20 = arith.constant 0 : i32
      %scan3A_21 = arith.constant 0 : i32
      %scan3A_22 = arith.constant 64 : i32
      %scan3A_23 = arith.addi %scan3A_21, %scan3A_22 : i32
      %scan3A_24 = arith.constant 1 : i32
      %scan3A_25 = scf.for %scan3A_72 = %scan3A_21 to %scan3A_23 step %scan3A_24 iter_args(%scan3A_73 = %scan3A_20) -> (i32)  : i32 {
        %mul3A_74 = arith.constant 64 : i32
        %mul3A_75 = vector.broadcast %mul3A_74 : i32 to vector<16xi32>
        %mul3A_76 = arith.muli %iota3A, %mul3A_75 : vector<16xi32>
        %add3A_77 = vector.broadcast %scan3A_72 : i32 to vector<16xi32>
        %add3A_78 = arith.addi %mul3A_76, %add3A_77 : vector<16xi32>
        %gather3A = tpu.vector_load_idx %arg7[%add3A_78] : memref<1024xi32, #tpu.memory_space<vmem>>[vector<16xi32>], vector<16xi32>,
        %mul3A_79 = arith.constant 16 : i32
        %mul3A_80 = vector.broadcast %mul3A_79 : i32 to vector<16xi32>
        %mul3A_81 = arith.muli %gather3A, %mul3A_80 : vector<16xi32>
        %add3A_82 = arith.addi %mul3A_81, %iota3A : vector<16xi32>
        %gather3A_83 = tpu.vector_load_idx %arg9[%add3A_82] : memref<8192xi32, #tpu.memory_space<vmem>>[vector<16xi32>], vector<16xi32>,
        %add3A_84 = arith.constant 1 : i32
        %add3A_85 = vector.broadcast %add3A_84 : i32 to vector<16xi32>
        %add3A_86 = arith.addi %gather3A_83, %add3A_85 : vector<16xi32>
        tpu.vector_store_idx %arg9[%add3A_82], %add3A_86 : memref<8192xi32, #tpu.memory_space<vmem>>[vector<16xi32>], vector<16xi32>,
        %scan3A_87 = arith.constant 0 : i32
        scf.yield %scan3A_87 : i32
      }
      %scan3A_26 = arith.constant 64 : i32
      %scan3A_27 = arith.constant 0 : i32
      %scan3A_28 = arith.constant 0 : i32
      %scan3A_29 = arith.constant 256 : i32
      %scan3A_30 = arith.addi %scan3A_28, %scan3A_29 : i32
      %scan3A_31 = arith.constant 1 : i32
      %scan3A_32 = scf.for %scan3A_72 = %scan3A_28 to %scan3A_30 step %scan3A_31 iter_args(%scan3A_73 = %scan3A_27) -> (i32)  : i32 {
        %mul3A_74 = arith.constant 2 : i32
        %mul3A_75 = arith.muli %scan3A_72, %mul3A_74 : i32
        %mul3A_76 = arith.constant 16 : i32
        %mul3A_77 = arith.muli %mul3A_75, %mul3A_76 : i32
        %get3A = arith.index_cast %mul3A_77 : i32 to index
        %get3A_78 = tpu.vector_load %arg9[%get3A] {strides = array<i32>} : memref<8192xi32, #tpu.memory_space<vmem>>, vector<16xi32>,
        %mul3A_79 = arith.constant 16 : i32
        %mul3A_80 = arith.muli %mul3A_75, %mul3A_79 : i32
        %add3A_81 = arith.constant 16 : i32
        %add3A_82 = arith.addi %mul3A_80, %add3A_81 : i32
        %get3A_83 = arith.index_cast %add3A_82 : i32 to index
        %get3A_84 = tpu.vector_load %arg9[%get3A_83] {strides = array<i32>} : memref<8192xi32, #tpu.memory_space<vmem>>, vector<16xi32>,
        %broadcast_in_dim3A_85 = arith.constant true
        %broadcast_in_dim3A_86 = vector.broadcast %broadcast_in_dim3A_85 : i1 to vector<16xi1>
        %masked_cumsum3A = tpu.scan <sum>, %get3A_78 masked %broadcast_in_dim3A_86 : vector<16xi32>, vector<16xi1> -> vector<16xi32>
        %broadcast_in_dim3A_87 = arith.constant true
        %broadcast_in_dim3A_88 = vector.broadcast %broadcast_in_dim3A_87 : i1 to vector<16xi1>
        %masked_cumsum3A_89 = tpu.scan <sum>, %get3A_84 masked %broadcast_in_dim3A_88 : vector<16xi32>, vector<16xi1> -> vector<16xi32>
        %slice3A = vector.extract_strided_slice %masked_cumsum3A {offsets = [15], sizes = [1], strides = [1]} : vector<16xi32> to vector<1xi32>
        %squeeze3A = vector.extract %slice3A[0] : i32 from vector<1xi32>
        %add3A_90 = arith.addi %scan3A_73, %squeeze3A : i32
        %sub3A = arith.subi %masked_cumsum3A, %get3A_78 : vector<16xi32>
        %add3A_91 = vector.broadcast %scan3A_73 : i32 to vector<16xi32>
        %add3A_92 = arith.addi %sub3A, %add3A_91 : vector<16xi32>
        %mul3A_93 = arith.constant 16 : i32
        %mul3A_94 = arith.muli %mul3A_75, %mul3A_93 : i32
        %swap3A_95 = arith.index_cast %mul3A_94 : i32 to index
        %swap3A_96 = tpu.vector_load %arg11[%swap3A_95] {strides = array<i32>} : memref<8208xi32, #tpu.memory_space<vmem>>, vector<16xi32>,
        tpu.vector_store %arg11[%swap3A_95], %add3A_92 {strides = array<i32>} : memref<8208xi32, #tpu.memory_space<vmem>>, vector<16xi32>,
        %sub3A_97 = arith.subi %masked_cumsum3A_89, %get3A_84 : vector<16xi32>
        %add3A_98 = vector.broadcast %add3A_90 : i32 to vector<16xi32>
        %add3A_99 = arith.addi %sub3A_97, %add3A_98 : vector<16xi32>
        %mul3A_100 = arith.constant 16 : i32
        %mul3A_101 = arith.muli %mul3A_75, %mul3A_100 : i32
        %add3A_102 = arith.constant 16 : i32
        %add3A_103 = arith.addi %mul3A_101, %add3A_102 : i32
        %swap3A_104 = arith.index_cast %add3A_103 : i32 to index
        %swap3A_105 = tpu.vector_load %arg11[%swap3A_104] {strides = array<i32>} : memref<8208xi32, #tpu.memory_space<vmem>>, vector<16xi32>,
        tpu.vector_store %arg11[%swap3A_104], %add3A_99 {strides = array<i32>} : memref<8208xi32, #tpu.memory_space<vmem>>, vector<16xi32>,
        %slice3A_106 = vector.extract_strided_slice %masked_cumsum3A_89 {offsets = [15], sizes = [1], strides = [1]} : vector<16xi32> to vector<1xi32>
        %squeeze3A_107 = vector.extract %slice3A_106[0] : i32 from vector<1xi32>
        %add3A_108 = arith.addi %add3A_90, %squeeze3A_107 : i32
        scf.yield %add3A_108 : i32
      }
      %scan3A_33 = arith.constant 256 : i32
      %broadcast_in_dim3A_34 = vector.broadcast %scan3A_32 : i32 to vector<16xi32>
      %swap3A = arith.constant 8192 : index
      %swap3A_35 = tpu.vector_load %arg11[%swap3A] {strides = array<i32>} : memref<8208xi32, #tpu.memory_space<vmem>>, vector<16xi32>,
      tpu.vector_store %arg11[%swap3A], %broadcast_in_dim3A_34 {strides = array<i32>} : memref<8208xi32, #tpu.memory_space<vmem>>, vector<16xi32>,
      %scan3A_36 = arith.constant 0 : i32
      %scan3A_37 = arith.constant 0 : i32
      %scan3A_38 = arith.constant 17 : i32
      %scan3A_39 = arith.addi %scan3A_37, %scan3A_38 : i32
      %scan3A_40 = arith.constant 1 : i32
      %scan3A_41 = scf.for %scan3A_72 = %scan3A_37 to %scan3A_39 step %scan3A_40 iter_args(%scan3A_73 = %scan3A_36) -> (i32)  : i32 {
        %mul3A_74 = arith.constant 16 : i32
        %mul3A_75 = arith.muli %scan3A_72, %mul3A_74 : i32
        %add3A_76 = vector.broadcast %mul3A_75 : i32 to vector<16xi32>
        %add3A_77 = arith.addi %add3A_76, %iota3A : vector<16xi32>
        %mul3A_78 = arith.constant 2 : i32
        %mul3A_79 = vector.broadcast %mul3A_78 : i32 to vector<16xi32>
        %mul3A_80 = arith.muli %add3A_77, %mul3A_79 : vector<16xi32>
        %min3A = arith.constant 512 : i32
        %min3A_81 = vector.broadcast %min3A : i32 to vector<16xi32>
        %min3A_82 = arith.minsi %mul3A_80, %min3A_81 : vector<16xi32>
        %mul3A_83 = arith.constant 16 : i32
        %mul3A_84 = vector.broadcast %mul3A_83 : i32 to vector<16xi32>
        %mul3A_85 = arith.muli %min3A_82, %mul3A_84 : vector<16xi32>
        %mul3A_86 = arith.constant 2 : i32
        %mul3A_87 = vector.broadcast %mul3A_86 : i32 to vector<16xi32>
        %mul3A_88 = arith.muli %add3A_77, %mul3A_87 : vector<16xi32>
        %add3A_89 = arith.constant 1 : i32
        %add3A_90 = vector.broadcast %add3A_89 : i32 to vector<16xi32>
        %add3A_91 = arith.addi %mul3A_88, %add3A_90 : vector<16xi32>
        %min3A_92 = arith.constant 512 : i32
        %min3A_93 = vector.broadcast %min3A_92 : i32 to vector<16xi32>
        %min3A_94 = arith.minsi %add3A_91, %min3A_93 : vector<16xi32>
        %mul3A_95 = arith.constant 16 : i32
        %mul3A_96 = vector.broadcast %mul3A_95 : i32 to vector<16xi32>
        %mul3A_97 = arith.muli %min3A_94, %mul3A_96 : vector<16xi32>
        %gather3A = tpu.vector_load_idx %arg11[%mul3A_85] : memref<8208xi32, #tpu.memory_space<vmem>>[vector<16xi32>], vector<16xi32>,
        %gather3A_98 = tpu.vector_load_idx %arg11[%mul3A_97] : memref<8208xi32, #tpu.memory_space<vmem>>[vector<16xi32>], vector<16xi32>,
        %shift_left3A = arith.constant 16 : i32
        %shift_left3A_99 = vector.broadcast %shift_left3A : i32 to vector<16xi32>
        %shift_left3A_100 = arith.shli %gather3A_98, %shift_left3A_99 : vector<16xi32>
        %or3A = arith.ori %gather3A, %shift_left3A_100 : vector<16xi32>
        %mul3A_101 = arith.constant 16 : i32
        %mul3A_102 = arith.muli %scan3A_72, %mul3A_101 : i32
        %swap3A_103 = arith.index_cast %mul3A_102 : i32 to index
        %swap3A_104 = tpu.vector_load %arg14[%swap3A_103] {strides = array<i32>} : memref<272xi32, #tpu.memory_space<vmem>>, vector<16xi32>,
        tpu.vector_store %arg14[%swap3A_103], %or3A {strides = array<i32>} : memref<272xi32, #tpu.memory_space<vmem>>, vector<16xi32>,
        %scan3A_105 = arith.constant 0 : i32
        scf.yield %scan3A_105 : i32
      }
      %scan3A_42 = arith.constant 17 : i32
      "tpu.region"() ({
        %run_scoped3A = tpu.sem_alloc : memref<!tpu.dma_semaphore, #tpu.memory_space<semaphore_mem>>
        %dma_start3A = arith.constant 0 : i32
        %dma_start3A_72 = tpu.memref_slice %arg5[%add3A_11, %dma_start3A] : memref<64x272xi32, #tpu.memory_space<hbm>> -> memref<1x272xi32, #tpu.memory_space<hbm>>
        %dma_start3A_73 = tpu.memref_squeeze %dma_start3A_72 : memref<1x272xi32, #tpu.memory_space<hbm>> -> memref<272xi32, #tpu.memory_space<hbm>>
        %dma_start3A_74 = arith.constant 0 : i32
        %dma_start3A_75 = tpu.memref_slice %arg5[%add3A_11, %dma_start3A_74] : memref<64x272xi32, #tpu.memory_space<hbm>> -> memref<1x272xi32, #tpu.memory_space<hbm>>
        %dma_start3A_76 = tpu.memref_squeeze %dma_start3A_75 : memref<1x272xi32, #tpu.memory_space<hbm>> -> memref<272xi32, #tpu.memory_space<hbm>>
        tpu.enqueue_dma source(%arg14 : memref<272xi32, #tpu.memory_space<vmem>>) target(%dma_start3A_76 : memref<272xi32, #tpu.memory_space<hbm>>) target_semaphore(%run_scoped3A : memref<!tpu.dma_semaphore, #tpu.memory_space<semaphore_mem>>)
        %dma_wait3A = arith.constant 0 : i32
        %dma_wait3A_77 = tpu.memref_slice %arg5[%add3A_11, %dma_wait3A] : memref<64x272xi32, #tpu.memory_space<hbm>> -> memref<1x272xi32, #tpu.memory_space<hbm>>
        %dma_wait3A_78 = tpu.memref_squeeze %dma_wait3A_77 : memref<1x272xi32, #tpu.memory_space<hbm>> -> memref<272xi32, #tpu.memory_space<hbm>>
        %dma_wait3A_79 = arith.constant 0 : i32
        %dma_wait3A_80 = tpu.memref_slice %arg5[%add3A_11, %dma_wait3A_79] : memref<64x272xi32, #tpu.memory_space<hbm>> -> memref<1x272xi32, #tpu.memory_space<hbm>>
        %dma_wait3A_81 = tpu.memref_squeeze %dma_wait3A_80 : memref<1x272xi32, #tpu.memory_space<hbm>> -> memref<272xi32, #tpu.memory_space<hbm>>
        tpu.wait_dma2 semaphore(%run_scoped3A : memref<!tpu.dma_semaphore, #tpu.memory_space<semaphore_mem>>) src(%arg14 : memref<272xi32, #tpu.memory_space<vmem>>) dst(%dma_wait3A_81 : memref<272xi32, #tpu.memory_space<hbm>>)
        tpu.yield
      }) : () -> ()
      %scan3A_43 = arith.constant 0 : i32
      %scan3A_44 = arith.constant 0 : i32
      %scan3A_45 = arith.constant 64 : i32
      %scan3A_46 = arith.addi %scan3A_44, %scan3A_45 : i32
      %scan3A_47 = arith.constant 1 : i32
      %scan3A_48 = scf.for %scan3A_72 = %scan3A_44 to %scan3A_46 step %scan3A_47 iter_args(%scan3A_73 = %scan3A_43) -> (i32)  : i32 {
        %mul3A_74 = arith.constant 64 : i32
        %mul3A_75 = vector.broadcast %mul3A_74 : i32 to vector<16xi32>
        %mul3A_76 = arith.muli %iota3A, %mul3A_75 : vector<16xi32>
        %add3A_77 = vector.broadcast %scan3A_72 : i32 to vector<16xi32>
        %add3A_78 = arith.addi %mul3A_76, %add3A_77 : vector<16xi32>
        %gather3A = tpu.vector_load_idx %arg7[%add3A_78] : memref<1024xi32, #tpu.memory_space<vmem>>[vector<16xi32>], vector<16xi32>,
        %mul3A_79 = arith.constant 16 : i32
        %mul3A_80 = vector.broadcast %mul3A_79 : i32 to vector<16xi32>
        %mul3A_81 = arith.muli %gather3A, %mul3A_80 : vector<16xi32>
        %add3A_82 = arith.addi %mul3A_81, %iota3A : vector<16xi32>
        %gather3A_83 = tpu.vector_load_idx %arg11[%add3A_82] : memref<8208xi32, #tpu.memory_space<vmem>>[vector<16xi32>], vector<16xi32>,
        tpu.vector_store_idx %arg12[%gather3A_83], %add3A_78 : memref<1024xi32, #tpu.memory_space<vmem>>[vector<16xi32>], vector<16xi32>,
        %add3A_84 = arith.constant 1 : i32
        %add3A_85 = vector.broadcast %add3A_84 : i32 to vector<16xi32>
        %add3A_86 = arith.addi %gather3A_83, %add3A_85 : vector<16xi32>
        tpu.vector_store_idx %arg11[%add3A_82], %add3A_86 : memref<8208xi32, #tpu.memory_space<vmem>>[vector<16xi32>], vector<16xi32>,
        %scan3A_87 = arith.constant 0 : i32
        scf.yield %scan3A_87 : i32
      }
      %scan3A_49 = arith.constant 64 : i32
      "tpu.region"() ({
        %run_scoped3A = tpu.sem_alloc : memref<!tpu.dma_semaphore, #tpu.memory_space<semaphore_mem>>
        %dma_start3A = arith.constant 0 : i32
        %dma_start3A_72 = tpu.memref_slice %arg4[%add3A_11, %dma_start3A] : memref<64x1024xi32, #tpu.memory_space<hbm>> -> memref<1x1024xi32, #tpu.memory_space<hbm>>
        %dma_start3A_73 = tpu.memref_squeeze %dma_start3A_72 : memref<1x1024xi32, #tpu.memory_space<hbm>> -> memref<1024xi32, #tpu.memory_space<hbm>>
        %dma_start3A_74 = arith.constant 0 : i32
        %dma_start3A_75 = tpu.memref_slice %arg4[%add3A_11, %dma_start3A_74] : memref<64x1024xi32, #tpu.memory_space<hbm>> -> memref<1x1024xi32, #tpu.memory_space<hbm>>
        %dma_start3A_76 = tpu.memref_squeeze %dma_start3A_75 : memref<1x1024xi32, #tpu.memory_space<hbm>> -> memref<1024xi32, #tpu.memory_space<hbm>>
        tpu.enqueue_dma source(%arg12 : memref<1024xi32, #tpu.memory_space<vmem>>) target(%dma_start3A_76 : memref<1024xi32, #tpu.memory_space<hbm>>) target_semaphore(%run_scoped3A : memref<!tpu.dma_semaphore, #tpu.memory_space<semaphore_mem>>)
        %dma_wait3A = arith.constant 0 : i32
        %dma_wait3A_77 = tpu.memref_slice %arg4[%add3A_11, %dma_wait3A] : memref<64x1024xi32, #tpu.memory_space<hbm>> -> memref<1x1024xi32, #tpu.memory_space<hbm>>
        %dma_wait3A_78 = tpu.memref_squeeze %dma_wait3A_77 : memref<1x1024xi32, #tpu.memory_space<hbm>> -> memref<1024xi32, #tpu.memory_space<hbm>>
        %dma_wait3A_79 = arith.constant 0 : i32
        %dma_wait3A_80 = tpu.memref_slice %arg4[%add3A_11, %dma_wait3A_79] : memref<64x1024xi32, #tpu.memory_space<hbm>> -> memref<1x1024xi32, #tpu.memory_space<hbm>>
        %dma_wait3A_81 = tpu.memref_squeeze %dma_wait3A_80 : memref<1x1024xi32, #tpu.memory_space<hbm>> -> memref<1024xi32, #tpu.memory_space<hbm>>
        tpu.wait_dma2 semaphore(%run_scoped3A : memref<!tpu.dma_semaphore, #tpu.memory_space<semaphore_mem>>) src(%arg12 : memref<1024xi32, #tpu.memory_space<vmem>>) dst(%dma_wait3A_81 : memref<1024xi32, #tpu.memory_space<hbm>>)
        tpu.yield
      }) : () -> ()
      %scan3A_50 = arith.constant 0 : i32
      %scan3A_51 = arith.constant 0 : i32
      %scan3A_52 = arith.constant 128 : i32
      %scan3A_53 = arith.addi %scan3A_51, %scan3A_52 : i32
      %scan3A_54 = arith.constant 1 : i32
      %scan3A_55 = scf.for %scan3A_72 = %scan3A_51 to %scan3A_53 step %scan3A_54 iter_args(%scan3A_73 = %scan3A_50) -> (i32)  : i32 {
        %mul3A_74 = arith.constant 8 : i32
        %mul3A_75 = arith.muli %scan3A_72, %mul3A_74 : i32
        %add3A_76 = arith.constant 0 : i32
        %add3A_77 = arith.addi %mul3A_75, %add3A_76 : i32
        %mul3A_78 = arith.constant 16 : i32
        %mul3A_79 = arith.muli %add3A_77, %mul3A_78 : i32
        %swap3A_80 = arith.index_cast %mul3A_79 : i32 to index
        %swap3A_81 = tpu.vector_load %arg10[%swap3A_80] {strides = array<i32>} : memref<16384xi32, #tpu.memory_space<vmem>>, vector<16xi32>,
        tpu.vector_store %arg10[%swap3A_80], %broadcast_in_dim3A_12 {strides = array<i32>} : memref<16384xi32, #tpu.memory_space<vmem>>, vector<16xi32>,
        %mul3A_82 = arith.constant 8 : i32
        %mul3A_83 = arith.muli %scan3A_72, %mul3A_82 : i32
        %add3A_84 = arith.constant 1 : i32
        %add3A_85 = arith.addi %mul3A_83, %add3A_84 : i32
        %mul3A_86 = arith.constant 16 : i32
        %mul3A_87 = arith.muli %add3A_85, %mul3A_86 : i32
        %swap3A_88 = arith.index_cast %mul3A_87 : i32 to index
        %swap3A_89 = tpu.vector_load %arg10[%swap3A_88] {strides = array<i32>} : memref<16384xi32, #tpu.memory_space<vmem>>, vector<16xi32>,
        tpu.vector_store %arg10[%swap3A_88], %broadcast_in_dim3A_12 {strides = array<i32>} : memref<16384xi32, #tpu.memory_space<vmem>>, vector<16xi32>,
        %mul3A_90 = arith.constant 8 : i32
        %mul3A_91 = arith.muli %scan3A_72, %mul3A_90 : i32
        %add3A_92 = arith.constant 2 : i32
        %add3A_93 = arith.addi %mul3A_91, %add3A_92 : i32
        %mul3A_94 = arith.constant 16 : i32
        %mul3A_95 = arith.muli %add3A_93, %mul3A_94 : i32
        %swap3A_96 = arith.index_cast %mul3A_95 : i32 to index
        %swap3A_97 = tpu.vector_load %arg10[%swap3A_96] {strides = array<i32>} : memref<16384xi32, #tpu.memory_space<vmem>>, vector<16xi32>,
        tpu.vector_store %arg10[%swap3A_96], %broadcast_in_dim3A_12 {strides = array<i32>} : memref<16384xi32, #tpu.memory_space<vmem>>, vector<16xi32>,
        %mul3A_98 = arith.constant 8 : i32
        %mul3A_99 = arith.muli %scan3A_72, %mul3A_98 : i32
        %add3A_100 = arith.constant 3 : i32
        %add3A_101 = arith.addi %mul3A_99, %add3A_100 : i32
        %mul3A_102 = arith.constant 16 : i32
        %mul3A_103 = arith.muli %add3A_101, %mul3A_102 : i32
        %swap3A_104 = arith.index_cast %mul3A_103 : i32 to index
        %swap3A_105 = tpu.vector_load %arg10[%swap3A_104] {strides = array<i32>} : memref<16384xi32, #tpu.memory_space<vmem>>, vector<16xi32>,
        tpu.vector_store %arg10[%swap3A_104], %broadcast_in_dim3A_12 {strides = array<i32>} : memref<16384xi32, #tpu.memory_space<vmem>>, vector<16xi32>,
        %mul3A_106 = arith.constant 8 : i32
        %mul3A_107 = arith.muli %scan3A_72, %mul3A_106 : i32
        %add3A_108 = arith.constant 4 : i32
        %add3A_109 = arith.addi %mul3A_107, %add3A_108 : i32
        %mul3A_110 = arith.constant 16 : i32
        %mul3A_111 = arith.muli %add3A_109, %mul3A_110 : i32
        %swap3A_112 = arith.index_cast %mul3A_111 : i32 to index
        %swap3A_113 = tpu.vector_load %arg10[%swap3A_112] {strides = array<i32>} : memref<16384xi32, #tpu.memory_space<vmem>>, vector<16xi32>,
        tpu.vector_store %arg10[%swap3A_112], %broadcast_in_dim3A_12 {strides = array<i32>} : memref<16384xi32, #tpu.memory_space<vmem>>, vector<16xi32>,
        %mul3A_114 = arith.constant 8 : i32
        %mul3A_115 = arith.muli %scan3A_72, %mul3A_114 : i32
        %add3A_116 = arith.constant 5 : i32
        %add3A_117 = arith.addi %mul3A_115, %add3A_116 : i32
        %mul3A_118 = arith.constant 16 : i32
        %mul3A_119 = arith.muli %add3A_117, %mul3A_118 : i32
        %swap3A_120 = arith.index_cast %mul3A_119 : i32 to index
        %swap3A_121 = tpu.vector_load %arg10[%swap3A_120] {strides = array<i32>} : memref<16384xi32, #tpu.memory_space<vmem>>, vector<16xi32>,
        tpu.vector_store %arg10[%swap3A_120], %broadcast_in_dim3A_12 {strides = array<i32>} : memref<16384xi32, #tpu.memory_space<vmem>>, vector<16xi32>,
        %mul3A_122 = arith.constant 8 : i32
        %mul3A_123 = arith.muli %scan3A_72, %mul3A_122 : i32
        %add3A_124 = arith.constant 6 : i32
        %add3A_125 = arith.addi %mul3A_123, %add3A_124 : i32
        %mul3A_126 = arith.constant 16 : i32
        %mul3A_127 = arith.muli %add3A_125, %mul3A_126 : i32
        %swap3A_128 = arith.index_cast %mul3A_127 : i32 to index
        %swap3A_129 = tpu.vector_load %arg10[%swap3A_128] {strides = array<i32>} : memref<16384xi32, #tpu.memory_space<vmem>>, vector<16xi32>,
        tpu.vector_store %arg10[%swap3A_128], %broadcast_in_dim3A_12 {strides = array<i32>} : memref<16384xi32, #tpu.memory_space<vmem>>, vector<16xi32>,
        %mul3A_130 = arith.constant 8 : i32
        %mul3A_131 = arith.muli %scan3A_72, %mul3A_130 : i32
        %add3A_132 = arith.constant 7 : i32
        %add3A_133 = arith.addi %mul3A_131, %add3A_132 : i32
        %mul3A_134 = arith.constant 16 : i32
        %mul3A_135 = arith.muli %add3A_133, %mul3A_134 : i32
        %swap3A_136 = arith.index_cast %mul3A_135 : i32 to index
        %swap3A_137 = tpu.vector_load %arg10[%swap3A_136] {strides = array<i32>} : memref<16384xi32, #tpu.memory_space<vmem>>, vector<16xi32>,
        tpu.vector_store %arg10[%swap3A_136], %broadcast_in_dim3A_12 {strides = array<i32>} : memref<16384xi32, #tpu.memory_space<vmem>>, vector<16xi32>,
        %scan3A_138 = arith.constant 0 : i32
        scf.yield %scan3A_138 : i32
      }
      %scan3A_56 = arith.constant 128 : i32
      %scan3A_57 = arith.constant 0 : i32
      %scan3A_58 = arith.constant 0 : i32
      %scan3A_59 = arith.constant 625 : i32
      %scan3A_60 = arith.addi %scan3A_58, %scan3A_59 : i32
      %scan3A_61 = arith.constant 1 : i32
      %scan3A_62 = scf.for %scan3A_72 = %scan3A_58 to %scan3A_60 step %scan3A_61 iter_args(%scan3A_73 = %scan3A_57) -> (i32)  : i32 {
        %mul3A_74 = arith.constant 2 : i32
        %mul3A_75 = arith.muli %scan3A_72, %mul3A_74 : i32
        %mul3A_76 = arith.constant 1250 : i32
        %mul3A_77 = vector.broadcast %mul3A_76 : i32 to vector<16xi32>
        %mul3A_78 = arith.muli %iota3A, %mul3A_77 : vector<16xi32>
        %add3A_79 = vector.broadcast %mul3A_75 : i32 to vector<16xi32>
        %add3A_80 = arith.addi %mul3A_78, %add3A_79 : vector<16xi32>
        %gather3A = tpu.vector_load_idx %arg8[%add3A_80] : memref<20000xi32, #tpu.memory_space<vmem>>[vector<16xi32>], vector<16xi32>,
        %mul3A_81 = arith.constant 1250 : i32
        %mul3A_82 = vector.broadcast %mul3A_81 : i32 to vector<16xi32>
        %mul3A_83 = arith.muli %iota3A, %mul3A_82 : vector<16xi32>
        %add3A_84 = vector.broadcast %mul3A_75 : i32 to vector<16xi32>
        %add3A_85 = arith.addi %mul3A_83, %add3A_84 : vector<16xi32>
        %add3A_86 = arith.constant 1 : i32
        %add3A_87 = vector.broadcast %add3A_86 : i32 to vector<16xi32>
        %add3A_88 = arith.addi %add3A_85, %add3A_87 : vector<16xi32>
        %gather3A_89 = tpu.vector_load_idx %arg8[%add3A_88] : memref<20000xi32, #tpu.memory_space<vmem>>[vector<16xi32>], vector<16xi32>,
        %mul3A_90 = arith.constant 32 : i32
        %mul3A_91 = vector.broadcast %mul3A_90 : i32 to vector<16xi32>
        %mul3A_92 = arith.muli %gather3A, %mul3A_91 : vector<16xi32>
        %mul3A_93 = arith.constant 2 : i32
        %mul3A_94 = vector.broadcast %mul3A_93 : i32 to vector<16xi32>
        %mul3A_95 = arith.muli %iota3A, %mul3A_94 : vector<16xi32>
        %add3A_96 = arith.addi %mul3A_92, %mul3A_95 : vector<16xi32>
        %mul3A_97 = arith.constant 32 : i32
        %mul3A_98 = vector.broadcast %mul3A_97 : i32 to vector<16xi32>
        %mul3A_99 = arith.muli %gather3A_89, %mul3A_98 : vector<16xi32>
        %mul3A_100 = arith.constant 2 : i32
        %mul3A_101 = vector.broadcast %mul3A_100 : i32 to vector<16xi32>
        %mul3A_102 = arith.muli %iota3A, %mul3A_101 : vector<16xi32>
        %add3A_103 = arith.addi %mul3A_99, %mul3A_102 : vector<16xi32>
        %add3A_104 = arith.constant 1 : i32
        %add3A_105 = vector.broadcast %add3A_104 : i32 to vector<16xi32>
        %add3A_106 = arith.addi %add3A_103, %add3A_105 : vector<16xi32>
        %gather3A_107 = tpu.vector_load_idx %arg10[%add3A_96] : memref<16384xi32, #tpu.memory_space<vmem>>[vector<16xi32>], vector<16xi32>,
        %gather3A_108 = tpu.vector_load_idx %arg10[%add3A_106] : memref<16384xi32, #tpu.memory_space<vmem>>[vector<16xi32>], vector<16xi32>,
        %add3A_109 = arith.constant 1 : i32
        %add3A_110 = vector.broadcast %add3A_109 : i32 to vector<16xi32>
        %add3A_111 = arith.addi %gather3A_107, %add3A_110 : vector<16xi32>
        tpu.vector_store_idx %arg10[%add3A_96], %add3A_111 : memref<16384xi32, #tpu.memory_space<vmem>>[vector<16xi32>], vector<16xi32>,
        %add3A_112 = arith.constant 1 : i32
        %add3A_113 = vector.broadcast %add3A_112 : i32 to vector<16xi32>
        %add3A_114 = arith.addi %gather3A_108, %add3A_113 : vector<16xi32>
        tpu.vector_store_idx %arg10[%add3A_106], %add3A_114 : memref<16384xi32, #tpu.memory_space<vmem>>[vector<16xi32>], vector<16xi32>,
        %scan3A_115 = arith.constant 0 : i32
        scf.yield %scan3A_115 : i32
      }
      %scan3A_63 = arith.constant 625 : i32
      %scan3A_64 = arith.constant 0 : i32
      %scan3A_65 = arith.constant 0 : i32
      %scan3A_66 = arith.constant 32 : i32
      %scan3A_67 = arith.addi %scan3A_65, %scan3A_66 : i32
      %scan3A_68 = arith.constant 1 : i32
      %scan3A_69 = scf.for %scan3A_72 = %scan3A_65 to %scan3A_67 step %scan3A_68 iter_args(%scan3A_73 = %scan3A_64) -> (i32)  : i32 {
        %mul3A_74 = arith.constant 16 : i32
        %mul3A_75 = arith.muli %scan3A_72, %mul3A_74 : i32
        %add3A_76 = vector.broadcast %mul3A_75 : i32 to vector<16xi32>
        %add3A_77 = arith.addi %add3A_76, %iota3A : vector<16xi32>
        %mul3A_78 = arith.constant 32 : i32
        %mul3A_79 = vector.broadcast %mul3A_78 : i32 to vector<16xi32>
        %mul3A_80 = arith.muli %add3A_77, %mul3A_79 : vector<16xi32>
        %gather3A = tpu.vector_load_idx %arg10[%mul3A_80] : memref<16384xi32, #tpu.memory_space<vmem>>[vector<16xi32>], vector<16xi32>,
        %scan3A_81 = arith.constant 1 : i32
        %scan3A_82 = arith.constant 31 : i32
        %scan3A_83 = arith.addi %scan3A_81, %scan3A_82 : i32
        %scan3A_84 = arith.constant 1 : i32
        %scan3A_85 = scf.for %scan3A_92 = %scan3A_81 to %scan3A_83 step %scan3A_84 iter_args(%scan3A_93 = %gather3A) -> (vector<16xi32>)  : i32 {
          %mul3A_94 = arith.constant 32 : i32
          %mul3A_95 = vector.broadcast %mul3A_94 : i32 to vector<16xi32>
          %mul3A_96 = arith.muli %add3A_77, %mul3A_95 : vector<16xi32>
          %add3A_97 = vector.broadcast %scan3A_92 : i32 to vector<16xi32>
          %add3A_98 = arith.addi %mul3A_96, %add3A_97 : vector<16xi32>
          %gather3A_99 = tpu.vector_load_idx %arg10[%add3A_98] : memref<16384xi32, #tpu.memory_space<vmem>>[vector<16xi32>], vector<16xi32>,
          %add3A_100 = arith.addi %scan3A_93, %gather3A_99 : vector<16xi32>
          scf.yield %add3A_100 : vector<16xi32>
        }
        %scan3A_86 = arith.constant 31 : i32
        %mul3A_87 = arith.constant 16 : i32
        %mul3A_88 = arith.muli %scan3A_72, %mul3A_87 : i32
        %swap3A_89 = arith.index_cast %mul3A_88 : i32 to index
        %swap3A_90 = tpu.vector_load %arg13[%swap3A_89] {strides = array<i32>} : memref<512xi32, #tpu.memory_space<vmem>>, vector<16xi32>,
        tpu.vector_store %arg13[%swap3A_89], %scan3A_85 {strides = array<i32>} : memref<512xi32, #tpu.memory_space<vmem>>, vector<16xi32>,
        %scan3A_91 = arith.constant 0 : i32
        scf.yield %scan3A_91 : i32
      }
      %scan3A_70 = arith.constant 32 : i32
      "tpu.region"() ({
        %run_scoped3A = tpu.sem_alloc : memref<!tpu.dma_semaphore, #tpu.memory_space<semaphore_mem>>
        %dma_start3A = arith.constant 0 : i32
        %dma_start3A_72 = tpu.memref_slice %arg6[%add3A_11, %dma_start3A] : memref<64x512xi32, #tpu.memory_space<hbm>> -> memref<1x512xi32, #tpu.memory_space<hbm>>
        %dma_start3A_73 = tpu.memref_squeeze %dma_start3A_72 : memref<1x512xi32, #tpu.memory_space<hbm>> -> memref<512xi32, #tpu.memory_space<hbm>>
        %dma_start3A_74 = arith.constant 0 : i32
        %dma_start3A_75 = tpu.memref_slice %arg6[%add3A_11, %dma_start3A_74] : memref<64x512xi32, #tpu.memory_space<hbm>> -> memref<1x512xi32, #tpu.memory_space<hbm>>
        %dma_start3A_76 = tpu.memref_squeeze %dma_start3A_75 : memref<1x512xi32, #tpu.memory_space<hbm>> -> memref<512xi32, #tpu.memory_space<hbm>>
        tpu.enqueue_dma source(%arg13 : memref<512xi32, #tpu.memory_space<vmem>>) target(%dma_start3A_76 : memref<512xi32, #tpu.memory_space<hbm>>) target_semaphore(%run_scoped3A : memref<!tpu.dma_semaphore, #tpu.memory_space<semaphore_mem>>)
        %dma_wait3A = arith.constant 0 : i32
        %dma_wait3A_77 = tpu.memref_slice %arg6[%add3A_11, %dma_wait3A] : memref<64x512xi32, #tpu.memory_space<hbm>> -> memref<1x512xi32, #tpu.memory_space<hbm>>
        %dma_wait3A_78 = tpu.memref_squeeze %dma_wait3A_77 : memref<1x512xi32, #tpu.memory_space<hbm>> -> memref<512xi32, #tpu.memory_space<hbm>>
        %dma_wait3A_79 = arith.constant 0 : i32
        %dma_wait3A_80 = tpu.memref_slice %arg6[%add3A_11, %dma_wait3A_79] : memref<64x512xi32, #tpu.memory_space<hbm>> -> memref<1x512xi32, #tpu.memory_space<hbm>>
        %dma_wait3A_81 = tpu.memref_squeeze %dma_wait3A_80 : memref<1x512xi32, #tpu.memory_space<hbm>> -> memref<512xi32, #tpu.memory_space<hbm>>
        tpu.wait_dma2 semaphore(%run_scoped3A : memref<!tpu.dma_semaphore, #tpu.memory_space<semaphore_mem>>) src(%arg13 : memref<512xi32, #tpu.memory_space<vmem>>) dst(%dma_wait3A_81 : memref<512xi32, #tpu.memory_space<hbm>>)
        tpu.yield
      }) : () -> ()
      %scan3A_71 = arith.constant 0 : i32
      scf.yield %scan3A_71 : i32
    }
    %scan3A_6 = arith.constant 2 : i32
    return
  }
}

</mosaic_0001>

<sc_bundles>
// kernel: kernel.4.cloned.1.call-start
scs
__scs_entry_jumppad:
0x0: {  	(pc) =	sbr.rel $0x88, $3  }
0x1: {  	(tag) =	ssettag $0x0;
	lr =	simm.s32 $0x1  }
0x2: {  	[smem:$0x3F9F] =	sst lr;
	_ =	strace $0xD0000000  }
0x3: {  	_ = 	snop  }
0x4: {  	_ = 	snop  }
0x5: {  	_ = 	snop  }
0x6: {  	_ = 	snop  }
0x7: {  	_ = 	snop  }
__scs_overlays_trampoline_lowered:
0x8: {  	[smem:$0x3FAE] =	sst s0  }
0x9: {  	[smem:$0x3FAF] =	sst s1  }
0xa: {  	[smem:$0x3FB0] =	sst s2  }
0xb: {  	[smem:$0x3FB1] =	sst s3  }
0xc: {  	[smem:$0x3FB2] =	sst s4  }
0xd: {  	[smem:$0x3FB3] =	sst s5  }
0xe: {  	[smem:$0x3FB4] =	sst s6  }
0xf: {  	[smem:$0x3FB5] =	sst s7  }
0x10: {  	[smem:$0x3FB6] =	sst s8  }
0x11: {  	[smem:$0x3FB7] =	sst s9;
	s0 =	simm.s32 @!p0 $0x0  }
0x12: {  	s1 =	sld [smem:$0x3F9D];
	s0 =	simm.s32 @p0 $0x1  }
0x13: {  	[smem:$0x3FB8] =	sst s0;
	s0 =	simm.s32 @!p1 $0x0  }
0x14: {  	s2 =	sld [smem:$0x3F9C];
	s0 =	simm.s32 @p1 $0x1  }
0x15: {  	[smem:$0x3FB9] =	sst s0;
	s0 =	simm.s32 @!p2 $0x0  }
0x16: {  	s3 =	sld [smem:$0x3FDB];
	s0 =	simm.s32 @p2 $0x1  }
0x17: {  	s4 =	simm.s32 $0x1BF5;
	[smem:$0x3FBB] =	sst s0  }
0x18: {  	s0 =	sld [smem:$0x3F9E];
	_ =	swait.ge [sflag:s4], $0x0  }
0x19: {  	s7 =	sld [smem:$0x3F9F]  }
0x1a: {  	s8 =	sadd.s32 $0xFFFFE003, lr  }
0x1b: {  	s9 =	sadd.s32 $0xFFFFFEF7, lr;
	s5 =	simm.s32 $0xFFFFFFFF;
	p2 =	slt.u32 s8, $0xFFFFF086  }
0x1c: {  	p1 =	slt.u32 s9, $0xF7A;
	s5 =	simm.s32 @!p2 $0x0  }
0x1d: {  	s5 =	simm.s32 @p1 $0x1;
	p0 =	seq.s32 s7, s2  }
0x1e: {  	s7 =	smul.u32 @!p0 $0xF7A, s2;
	p2 =	seq.s32 @!p0 s5, $0x0  }
0x1f: {  	s9 =	smul.u32 $0xF7A, s1;
	s8 =	simm.s32 @!p0 $0x1BF5;
	p2 =	por !p2, p0  }
0x20: {  	[sflag:s8] =	ssyncset.s32 @!p0 $0xFFFFF086;
	s6 =	sadd.s32 @!p0 s3, s7;
	s7 =	simm.s32 @!p0 $0x108  }
0x21: {  	s3 =	sadd.s32 s3, s9;
	s6 =	sadd.s32 @!p0 $0x88, s6;
	s7 =	simm.s32 @p2 $0x1082  }
0x22: {  	[simem:s7], [sflag:s8] =	dma.local @!p0 [hbm:s6], $0xF7A  }
0x23: {  	s9 =	sor.u32 $0xD0000000, s2;
	s6 =	simm.s32 $0x108;
	_ =	swait.ge @!p0 [sflag:s8], $0x0  }
0x24: {  	s3 =	sadd.s32 $0x88, s3;
	s6 =	simm.s32 @!p1 $0x1082;
	[sflag:s4] =	ssyncset.s32 $0xFFFFF086  }
0x25: {  	[simem:s6], [sflag:s4] =	dma.local [hbm:s3], $0xF7A  }
0x26: {  	[smem:$0x3F9F] =	sst s1;
	(tag) =	ssettag s2;
	_ =	strace s9  }
0x27: {  	s1 =	sld [smem:$0x3FAF]  }
0x28: {  	s2 =	sld [smem:$0x3FB0]  }
0x29: {  	s4 =	sld [smem:$0x3FB2]  }
0x2a: {  	p0 =	seq.s32 s5, $0x0;
	s5 =	sld [smem:$0x3FB3]  }
0x2b: {  	s6 =	sld [smem:$0x3FB4]  }
0x2c: {  	s7 =	sld [smem:$0x3FB5]  }
0x2d: {  	s3 =	simm.s32 $0x108;
	s8 =	sld [smem:$0x3FB6]  }
0x2e: {  	s3 =	simm.s32 @!p0 $0x1082;
	s9 =	sld [smem:$0x3FB7]  }
0x2f: {  	lr =	sadd.s32 s0, s3;
	s0 =	sld [smem:$0x3FAE]  }
0x30: {  	s3 =	sld [smem:$0x3FB1]  }
0x31: {  	[smem:$0x3FBA] =	sst s10  }
0x32: {  	s10 =	sld [smem:$0x3FB8];
	_ =	sdelay $0x3  }
0x33: {  	p0 =	seq.s32 s10, $0x1;
	s10 =	sld [smem:$0x3FBA];
	_ =	sdelay $0x3  }
0x34: {  	[smem:$0x3FBA] =	sst s10  }
0x35: {  	s10 =	sld [smem:$0x3FB9];
	_ =	sdelay $0x3  }
0x36: {  	p1 =	seq.s32 s10, $0x1;
	s10 =	sld [smem:$0x3FBA];
	_ =	sdelay $0x3  }
0x37: {  	[smem:$0x3FBA] =	sst s10  }
0x38: {  	s10 =	sld [smem:$0x3FBB]  }
0x39: {  	_ = 	snop;
	(pc) =	sbr.ind lr, $3  }
0x3a: {  	_ = 	snop  }
0x3b: {  	_ = 	snop  }
0x3c: {  	p2 =	seq.s32 s10, $0x1;
	s10 =	sld [smem:$0x3FBA]  }
0x3d: {  	_ =	shalt  }
0x3e: {  	_ =	shalt  }
0x3f: {  	_ =	shalt  }
0x40: {  	_ =	shalt  }
0x41: {  	_ =	shalt  }
0x42: {  	_ =	shalt  }
0x43: {  	_ =	shalt  }
0x44: {  	_ =	shalt  }
0x45: {  	_ =	shalt  }
0x46: {  	_ =	shalt  }
0x47: {  	_ =	shalt  }
0x48: {  	_ =	shalt  }
0x49: {  	_ =	shalt  }
0x4a: {  	_ =	shalt  }
0x4b: {  	_ =	shalt  }
0x4c: {  	_ =	shalt  }
0x4d: {  	_ =	shalt  }
0x4e: {  	_ =	shalt  }
0x4f: {  	_ =	shalt  }
0x50: {  	_ =	shalt  }
0x51: {  	_ =	shalt  }
0x52: {  	_ =	shalt  }
0x53: {  	_ =	shalt  }
0x54: {  	_ =	shalt  }
0x55: {  	_ =	shalt  }
0x56: {  	_ =	shalt  }
0x57: {  	_ =	shalt  }
0x58: {  	_ =	shalt  }
0x59: {  	_ =	shalt  }
0x5a: {  	_ =	shalt  }
0x5b: {  	_ =	shalt  }
0x5c: {  	_ =	shalt  }
0x5d: {  	_ =	shalt  }
0x5e: {  	_ =	shalt  }
0x5f: {  	_ =	shalt  }
0x60: {  	_ =	shalt  }
0x61: {  	_ =	shalt  }
0x62: {  	_ =	shalt  }
0x63: {  	_ =	shalt  }
0x64: {  	_ =	shalt  }
0x65: {  	_ =	shalt  }
0x66: {  	_ =	shalt  }
0x67: {  	_ =	shalt  }
0x68: {  	_ =	shalt  }
0x69: {  	_ =	shalt  }
0x6a: {  	_ =	shalt  }
0x6b: {  	_ =	shalt  }
0x6c: {  	_ =	shalt  }
0x6d: {  	_ =	shalt  }
0x6e: {  	_ =	shalt  }
0x6f: {  	_ =	shalt  }
0x70: {  	_ =	shalt  }
0x71: {  	_ =	shalt  }
0x72: {  	_ =	shalt  }
0x73: {  	_ =	shalt  }
0x74: {  	_ =	shalt  }
0x75: {  	_ =	shalt  }
0x76: {  	_ =	shalt  }
0x77: {  	_ =	shalt  }
0x78: {  	_ =	shalt  }
0x79: {  	_ =	shalt  }
0x7a: {  	_ =	shalt  }
0x7b: {  	_ =	shalt  }
0x7c: {  	_ =	shalt  }
0x7d: {  	_ =	shalt  }
0x7e: {  	_ =	shalt  }
0x7f: {  	_ =	shalt  }
0x80: {  	_ =	shalt  }
0x81: {  	_ =	shalt  }
0x82: {  	_ =	shalt  }
0x83: {  	_ =	shalt  }
0x84: {  	_ =	shalt  }
0x85: {  	_ =	shalt  }
0x86: {  	_ =	shalt  }
0x87: {  	_ =	shalt  }
.Lfunc_end0:
.L_simem_size_0:
called_computation.1_lowered:
.L_overlay_start_0:
0x88: {  	s2 =	sld [smem:$0x3FD9]  }
0x89: {  	s3 =	sld [smem:$0x3FFE];
	_ =	sdelay $0x1  }
0x8a: {  	s1 =	srdreg.scid  }
0x8b: {  	s0 =	sand.u32 $0x1, s1  }
0x8c: {  	s16 =	sshll.u32 s0, $0xA;
	s2 =	sadd.s32 s3, s2  }
0x8d: {  	s2 =	sadd.s32 s2, s16  }
0x8e: {  	[smem:$0x3FC6] =	sst s2  }
0x8f: {  	_ = 	snop  }
0x90: {  	(tm) =	ssettm $0x1  }
0x91: {  	s17 =	sld [smem:$0x3FFB];
	_ =	sdelay $0x3  }
0x92: {  	_ =	strace s17  }
0x93: {  	s2 =	sld [smem:$0x3FFC];
	_ =	sdelay $0x3  }
0x94: {  	_ =	strace s2  }
0x95: {  	s2 =	sld [smem:$0x3FFD];
	_ =	sdelay $0x3  }
0x96: {  	_ =	strace s2  }
0x97: {  	_ =	strace $0x8FFFFFFF  }
0x98: {  	s18 =	sld [smem:$0x3FDB];
	_ =	sdelay $0x1  }
0x99: {  	s19 =	simm.s32 $_scs_section_size  }
0x9a: {  	s4 =	simm.s32 $_size__tile_overlayer_lowered;
	s5 =	simm.s32 $_tile_overlayer_lowered  }
0x9b: {  	s22 =	simm.s32 $0x1BFF;
	s21 =	sshll.u32 s5, $0x1;
	s2 =	sadd.s32 s19, s18  }
0x9c: {  	s6 =	simm.s32 $0x0;
	s20 =	sshll.u32 s4, $0x1;
	s4 =	sadd.s32 s21, s2  }
0x9d: {  	[timem:s6], [sflag:s22] =	dma.local [hbm:s4], s20  }
0x9e: {  	_ =	swait.ge [sflag:s22], s20  }
0x9f: {  	s3 =	ssub.s32 $0x0, s20;
	[sflag:s22] =	ssyncset.done $0x0  }
0xa0: {  	[sflag:s22] =	ssyncadd.s32 s3;
	_ =	sdelay $0x1  }
0xa1: {  	s23 =	simm.s32 $0x1B8B  }
0xa2: {  	_ =	swait.ge [sflag:s23], $0x1  }
0xa3: {  	[sflag:s23] =	ssyncset.done $0x0  }
0xa4: {  	s25 =	simm.s32 $0x1B8E;
	s24 =	sld [smem:$0x3FFE];
	[sflag:s23] =	ssyncadd.s32 $0xFFFFFFFF  }
0xa5: {  	s26 =	simm.s32 $execute0_lowered;
	[smem:$0x3FD2] =	sst s25  }
0xa6: {  	s4 =	sshll.u32 s26, $0x1;
	_ =	strace $0x80000046;
	[dreg:$0x1] =	wrdreg $0xFFFFFFFF  }
0xa7: {  	s28 =	simm.s32 $_size_execute0_lowered;
	s2 =	sadd.s32 s2, s4;
	[dreg:$0x0] =	wrdreg $0x0  }
0xa8: {  	s4 =	sshll.u32 s28, $0x1;
	[dreg:$0x2] =	wrdreg s2  }
0xa9: {  	[dreg:$0x3] =	wrdreg s4  }
0xaa: {  	[dreg:$0x4] =	wrdreg $0xC0  }
0xab: {  	_ =	task [dreg:s6], $0x5FFFF  }
0xac: {  	[dreg:$0x1] =	wrdreg $0xFFFFFFFF  }
0xad: {  	[dreg:$0x0] =	wrdreg $0x60  }
0xae: {  	[dreg:$0x2] =	wrdreg s24  }
0xaf: {  	[dreg:$0x3] =	wrdreg $0x9  }
0xb0: {  	_ =	task.clear_ibuf [dreg:s6], $0x4FFFF;
	_ =	strace $0x90000046  }
0xb1: {  	s29 =	simm.s32 $0x9;
	_ =	strace $0x80000048  }
0xb2: {  	_ =	swait.ge [sflag:s29], $0x1  }
0xb3: {  	[sflag:s29] =	ssyncadd.s32 $0xFFFFFFFF  }
0xb4: {  	_ =	strace $0x90000048  }
0xb5: {  	_ =	sfence  }
0xb6: {  	s30 =	sld [smem:$0x0];
	_ =	sdelay $0x2  }
0xb7: {  	s31 =	sshll.u32 s1, $0xD;
	s1 =	sshrl.u32 s1, $0x2  }
0xb8: {  	s3 =	sand.u32 $0x4000, s31;
	s1 =	sadd.s32 s1, s30  }
0xb9: {  	s0 =	sor.u32 s3, s0;
	s1 =	sshll.u32 s1, $0x11  }
0xba: {  	s0 =	sor.u32 s1, s0  }
0xbb: {  	s0 =	sadd.s32 $0x8F2B, s0  }
0xbc: {  	[sflag:s0] =	ssyncadd.remote.s32 $0x1  }
0xbd: {  	_ =	sfence.sel $0xFFFF  }
0xbe: {  	[dreg:$0x0] =	wrdreg $0xFFFFFFFF;
	(pc) =	sbr.abs _section_cstart, $3  }
0xbf: {  	[dreg:$0x1] =	wrdreg $0xFFFFFFFF  }
0xc0: {  	_ =	task.clear_ibuf [dreg:s6], $0x2FFFF;
	_ =	strace $0x9FFFFFFF  }
0xc1: {  	(tm) =	ssettm $0x7FFFFFFF  }
tec
execute0_lowered:
.L_overlay_start_1:
0x0: {  	(tag) =	ssettag $0x1  }
0x1: {  	s0 =	rddreg [dreg:$0x0];
	s1 =	simm.s32 $0x0;
	s3 =	srdreg.scid  }
0x2: {  	s10 =	stileid.u32;
	s11 =	simm.s32 $0x400;
	s12 =	simm.s32 $0x5220  }
0x3: {  	s13 =	simm.s32 $0xB220;
	s14 =	simm.s32 $0xD830;
	s15 =	simm.s32 $0xD230  }
0x4: {  	s16 =	simm.s32 $0x7220;
	s17 =	simm.s32 $0xD630;
	[smem:$0x7FF] =	sst s1  }
0x5: {  	s2 =	sadd.s32 $0x1400, s0;
	s3 =	sand.u32 $0x1, s3;
	s4 =	sadd.s32 $0x3400, s0  }
.Ltmp0:
0x6: {  	s5 =	sadd.s32 $0x2A600, s0;
	s7 =	ssub.s32 $0x2, s3;
	(pc) =	sbr.rel .LBB2_1-.Ltmp0, $4  }
0x7: {  	v0 =	vlaneseq.u32;
	s6 =	sadd.s32 $0x2C600, s0;
	s30 =	sshll.u32 s10, $0x1;
	s8 =	sshrl.u32 s7, $0x1  }
0x8: {  	s10 =	simm.s32 $0x1;
	v1 =	vmul.u32 $0x2, v0;
	v2 =	vmul.u32 $0x4E2, v0;
	_ =	strace $0x80000047;
	s9 =	ssub.s32 s7, s8  }
0x9: {  	v3 =	vimm.s32 $0x0;
	v4 =	vmul.u32 $0x40, v0;
	s3 =	sshll.u32 s3, $0x5;
	s7 =	sadd.s32 $0x2D000, s0;
	s31 =	smax.u32 s9, $0x1  }
0xa: {  	v7 =	vmul.u32 $0x20, v0;
	v5 =	vor.u32 $0x1, v2;
	v6 =	vor.u32 $0x1, v1;
	s8 =	sor.u32 s30, s3;
	s3 =	simm.s32 $0x0;
	[dreg:$0x2] =	wrdreg s31  }
.LBB2_33:
0xb: {  	s3 =	rddreg [dreg:$0x3]  }
0xc: {  	s0 =	rddreg [dreg:$0x2];
	s3 =	sadd.s32 $0x1, s3  }
0xd: {  	p0 =	sne.s32 s3, s0  }
.Ltmp1:
0xe: {  	_ = 	snop;
	(pc) =	sbr.rel @!p0 .LBB2_34-.Ltmp1, $1  }
0xf: {  	_ =	sdelay $0x3  }
.LBB2_1:
0x10: {  	[dreg:$0x3] =	wrdreg s3;
	p1 =	por $0x1, $0x1;
	s0 =	simm.s32 $0x0  }
.LBB2_2:
0x11: {  	s19 =	sor.u32 s8, s0  }
0x12: {  	s20 =	sshll.u32 s19, $0x7  }
0x13: {  	s0 =	simm.s32 $0x0;
	s3 =	sadd.s32 s2, s20  }
0x14: {  	[tilespmem:s0], [sflag:$0x1] =	stream.linear.gather [hbm4b:s3+s0], $0x400, $0x38;
	[tilespmem:$0xD940] =	vst v63  }
0x15: {  	s31 =	smul.u32 $0x9C4, s19;
	_ =	swait.ge [sflag:s10], $0x400  }
0x16: {  	[sflag:s10] =	ssyncset.done $0x0  }
0x17: {  	s3 =	sadd.s32 s4, s31;
	[sflag:s10] =	ssyncadd.s32 $0xFFFFFC00  }
0x18: {  	[tilespmem:s11], [sflag:$0x1] =	stream.linear.gather [hbm4b:s3+s0], $0x4E20, $0x38;
	[tilespmem:$0xD940] =	vst v63  }
0x19: {  	_ =	swait.ge [sflag:s10], $0x4E20  }
0x1a: {  	p0 =	por p1, p1;
	[sflag:s10] =	ssyncset.done $0x0  }
0x1b: {  	s21 =	simm.s32 $0x200;
	s3 =	simm.s32 $0x0;
	[sflag:s10] =	ssyncadd.s32 $0xFFFFB1E0  }
.LBB2_3:
0x1c: {  	p1 =	sne.s32 s21, $0x7E00;
	[tilespmem:s3+$0x5290] =	vst v3  }
0x1d: {  	[tilespmem:s3+$0x5220] =	vst v3  }
0x1e: {  	[tilespmem:s3+$0x5230] =	vst v3  }
.Ltmp2:
0x1f: {  	[tilespmem:s3+$0x5240] =	vst v3;
	(pc) =	sbr.rel @p1 .LBB2_3-.Ltmp2, $4  }
0x20: {  	[tilespmem:s3+$0x5250] =	vst v3  }
0x21: {  	[tilespmem:s3+$0x5260] =	vst v3  }
0x22: {  	[tilespmem:s3+$0x5270] =	vst v3  }
0x23: {  	[tilespmem:s3+$0x5280] =	vst v3;
	s3 =	sshra.s32 s21, $0x2;
	s21 =	sadd.s32 $0x200, s21  }
0x24: {  	[tilespmem:s3+$0x5290] =	vst v3  }
0x25: {  	[tilespmem:s3+$0x5220] =	vst v3  }
0x26: {  	[tilespmem:s3+$0x5230] =	vst v3  }
0x27: {  	[tilespmem:s3+$0x5240] =	vst v3;
	v8 =	vor.u32 s0, v4  }
0x28: {  	[tilespmem:s3+$0x5250] =	vst v3  }
0x29: {  	[tilespmem:s3+$0x5260] =	vst v3  }
0x2a: {  	[tilespmem:s3+$0x5270] =	vst v3  }
0x2b: {  	[tilespmem:s3+$0x5280] =	vst v3;
	s0 =	simm.s32 $0x0  }
0x2c: {  	v8 =	vld.idx.msk [tilespmem:v8+s0+$0x0], $0xffff;
	_ =	sdelay $0x4  }
0x2d: {  	v8 =	vshll.u32 v8, $0x4  }
0x2e: {  	v8 =	vor.u32 v0, v8;
	_ =	sdelay $0x4  }
0x2f: {  	v10 =	vld.idx.msk [tilespmem:v8+s12+$0x0], $0xffff  }
0x30: {  	s31 =	simm.s32 $0x1  }
0x31: {  	s3 =	simm.s32 $0x2;
	v9 =	vor.u32 s31, v4  }
.LBB2_5:
0x32: {  	p1 =	sne.s32 s3, $0x3F;
	_ =	sdelay $0x1  }
0x33: {  	v10 =	vadd.s32 $0x1, v10  }
0x34: {  	[tilespmem:v8+s12+$0x0] =	vst.idx.msk $0xffff, v10  }
0x35: {  	v8 =	vld.idx.msk [tilespmem:v9+s0+$0x0], $0xffff;
	_ =	sdelay $0x5  }
0x36: {  	v8 =	vshll.u32 v8, $0x4  }
0x37: {  	v8 =	vor.u32 v0, v8;
	_ =	sdelay $0x3  }
.Ltmp3:
0x38: {  	(pc) =	sbr.rel @p1 .LBB2_5-.Ltmp3, $2  }
0x39: {  	v10 =	vld.idx.msk [tilespmem:v8+s12+$0x0], $0xffff;
	_ =	sdelay $0x2  }
0x3a: {  	v9 =	vor.u32 s3, v4;
	s3 =	sadd.s32 $0x1, s3  }
0x3b: {  	_ =	sdelay $0x2  }
0x3c: {  	v10 =	vadd.s32 $0x1, v10  }
0x3d: {  	s21 =	simm.s32 $0x0;
	[tilespmem:v8+s12+$0x0] =	vst.idx.msk $0xffff, v10  }
0x3e: {  	v8 =	vld.idx.msk [tilespmem:v9+s21+$0x0], $0xffff;
	_ =	sdelay $0x4  }
0x3f: {  	v8 =	vshll.u32 v8, $0x4  }
0x40: {  	v8 =	vor.u32 v0, v8;
	_ =	sdelay $0x4  }
0x41: {  	v63 =	vld.idx.msk [tilespmem:v8+s12+$0x0], $0xffff  }
0x42: {  	p6 =	por $0x1, $0x1  }
.Ltmp4:
0x43: {  	_ = 	snop;
	(pc) =	sbr.rel @!p6 .LBB2_7-.Ltmp4, $3  }
0x44: {  	_ =	sdelay $0x1  }
0x45: {  	s23 =	simm.s32 $0x0;
	p1 =	por $0x0, $0x0;
	p2 =	por $0x0, $0x0;
	v9 =	vadd.s32 $0x1, v63  }
0x46: {  	p3 =	por $0x0, $0x0;
	p4 =	por $0x0, $0x0;
	p5 =	por $0x0, $0x0;
	[tilespmem:v8+s12+$0x0] =	vst.idx.msk $0xffff, v9  }
0x47: {  	v8 =	vld [tilespmem:s23+$0x5220];
	p6 =	por $0x1, $0x1  }
.Ltmp5:
0x48: {  	_ = 	snop;
	(pc) =	sbr.rel @!p6 .LBB2_9-.Ltmp5, $2  }
0x49: {  	_ =	sdelay $0x2  }
0x4a: {  	v11 =	vld [tilespmem:s23+$0x5230];
	s25 =	simm.s32 $0x20;
	p1 =	por $0x1, $0x1;
	(xrf0) =	vadd.scan.msk.s32 $0xffff, v8  }
0x4b: {  	v15 =	vld [tilespmem:s25+$0x5220];
	p6 =	por $0x1, $0x1  }
.Ltmp6:
0x4c: {  	_ = 	snop;
	(pc) =	sbr.rel @!p6 .LBB2_11-.Ltmp6, $3  }
0x4d: {  	_ =	sdelay $0x1  }
0x4e: {  	(xrf0) =	vadd.scan.msk.s32 $0xffff, v11  }
0x4f: {  	v16 =	vld [tilespmem:s25+$0x5230];
	s26 =	simm.s32 $0x40;
	p2 =	por $0x1, $0x1;
	(xrf0) =	vadd.scan.msk.s32 $0xffff, v15;
	v9, _, _ =	vpop (xrf0)  }
0x50: {  	v18 =	vld [tilespmem:s26+$0x5220];
	p6 =	por $0x1, $0x1  }
.Ltmp7:
0x51: {  	_ = 	snop;
	(pc) =	sbr.rel @!p6 .LBB2_13-.Ltmp7, $3  }
0x52: {  	_ =	sdelay $0x1  }
0x53: {  	(v2sf) =	vpush v9, $0xF;
	(xrf0) =	vadd.scan.msk.s32 $0xffff, v16;
	v12, _, _ =	vpop (xrf0)  }
0x54: {  	v17 =	vld [tilespmem:s26+$0x5230];
	s0 =	simm.s32 $0x60;
	p3 =	por $0x1, $0x1;
	v10 =	vsub.s32 v12, v11;
	(v2sf) =	vpush v12, $0xF;
	(xrf0) =	vadd.scan.msk.s32 $0xffff, v18;
	v19, _, _ =	vpop (xrf0)  }
0x55: {  	_ =	sdelay $0x3  }
0x56: {  	(v2sf) =	vpush v19, $0xF;
	v13, _, _ =	vpop (xrf0)  }
0x57: {  	(v2sf) =	vpush v13, $0xF;
	_ =	sdelay $0x4  }
0x58: {  	v12 =	vld [tilespmem:s0+$0x5220];
	p6 =	por $0x1, $0x1  }
.Ltmp8:
0x59: {  	_ = 	snop;
	(pc) =	sbr.rel @!p6 .LBB2_15-.Ltmp8, $3  }
0x5a: {  	v11 =	vld [tilespmem:s0+$0x5230];
	_ =	sdelay $0x1  }
0x5b: {  	(xrf0) =	vadd.scan.msk.s32 $0xffff, v17  }
0x5c: {  	s24 =	simm.s32 $0x80;
	p4 =	por $0x1, $0x1;
	v21 =	vsub.s32 v13, v16;
	(xrf0) =	vadd.scan.msk.s32 $0xffff, v12;
	v26, _, _ =	vpop (xrf0)  }
0x5d: {  	_ =	sdelay $0x3  }
0x5e: {  	(v2sf) =	vpush v26, $0xF;
	v14, _, _ =	vpop (xrf0)  }
0x5f: {  	(v2sf) =	vpush v14, $0xF;
	_ =	sdelay $0x3  }
0x60: {  	v30 =	vld [tilespmem:s24+$0x5220];
	p6 =	por $0x1, $0x1;
	(xrf0) =	vadd.scan.msk.s32 $0xffff, v11  }
.Ltmp9:
0x61: {  	v13 =	vld [tilespmem:s24+$0x5230];
	(pc) =	sbr.rel @!p6 .LBB2_17-.Ltmp9, $4  }
0x62: {  	s22 =	spop (v2sf);
	v20 =	vsub.s32 s21, v8  }
0x63: {  	s3 =	simm.s32 $0x300;
	p5 =	por $0x1, $0x1;
	s30 =	simm.s32 $0x40  }
0x64: {  	v23 =	vmovc v19;
	v24 =	vmovc v26;
	v27 =	vmov v15;
	v28 =	vmov v18;
	s28 =	sadd.s32 $0x0, s22;
	s29 =	spop (v2sf);
	s22 =	simm.s32 $0xA0;
	v22 =	vadd.s32 v9, v20  }
0x65: {  	s31 =	sadd.s32 s29, s28;
	v25 =	vadd.s32 s28, v10;
	s28 =	simm.s32 $0x0;
	s29 =	simm.s32 $0x20;
	v20 =	vmov v21;
	v16 =	vsub.s32 v14, v17;
	(xrf0) =	vadd.scan.msk.s32 $0xffff, v30;
	v14, _, _ =	vpop (xrf0)  }
.LBB2_18:
0x66: {  	p6 =	sne.s32 s3, $0x7F80;
	v29 =	vld [tilespmem:s22+$0x5220];
	(xrf0) =	vadd.scan.msk.s32 $0xffff, v13;
	v31, _, _ =	vpop (xrf0);
	(v2sf) =	vpush v14, $0xF;
	[tilespmem:s28+$0xB230] =	vst v25;
	v25 =	vmov v20;
	s9 =	smov.u32 s3;
	s3 =	sadd.s32 $0x80, s3  }
.Ltmp10:
0x67: {  	v20 =	vmovc v16;
	(v2sf) =	vpush v31, $0xF;
	[tilespmem:s28+$0xB220] =	vst v22;
	v16 =	vsub.s32 v31, v11;
	v11 =	vmovc v13;
	v13 =	vld [tilespmem:s22+$0x5230];
	v22 =	vmov v23;
	s28 =	smov.u32 s29;
	s29 =	smov.u32 s30;
	(pc) =	sbr.rel @p6 .LBB2_18-.Ltmp10, $4  }
0x68: {  	v23 =	vmov v24;
	v24 =	vmov v14;
	s30 =	smov.u32 s0;
	s0 =	smov.u32 s24;
	s24 =	smov.u32 s22  }
0x69: {  	s22 =	spop (v2sf)  }
0x6a: {  	v31 =	vsub.s32 s31, v27;
	v27 =	vmovc v28;
	v28 =	vmov v12;
	v12 =	vmov v30;
	s18 =	sadd.s32 s31, s22;
	s31 =	spop (v2sf)  }
0x6b: {  	v22 =	vadd.s32 v22, v31;
	s22 =	sshra.s32 s9, $0x2;
	(xrf0) =	vadd.scan.msk.s32 $0xffff, v29;
	v14, _, _ =	vpop (xrf0);
	v25 =	vadd.s32 s18, v25;
	s31 =	sadd.s32 s31, s18;
	v30 =	vmov v29  }
0x6c: {  	s3 =	smov.u32 s0;
	v29 =	vmov v12;
	s0 =	smov.u32 s24;
	v12 =	vmov v30  }
.LBB2_20:
0x6d: {  	v30 =	vld [tilespmem:s22+$0x5220];
	[tilespmem:s28+$0xB230] =	vst @p5 v25  }
0x6e: {  	v25 =	vld [tilespmem:s22+$0x5230]  }
0x6f: {  	(xrf0) =	vadd.scan.msk.s32 @p1 $0xffff, v13;
	_ =	sdelay $0x1  }
0x70: {  	v31, _, _ =	vpop @p2 (xrf0);
	(v2sf) =	vpush @p2 v14, $0xF  }
0x71: {  	(v2sf) =	vpush @p2 v31, $0xF;
	(xrf0) =	vadd.scan.msk.s32 $0xffff, v30  }
0x72: {  	v32, _, _ =	vpop @p1 (xrf0);
	(xrf0) =	vadd.scan.msk.s32 $0xffff, v25  }
0x73: {  	v26 =	vpsel p1, v32, v26  }
0x74: {  	v32, _, _ =	vpop @p1 (xrf0);
	(v2sf) =	vpush @p1 v26, $0xF  }
0x75: {  	(v2sf) =	vpush @p1 v32, $0xF  }
0x76: {  	s9 =	spop @p4 (v2sf)  }
0x77: {  	v27 =	vsub.s32 @p4 s31, v27;
	v31 =	vsub.s32 @p2 v31, v11;
	s9 =	sadd.s32 @p4 s31, s9;
	s18 =	spop @p4 (v2sf);
	v11, _, _ =	vpop (xrf0)  }
0x78: {  	s24 =	smov.u32 @p3 s30;
	v16 =	vpsel p3, v16, v10;
	v20 =	vadd.s32 @p4 s9, v20;
	s9 =	sadd.s32 @p4 s18, s9;
	s18 =	smov.u32 s23;
	(v2sf) =	vpush v11, $0xF;
	v57, _, _ =	vpop (xrf0)  }
0x79: {  	v13 =	vpsel p1, v13, v17;
	v17 =	vmovc @p2 v29;
	v58 =	vpsel p2, v14, v19;
	s18 =	smov.u32 @p3 s24;
	s24 =	spop @p3 (v2sf);
	(v2sf) =	vpush v57, $0xF  }
0x7a: {  	s25 =	smov.u32 @p2 s3;
	v12 =	vpsel p1, v12, v18;
	v60 =	vmov s21;
	[tilespmem:s28+$0xB220] =	vst @p5 v22;
	v22 =	vmovc @p3 v24;
	v23 =	vadd.s32 @p4 v23, v27  }
0x7b: {  	s3 =	simm.s32 $0x0;
	s26 =	smov.u32 @p1 s0;
	s28 =	smov.u32 @p4 s29;
	v15 =	vpsel p2, v17, v15;
	v23 =	vpsel p4, v23, v0;
	v21 =	vpsel p2, v31, v21;
	v27 =	vmovc @p3 v28  }
0x7c: {  	v22 =	vpsel p3, v22, v9;
	s28 =	smov.u32 @p4 s28;
	v20 =	vpsel p4, v20, v0;
	s3 =	smov.u32 @p4 s9;
	v17 =	vmovc @p2 v21;
	v19 =	vpsel p3, v27, v8;
	s9 =	spop @p3 (v2sf)  }
0x7d: {  	v14 =	vpsel p2, v15, v0;
	v18 =	vmovc @p3 v22;
	v17 =	vpsel p2, v17, v0;
	v19 =	vsub.s32 @p3 s3, v19;
	s0 =	sadd.s32 @p3 s3, s24;
	s24 =	smov.u32 @p2 s25;
	s3 =	smov.u32 @p3 s18  }
0x7e: {  	[tilespmem:s28+$0xB230] =	vst @p4 v20;
	v8 =	vpsel p1, v12, v8;
	v18 =	vadd.s32 @p3 v18, v19;
	s18 =	simm.s32 $0x0;
	v16 =	vadd.s32 @p3 s0, v16;
	s0 =	sadd.s32 @p3 s9, s0;
	s9 =	smov.u32 @p2 s24  }
0x7f: {  	v8 =	vpsel p1, v8, v0;
	v20 =	vmovc @p1 v26;
	v13 =	vsub.s32 @p1 v32, v13;
	v18 =	vpsel p3, v18, v0;
	s24 =	smov.u32 @p1 s26;
	s18 =	smov.u32 @p3 s0;
	s0 =	spop @p2 (v2sf)  }
0x80: {  	v12 =	vmovc @p2 v17;
	v9 =	vpsel p1, v20, v9;
	v10 =	vpsel p1, v13, v10;
	v13 =	vpsel p2, v58, v0;
	s23 =	smov.u32 @p1 s24;
	s0 =	sadd.s32 @p2 s18, s0;
	s24 =	spop @p2 (v2sf)  }
0x81: {  	[tilespmem:s28+$0xB220] =	vst @p4 v23;
	v9 =	vpsel p1, v9, v0;
	v14 =	vsub.s32 @p2 s18, v14;
	s18 =	simm.s32 $0x0;
	v12 =	vadd.s32 @p2 s0, v12;
	s0 =	sadd.s32 @p2 s24, s0  }
0x82: {  	v10 =	vpsel p1, v10, v0;
	[tilespmem:s3+$0xB220] =	vst @p3 v18;
	v16 =	vpsel p3, v16, v0;
	v13 =	vadd.s32 @p2 v13, v14;
	s18 =	smov.u32 @p2 s0  }
0x83: {  	[tilespmem:s3+$0xB230] =	vst @p3 v16;
	s3 =	smov.u32 @p2 s9;
	v14 =	vshll.u32 v60, $0x1;
	v13 =	vpsel p2, v13, v0;
	v8 =	vsub.s32 @p1 s18, v8;
	s0 =	spop @p1 (v2sf)  }
0x84: {  	s9 =	smov.u32 @p1 s23;
	v14 =	vor.u32 v1, v14;
	[tilespmem:s3+$0xB220] =	vst @p2 v13;
	v12 =	vpsel p2, v12, v0;
	v8 =	vadd.s32 @p1 v9, v8;
	s0 =	sadd.s32 @p1 s18, s0;
	s21 =	spop @p1 (v2sf)  }
0x85: {  	s9 =	smov.u32 @p1 s9;
	v61 =	vor.u32 $0x1, v14;
	[tilespmem:s3+$0xB230] =	vst @p2 v12;
	v8 =	vpsel p1, v8, v0;
	s18 =	simm.s32 $0x0;
	v10 =	vadd.s32 @p1 s0, v10;
	s0 =	sadd.s32 @p1 s21, s0  }
0x86: {  	[tilespmem:s9+$0xB220] =	vst @p1 v8;
	v9 =	vpsel p1, v10, v0;
	s18 =	smov.u32 @p1 s0;
	v10 =	vmin.u32 v61, $0x200  }
0x87: {  	[tilespmem:s9+$0xB230] =	vst @p1 v9;
	v9 =	vmin.u32 v14, $0x200;
	v10 =	vshll.u32 v10, $0x4;
	v8 =	vsub.s32 s18, v30;
	s28 =	spop (v2sf)  }
0x88: {  	v59 =	vsub.s32 v57, v25;
	v9 =	vshll.u32 v9, $0x4;
	v8 =	vadd.s32 v11, v8;
	s0 =	sadd.s32 s18, s28;
	s29 =	spop (v2sf)  }
0x89: {  	[tilespmem:s22+$0xB220] =	vst v8;
	v62 =	vadd.s32 s0, v59;
	s0 =	sadd.s32 s29, s0  }
0x8a: {  	[tilespmem:s22+$0xB230] =	vst v62;
	v8 =	vmov s0  }
0x8b: {  	[tilespmem:$0xD220] =	vst v8  }
0x8c: {  	s30 =	simm.s32 $0x10;
	v8 =	vld.idx.msk [tilespmem:v10+s13+$0x0], $0xffff  }
0x8d: {  	v9 =	vld.idx.msk [tilespmem:v9+s13+$0x0], $0xffff;
	v10 =	vmov s30  }
0x8e: {  	v10 =	vshll.u32 v10, $0x1  }
0x8f: {  	v10 =	vor.u32 v1, v10  }
0x90: {  	v11 =	vor.u32 $0x1, v10  }
0x91: {  	v11 =	vmin.u32 v11, $0x200;
	v8 =	vshll.u32 v8, $0x10  }
0x92: {  	v10 =	vmin.u32 v10, $0x200;
	v63 =	vor.u32 v9, v8;
	v9 =	vshll.u32 v11, $0x4  }
0x93: {  	v8 =	vshll.u32 v10, $0x4;
	_ =	sdelay $0x1  }
0x94: {  	s31 =	simm.s32 $0x20;
	s0 =	simm.s32 $0xD830  }
0x95: {  	s3 =	simm.s32 $0x30;
	v10 =	vmov s31;
	[tilespmem:s0+$0x0] =	vst v63  }
.LBB2_21:
0x96: {  	p1 =	sne.s32 s3, $0x100;
	v10 =	vshll.u32 v10, $0x1;
	v11 =	vld.idx.msk [tilespmem:v9+s13+$0x0], $0xffff  }
0x97: {  	v9 =	vor.u32 v1, v10;
	v10 =	vld.idx.msk [tilespmem:v8+s13+$0x0], $0xffff  }
0x98: {  	v8 =	vor.u32 $0x1, v9  }
0x99: {  	v8 =	vmin.u32 v8, $0x200  }
.Ltmp11:
0x9a: {  	v12 =	vmin.u32 v9, $0x200;
	v9 =	vshll.u32 v8, $0x4;
	(pc) =	sbr.rel @p1 .LBB2_21-.Ltmp11, $4  }
0x9b: {  	v8 =	vshll.u32 v12, $0x4  }
0x9c: {  	v11 =	vshll.u32 v11, $0x10  }
0x9d: {  	s0 =	sadd.s32 $0x10, s0;
	v11 =	vor.u32 v10, v11  }
0x9e: {  	v10 =	vmov s3;
	s3 =	sadd.s32 $0x10, s3;
	[tilespmem:s0+$0x0] =	vst v11  }
0x9f: {  	_ =	sdelay $0x2  }
0xa0: {  	v10 =	vshll.u32 v10, $0x1  }
0xa1: {  	v9 =	vld.idx.msk [tilespmem:v9+s13+$0x0], $0xffff;
	v10 =	vor.u32 v1, v10  }
0xa2: {  	v8 =	vld.idx.msk [tilespmem:v8+s13+$0x0], $0xffff;
	v11 =	vor.u32 $0x1, v10  }
0xa3: {  	v11 =	vmin.u32 v11, $0x200  }
0xa4: {  	v10 =	vmin.u32 v10, $0x200;
	v11 =	vshll.u32 v11, $0x4  }
0xa5: {  	v10 =	vshll.u32 v10, $0x4  }
0xa6: {  	v9 =	vshll.u32 v9, $0x10  }
0xa7: {  	s0 =	sadd.s32 $0x10, s0;
	v8 =	vor.u32 v8, v9  }
0xa8: {  	[tilespmem:s0+$0x0] =	vst v8  }
0xa9: {  	v8 =	vld.idx.msk [tilespmem:v11+s13+$0x0], $0xffff  }
0xaa: {  	v9 =	vld.idx.msk [tilespmem:v10+s13+$0x0], $0xffff;
	_ =	sdelay $0x3  }
0xab: {  	s3 =	smul.u32 $0x22, s19;
	v8 =	vshll.u32 v8, $0x10  }
0xac: {  	s9 =	simm.s32 $0x0;
	s0 =	sadd.s32 $0x10, s0;
	v8 =	vor.u32 v9, v8  }
0xad: {  	s30 =	sadd.s32 s6, s3;
	[tilespmem:s0+$0x0] =	vst v8;
	v8 =	vor.u32 s9, v4  }
0xae: {  	[hbm4b:s30+s9] =	stream.linear.scatter [tilespmem:s14], [sflag:$0x1], $0x110, $0x38;
	[tilespmem:$0xD940] =	vst v63  }
0xaf: {  	_ =	swait.ge [sflag:s10], $0x110  }
0xb0: {  	[sflag:s10] =	ssyncset.done $0x0  }
0xb1: {  	[sflag:s10] =	ssyncadd.s32 $0xFFFFFEF0  }
0xb2: {  	v9 =	vld.idx.msk [tilespmem:v8+s1+$0x0], $0xffff;
	_ =	sdelay $0x4  }
0xb3: {  	v9 =	vshll.u32 v9, $0x4  }
0xb4: {  	v9 =	vor.u32 v0, v9;
	_ =	sdelay $0x4  }
0xb5: {  	v11 =	vld.idx.msk [tilespmem:v9+s13+$0x0], $0xffff;
	_ =	sdelay $0x3  }
0xb6: {  	s31 =	simm.s32 $0x1  }
0xb7: {  	v10 =	vor.u32 s31, v4;
	_ =	sdelay $0x2  }
0xb8: {  	s0 =	simm.s32 $0x2;
	[tilespmem:v11+s15+$0x0] =	vst.idx.msk $0xffff, v8;
	v11 =	vadd.s32 $0x1, v11;
	v8 =	vmov v10  }
.LBB2_23:
0xb9: {  	p1 =	sne.s32 s0, $0x3F;
	[tilespmem:v9+s13+$0x0] =	vst.idx.msk $0xffff, v11;
	s3 =	smov.u32 s0;
	s0 =	sadd.s32 $0x1, s0  }
0xba: {  	v9 =	vld.idx.msk [tilespmem:v10+s1+$0x0], $0xffff;
	_ =	sdelay $0x5  }
0xbb: {  	v9 =	vshll.u32 v9, $0x4  }
0xbc: {  	v9 =	vor.u32 v0, v9;
	_ =	sdelay $0x4  }
0xbd: {  	v11 =	vld.idx.msk [tilespmem:v9+s13+$0x0], $0xffff;
	_ =	sdelay $0x3  }
.Ltmp12:
0xbe: {  	(pc) =	sbr.rel @p1 .LBB2_23-.Ltmp12, $2  }
0xbf: {  	v10 =	vor.u32 s3, v4;
	_ =	sdelay $0x2  }
0xc0: {  	[tilespmem:v11+s15+$0x0] =	vst.idx.msk $0xffff, v8;
	v11 =	vadd.s32 $0x1, v11;
	v8 =	vmov v10  }
0xc1: {  	_ =	sdelay $0x3  }
0xc2: {  	[tilespmem:v9+s13+$0x0] =	vst.idx.msk $0xffff, v11  }
0xc3: {  	v9 =	vld.idx.msk [tilespmem:v10+s1+$0x0], $0xffff;
	_ =	sdelay $0x4  }
0xc4: {  	v9 =	vshll.u32 v9, $0x4  }
0xc5: {  	v9 =	vor.u32 v0, v9;
	_ =	sdelay $0x4  }
0xc6: {  	v63 =	vld.idx.msk [tilespmem:v9+s13+$0x0], $0xffff;
	_ =	sdelay $0x7  }
0xc7: {  	[tilespmem:v63+s15+$0x0] =	vst.idx.msk $0xffff, v8;
	v8 =	vadd.s32 $0x1, v63  }
0xc8: {  	s3 =	sadd.s32 s5, s20;
	s0 =	simm.s32 $0x0;
	[tilespmem:v9+s13+$0x0] =	vst.idx.msk $0xffff, v8  }
0xc9: {  	[hbm4b:s3+s0] =	stream.linear.scatter [tilespmem:s15], [sflag:$0x1], $0x400, $0x38;
	[tilespmem:$0xD940] =	vst v63  }
0xca: {  	_ =	swait.ge [sflag:s10], $0x400  }
0xcb: {  	[sflag:s10] =	ssyncset.done $0x0  }
0xcc: {  	s20 =	simm.s32 $0x200;
	s3 =	simm.s32 $0x0;
	[sflag:s10] =	ssyncadd.s32 $0xFFFFFC00  }
.LBB2_25:
0xcd: {  	p1 =	sne.s32 s20, $0xFE00;
	[tilespmem:s3+$0x7290] =	vst v3  }
0xce: {  	[tilespmem:s3+$0x7220] =	vst v3  }
0xcf: {  	[tilespmem:s3+$0x7230] =	vst v3  }
.Ltmp13:
0xd0: {  	[tilespmem:s3+$0x7240] =	vst v3;
	(pc) =	sbr.rel @p1 .LBB2_25-.Ltmp13, $4  }
0xd1: {  	[tilespmem:s3+$0x7250] =	vst v3  }
0xd2: {  	[tilespmem:s3+$0x7260] =	vst v3  }
0xd3: {  	[tilespmem:s3+$0x7270] =	vst v3  }
0xd4: {  	[tilespmem:s3+$0x7280] =	vst v3;
	s3 =	sshra.s32 s20, $0x2;
	s20 =	sadd.s32 $0x200, s20  }
0xd5: {  	[tilespmem:s3+$0x7290] =	vst v3  }
0xd6: {  	[tilespmem:s3+$0x7220] =	vst v3  }
0xd7: {  	[tilespmem:s3+$0x7230] =	vst v3  }
0xd8: {  	[tilespmem:s3+$0x7240] =	vst v3  }
0xd9: {  	[tilespmem:s3+$0x7250] =	vst v3  }
0xda: {  	[tilespmem:s3+$0x7260] =	vst v3  }
0xdb: {  	[tilespmem:s3+$0x7270] =	vst v3  }
0xdc: {  	[tilespmem:s3+$0x7280] =	vst v3  }
.LBB2_27:
0xdd: {  	v8 =	vadd.s32 s0, v2  }
0xde: {  	v9 =	vadd.s32 s0, v5;
	_ =	sdelay $0x3  }
0xdf: {  	v8 =	vld.idx.msk [tilespmem:v8+s11+$0x0], $0xffff  }
0xe0: {  	v9 =	vld.idx.msk [tilespmem:v9+s11+$0x0], $0xffff;
	_ =	sdelay $0x3  }
0xe1: {  	v8 =	vshll.u32 v8, $0x5  }
0xe2: {  	v9 =	vshll.u32 v9, $0x5;
	v8 =	vor.u32 v1, v8  }
0xe3: {  	v9 =	vor.u32 v6, v9;
	_ =	sdelay $0x3  }
0xe4: {  	v10 =	vld.idx.msk [tilespmem:v8+s16+$0x0], $0xffff  }
0xe5: {  	v11 =	vld.idx.msk [tilespmem:v9+s16+$0x0], $0xffff  }
0xe6: {  	p1 =	sne.s32 s0, $0x4E0  }
.Ltmp14:
0xe7: {  	_ = 	snop;
	(pc) =	sbr.rel @p1 .LBB2_27-.Ltmp14, $4  }
0xe8: {  	_ = 	snop  }
0xe9: {  	v10 =	vadd.s32 $0x1, v10  }
0xea: {  	[tilespmem:v8+s16+$0x0] =	vst.idx.msk $0xffff, v10;
	v8 =	vadd.s32 $0x1, v11  }
0xeb: {  	s0 =	sadd.s32 $0x2, s0;
	[tilespmem:v9+s16+$0x0] =	vst.idx.msk $0xffff, v8  }
0xec: {  	s0 =	simm.s32 $0x0  }
.LBB2_29:
0xed: {  	s3 =	sshll.u32 s0, $0x4  }
0xee: {  	v8 =	vmov s3  }
0xef: {  	v8 =	vshll.u32 v8, $0x5  }
0xf0: {  	s9 =	simm.s32 $0x1;
	v8 =	vor.u32 v7, v8  }
0xf1: {  	v10 =	vor.u32 s9, v8;
	_ =	sdelay $0x3  }
0xf2: {  	v9 =	vld.idx.msk [tilespmem:v8+s16+$0x0], $0xffff  }
0xf3: {  	s20 =	simm.s32 $0x2;
	v10 =	vld.idx.msk [tilespmem:v10+s16+$0x0], $0xffff  }
.LBB2_30:
0xf4: {  	v11 =	vor.u32 s20, v8;
	p1 =	sne.s32 s20, $0x1F;
	s20 =	sadd.s32 $0x1, s20  }
.Ltmp15:
0xf5: {  	(pc) =	sbr.rel @p1 .LBB2_30-.Ltmp15, $2  }
0xf6: {  	_ =	sdelay $0x2  }
0xf7: {  	v9 =	vadd.s32 v9, v10;
	v10 =	vld.idx.msk [tilespmem:v11+s16+$0x0], $0xffff  }
0xf8: {  	s0 =	sadd.s32 $0x1, s0  }
0xf9: {  	p1 =	sne.s32 s0, $0x20  }
.Ltmp16:
0xfa: {  	_ = 	snop;
	(pc) =	sbr.rel @p1 .LBB2_29-.Ltmp16, $3  }
0xfb: {  	_ =	sdelay $0x1  }
0xfc: {  	v8 =	vadd.s32 v9, v10  }
0xfd: {  	[tilespmem:s3+$0xD630] =	vst v8  }
0xfe: {  	s0 =	sshll.u32 s19, $0x6  }
0xff: {  	s0 =	sadd.s32 s7, s0  }
0x100: {  	[hbm4b:s0+s1] =	stream.linear.scatter [tilespmem:s17], [sflag:$0x1], $0x200, $0x38;
	[tilespmem:$0xD940] =	vst v63  }
.Ltmp17:
0x101: {  	_ = 	snop;
	(pc) =	sbr.rel @p0 .LBB2_2-.Ltmp17, $4  }
.Ltmp18:
0x102: {  	s0 =	simm.s32 $0x1;
	(pc) =	sbr.rel @!p0 .LBB2_33-.Ltmp18, $4  }
0x103: {  	_ =	swait.ge [sflag:s0], $0x200  }
0x104: {  	[sflag:s0] =	ssyncset.done $0x0  }
0x105: {  	p1 =	por $0x0, $0x0;
	[sflag:s0] =	ssyncadd.s32 $0xFFFFFE00  }
0x106: {  	_ = 	snop  }
.LBB2_7:
.Ltmp19:
0x107: {  	(pc) =	sbr.rel .LBB2_20-.Ltmp19, $2  }
0x108: {  	_ =	sdelay $0x2  }
0x109: {  	s22 =	simm.s32 $0x0;
	s31 =	simm.s32 $0x0  }
.LBB2_9:
.Ltmp20:
0x10a: {  	_ = 	snop;
	(pc) =	sbr.rel .LBB2_20-.Ltmp20, $2  }
0x10b: {  	_ =	sdelay $0x2  }
0x10c: {  	v12 =	vmov v8;
	s22 =	simm.s32 $0x20;
	s0 =	simm.s32 $0x0;
	s31 =	simm.s32 $0x0;
	v13 =	vmov v11  }
.LBB2_11:
.Ltmp21:
0x10d: {  	_ = 	snop;
	(pc) =	sbr.rel .LBB2_20-.Ltmp21, $3  }
0x10e: {  	_ =	sdelay $0x1  }
0x10f: {  	s22 =	simm.s32 $0x40  }
0x110: {  	v14 =	vmovc v9;
	v29 =	vmov v8;
	v12 =	vmov v15;
	s3 =	simm.s32 $0x0;
	s0 =	simm.s32 $0x20;
	s31 =	simm.s32 $0x0;
	v13 =	vmov v16  }
.LBB2_13:
.Ltmp22:
0x111: {  	_ = 	snop;
	(pc) =	sbr.rel .LBB2_20-.Ltmp22, $3  }
0x112: {  	_ =	sdelay $0x1  }
0x113: {  	s22 =	simm.s32 $0x60;
	v14 =	vmov v19;
	s30 =	simm.s32 $0x0;
	v29 =	vmov v15;
	v12 =	vmov v18  }
0x114: {  	v11 =	vmovc v16;
	v16 =	vmovc v10;
	v24 =	vmov v9;
	s3 =	simm.s32 $0x20;
	s0 =	simm.s32 $0x40;
	s31 =	simm.s32 $0x0;
	v28 =	vmov v8;
	v13 =	vmov v17  }
.LBB2_15:
.Ltmp23:
0x115: {  	(pc) =	sbr.rel .LBB2_20-.Ltmp23, $3  }
0x116: {  	_ =	sdelay $0x1  }
0x117: {  	s22 =	simm.s32 $0x80;
	s29 =	simm.s32 $0x0;
	v14 =	vmovc v26;
	v20 =	vmovc v10;
	v16 =	vmov v21;
	v23 =	vmov v9;
	v24 =	vmov v19  }
0x118: {  	s30 =	simm.s32 $0x20;
	s3 =	simm.s32 $0x40;
	s31 =	simm.s32 $0x0;
	v27 =	vmovc v8;
	v28 =	vmovc v15;
	v29 =	vmov v18;
	v13 =	vmov v11;
	v11 =	vmov v17  }
.LBB2_17:
.Ltmp24:
0x119: {  	(pc) =	sbr.rel .LBB2_20-.Ltmp24, $3  }
0x11a: {  	_ =	sdelay $0x1  }
0x11b: {  	s28 =	simm.s32 $0x0;
	s29 =	simm.s32 $0x20;
	v29 =	vmov v12;
	v20 =	vmov v21  }
0x11c: {  	v23 =	vmovc v19;
	s30 =	simm.s32 $0x40;
	v24 =	vmovc v26;
	s3 =	simm.s32 $0x60;
	s0 =	simm.s32 $0x80;
	v27 =	vmov v15;
	v28 =	vmov v18;
	v12 =	vmov v30  }
.LBB2_34:
0x11d: {  	_ =	sfence.sel $0x180000  }
0x11e: {  	[bflag:$0x0] =	sbarrier.arrive $0xFFFF  }
0x11f: {  	_ =	strace $0x90000047  }
0x120: {  	s0 =	stileid.u32;
	[bflag:$0x2] =	sbarrier.arrive $0xFFFF  }
0x121: {  	p0 =	sne.s32 s0, $0x0;
	s0 =	rddreg [dreg:$0x1]  }
0x122: {  	s0 =	sadd.s32 @!p0 $0x100000, s0  }
0x123: {  	[sflag:s0] =	ssyncadd.tile.s32 @!p0 $0x1;
	_ =	shalt  }
.Lfunc_end2:
_tile_overlayer_lowered:
.L_overlay_start_2:
0x124: {  	(tag) =	ssettag $0x2  }
0x125: {  	s0 =	rddreg [dreg:$0x0];
	s2 =	stileid.u32  }
0x126: {  	s1 =	rddreg [dreg:$0x1];
	p0 =	sne.s32 s2, $0x0  }
0x127: {  	s3 =	rddreg [dreg:$0x2];
	[bflag:$0x3] =	sbarrier.arrive $0xFFFF;
	s2 =	simm.s32 @!p0 $0x1C01  }
0x128: {  	[timem:s3], [sflag:s2] =	dma.local @!p0 [hbm:s0], s1  }
0x129: {  	s0 =	simm.s32 @!p0 $0x1  }
0x12a: {  	_ =	swait.ge @!p0 [sflag:s0], s1  }
0x12b: {  	s1 =	ssub.s32 @!p0 $0x0, s1;
	[sflag:s0] =	ssyncset.done @!p0 $0x0  }
0x12c: {  	[sflag:s0] =	ssyncadd.s32 @!p0 s1  }
0x12d: {  	[bflag:$0x3] =	sbarrier.arrive $0xFFFF  }
0x12e: {  	_ =	shalt  }

// kernel: kernel.7.cloned.1.call-start
scs
__scs_entry_jumppad:
0x0: {  	(pc) =	sbr.rel $0x88, $3  }
0x1: {  	(tag) =	ssettag $0x0;
	lr =	simm.s32 $0x1  }
0x2: {  	[smem:$0x3F9F] =	sst lr;
	_ =	strace $0xD0000000  }
0x3: {  	_ = 	snop  }
0x4: {  	_ = 	snop  }
0x5: {  	_ = 	snop  }
0x6: {  	_ = 	snop  }
0x7: {  	_ = 	snop  }
__scs_overlays_trampoline_lowered:
0x8: {  	[smem:$0x3FAE] =	sst s0  }
0x9: {  	[smem:$0x3FAF] =	sst s1  }
0xa: {  	[smem:$0x3FB0] =	sst s2  }
0xb: {  	[smem:$0x3FB1] =	sst s3  }
0xc: {  	[smem:$0x3FB2] =	sst s4  }
0xd: {  	[smem:$0x3FB3] =	sst s5  }
0xe: {  	[smem:$0x3FB4] =	sst s6  }
0xf: {  	[smem:$0x3FB5] =	sst s7  }
0x10: {  	[smem:$0x3FB6] =	sst s8  }
0x11: {  	[smem:$0x3FB7] =	sst s9;
	s0 =	simm.s32 @!p0 $0x0  }
0x12: {  	s1 =	sld [smem:$0x3F9D];
	s0 =	simm.s32 @p0 $0x1  }
0x13: {  	[smem:$0x3FB8] =	sst s0;
	s0 =	simm.s32 @!p1 $0x0  }
0x14: {  	s2 =	sld [smem:$0x3F9C];
	s0 =	simm.s32 @p1 $0x1  }
0x15: {  	[smem:$0x3FB9] =	sst s0;
	s0 =	simm.s32 @!p2 $0x0  }
0x16: {  	s3 =	sld [smem:$0x3FDB];
	s0 =	simm.s32 @p2 $0x1  }
0x17: {  	s4 =	simm.s32 $0x1BF5;
	[smem:$0x3FBB] =	sst s0  }
0x18: {  	s0 =	sld [smem:$0x3F9E];
	_ =	swait.ge [sflag:s4], $0x0  }
0x19: {  	s7 =	sld [smem:$0x3F9F]  }
0x1a: {  	s8 =	sadd.s32 $0xFFFFE003, lr  }
0x1b: {  	s9 =	sadd.s32 $0xFFFFFEF7, lr;
	s5 =	simm.s32 $0xFFFFFFFF;
	p2 =	slt.u32 s8, $0xFFFFF086  }
0x1c: {  	p1 =	slt.u32 s9, $0xF7A;
	s5 =	simm.s32 @!p2 $0x0  }
0x1d: {  	s5 =	simm.s32 @p1 $0x1;
	p0 =	seq.s32 s7, s2  }
0x1e: {  	s7 =	smul.u32 @!p0 $0xF7A, s2;
	p2 =	seq.s32 @!p0 s5, $0x0  }
0x1f: {  	s9 =	smul.u32 $0xF7A, s1;
	s8 =	simm.s32 @!p0 $0x1BF5;
	p2 =	por !p2, p0  }
0x20: {  	[sflag:s8] =	ssyncset.s32 @!p0 $0xFFFFF086;
	s6 =	sadd.s32 @!p0 s3, s7;
	s7 =	simm.s32 @!p0 $0x108  }
0x21: {  	s3 =	sadd.s32 s3, s9;
	s6 =	sadd.s32 @!p0 $0x88, s6;
	s7 =	simm.s32 @p2 $0x1082  }
0x22: {  	[simem:s7], [sflag:s8] =	dma.local @!p0 [hbm:s6], $0xF7A  }
0x23: {  	s9 =	sor.u32 $0xD0000000, s2;
	s6 =	simm.s32 $0x108;
	_ =	swait.ge @!p0 [sflag:s8], $0x0  }
0x24: {  	s3 =	sadd.s32 $0x88, s3;
	s6 =	simm.s32 @!p1 $0x1082;
	[sflag:s4] =	ssyncset.s32 $0xFFFFF086  }
0x25: {  	[simem:s6], [sflag:s4] =	dma.local [hbm:s3], $0xF7A  }
0x26: {  	[smem:$0x3F9F] =	sst s1;
	(tag) =	ssettag s2;
	_ =	strace s9  }
0x27: {  	s1 =	sld [smem:$0x3FAF]  }
0x28: {  	s2 =	sld [smem:$0x3FB0]  }
0x29: {  	s4 =	sld [smem:$0x3FB2]  }
0x2a: {  	p0 =	seq.s32 s5, $0x0;
	s5 =	sld [smem:$0x3FB3]  }
0x2b: {  	s6 =	sld [smem:$0x3FB4]  }
0x2c: {  	s7 =	sld [smem:$0x3FB5]  }
0x2d: {  	s3 =	simm.s32 $0x108;
	s8 =	sld [smem:$0x3FB6]  }
0x2e: {  	s3 =	simm.s32 @!p0 $0x1082;
	s9 =	sld [smem:$0x3FB7]  }
0x2f: {  	lr =	sadd.s32 s0, s3;
	s0 =	sld [smem:$0x3FAE]  }
0x30: {  	s3 =	sld [smem:$0x3FB1]  }
0x31: {  	[smem:$0x3FBA] =	sst s10  }
0x32: {  	s10 =	sld [smem:$0x3FB8];
	_ =	sdelay $0x3  }
0x33: {  	p0 =	seq.s32 s10, $0x1;
	s10 =	sld [smem:$0x3FBA];
	_ =	sdelay $0x3  }
0x34: {  	[smem:$0x3FBA] =	sst s10  }
0x35: {  	s10 =	sld [smem:$0x3FB9];
	_ =	sdelay $0x3  }
0x36: {  	p1 =	seq.s32 s10, $0x1;
	s10 =	sld [smem:$0x3FBA];
	_ =	sdelay $0x3  }
0x37: {  	[smem:$0x3FBA] =	sst s10  }
0x38: {  	s10 =	sld [smem:$0x3FBB]  }
0x39: {  	_ = 	snop;
	(pc) =	sbr.ind lr, $3  }
0x3a: {  	_ = 	snop  }
0x3b: {  	_ = 	snop  }
0x3c: {  	p2 =	seq.s32 s10, $0x1;
	s10 =	sld [smem:$0x3FBA]  }
0x3d: {  	_ =	shalt  }
0x3e: {  	_ =	shalt  }
0x3f: {  	_ =	shalt  }
0x40: {  	_ =	shalt  }
0x41: {  	_ =	shalt  }
0x42: {  	_ =	shalt  }
0x43: {  	_ =	shalt  }
0x44: {  	_ =	shalt  }
0x45: {  	_ =	shalt  }
0x46: {  	_ =	shalt  }
0x47: {  	_ =	shalt  }
0x48: {  	_ =	shalt  }
0x49: {  	_ =	shalt  }
0x4a: {  	_ =	shalt  }
0x4b: {  	_ =	shalt  }
0x4c: {  	_ =	shalt  }
0x4d: {  	_ =	shalt  }
0x4e: {  	_ =	shalt  }
0x4f: {  	_ =	shalt  }
0x50: {  	_ =	shalt  }
0x51: {  	_ =	shalt  }
0x52: {  	_ =	shalt  }
0x53: {  	_ =	shalt  }
0x54: {  	_ =	shalt  }
0x55: {  	_ =	shalt  }
0x56: {  	_ =	shalt  }
0x57: {  	_ =	shalt  }
0x58: {  	_ =	shalt  }
0x59: {  	_ =	shalt  }
0x5a: {  	_ =	shalt  }
0x5b: {  	_ =	shalt  }
0x5c: {  	_ =	shalt  }
0x5d: {  	_ =	shalt  }
0x5e: {  	_ =	shalt  }
0x5f: {  	_ =	shalt  }
0x60: {  	_ =	shalt  }
0x61: {  	_ =	shalt  }
0x62: {  	_ =	shalt  }
0x63: {  	_ =	shalt  }
0x64: {  	_ =	shalt  }
0x65: {  	_ =	shalt  }
0x66: {  	_ =	shalt  }
0x67: {  	_ =	shalt  }
0x68: {  	_ =	shalt  }
0x69: {  	_ =	shalt  }
0x6a: {  	_ =	shalt  }
0x6b: {  	_ =	shalt  }
0x6c: {  	_ =	shalt  }
0x6d: {  	_ =	shalt  }
0x6e: {  	_ =	shalt  }
0x6f: {  	_ =	shalt  }
0x70: {  	_ =	shalt  }
0x71: {  	_ =	shalt  }
0x72: {  	_ =	shalt  }
0x73: {  	_ =	shalt  }
0x74: {  	_ =	shalt  }
0x75: {  	_ =	shalt  }
0x76: {  	_ =	shalt  }
0x77: {  	_ =	shalt  }
0x78: {  	_ =	shalt  }
0x79: {  	_ =	shalt  }
0x7a: {  	_ =	shalt  }
0x7b: {  	_ =	shalt  }
0x7c: {  	_ =	shalt  }
0x7d: {  	_ =	shalt  }
0x7e: {  	_ =	shalt  }
0x7f: {  	_ =	shalt  }
0x80: {  	_ =	shalt  }
0x81: {  	_ =	shalt  }
0x82: {  	_ =	shalt  }
0x83: {  	_ =	shalt  }
0x84: {  	_ =	shalt  }
0x85: {  	_ =	shalt  }
0x86: {  	_ =	shalt  }
0x87: {  	_ =	shalt  }
.Lfunc_end0:
.L_simem_size_0:
called_computation.2_lowered:
.L_overlay_start_0:
0x88: {  	s2 =	sld [smem:$0x3FD9]  }
0x89: {  	s3 =	sld [smem:$0x3FFE];
	_ =	sdelay $0x1  }
0x8a: {  	s1 =	srdreg.scid  }
0x8b: {  	s0 =	sand.u32 $0x1, s1  }
0x8c: {  	s17 =	sshll.u32 s0, $0xA;
	s2 =	sadd.s32 s3, s2  }
0x8d: {  	s2 =	sadd.s32 s2, s17  }
0x8e: {  	[smem:$0x3FC6] =	sst s2  }
0x8f: {  	_ = 	snop  }
0x90: {  	s2 =	sld [smem:$0x3FD0];
	(tm) =	ssettm $0x1  }
0x91: {  	s18 =	sld [smem:$0x3FFB];
	_ =	sdelay $0x3  }
0x92: {  	_ =	strace s18  }
0x93: {  	s3 =	sld [smem:$0x3FFC];
	_ =	sdelay $0x3  }
0x94: {  	_ =	strace s3  }
0x95: {  	s3 =	sld [smem:$0x3FFD];
	_ =	sdelay $0x3  }
0x96: {  	_ =	strace s3  }
0x97: {  	_ =	strace $0x8FFFFFFF  }
0x98: {  	s19 =	sld [smem:$0x3FDB];
	_ =	sdelay $0x1  }
0x99: {  	s4 =	simm.s32 $_scs_section_size  }
0x9a: {  	s5 =	simm.s32 $_size__tile_overlayer_lowered;
	s6 =	simm.s32 $_tile_overlayer_lowered  }
0x9b: {  	s22 =	simm.s32 $0x1BFF;
	s21 =	sshll.u32 s6, $0x1;
	s3 =	sadd.s32 s4, s19  }
0x9c: {  	s7 =	simm.s32 $0x0;
	s20 =	sshll.u32 s5, $0x1;
	s5 =	sadd.s32 s21, s3  }
0x9d: {  	[timem:s7], [sflag:s22] =	dma.local [hbm:s5], s20  }
0x9e: {  	_ =	swait.ge [sflag:s22], s20  }
0x9f: {  	s4 =	ssub.s32 $0x0, s20;
	[sflag:s22] =	ssyncset.done $0x0  }
0xa0: {  	[sflag:s22] =	ssyncadd.s32 s4;
	_ =	sdelay $0x1  }
0xa1: {  	s23 =	simm.s32 $0x1B8B  }
0xa2: {  	_ =	swait.ge [sflag:s23], $0x1  }
0xa3: {  	[sflag:s23] =	ssyncset.done $0x0  }
0xa4: {  	s25 =	simm.s32 $0x1B8E;
	s24 =	sld [smem:$0x3FFE];
	[sflag:s23] =	ssyncadd.s32 $0xFFFFFFFF  }
0xa5: {  	s26 =	simm.s32 $execute0_lowered;
	[smem:$0x3FD2] =	sst s25  }
0xa6: {  	s5 =	sshll.u32 s26, $0x1;
	_ =	strace $0x80000049;
	[dreg:$0x1] =	wrdreg $0xFFFFFFFF  }
0xa7: {  	s28 =	simm.s32 $_size_execute0_lowered;
	s3 =	sadd.s32 s3, s5;
	[dreg:$0x0] =	wrdreg $0x0  }
0xa8: {  	s5 =	sshll.u32 s28, $0x1;
	[dreg:$0x2] =	wrdreg s3  }
0xa9: {  	[dreg:$0x3] =	wrdreg s5  }
0xaa: {  	[dreg:$0x4] =	wrdreg $0xC0  }
0xab: {  	_ =	task [dreg:s7], $0x5FFFF  }
0xac: {  	[dreg:$0x1] =	wrdreg $0xFFFFFFFF  }
0xad: {  	[dreg:$0x0] =	wrdreg $0x60  }
0xae: {  	[dreg:$0x2] =	wrdreg s24  }
0xaf: {  	[dreg:$0x3] =	wrdreg s2  }
0xb0: {  	[dreg:$0x4] =	wrdreg $0x9  }
0xb1: {  	_ =	task.clear_ibuf [dreg:s7], $0x5FFFF;
	_ =	strace $0x90000049  }
0xb2: {  	s29 =	simm.s32 $0x9;
	_ =	strace $0x8000004B  }
0xb3: {  	_ =	swait.ge [sflag:s29], $0x1  }
0xb4: {  	[sflag:s29] =	ssyncadd.s32 $0xFFFFFFFF  }
0xb5: {  	_ =	strace $0x9000004B  }
0xb6: {  	_ =	sfence  }
0xb7: {  	s30 =	sld [smem:$0x0];
	_ =	sdelay $0x2  }
0xb8: {  	s31 =	sshll.u32 s1, $0xD;
	s1 =	sshrl.u32 s1, $0x2  }
0xb9: {  	s3 =	sand.u32 $0x4000, s31;
	s1 =	sadd.s32 s1, s30  }
0xba: {  	s0 =	sor.u32 s3, s0;
	s1 =	sshll.u32 s1, $0x11  }
0xbb: {  	s0 =	sor.u32 s1, s0  }
0xbc: {  	s0 =	sadd.s32 $0x8F2B, s0  }
0xbd: {  	[sflag:s0] =	ssyncadd.remote.s32 $0x1  }
0xbe: {  	_ =	sfence.sel $0xFFFF  }
0xbf: {  	[dreg:$0x0] =	wrdreg $0xFFFFFFFF;
	(pc) =	sbr.abs _section_cstart, $3  }
0xc0: {  	[dreg:$0x1] =	wrdreg $0xFFFFFFFF  }
0xc1: {  	_ =	task.clear_ibuf [dreg:s7], $0x2FFFF;
	_ =	strace $0x9FFFFFFF  }
0xc2: {  	(tm) =	ssettm $0x7FFFFFFF  }
0xc3: {  	_ =	shalt  }
tec
execute0_lowered:
.L_overlay_start_1:
0x0: {  	(tag) =	ssettag $0x1  }
0x1: {  	s0 =	rddreg [dreg:$0x0]  }
0x2: {  	s2 =	rddreg [dreg:$0x1];
	s3 =	simm.s32 $0x0;
	s14 =	stileid.u32  }
0x3: {  	s6 =	srdreg.scid;
	s15 =	simm.s32 $0x1;
	s17 =	simm.s32 $0x10000  }
0x4: {  	s18 =	simm.s32 $0x4;
	s22 =	simm.s32 $0x1E840;
	s20 =	simm.s32 $0x1D800  }
0x5: {  	s28 =	simm.s32 $0x3;
	s29 =	simm.s32 $0x14400;
	s30 =	simm.s32 $0x18400  }
0x6: {  	s31 =	simm.s32 $0x0;
	[smem:$0x7FF] =	sst s3;
	s1 =	sshll.u32 s14, $0x3  }
0x7: {  	s12 =	sshll.u32 s14, $0x9;
	s4 =	sadd.s32 $0x3400, s0;
	s13 =	sand.u32 $0x1, s6  }
0x8: {  	s23 =	sadd.s32 $0x2C600, s0;
	s6 =	sadd.s32 $0x2D000, s0;
	s10 =	sadd.s32 $0x2E000, s0  }
0x9: {  	_ =	strace $0x8000004A;
	s5 =	sadd.s32 s1, s0;
	s11 =	sadd.s32 s12, s0  }
0xa: {  	[dreg:$0x3] =	wrdreg s23;
	s7 =	ssub.s32 $0x2, s13;
	s9 =	sshll.u32 s13, $0x4  }
0xb: {  	s0 =	sadd.s32 $0x2E200, s0;
	s24 =	sshll.u32 s13, $0x7;
	s1 =	sadd.s32 s10, s1  }
0xc: {  	s25 =	sshll.u32 s13, $0xD;
	s8 =	sshrl.u32 s7, $0x1;
	s5 =	sadd.s32 $0x1400, s5  }
0xd: {  	s10 =	sadd.s32 s10, s24;
	s11 =	sadd.s32 $0x2A600, s11;
	s26 =	sadd.s32 s0, s12  }
0xe: {  	s13 =	sadd.s32 s0, s25;
	s16 =	ssub.s32 s7, s8;
	s7 =	sor.u32 s14, s9  }
.Ltmp0:
0xf: {  	[dreg:$0x4] =	wrdreg s5;
	s9 =	sadd.s32 s24, s1;
	(pc) =	sbr.rel .LBB2_1-.Ltmp0, $4  }
0x10: {  	s14 =	simm.s32 $0x1;
	s12 =	sadd.s32 s25, s26;
	s24 =	simm.s32 $0x10  }
0x11: {  	s25 =	simm.s32 $0x4E20;
	p0 =	slt.u32 s7, $0x2;
	p1 =	sgt.u32 s7, $0x1  }
0x12: {  	s26 =	simm.s32 $0x1C400;
	s14 =	simm.s32 @!p1 $0x0;
	s15 =	simm.s32 @!p0 $0x0  }
0x13: {  	v0 =	vimm.f32 $0.0e+00;
	v1 =	vlaneseq.u32;
	s16 =	smax.u32 s16, $0x1;
	s14 =	sadd.s32 $0x1, s14;
	s15 =	sadd.s32 $0x1, s15  }
.LBB2_39:
0x14: {  	s31 =	sadd.s32 $0x1, s31  }
0x15: {  	_ =	swait.ge [sflag:s14], $0x4000;
	p0 =	sne.s32 s31, s16  }
.Ltmp1:
0x16: {  	[sflag:s14] =	ssyncset.done $0x0;
	(pc) =	sbr.rel @!p0 .LBB2_40-.Ltmp1, $4  }
0x17: {  	[sflag:s14] =	ssyncadd.s32 $0xFFFFC000  }
0x18: {  	_ =	swait.ge [sflag:s15], $0x4000  }
0x19: {  	[sflag:s15] =	ssyncset.done $0x0  }
0x1a: {  	s20 =	simm.s32 $0x1D800;
	[sflag:s15] =	ssyncadd.s32 $0xFFFFC000  }
.LBB2_1:
0x1b: {  	s0 =	rddreg [dreg:$0x3]  }
0x1c: {  	[tilespmem:s17], [sflag:$0x4] =	stream.linear.gather [hbm4b:s0+s3], $0x4400, $0x38;
	[tilespmem:$0x1EC40] =	vst v63  }
0x1d: {  	_ =	swait.ge [sflag:s18], $0x4400  }
0x1e: {  	s19 =	sadd.s32 $0x0, s6;
	s1 =	simm.s32 $0x400;
	[sflag:s18] =	ssyncset.done $0x0  }
0x1f: {  	s5 =	simm.s32 $0x0;
	s0 =	simm.s32 $0x40;
	[sflag:s18] =	ssyncadd.s32 $0xFFFFBC00  }
.LBB2_2:
0x20: {  	[tilespmem:s5], [sflag:$0x4] =	stream.linear.gather [hbm4b:s19+s3], $0x200, $0x38;
	[tilespmem:$0x1EC40] =	vst v63  }
0x21: {  	s19 =	smov.u32 s0;
	s5 =	smov.u32 s1;
	p0 =	sne.s32 s0, $0xFC0  }
.Ltmp2:
0x22: {  	s0 =	sadd.s32 $0x40, s0;
	(pc) =	sbr.rel @p0 .LBB2_2-.Ltmp2, $2  }
0x23: {  	_ =	sdelay $0x2  }
0x24: {  	s1 =	sadd.s32 $0x400, s1;
	s19 =	sadd.s32 s19, s6  }
0x25: {  	[tilespmem:s5], [sflag:$0x4] =	stream.linear.gather [hbm4b:s19+s3], $0x200, $0x38;
	[tilespmem:$0x1EC40] =	vst v63  }
0x26: {  	_ =	swait.ge [sflag:s18], $0x8000  }
0x27: {  	s0 =	simm.s32 $0x1C800;
	s23 =	simm.s32 $0x40;
	[sflag:s18] =	ssyncset.done $0x0  }
0x28: {  	s8 =	simm.s32 $0x400;
	s1 =	rddreg [dreg:$0x4];
	[sflag:s18] =	ssyncadd.s32 $0xFFFF8000  }
0x29: {  	[tilespmem:s0], [sflag:$0x4] =	stream.strided.gather [hbm4b:s1+s23], $0x1000, s8, s23, $0x38;
	[tilespmem:$0x1EC40] =	vst v63  }
0x2a: {  	_ =	swait.ge [sflag:s18], $0x1000  }
0x2b: {  	[sflag:s18] =	ssyncset.done $0x0  }
0x2c: {  	[sflag:s18] =	ssyncadd.s32 $0xFFFFF000  }
0x2d: {  	v2 =	vld [tilespmem:s0+$0x0];
	_ =	sdelay $0x3  }
0x2e: {  	s8 =	simm.s32 $0x1C840  }
0x2f: {  	s19 =	simm.s32 $0x0;
	v3 =	vld [tilespmem:s8+$0x0];
	v4 =	vand.u32 $0xFFFFFFF8, v2  }
0x30: {  	v2 =	vand.u32 $0x7, v2;
	v4 =	vadd.s32 s19, v4  }
0x31: {  	v4 =	vor.u32 v2, v4;
	_ =	sdelay $0x2  }
0x32: {  	s21 =	simm.s32 $0x1C880;
	s23 =	simm.s32 $0x400;
	v2 =	vand.u32 $0xFFFFFFF8, v3  }
0x33: {  	v5 =	vld [tilespmem:s21+$0x0];
	v6 =	vand.u32 $0x7, v3;
	v7 =	vadd.s32 s23, v2  }
0x34: {  	v3 =	vld.idx.msk [tilespmem:v4+s3+$0x0], $0xffff;
	v4 =	vor.u32 v6, v7;
	_ =	sdelay $0x2  }
0x35: {  	s5 =	simm.s32 $0x1C8C0;
	s1 =	simm.s32 $0x3;
	s0 =	simm.s32 $0x2;
	v2 =	vimm.s32 $0x0  }
.LBB2_4:
0x36: {  	v6 =	vld [tilespmem:s5+$0x0];
	v7 =	vand.u32 $0xFFFFFFF8, v5;
	s19 =	sshll.u32 s0, $0xA;
	s0 =	smov.u32 s1;
	p0 =	sne.s32 s1, $0x3F  }
.Ltmp3:
0x37: {  	s1 =	sadd.s32 $0x1, s1;
	v5 =	vand.u32 $0x7, v5;
	v2 =	vadd.s32 v2, v3;
	v7 =	vadd.s32 s19, v7;
	v3 =	vld.idx.msk [tilespmem:v4+s3+$0x0], $0xffff;
	(pc) =	sbr.rel @p0 .LBB2_4-.Ltmp3, $2  }
0x38: {  	v4 =	vor.u32 v5, v7;
	_ =	sdelay $0x2  }
0x39: {  	s5 =	sadd.s32 $0x40, s5;
	v5 =	vmov v6  }
0x3a: {  	v6 =	vand.u32 $0xFFFFFFF8, v5;
	s0 =	sshll.u32 s0, $0xA  }
0x3b: {  	v5 =	vand.u32 $0x7, v5;
	v6 =	vadd.s32 s0, v6  }
0x3c: {  	v5 =	vor.u32 v5, v6;
	_ =	sdelay $0x3  }
0x3d: {  	v4 =	vld.idx.msk [tilespmem:v4+s3+$0x0], $0xffff  }
0x3e: {  	v5 =	vld.idx.msk [tilespmem:v5+s3+$0x0], $0xffff;
	_ =	sdelay $0x2  }
0x3f: {  	v2 =	vadd.s32 v2, v3  }
0x40: {  	v2 =	vadd.s32 v2, v4  }
0x41: {  	v2 =	vadd.s32 v2, v5  }
0x42: {  	v2 =	vcvt.s32.f32 v2;
	_ =	sdelay $0x1  }
0x43: {  	v2 =	vadd.f32 $6.399999960e-07, v2;
	_ =	sdelay $0x1  }
0x44: {  	(erf) = vrcp.f32 v2;
	_ =	sdelay $0x8  }
0x45: {  	v2 =	vpop (erf)  }
0x46: {  	s8 =	simm.s32 $0x1C810;
	[tilespmem:$0x1E800] =	vst v2  }
0x47: {  	v2 =	vld [tilespmem:s8+$0x0];
	_ =	sdelay $0x3  }
0x48: {  	s19 =	simm.s32 $0x1C850  }
0x49: {  	s21 =	simm.s32 $0x0;
	v3 =	vld [tilespmem:s19+$0x0];
	v4 =	vand.u32 $0xFFFFFFF8, v2  }
0x4a: {  	v2 =	vand.u32 $0x7, v2;
	v4 =	vadd.s32 s21, v4  }
0x4b: {  	v4 =	vor.u32 v2, v4;
	_ =	sdelay $0x2  }
0x4c: {  	s23 =	simm.s32 $0x1C890;
	s1 =	simm.s32 $0x400;
	v2 =	vand.u32 $0xFFFFFFF8, v3  }
0x4d: {  	v5 =	vld [tilespmem:s23+$0x0];
	v6 =	vand.u32 $0x7, v3;
	v7 =	vadd.s32 s1, v2  }
0x4e: {  	v3 =	vld.idx.msk [tilespmem:v4+s3+$0x0], $0xffff;
	v4 =	vor.u32 v6, v7;
	_ =	sdelay $0x2  }
0x4f: {  	s5 =	simm.s32 $0x1C8D0;
	s0 =	simm.s32 $0x2;
	v2 =	vimm.s32 $0x0;
	s1 =	simm.s32 $0x3  }
.LBB2_6:
0x50: {  	v6 =	vld [tilespmem:s5+$0x0];
	v7 =	vand.u32 $0xFFFFFFF8, v5;
	s19 =	sshll.u32 s0, $0xA;
	s0 =	smov.u32 s1;
	p0 =	sne.s32 s1, $0x3F  }
.Ltmp4:
0x51: {  	s1 =	sadd.s32 $0x1, s1;
	v5 =	vand.u32 $0x7, v5;
	v2 =	vadd.s32 v2, v3;
	v7 =	vadd.s32 s19, v7;
	v3 =	vld.idx.msk [tilespmem:v4+s3+$0x0], $0xffff;
	(pc) =	sbr.rel @p0 .LBB2_6-.Ltmp4, $2  }
0x52: {  	v4 =	vor.u32 v5, v7;
	_ =	sdelay $0x2  }
0x53: {  	s5 =	sadd.s32 $0x40, s5;
	v5 =	vmov v6  }
0x54: {  	v6 =	vand.u32 $0xFFFFFFF8, v5;
	s0 =	sshll.u32 s0, $0xA  }
0x55: {  	v5 =	vand.u32 $0x7, v5;
	v6 =	vadd.s32 s0, v6  }
0x56: {  	v5 =	vor.u32 v5, v6;
	_ =	sdelay $0x3  }
0x57: {  	v4 =	vld.idx.msk [tilespmem:v4+s3+$0x0], $0xffff  }
0x58: {  	v5 =	vld.idx.msk [tilespmem:v5+s3+$0x0], $0xffff;
	_ =	sdelay $0x2  }
0x59: {  	v2 =	vadd.s32 v2, v3  }
0x5a: {  	v2 =	vadd.s32 v2, v4  }
0x5b: {  	v2 =	vadd.s32 v2, v5  }
0x5c: {  	v2 =	vcvt.s32.f32 v2;
	_ =	sdelay $0x1  }
0x5d: {  	v2 =	vadd.f32 $6.399999960e-07, v2;
	_ =	sdelay $0x1  }
0x5e: {  	(erf) = vrcp.f32 v2;
	_ =	sdelay $0x8  }
0x5f: {  	v2 =	vpop (erf)  }
0x60: {  	s8 =	simm.s32 $0x1C820;
	[tilespmem:$0x1E810] =	vst v2  }
0x61: {  	v2 =	vld [tilespmem:s8+$0x0];
	_ =	sdelay $0x3  }
0x62: {  	s19 =	simm.s32 $0x1C860  }
0x63: {  	s21 =	simm.s32 $0x0;
	v3 =	vld [tilespmem:s19+$0x0];
	v4 =	vand.u32 $0xFFFFFFF8, v2  }
0x64: {  	v2 =	vand.u32 $0x7, v2;
	v4 =	vadd.s32 s21, v4  }
0x65: {  	v4 =	vor.u32 v2, v4;
	_ =	sdelay $0x2  }
0x66: {  	s23 =	simm.s32 $0x1C8A0;
	s1 =	simm.s32 $0x400;
	v2 =	vand.u32 $0xFFFFFFF8, v3  }
0x67: {  	v5 =	vld [tilespmem:s23+$0x0];
	v6 =	vand.u32 $0x7, v3;
	v7 =	vadd.s32 s1, v2  }
0x68: {  	v3 =	vld.idx.msk [tilespmem:v4+s3+$0x0], $0xffff;
	v4 =	vor.u32 v6, v7;
	_ =	sdelay $0x2  }
0x69: {  	s5 =	simm.s32 $0x1C8E0;
	s0 =	simm.s32 $0x2;
	v2 =	vimm.s32 $0x0;
	s1 =	simm.s32 $0x3  }
.LBB2_8:
0x6a: {  	v6 =	vld [tilespmem:s5+$0x0];
	v7 =	vand.u32 $0xFFFFFFF8, v5;
	s19 =	sshll.u32 s0, $0xA;
	s0 =	smov.u32 s1;
	p0 =	sne.s32 s1, $0x3F  }
.Ltmp5:
0x6b: {  	s1 =	sadd.s32 $0x1, s1;
	v5 =	vand.u32 $0x7, v5;
	v2 =	vadd.s32 v2, v3;
	v7 =	vadd.s32 s19, v7;
	v3 =	vld.idx.msk [tilespmem:v4+s3+$0x0], $0xffff;
	(pc) =	sbr.rel @p0 .LBB2_8-.Ltmp5, $2  }
0x6c: {  	v4 =	vor.u32 v5, v7;
	_ =	sdelay $0x2  }
0x6d: {  	s5 =	sadd.s32 $0x40, s5;
	v5 =	vmov v6  }
0x6e: {  	v6 =	vand.u32 $0xFFFFFFF8, v5;
	s0 =	sshll.u32 s0, $0xA  }
0x6f: {  	v5 =	vand.u32 $0x7, v5;
	v6 =	vadd.s32 s0, v6  }
0x70: {  	v5 =	vor.u32 v5, v6;
	_ =	sdelay $0x3  }
0x71: {  	v4 =	vld.idx.msk [tilespmem:v4+s3+$0x0], $0xffff  }
0x72: {  	v5 =	vld.idx.msk [tilespmem:v5+s3+$0x0], $0xffff;
	_ =	sdelay $0x2  }
0x73: {  	v2 =	vadd.s32 v2, v3  }
0x74: {  	v2 =	vadd.s32 v2, v4  }
0x75: {  	v2 =	vadd.s32 v2, v5  }
0x76: {  	v2 =	vcvt.s32.f32 v2;
	_ =	sdelay $0x1  }
0x77: {  	v2 =	vadd.f32 $6.399999960e-07, v2;
	_ =	sdelay $0x1  }
0x78: {  	(erf) = vrcp.f32 v2;
	_ =	sdelay $0x8  }
0x79: {  	v2 =	vpop (erf)  }
0x7a: {  	s8 =	simm.s32 $0x1C830;
	[tilespmem:$0x1E820] =	vst v2  }
0x7b: {  	v2 =	vld [tilespmem:s8+$0x0];
	_ =	sdelay $0x3  }
0x7c: {  	s19 =	simm.s32 $0x1C870  }
0x7d: {  	s21 =	simm.s32 $0x0;
	v3 =	vld [tilespmem:s19+$0x0];
	v4 =	vand.u32 $0xFFFFFFF8, v2  }
0x7e: {  	v2 =	vand.u32 $0x7, v2;
	v4 =	vadd.s32 s21, v4  }
0x7f: {  	v4 =	vor.u32 v2, v4;
	_ =	sdelay $0x2  }
0x80: {  	s23 =	simm.s32 $0x1C8B0;
	s1 =	simm.s32 $0x400;
	v2 =	vand.u32 $0xFFFFFFF8, v3  }
0x81: {  	v5 =	vld [tilespmem:s23+$0x0];
	v6 =	vand.u32 $0x7, v3;
	v7 =	vadd.s32 s1, v2  }
0x82: {  	v3 =	vld.idx.msk [tilespmem:v4+s3+$0x0], $0xffff;
	v4 =	vor.u32 v6, v7;
	_ =	sdelay $0x2  }
0x83: {  	s5 =	simm.s32 $0x1C8F0;
	s0 =	simm.s32 $0x2;
	v2 =	vimm.s32 $0x0;
	s1 =	simm.s32 $0x3  }
.LBB2_10:
0x84: {  	v6 =	vld [tilespmem:s5+$0x0];
	v7 =	vand.u32 $0xFFFFFFF8, v5;
	s19 =	sshll.u32 s0, $0xA;
	s0 =	smov.u32 s1;
	p0 =	sne.s32 s1, $0x3F  }
.Ltmp6:
0x85: {  	s1 =	sadd.s32 $0x1, s1;
	v5 =	vand.u32 $0x7, v5;
	v2 =	vadd.s32 v2, v3;
	v7 =	vadd.s32 s19, v7;
	v3 =	vld.idx.msk [tilespmem:v4+s3+$0x0], $0xffff;
	(pc) =	sbr.rel @p0 .LBB2_10-.Ltmp6, $2  }
0x86: {  	v4 =	vor.u32 v5, v7;
	_ =	sdelay $0x2  }
0x87: {  	s5 =	sadd.s32 $0x40, s5;
	v5 =	vmov v6  }
0x88: {  	v6 =	vand.u32 $0xFFFFFFF8, v5;
	s0 =	sshll.u32 s0, $0xA  }
0x89: {  	v63 =	vand.u32 $0x7, v5;
	v6 =	vadd.s32 s0, v6  }
0x8a: {  	v5 =	vor.u32 v63, v6;
	_ =	sdelay $0x3  }
0x8b: {  	v4 =	vld.idx.msk [tilespmem:v4+s3+$0x0], $0xffff  }
0x8c: {  	v5 =	vld.idx.msk [tilespmem:v5+s3+$0x0], $0xffff;
	_ =	sdelay $0x2  }
0x8d: {  	v2 =	vadd.s32 v2, v3  }
0x8e: {  	v2 =	vadd.s32 v2, v4  }
0x8f: {  	v2 =	vadd.s32 v2, v5  }
0x90: {  	v2 =	vcvt.s32.f32 v2;
	_ =	sdelay $0x1  }
0x91: {  	v2 =	vadd.f32 $6.399999960e-07, v2;
	_ =	sdelay $0x1  }
0x92: {  	(erf) = vrcp.f32 v2;
	_ =	sdelay $0x8  }
0x93: {  	v2 =	vpop (erf)  }
0x94: {  	s23 =	simm.s32 $0x0;
	s1 =	simm.s32 $0x1E800;
	[tilespmem:$0x1E830] =	vst v2  }
0x95: {  	[hbm4b:s9+s23] =	stream.linear.scatter [tilespmem:s1], [sflag:$0x4], $0x40, $0x38;
	[tilespmem:$0x1EC40] =	vst v63  }
0x96: {  	_ =	swait.ge [sflag:s18], $0x40  }
0x97: {  	[sflag:s18] =	ssyncset.done $0x0  }
0x98: {  	[sflag:s18] =	ssyncadd.s32 $0xFFFFFFC0  }
0x99: {  	[bflag:$0x0] =	sbarrier.arrive $0xFFFF  }
0x9a: {  	[tilespmem:s22], [sflag:$0x4] =	stream.linear.gather [hbm4b:s10+s23], $0x400, $0x38;
	[tilespmem:$0x1EC40] =	vst v63  }
0x9b: {  	_ =	swait.ge [sflag:s18], $0x400  }
0x9c: {  	[sflag:s18] =	ssyncset.done $0x0  }
0x9d: {  	[sflag:s18] =	ssyncadd.s32 $0xFFFFFC00  }
0x9e: {  	[tilespmem:s20], [sflag:$0x4] =	stream.linear.gather [hbm4b:s11+s23], $0x1000, $0x38;
	[tilespmem:$0x1EC40] =	vst v63  }
0x9f: {  	_ =	swait.ge [sflag:s18], $0x1000  }
0xa0: {  	[sflag:s18] =	ssyncset.done $0x0  }
0xa1: {  	s0 =	simm.s32 $0x0;
	s1 =	simm.s32 $0x40;
	[sflag:s18] =	ssyncadd.s32 $0xFFFFF000  }
.LBB2_12:
0xa2: {  	p0 =	sne.s32 s1, $0xFC0;
	v2 =	vld [tilespmem:s0+$0x1D800];
	_ =	sdelay $0x7  }
0xa3: {  	v3 =	vld.idx.msk [tilespmem:v2+s22+$0x0], $0xffff;
	_ =	sdelay $0x4  }
.Ltmp7:
0xa4: {  	(pc) =	sbr.rel @p0 .LBB2_12-.Ltmp7, $4  }
0xa5: {  	v3 =	vadd.s32 $0x8000, v3  }
0xa6: {  	v3 =	vand.u32 $0xFFFF0000, v3  }
0xa7: {  	v2 =	vor.u32 v2, v3  }
0xa8: {  	[tilespmem:s0+$0x1D800] =	vst v2;
	s0 =	sshra.s32 s1, $0x2;
	s1 =	sadd.s32 $0x40, s1  }
0xa9: {  	v2 =	vld [tilespmem:s0+$0x1D800];
	_ =	sdelay $0x7  }
0xaa: {  	v3 =	vld.idx.msk [tilespmem:v2+s22+$0x0], $0xffff;
	_ =	sdelay $0x4  }
0xab: {  	v3 =	vadd.s32 $0x8000, v3  }
0xac: {  	v3 =	vand.u32 $0xFFFF0000, v3  }
0xad: {  	v2 =	vor.u32 v2, v3  }
0xae: {  	s1 =	simm.s32 $0x40;
	[tilespmem:s0+$0x1D800] =	vst v2;
	s0 =	simm.s32 $0x0  }
.LBB2_14:
0xaf: {  	p0 =	sne.s32 s1, $0xFC0;
	v2 =	vld [tilespmem:s0+$0x1DC00];
	_ =	sdelay $0x7  }
0xb0: {  	v3 =	vld.idx.msk [tilespmem:v2+s22+$0x0], $0xffff;
	_ =	sdelay $0x4  }
.Ltmp8:
0xb1: {  	(pc) =	sbr.rel @p0 .LBB2_14-.Ltmp8, $4  }
0xb2: {  	v3 =	vadd.s32 $0x8000, v3  }
0xb3: {  	v3 =	vand.u32 $0xFFFF0000, v3  }
0xb4: {  	v2 =	vor.u32 v2, v3  }
0xb5: {  	[tilespmem:s0+$0x1DC00] =	vst v2;
	s0 =	sshra.s32 s1, $0x2;
	s1 =	sadd.s32 $0x40, s1  }
0xb6: {  	v2 =	vld [tilespmem:s0+$0x1DC00];
	_ =	sdelay $0x7  }
0xb7: {  	v3 =	vld.idx.msk [tilespmem:v2+s22+$0x0], $0xffff;
	_ =	sdelay $0x4  }
0xb8: {  	v3 =	vadd.s32 $0x8000, v3  }
0xb9: {  	v3 =	vand.u32 $0xFFFF0000, v3  }
0xba: {  	v2 =	vor.u32 v2, v3  }
0xbb: {  	s1 =	simm.s32 $0x40;
	[tilespmem:s0+$0x1DC00] =	vst v2;
	s0 =	simm.s32 $0x0  }
.LBB2_16:
0xbc: {  	p0 =	sne.s32 s1, $0xFC0;
	v2 =	vld [tilespmem:s0+$0x1E000];
	_ =	sdelay $0x7  }
0xbd: {  	v3 =	vld.idx.msk [tilespmem:v2+s22+$0x0], $0xffff;
	_ =	sdelay $0x4  }
.Ltmp9:
0xbe: {  	(pc) =	sbr.rel @p0 .LBB2_16-.Ltmp9, $4  }
0xbf: {  	v3 =	vadd.s32 $0x8000, v3  }
0xc0: {  	v3 =	vand.u32 $0xFFFF0000, v3  }
0xc1: {  	v2 =	vor.u32 v2, v3  }
0xc2: {  	[tilespmem:s0+$0x1E000] =	vst v2;
	s0 =	sshra.s32 s1, $0x2;
	s1 =	sadd.s32 $0x40, s1  }
0xc3: {  	v2 =	vld [tilespmem:s0+$0x1E000];
	_ =	sdelay $0x7  }
0xc4: {  	v3 =	vld.idx.msk [tilespmem:v2+s22+$0x0], $0xffff;
	_ =	sdelay $0x4  }
0xc5: {  	v3 =	vadd.s32 $0x8000, v3  }
0xc6: {  	v3 =	vand.u32 $0xFFFF0000, v3  }
0xc7: {  	v2 =	vor.u32 v2, v3  }
0xc8: {  	s1 =	simm.s32 $0x40;
	[tilespmem:s0+$0x1E000] =	vst v2;
	s0 =	simm.s32 $0x0  }
.LBB2_18:
0xc9: {  	p0 =	sne.s32 s1, $0xFC0;
	v2 =	vld [tilespmem:s0+$0x1E400];
	_ =	sdelay $0x7  }
0xca: {  	v3 =	vld.idx.msk [tilespmem:v2+s22+$0x0], $0xffff;
	_ =	sdelay $0x4  }
.Ltmp10:
0xcb: {  	(pc) =	sbr.rel @p0 .LBB2_18-.Ltmp10, $4  }
0xcc: {  	v3 =	vadd.s32 $0x8000, v3  }
0xcd: {  	v3 =	vand.u32 $0xFFFF0000, v3  }
0xce: {  	v2 =	vor.u32 v2, v3  }
0xcf: {  	[tilespmem:s0+$0x1E400] =	vst v2;
	s0 =	sshra.s32 s1, $0x2;
	s1 =	sadd.s32 $0x40, s1  }
0xd0: {  	v2 =	vld [tilespmem:s0+$0x1E400];
	_ =	sdelay $0x7  }
0xd1: {  	v3 =	vld.idx.msk [tilespmem:v2+s22+$0x0], $0xffff;
	_ =	sdelay $0x4  }
0xd2: {  	v3 =	vadd.s32 $0x8000, v3  }
0xd3: {  	v3 =	vand.u32 $0xFFFF0000, v3  }
0xd4: {  	v2 =	vor.u32 v2, v3  }
0xd5: {  	[tilespmem:s0+$0x1E400] =	vst v2;
	s0 =	simm.s32 $0x0  }
0xd6: {  	[hbm4b:s12+s0] =	stream.linear.scatter [tilespmem:s20], [sflag:$0x4], $0x1000, $0x38;
	[tilespmem:$0x1EC40] =	vst v63  }
0xd7: {  	_ =	swait.ge [sflag:s18], $0x1000  }
0xd8: {  	[sflag:s18] =	ssyncset.done $0x0  }
0xd9: {  	[sflag:s18] =	ssyncadd.s32 $0xFFFFF000  }
.Ltmp11:
0xda: {  	[bflag:$0x0] =	sbarrier.arrive $0xFFFF;
	(pc) =	sbr.rel .LBB2_20-.Ltmp11, $4  }
0xdb: {  	[tilespmem:s0], [sflag:$0x4] =	stream.linear.gather [hbm4b:s13+s0], $0x10000, $0x38;
	[tilespmem:$0x1EC40] =	vst v63  }
0xdc: {  	_ =	swait.ge [sflag:s18], $0x10000  }
0xdd: {  	[sflag:s18] =	ssyncset.done $0x0  }
0xde: {  	[sflag:s18] =	ssyncadd.s32 $0xFFFF0000  }
.LBB2_37:
0xdf: {  	s1 =	sadd.s32 s2, s1  }
0xe0: {  	[hbm4b:s1+s24] =	stream.strided.scatter [tilespmem:s30], [sflag:$0x2], $0x4000, s25, s24, $0x38;
	[tilespmem:$0x1EC40] =	vst v63  }
.LBB2_38:
0xe1: {  	s0 =	sadd.s32 $0x1, s0  }
0xe2: {  	p0 =	sne.s32 s0, $0x14  }
.Ltmp12:
0xe3: {  	_ = 	snop;
	(pc) =	sbr.rel @!p0 .LBB2_39-.Ltmp12, $1  }
0xe4: {  	_ =	sdelay $0x3  }
.LBB2_20:
0xe5: {  	s1 =	sshll.u32 s0, $0x6  }
0xe6: {  	s1 =	sor.u32 s7, s1  }
0xe7: {  	s19 =	sshll.u32 s1, $0x1  }
0xe8: {  	p0 =	seq.s32 s0, $0x0;
	s5 =	sadd.s32 s4, s19  }
0xe9: {  	[tilespmem:s26], [sflag:$0x3] =	stream.strided.gather [hbm4b:s5+s24], $0x400, s25, s24, $0x38;
	[tilespmem:$0x1EC40] =	vst v63  }
0xea: {  	s5 =	simm.s32 @!p0 $0x1  }
0xeb: {  	_ =	swait.ge @!p0 [sflag:s5], $0x4000  }
0xec: {  	[sflag:s5] =	ssyncset.done @!p0 $0x0  }
0xed: {  	s20 =	simm.s32 $0x400;
	[sflag:s5] =	ssyncadd.s32 @!p0 $0xFFFFC000;
	s5 =	simm.s32 $0x0  }
.LBB2_21:
0xee: {  	p1 =	sne.s32 s20, $0xFC00;
	[tilespmem:s5+$0x144F0] =	vst v0  }
0xef: {  	[tilespmem:s5+$0x14400] =	vst v0  }
0xf0: {  	[tilespmem:s5+$0x14410] =	vst v0  }
0xf1: {  	[tilespmem:s5+$0x14420] =	vst v0  }
0xf2: {  	[tilespmem:s5+$0x14430] =	vst v0  }
0xf3: {  	[tilespmem:s5+$0x14440] =	vst v0  }
0xf4: {  	[tilespmem:s5+$0x14450] =	vst v0  }
0xf5: {  	[tilespmem:s5+$0x14460] =	vst v0  }
0xf6: {  	[tilespmem:s5+$0x14470] =	vst v0  }
0xf7: {  	[tilespmem:s5+$0x14480] =	vst v0  }
0xf8: {  	[tilespmem:s5+$0x14490] =	vst v0  }
.Ltmp13:
0xf9: {  	[tilespmem:s5+$0x144A0] =	vst v0;
	(pc) =	sbr.rel @p1 .LBB2_21-.Ltmp13, $4  }
0xfa: {  	[tilespmem:s5+$0x144B0] =	vst v0  }
0xfb: {  	[tilespmem:s5+$0x144C0] =	vst v0  }
0xfc: {  	[tilespmem:s5+$0x144D0] =	vst v0  }
0xfd: {  	[tilespmem:s5+$0x144E0] =	vst v0;
	s5 =	sshra.s32 s20, $0x2;
	s20 =	sadd.s32 $0x400, s20  }
0xfe: {  	[tilespmem:s5+$0x144F0] =	vst v0  }
0xff: {  	[tilespmem:s5+$0x14400] =	vst v0  }
0x100: {  	[tilespmem:s5+$0x14410] =	vst v0  }
0x101: {  	[tilespmem:s5+$0x14420] =	vst v0  }
0x102: {  	[tilespmem:s5+$0x14430] =	vst v0  }
0x103: {  	[tilespmem:s5+$0x14440] =	vst v0  }
0x104: {  	[tilespmem:s5+$0x14450] =	vst v0  }
0x105: {  	[tilespmem:s5+$0x14460] =	vst v0  }
0x106: {  	[tilespmem:s5+$0x14470] =	vst v0  }
0x107: {  	[tilespmem:s5+$0x14480] =	vst v0  }
0x108: {  	[tilespmem:s5+$0x14490] =	vst v0  }
0x109: {  	[tilespmem:s5+$0x144A0] =	vst v0  }
0x10a: {  	[tilespmem:s5+$0x144B0] =	vst v0  }
0x10b: {  	[tilespmem:s5+$0x144C0] =	vst v0  }
.Ltmp14:
0x10c: {  	[tilespmem:s5+$0x144D0] =	vst v0;
	(pc) =	sbr.rel .LBB2_23-.Ltmp14, $4  }
0x10d: {  	[tilespmem:s5+$0x144E0] =	vst v0  }
0x10e: {  	_ =	swait.ge [sflag:s28], $0x400  }
0x10f: {  	[sflag:s28] =	ssyncset.done $0x0  }
0x110: {  	s20 =	simm.s32 $0x0;
	[sflag:s28] =	ssyncadd.s32 $0xFFFFFC00  }
.LBB2_26:
0x111: {  	_ =	sdelay $0x4  }
0x112: {  	[tilespmem:v32+s29+$0x0] =	vst.idx.add.f32.msk vm1, v39  }
0x113: {  	v2 =	vand.u32 $0xFFFF0000, v26;
	[tilespmem:v34+s29+$0x0] =	vst.idx.add.f32.msk vm0, v30  }
0x114: {  	[tilespmem:v37+s29+$0x0] =	vst.idx.add.f32.msk vm6, v2  }
0x115: {  	[tilespmem:v35+s29+$0x0] =	vst.idx.add.f32.msk vm7, v38  }
0x116: {  	v2 =	vand.u32 $0xFFFF0000, v27;
	[tilespmem:v29+s29+$0x0] =	vst.idx.add.f32.msk vm5, v28  }
0x117: {  	[tilespmem:v33+s29+$0x0] =	vst.idx.add.f32.msk vm9, v2  }
0x118: {  	[tilespmem:v31+s29+$0x0] =	vst.idx.add.f32.msk vm4, v36  }
.LBB2_27:
0x119: {  	s20 =	sadd.s32 $0x1, s20  }
0x11a: {  	p1 =	sne.s32 s20, $0x8  }
.Ltmp15:
0x11b: {  	_ = 	snop;
	(pc) =	sbr.rel @!p1 .LBB2_28-.Ltmp15, $1  }
0x11c: {  	_ =	sdelay $0x3  }
.LBB2_23:
0x11d: {  	s5 =	sshll.u32 s20, $0x7  }
0x11e: {  	s5 =	sand.u32 $0x3FFFFF80, s5  }
0x11f: {  	v2 =	vld [tilespmem:s5+$0x1C400];
	_ =	sdelay $0x2  }
0x120: {  	s5 =	sshll.u32 s20, $0x3  }
0x121: {  	v18 =	vmov s5  }
0x122: {  	v4 =	vmul.u32 $0x110, v18;
	v3 =	vshrl.u32 v2, $0x1  }
0x123: {  	s21 =	sor.u32 $0x1, s5;
	v5 =	vand.u32 $0x7FFFFFF8, v3;
	v6 =	vadd.s32 $0x1, v3  }
0x124: {  	s23 =	sshll.u32 s21, $0x4;
	v3 =	vand.u32 $0x7, v3;
	v5 =	vadd.s32 v4, v5;
	v7 =	vand.u32 $0xFFFFFFF8, v6  }
0x125: {  	s23 =	sand.u32 $0x3FFFFF90, s23;
	v3 =	vor.u32 v3, v5;
	v5 =	vand.u32 $0x7, v6;
	v4 =	vadd.s32 v4, v7  }
0x126: {  	v4 =	vor.u32 v5, v4;
	v5 =	vld [tilespmem:s23+$0x1C400];
	s23 =	sor.u32 $0x2, s5  }
0x127: {  	s8 =	sshll.u32 s23, $0x4  }
0x128: {  	s8 =	sand.u32 $0x3FFFFFA0, s8  }
0x129: {  	v19 =	vmov s21;
	v2 =	vand.u32 $0x1, v2;
	v6 =	vld [tilespmem:s8+$0x1C400];
	s8 =	sor.u32 $0x3, s5  }
0x12a: {  	vm0 =	veq.s32 v2, $0x0;
	v7 =	vmul.u32 $0x110, v19;
	v20 =	vmov s23;
	s21 =	sshll.u32 s8, $0x4  }
0x12b: {  	v12 =	vmul.u32 $0x110, v20;
	v3 =	vld.idx.msk [tilespmem:v3+s17+$0x0], $0xffff;
	v21 =	vmov s8;
	s8 =	sor.u32 $0x5, s5;
	v2 =	vshrl.u32 v5, $0x1;
	s21 =	sand.u32 $0x3FFFFFB0, s21  }
0x12c: {  	v23 =	vmov s8;
	v9 =	vand.u32 $0x7FFFFFF8, v2;
	v10 =	vand.u32 $0x7, v2;
	v13 =	vld [tilespmem:s21+$0x1C400];
	s21 =	sor.u32 $0x4, s5  }
0x12d: {  	v2 =	vadd.s32 $0x1, v2;
	s5 =	sor.u32 $0x6, s5;
	v9 =	vadd.s32 v7, v9;
	v22 =	vmov s21  }
0x12e: {  	v24 =	vmov s5;
	v9 =	vor.u32 v10, v9;
	v10 =	vand.u32 $0xFFFFFFF8, v2  }
0x12f: {  	v11 =	vshrl.u32 v6, $0x1;
	v2 =	vand.u32 $0x7, v2;
	v6 =	vand.u32 $0x1, v6  }
0x130: {  	v4 =	vld.idx.msk [tilespmem:v4+s17+$0x0], $0xffff;
	v8 =	vand.u32 $0xFFFF, v3;
	v3 =	vshrl.u32 v3, $0x10;
	v7 =	vadd.s32 v7, v10  }
0x131: {  	v10 =	vand.u32 $0x7FFFFFF8, v11;
	v14 =	vand.u32 $0x7, v11;
	v11 =	vadd.s32 $0x1, v11  }
0x132: {  	s23 =	sshll.u32 s21, $0x4;
	v10 =	vadd.s32 v12, v10;
	v7 =	vor.u32 v2, v7;
	v2 =	vand.u32 $0xFFFFFFF8, v11  }
0x133: {  	s23 =	sand.u32 $0x3FFFFFC0, s23;
	v11 =	vand.u32 $0x7, v11;
	v10 =	vor.u32 v14, v10;
	v2 =	vadd.s32 v12, v2  }
0x134: {  	v15 =	vld [tilespmem:s23+$0x1C400];
	v12 =	vshrl.u32 v13, $0x1;
	v14 =	vmul.u32 $0x110, v21;
	v11 =	vor.u32 v11, v2  }
0x135: {  	v4 =	vand.u32 $0xFFFF, v4;
	v2 =	vsel vm0, v8, v3;
	v8 =	vand.u32 $0x7FFFFFF8, v12  }
0x136: {  	v16 =	vadd.s32 $0x1, v12;
	v12 =	vand.u32 $0x7, v12;
	v9 =	vld.idx.msk [tilespmem:v9+s17+$0x0], $0xffff;
	v8 =	vadd.s32 v14, v8  }
0x137: {  	v3 =	vsel vm0, v3, v4;
	v17 =	vand.u32 $0xFFFFFFF8, v16;
	v8 =	vor.u32 v12, v8;
	v7 =	vld.idx.msk [tilespmem:v7+s17+$0x0], $0xffff  }
0x138: {  	v4 =	vand.u32 $0x1, v5;
	v12 =	vand.u32 $0x7, v16;
	v14 =	vadd.s32 v14, v17;
	v10 =	vld.idx.msk [tilespmem:v10+s17+$0x0], $0xffff  }
0x139: {  	v12 =	vor.u32 v12, v14;
	v14 =	vmul.u32 $0x110, v22;
	v5 =	vld.idx.msk [tilespmem:v11+s17+$0x0], $0xffff;
	v11 =	vshrl.u32 v15, $0x1  }
0x13a: {  	v28 =	vmul.u32 $0x110, v24;
	vm5 =	veq.s32 v4, $0x0;
	v4 =	vand.u32 $0x7FFFFFF8, v11  }
0x13b: {  	vm1 =	veq.s32 v6, $0x0;
	v17 =	vand.u32 $0x7, v11;
	v4 =	vadd.s32 v14, v4  }
0x13c: {  	v16 =	vand.u32 $0xFFFF, v9;
	v9 =	vshrl.u32 v9, $0x10;
	v8 =	vld.idx.msk [tilespmem:v8+s17+$0x0], $0xffff;
	v17 =	vor.u32 v17, v4  }
0x13d: {  	v3 =	vsub.s32 v3, v2;
	v7 =	vand.u32 $0xFFFF, v7;
	v4 =	vsel vm5, v16, v9  }
0x13e: {  	s23 =	sshll.u32 s8, $0x4;
	v12 =	vld.idx.msk [tilespmem:v12+s17+$0x0], $0xffff;
	v6 =	vand.u32 $0xFFFF, v10;
	v10 =	vshrl.u32 v10, $0x10;
	v16 =	vand.u32 $0xFFFF, v5  }
0x13f: {  	s21 =	sand.u32 $0x3FFFFFD0, s23;
	v7 =	vsel vm5, v9, v7;
	v5 =	vsel vm1, v6, v10;
	v9 =	vsel vm1, v10, v16  }
0x140: {  	v6 =	vsub.s32 v7, v4;
	v7 =	vsub.s32 v9, v5;
	v9 =	vand.u32 $0x1, v13;
	v13 =	vld [tilespmem:s21+$0x1C400]  }
0x141: {  	v10 =	vshrl.u32 v8, $0x10;
	vm6 =	veq.s32 v9, $0x0;
	v9 =	vand.u32 $0xFFFF, v8;
	v16 =	vld.idx.msk [tilespmem:v17+s17+$0x0], $0xffff  }
0x142: {  	s8 =	sshllo.u32 s20, $0x3;
	s23 =	sshll.u32 s5, $0x4;
	vm8 =	vgt.s32 v3, v6;
	v8 =	vsel vm6, v9, v10;
	v9 =	vand.u32 $0x1, v15  }
0x143: {  	s21 =	sand.u32 $0x3FFFFFE0, s23;
	s23 =	sshll.u32 s8, $0x4;
	v12 =	vand.u32 $0xFFFF, v12;
	vm7 =	veq.s32 v9, $0x0;
	v9 =	vadd.s32 $0x1, v11  }
0x144: {  	v61 =	vsel vm8, v3, v6;
	v10 =	vsel vm6, v10, v12;
	v15 =	vld [tilespmem:s21+$0x1C400];
	s21 =	sand.u32 $0x3FFFFFF0, s23;
	v11 =	vand.u32 $0xFFFFFFF8, v9  }
0x145: {  	v27 =	vld [tilespmem:s21+$0x1C400];
	v9 =	vand.u32 $0x7, v9;
	v11 =	vadd.s32 v14, v11;
	v12 =	vshrl.u32 v13, $0x1  }
0x146: {  	v14 =	vmul.u32 $0x110, v23;
	v9 =	vor.u32 v9, v11;
	v11 =	vand.u32 $0xFFFF, v16  }
0x147: {  	v17 =	vand.u32 $0x7FFFFFF8, v12;
	v25 =	vand.u32 $0x7, v12;
	v12 =	vadd.s32 $0x1, v12  }
0x148: {  	v17 =	vadd.s32 v14, v17;
	v26 =	vand.u32 $0xFFFFFFF8, v12;
	v12 =	vand.u32 $0x7, v12  }
0x149: {  	v14 =	vadd.s32 v14, v26;
	v26 =	vshrl.u32 v15, $0x1;
	v17 =	vor.u32 v25, v17  }
0x14a: {  	v57 =	vshrl.u32 v27, $0x1;
	v12 =	vor.u32 v12, v14;
	v14 =	vand.u32 $0x7FFFFFF8, v26  }
0x14b: {  	v29 =	vand.u32 $0x7, v26;
	v25 =	vadd.s32 $0x1, v26;
	v58 =	vand.u32 $0x7FFFFFF8, v57  }
0x14c: {  	v26 =	vand.u32 $0xFFFFFFF8, v25;
	v30 =	vand.u32 $0x7, v25;
	v25 =	vmov s8;
	v9 =	vld.idx.msk [tilespmem:v9+s17+$0x0], $0xffff  }
0x14d: {  	v59 =	vand.u32 $0x7, v57;
	v14 =	vadd.s32 v28, v14;
	v31 =	vmul.u32 $0x110, v25  }
0x14e: {  	v26 =	vadd.s32 v28, v26;
	v14 =	vor.u32 v29, v14;
	v28 =	vadd.s32 $0x1, v57  }
0x14f: {  	v26 =	vor.u32 v30, v26;
	v60 =	vand.u32 $0xFFFFFFF8, v28;
	v29 =	vadd.s32 v31, v58  }
0x150: {  	v16 =	vshrl.u32 v16, $0x10;
	v17 =	vld.idx.msk [tilespmem:v17+s17+$0x0], $0xffff;
	v30 =	vadd.s32 v31, v60;
	v29 =	vor.u32 v59, v29  }
0x151: {  	v12 =	vld.idx.msk [tilespmem:v12+s17+$0x0], $0xffff;
	v32 =	vand.u32 $0xFFFF, v9;
	v9 =	vsel vm7, v11, v16;
	v11 =	vand.u32 $0x7, v28  }
0x152: {  	vm9 =	vgt.s32 v61, v7;
	v13 =	vand.u32 $0x1, v13;
	v30 =	vor.u32 v11, v30  }
0x153: {  	v10 =	vsub.s32 v10, v8;
	vm10 =	veq.s32 v13, $0x0;
	v14 =	vld.idx.msk [tilespmem:v14+s17+$0x0], $0xffff;
	v16 =	vsel vm7, v16, v32  }
0x154: {  	v15 =	vand.u32 $0x1, v15;
	v28 =	vsel vm9, v61, v7;
	v11 =	vsub.s32 v16, v9;
	v16 =	vld.idx.msk [tilespmem:v26+s17+$0x0], $0xffff  }
0x155: {  	vm12 =	veq.s32 v15, $0x0;
	vm11 =	vgt.s32 v28, v10;
	v13 =	vand.u32 $0xFFFF, v17  }
0x156: {  	v17 =	vshrl.u32 v17, $0x10;
	v26 =	vsel vm11, v28, v10;
	v62 =	vand.u32 $0xFFFF, v12;
	v29 =	vld.idx.msk [tilespmem:v29+s17+$0x0], $0xffff  }
0x157: {  	v12 =	vsel vm10, v13, v17;
	vm1 =	vgt.s32 v26, v11;
	v13 =	vsel vm10, v17, v62;
	v17 =	vld.idx.msk [tilespmem:v30+s17+$0x0], $0xffff  }
0x158: {  	v26 =	vsel vm1, v26, v11;
	v15 =	vand.u32 $0xFFFF, v14;
	v13 =	vsub.s32 v13, v12  }
0x159: {  	v63 =	vshrl.u32 v14, $0x10;
	vm13 =	vgt.s32 v26, v13;
	v16 =	vand.u32 $0xFFFF, v16  }
0x15a: {  	v14 =	vsel vm12, v15, v63;
	v26 =	vsel vm13, v26, v13;
	v15 =	vsel vm12, v63, v16  }
0x15b: {  	v16 =	vand.u32 $0x1, v27;
	v27 =	vshrl.u32 v29, $0x10;
	v15 =	vsub.s32 v15, v14  }
0x15c: {  	vm14 =	veq.s32 v16, $0x0;
	v16 =	vand.u32 $0xFFFF, v29;
	v17 =	vand.u32 $0xFFFF, v17  }
0x15d: {  	v16 =	vsel vm14, v16, v27;
	vm15 =	vgt.s32 v26, v15;
	v17 =	vsel vm14, v27, v17  }
0x15e: {  	v26 =	vsel vm15, v26, v15;
	v17 =	vsub.s32 v17, v16  }
0x15f: {  	vm0 =	vgt.s32 v26, v17  }
0x160: {  	v26 =	vsel vm0, v26, v17  }
0x161: {  	v26 =	vxor.u32 $0x80000000, v26  }
0x162: {  	(xrf0) =	vmax.scan.msk.u32 $0xffff, v26;
	_ =	sdelay $0x5  }
0x163: {  	v26, _, _ =	vpop (xrf0)  }
0x164: {  	(v2sf) =	vpush v26, $0xF;
	_ =	sdelay $0xe  }
0x165: {  	s21 =	spop (v2sf)  }
0x166: {  	s5 =	simm.s32 $0x1;
	s8 =	sadd.s32 $0x80000001, s21;
	p1 =	slt.s32 s21, $0xFFFFFFFF  }
0x167: {  	s5 =	simm.s32 @!p1 $0x0;
	s23 =	sshra.s32 s8, $0x1F  }
0x168: {  	s5 =	sadd.s32 s5, s23;
	s23 =	sand.u32 $0x1, s8  }
0x169: {  	p6 =	sne.s32 s5, $0x1;
	p2 =	seq.s32 s23, $0x1  }
0x16a: {  	s23 =	sshrl.u32 s8, $0x1F;
	p1 =	por !p6, !p2  }
0x16b: {  	s5 =	sadd.s32 s23, s8;
	s8 =	simm.s32 $0x1;
	p1 =	por !p1, !p1  }
0x16c: {  	s5 =	sshra.s32 s5, $0x1;
	s8 =	simm.s32 @!p1 $0x0  }
0x16d: {  	s5 =	ssub.s32 s5, s8  }
0x16e: {  	p1 =	slt.s32 s5, $0x1  }
.Ltmp16:
0x16f: {  	_ = 	snop;
	(pc) =	sbr.rel @p1 .LBB2_27-.Ltmp16, $1  }
0x170: {  	_ =	sdelay $0x3  }
0x171: {  	v18 =	vshll.u32 v18, $0xA;
	v19 =	vshll.u32 v19, $0xA  }
0x172: {  	v20 =	vshll.u32 v20, $0xA;
	v21 =	vshll.u32 v21, $0xA;
	v22 =	vshll.u32 v22, $0xA  }
0x173: {  	v23 =	vshll.u32 v23, $0xA;
	v24 =	vshll.u32 v24, $0xA;
	v25 =	vshll.u32 v25, $0xA;
	s21 =	simm.s32 $0x1;
	s23 =	simm.s32 $0x0  }
0x174: {  	vm2 =	vgt.s32 v7, s21;
	v26 =	vadd.s32 s23, v2;
	v27 =	vadd.s32 s23, v4  }
0x175: {  	vm7 =	vgt.s32 v15, s23;
	vm0 =	vgt.s32 v13, s23;
	vm1 =	vgt.s32 v11, s21  }
0x176: {  	vm3 =	vgt.s32 v10, s23;
	vm5 =	vgt.s32 v3, s23;
	v33 =	vadd.s32 s23, v8  }
0x177: {  	v35 =	vadd.s32 s23, v16;
	v36 =	vadd.s32 s23, v14;
	v38 =	vadd.s32 s23, v5  }
0x178: {  	v43 =	vadd.s32 s23, v9;
	v44 =	vadd.s32 s23, v12;
	vm11 =	vgt.s32 v7, s23  }
0x179: {  	vm12 =	vgt.s32 v6, s23;
	vm13 =	vgt.s32 v3, s21;
	vm10 =	vgt.s32 v10, s21  }
0x17a: {  	vm8 =	vgt.s32 v11, s23;
	vm14 =	vgt.s32 v6, s21;
	vm6 =	vgt.s32 v13, s21  }
0x17b: {  	vm4 =	vgt.s32 v17, s21;
	vm9 =	vgt.s32 v17, s23;
	v28 =	vand.u32 $0xFFFFFFF8, v26  }
0x17c: {  	v29 =	vadd.s32 $0x1, v26;
	v26 =	vand.u32 $0x7, v26;
	v31 =	vadd.s32 $0x1, v27  }
0x17d: {  	v34 =	vand.u32 $0xFFFFFFF8, v27;
	v63 =	vadd.s32 $0x1, v35;
	v27 =	vand.u32 $0x7, v27  }
0x17e: {  	v37 =	vand.u32 $0xFFFFFFF8, v35;
	v56 =	vadd.s32 $0x1, v36;
	v35 =	vand.u32 $0x7, v35  }
0x17f: {  	v39 =	vand.u32 $0xFFFFFFF8, v33;
	v40 =	vadd.s32 $0x1, v33;
	v33 =	vand.u32 $0x7, v33  }
0x180: {  	v41 =	vadd.s32 $0x1, v38;
	v42 =	vand.u32 $0xFFFFFFF8, v38;
	v45 =	vand.u32 $0xFFFFFFF8, v36  }
0x181: {  	v36 =	vand.u32 $0x7, v36;
	v58 =	vadd.s32 $0x1, v44;
	v48 =	vadd.s32 $0x1, v43  }
0x182: {  	v38 =	vand.u32 $0x7, v38;
	v61 =	vand.u32 $0xFFFFFFF8, v43;
	v43 =	vand.u32 $0x7, v43  }
0x183: {  	vm7 =	vmmov vm7;
	v28 =	vadd.s32 v18, v28;
	v30 =	vand.u32 $0xFFFFFFF8, v29  }
0x184: {  	v29 =	vand.u32 $0x7, v29;
	v32 =	vand.u32 $0xFFFFFFF8, v31;
	v31 =	vand.u32 $0x7, v31  }
0x185: {  	v34 =	vadd.s32 v19, v34;
	v39 =	vadd.s32 v21, v39;
	v57 =	vand.u32 $0xFFFFFFF8, v40  }
0x186: {  	v46 =	vand.u32 $0xFFFFFFF8, v58;
	v47 =	vand.u32 $0x7, v41;
	v49 =	vand.u32 $0x7, v56  }
0x187: {  	v59 =	vand.u32 $0x7, v58;
	v45 =	vadd.s32 v24, v45;
	v33 =	vor.u32 v33, v39  }
0x188: {  	v41 =	vand.u32 $0xFFFFFFF8, v41;
	v40 =	vand.u32 $0x7, v40;
	v51 =	vand.u32 $0xFFFFFFF8, v48  }
0x189: {  	v48 =	vand.u32 $0x7, v48;
	v53 =	vand.u32 $0xFFFFFFF8, v63;
	v37 =	vadd.s32 v25, v37  }
0x18a: {  	v30 =	vadd.s32 v18, v30;
	v32 =	vadd.s32 v19, v32;
	v27 =	vor.u32 v27, v34  }
0x18b: {  	v26 =	vor.u32 v26, v28;
	v28 =	vand.u32 $0xFFFFFFF8, v44;
	v39 =	vadd.s32 v21, v57  }
0x18c: {  	v44 =	vand.u32 $0x7, v44;
	v41 =	vadd.s32 v20, v41;
	v31 =	vor.u32 v31, v32;
	v33 =	vld.idx.msk [tilespmem:v33+s3+$0x0], $0xffff  }
0x18d: {  	v60 =	vadd.s32 v23, v46;
	v34 =	vand.u32 $0xFFFFFFF8, v56;
	v41 =	vor.u32 v47, v41  }
0x18e: {  	v46 =	vadd.s32 v22, v61;
	v29 =	vor.u32 v29, v30;
	v30 =	vadd.s32 v20, v42  }
0x18f: {  	v62 =	vadd.s32 v25, v53;
	v32 =	vand.u32 $0x7, v63;
	v30 =	vor.u32 v38, v30;
	v27 =	vld.idx.msk [tilespmem:v27+s3+$0x0], $0xffff  }
0x190: {  	v35 =	vor.u32 v35, v37;
	v28 =	vadd.s32 v23, v28;
	v32 =	vor.u32 v32, v62;
	v52 =	vld.idx.msk [tilespmem:v26+s3+$0x0], $0xffff  }
0x191: {  	v36 =	vor.u32 v36, v45;
	v28 =	vor.u32 v44, v28;
	v31 =	vld.idx.msk [tilespmem:v31+s3+$0x0], $0xffff;
	v26 =	vshll.u32 v33, $0x4  }
0x192: {  	v34 =	vadd.s32 v24, v34;
	v43 =	vor.u32 v43, v46;
	v41 =	vld.idx.msk [tilespmem:v41+s3+$0x0], $0xffff;
	v26 =	vand.u32 $0xFFFF0, v26  }
0x193: {  	v39 =	vor.u32 v40, v39;
	v29 =	vld.idx.msk [tilespmem:v29+s3+$0x0], $0xffff;
	v54 =	vor.u32 v1, v26;
	v26 =	vadd.s32 v22, v51  }
0x194: {  	v38 =	vor.u32 v59, v60;
	v34 =	vor.u32 v49, v34;
	v30 =	vld.idx.msk [tilespmem:v30+s3+$0x0], $0xffff;
	v26 =	vor.u32 v48, v26  }
0x195: {  	v42 =	vld.idx.msk [tilespmem:v32+s3+$0x0], $0xffff;
	v63 =	vshll.u32 v27, $0x4;
	v47 =	vshll.u32 v52, $0x4;
	v58 =	vand.u32 $0xFFFF0000, v52  }
0x196: {  	v46 =	vld.idx.msk [tilespmem:v28+s3+$0x0], $0xffff;
	v59 =	vand.u32 $0xFFFF0000, v27;
	v33 =	vand.u32 $0xFFFF0000, v33;
	v50 =	vand.u32 $0xFFFF0000, v31  }
0x197: {  	v31 =	vshll.u32 v31, $0x4;
	v56 =	vand.u32 $0xFFFF0, v63;
	v28 =	vshll.u32 v41, $0x4  }
0x198: {  	v36 =	vld.idx.msk [tilespmem:v36+s3+$0x0], $0xffff;
	v31 =	vand.u32 $0xFFFF0, v31;
	v51 =	vshll.u32 v29, $0x4;
	v32 =	vor.u32 v1, v56  }
0x199: {  	v57 =	vshll.u32 v30, $0x4;
	v29 =	vand.u32 $0xFFFF0000, v29;
	v48 =	vand.u32 $0xFFFF0, v47;
	v44 =	vld.idx.msk [tilespmem:v26+s3+$0x0], $0xffff  }
0x19a: {  	v39 =	vld.idx.msk [tilespmem:v39+s3+$0x0], $0xffff;
	v27 =	vshll.u32 v42, $0x4;
	v55 =	vand.u32 $0xFFFF0, v51;
	v37 =	vor.u32 v1, v48  }
0x19b: {  	v43 =	vld.idx.msk [tilespmem:v43+s3+$0x0], $0xffff;
	v61 =	vand.u32 $0xFFFF0000, v30;
	v62 =	vshll.u32 v46, $0x4;
	v40 =	vor.u32 v1, v55  }
0x19c: {  	v34 =	vld.idx.msk [tilespmem:v34+s3+$0x0], $0xffff;
	v56 =	vand.u32 $0xFFFF0000, v41;
	v31 =	vor.u32 v1, v31;
	v45 =	vand.u32 $0xFFFF0, v57  }
0x19d: {  	v57 =	vshll.u32 v36, $0x4;
	v48 =	vand.u32 $0xFFFF0, v27;
	v27 =	vand.u32 $0xFFFF0, v28;
	v26 =	vld.idx.msk [tilespmem:v38+s3+$0x0], $0xffff  }
0x19e: {  	v45 =	vor.u32 v1, v45;
	v49 =	vor.u32 v1, v27;
	v27 =	vld.idx.msk [tilespmem:v35+s3+$0x0], $0xffff;
	v28 =	vshll.u32 v44, $0x4  }
0x19f: {  	v35 =	vand.u32 $0xFFFF0, v62;
	[tilespmem:v37+s29+$0x0] =	vst.idx.add.f32.msk vm5, v58;
	v60 =	vand.u32 $0xFFFF0, v28;
	v28 =	vshll.u32 v39, $0x4  }
0x1a0: {  	v38 =	vand.u32 $0xFFFF0000, v36;
	v36 =	vand.u32 $0xFFFF0000, v42;
	[tilespmem:v40+s29+$0x0] =	vst.idx.add.f32.msk vm13, v29;
	v28 =	vand.u32 $0xFFFF0, v28  }
0x1a1: {  	vm5 =	vgt.s32 v15, s21;
	[tilespmem:v32+s29+$0x0] =	vst.idx.add.f32.msk vm12, v59;
	v55 =	vor.u32 v1, v28;
	v28 =	vshll.u32 v43, $0x4  }
0x1a2: {  	[tilespmem:v31+s29+$0x0] =	vst.idx.add.f32.msk vm14, v50;
	v31 =	vand.u32 $0xFFFF0000, v39;
	v30 =	vshll.u32 v26, $0x4;
	v29 =	vand.u32 $0xFFFF0, v28  }
0x1a3: {  	p1 =	sne.s32 s5, $0x1;
	[tilespmem:v45+s29+$0x0] =	vst.idx.add.f32.msk vm11, v61;
	v61 =	vshll.u32 v27, $0x4;
	v63 =	vand.u32 $0xFFFF0, v30;
	v59 =	vor.u32 v1, v29  }
.Ltmp17:
0x1a4: {  	v30 =	vshll.u32 v34, $0x4;
	v62 =	vand.u32 $0xFFFF0, v61;
	v32 =	vor.u32 v1, v60;
	(pc) =	sbr.rel @!p1 .LBB2_26-.Ltmp17, $4  }
0x1a5: {  	[tilespmem:v49+s29+$0x0] =	vst.idx.add.f32.msk vm2, v56;
	v39 =	vand.u32 $0xFFFF0000, v44;
	v28 =	vand.u32 $0xFFFF0000, v34;
	v34 =	vor.u32 v1, v35  }
0x1a6: {  	v58 =	vand.u32 $0xFFFF0, v30;
	v60 =	vand.u32 $0xFFFF0, v57;
	[tilespmem:v54+s29+$0x0] =	vst.idx.add.f32.msk vm3, v33;
	v37 =	vor.u32 v1, v63  }
0x1a7: {  	v63 =	vand.u32 $0xFFFF0000, v43;
	v33 =	vor.u32 v1, v62;
	v35 =	vor.u32 v1, v60;
	[tilespmem:v55+s29+$0x0] =	vst.idx.add.f32.msk vm10, v31  }
0x1a8: {  	s21 =	sadd.s32 $0xFFFFFFFF, s5;
	s5 =	simm.s32 $0x3;
	v30 =	vand.u32 $0xFFFF0000, v46;
	v29 =	vor.u32 v1, v58;
	v31 =	vor.u32 v1, v48;
	[tilespmem:v59+s29+$0x0] =	vst.idx.add.f32.msk vm8, v63  }
.LBB2_25:
0x1a9: {  	s23 =	sadd.s32 $0xFFFFFFFF, s5;
	vm2 =	vgt.s32 v7, s5;
	p1 =	sne.s32 s21, $0x1;
	s21 =	sadd.s32 $0xFFFFFFFF, s21;
	[tilespmem:v32+s29+$0x0] =	vst.idx.add.f32.msk vm1, v39;
	v26 =	vand.u32 $0xFFFF0000, v26;
	v27 =	vand.u32 $0xFFFF0000, v27  }
0x1aa: {  	v32 =	vadd.s32 s23, v2;
	v39 =	vadd.s32 s23, v4;
	vm8 =	vgt.s32 v15, s23;
	[tilespmem:v34+s29+$0x0] =	vst.idx.add.f32.msk vm0, v30  }
0x1ab: {  	vm0 =	vgt.s32 v13, s23;
	v30 =	vand.u32 $0xFFFFFFF8, v32;
	v34 =	vadd.s32 $0x1, v32;
	[tilespmem:v37+s29+$0x0] =	vst.idx.add.f32.msk vm6, v26  }
0x1ac: {  	vm1 =	vgt.s32 v11, s5;
	v26 =	vadd.s32 v18, v30;
	v30 =	vand.u32 $0xFFFFFFF8, v34;
	[tilespmem:v35+s29+$0x0] =	vst.idx.add.f32.msk vm7, v38  }
0x1ad: {  	vm3 =	vgt.s32 v10, s23;
	v32 =	vand.u32 $0x7, v32;
	v30 =	vadd.s32 v18, v30;
	[tilespmem:v29+s29+$0x0] =	vst.idx.add.f32.msk vm5, v28  }
0x1ae: {  	vm5 =	vgt.s32 v3, s23;
	v28 =	vand.u32 $0x7, v34;
	v29 =	vadd.s32 $0x1, v39;
	[tilespmem:v33+s29+$0x0] =	vst.idx.add.f32.msk vm9, v27  }
0x1af: {  	v27 =	vand.u32 $0xFFFFFFF8, v29;
	v29 =	vand.u32 $0x7, v29;
	v33 =	vadd.s32 s23, v8;
	[tilespmem:v31+s29+$0x0] =	vst.idx.add.f32.msk vm4, v36  }
0x1b0: {  	v34 =	vadd.s32 s23, v16;
	v31 =	vand.u32 $0xFFFFFFF8, v39;
	v27 =	vadd.s32 v19, v27  }
0x1b1: {  	v31 =	vadd.s32 v19, v31;
	v27 =	vor.u32 v29, v27;
	v29 =	vadd.s32 $0x1, v34  }
0x1b2: {  	v35 =	vand.u32 $0x7, v39;
	v37 =	vand.u32 $0xFFFFFFF8, v34;
	v36 =	vadd.s32 s23, v14  }
0x1b3: {  	v34 =	vand.u32 $0x7, v34;
	v31 =	vor.u32 v35, v31;
	v35 =	vadd.s32 $0x1, v36  }
0x1b4: {  	v38 =	vadd.s32 s23, v5;
	v39 =	vand.u32 $0xFFFFFFF8, v33;
	v40 =	vadd.s32 $0x1, v33  }
0x1b5: {  	v41 =	vadd.s32 $0x1, v38;
	v33 =	vand.u32 $0x7, v33;
	v39 =	vadd.s32 v21, v39  }
0x1b6: {  	v42 =	vand.u32 $0xFFFFFFF8, v38;
	v33 =	vor.u32 v33, v39;
	v39 =	vand.u32 $0xFFFFFFF8, v40;
	v27 =	vld.idx.msk [tilespmem:v27+s3+$0x0], $0xffff  }
0x1b7: {  	v43 =	vadd.s32 s23, v9;
	v44 =	vadd.s32 s23, v12;
	v45 =	vand.u32 $0xFFFFFFF8, v36  }
0x1b8: {  	v26 =	vor.u32 v32, v26;
	v32 =	vand.u32 $0xFFFFFFF8, v44;
	v36 =	vand.u32 $0x7, v36  }
0x1b9: {  	v28 =	vor.u32 v28, v30;
	v30 =	vadd.s32 v20, v42;
	v42 =	vadd.s32 $0x1, v44  }
0x1ba: {  	v44 =	vand.u32 $0x7, v44;
	v46 =	vand.u32 $0xFFFFFFF8, v42;
	v39 =	vadd.s32 v21, v39  }
0x1bb: {  	v48 =	vadd.s32 $0x1, v43;
	v47 =	vand.u32 $0x7, v41;
	v49 =	vand.u32 $0x7, v35;
	v33 =	vld.idx.msk [tilespmem:v33+s3+$0x0], $0xffff  }
0x1bc: {  	v38 =	vand.u32 $0x7, v38;
	v50 =	vand.u32 $0xFFFF0000, v27;
	v27 =	vshll.u32 v27, $0x4  }
0x1bd: {  	v30 =	vor.u32 v38, v30;
	v38 =	vand.u32 $0x7, v42;
	v27 =	vand.u32 $0xFFFF0, v27  }
0x1be: {  	v42 =	vadd.s32 v23, v46;
	v35 =	vand.u32 $0xFFFFFFF8, v35;
	v46 =	vor.u32 v1, v27;
	v31 =	vld.idx.msk [tilespmem:v31+s3+$0x0], $0xffff  }
0x1bf: {  	v45 =	vadd.s32 v24, v45;
	v35 =	vadd.s32 v24, v35;
	v27 =	vand.u32 $0xFFFFFFF8, v43  }
0x1c0: {  	v40 =	vand.u32 $0x7, v40;
	v51 =	vld.idx.msk [tilespmem:v26+s3+$0x0], $0xffff;
	v26 =	vand.u32 $0xFFFFFFF8, v41;
	v41 =	vand.u32 $0xFFFFFFF8, v48  }
0x1c1: {  	v48 =	vand.u32 $0x7, v48;
	v52 =	vshll.u32 v33, $0x4;
	v26 =	vadd.s32 v20, v26  }
0x1c2: {  	v53 =	vand.u32 $0xFFFFFFF8, v29;
	v27 =	vadd.s32 v22, v27;
	v52 =	vand.u32 $0xFFFF0, v52;
	v28 =	vld.idx.msk [tilespmem:v28+s3+$0x0], $0xffff  }
0x1c3: {  	v29 =	vand.u32 $0x7, v29;
	v43 =	vand.u32 $0x7, v43;
	v52 =	vor.u32 v1, v52  }
0x1c4: {  	v53 =	vadd.s32 v25, v53;
	v41 =	vadd.s32 v22, v41;
	v54 =	vshll.u32 v31, $0x4  }
0x1c5: {  	v29 =	vor.u32 v29, v53;
	v27 =	vor.u32 v43, v27;
	v41 =	vor.u32 v48, v41;
	v30 =	vld.idx.msk [tilespmem:v30+s3+$0x0], $0xffff  }
0x1c6: {  	v32 =	vadd.s32 v23, v32;
	v38 =	vor.u32 v38, v42;
	v26 =	vor.u32 v47, v26  }
0x1c7: {  	v32 =	vor.u32 v44, v32;
	v37 =	vadd.s32 v25, v37;
	v42 =	vshll.u32 v51, $0x4  }
0x1c8: {  	v34 =	vor.u32 v34, v37;
	v37 =	vand.u32 $0xFFFF0, v42;
	v42 =	vshll.u32 v28, $0x4  }
0x1c9: {  	v39 =	vor.u32 v40, v39;
	v37 =	vor.u32 v1, v37;
	v40 =	vand.u32 $0xFFFF0, v42  }
0x1ca: {  	vm12 =	vgt.s32 v7, s23;
	v36 =	vor.u32 v36, v45;
	v42 =	vld.idx.msk [tilespmem:v29+s3+$0x0], $0xffff;
	v29 =	vand.u32 $0xFFFF0, v54  }
0x1cb: {  	vm13 =	vgt.s32 v6, s23;
	v35 =	vor.u32 v49, v35;
	v40 =	vor.u32 v1, v40;
	v43 =	vld.idx.msk [tilespmem:v26+s3+$0x0], $0xffff  }
0x1cc: {  	vm14 =	vgt.s32 v3, s5;
	v44 =	vshll.u32 v30, $0x4;
	v29 =	vor.u32 v1, v29;
	v41 =	vld.idx.msk [tilespmem:v41+s3+$0x0], $0xffff  }
0x1cd: {  	vm11 =	vgt.s32 v10, s5;
	vm10 =	vgt.s32 v11, s23;
	v26 =	vld.idx.msk [tilespmem:v38+s3+$0x0], $0xffff;
	v38 =	vand.u32 $0xFFFF0000, v51  }
0x1ce: {  	vm15 =	vgt.s32 v6, s5;
	vm6 =	vgt.s32 v13, s5;
	v44 =	vand.u32 $0xFFFF0, v44;
	v39 =	vld.idx.msk [tilespmem:v39+s3+$0x0], $0xffff  }
0x1cf: {  	vm7 =	vmmov vm8;
	vm4 =	vgt.s32 v17, s5;
	v28 =	vand.u32 $0xFFFF0000, v28;
	v45 =	vld.idx.msk [tilespmem:v32+s3+$0x0], $0xffff  }
0x1d0: {  	v31 =	vand.u32 $0xFFFF0000, v31;
	v32 =	vor.u32 v1, v44;
	v47 =	vld.idx.msk [tilespmem:v27+s3+$0x0], $0xffff;
	v27 =	vshll.u32 v42, $0x4  }
0x1d1: {  	v44 =	vshll.u32 v43, $0x4;
	v35 =	vld.idx.msk [tilespmem:v35+s3+$0x0], $0xffff;
	v48 =	vand.u32 $0xFFFF0, v27  }
0x1d2: {  	vm9 =	vgt.s32 v17, s23;
	v27 =	vand.u32 $0xFFFF0, v44;
	v44 =	vshll.u32 v41, $0x4;
	v36 =	vld.idx.msk [tilespmem:v36+s3+$0x0], $0xffff  }
0x1d3: {  	v33 =	vand.u32 $0xFFFF0000, v33;
	v49 =	vor.u32 v1, v27;
	v44 =	vand.u32 $0xFFFF0, v44  }
0x1d4: {  	v30 =	vand.u32 $0xFFFF0000, v30;
	v51 =	vshll.u32 v26, $0x4;
	v27 =	vld.idx.msk [tilespmem:v34+s3+$0x0], $0xffff;
	v34 =	vshll.u32 v39, $0x4  }
0x1d5: {  	[tilespmem:v37+s29+$0x0] =	vst.idx.add.f32.msk vm5, v38;
	v34 =	vand.u32 $0xFFFF0, v34;
	v37 =	vshll.u32 v45, $0x4;
	v38 =	vand.u32 $0xFFFF0, v51  }
0x1d6: {  	[tilespmem:v40+s29+$0x0] =	vst.idx.add.f32.msk vm14, v28;
	v40 =	vor.u32 v1, v34;
	v28 =	vshll.u32 v47, $0x4;
	v34 =	vand.u32 $0xFFFF0, v37  }
0x1d7: {  	[tilespmem:v29+s29+$0x0] =	vst.idx.add.f32.msk vm13, v31;
	v29 =	vand.u32 $0xFFFF0, v28;
	v28 =	vand.u32 $0xFFFF0000, v35;
	v31 =	vshll.u32 v35, $0x4  }
0x1d8: {  	v35 =	vand.u32 $0xFFFF0000, v43;
	v37 =	vshll.u32 v36, $0x4;
	[tilespmem:v46+s29+$0x0] =	vst.idx.add.f32.msk vm15, v50;
	v31 =	vand.u32 $0xFFFF0, v31  }
0x1d9: {  	v43 =	vor.u32 v1, v29;
	[tilespmem:v32+s29+$0x0] =	vst.idx.add.f32.msk vm12, v30;
	v32 =	vor.u32 v1, v44;
	v30 =	vand.u32 $0xFFFF0000, v45  }
.Ltmp18:
0x1da: {  	[tilespmem:v49+s29+$0x0] =	vst.idx.add.f32.msk vm2, v35;
	v35 =	vand.u32 $0xFFFF0000, v39;
	v39 =	vand.u32 $0xFFFF0, v37;
	v37 =	vshll.u32 v27, $0x4;
	(pc) =	sbr.rel @p1 .LBB2_25-.Ltmp18, $4  }
0x1db: {  	v34 =	vor.u32 v1, v34;
	v29 =	vor.u32 v1, v31;
	[tilespmem:v52+s29+$0x0] =	vst.idx.add.f32.msk vm3, v33;
	v31 =	vand.u32 $0xFFFF0, v37  }
0x1dc: {  	vm5 =	vgt.s32 v15, s5;
	v37 =	vor.u32 v1, v38;
	[tilespmem:v40+s29+$0x0] =	vst.idx.add.f32.msk vm11, v35;
	v35 =	vor.u32 v1, v39  }
0x1dd: {  	v38 =	vand.u32 $0xFFFF0000, v47;
	v33 =	vor.u32 v1, v31;
	v31 =	vor.u32 v1, v48  }
0x1de: {  	s5 =	sadd.s32 $0x2, s5;
	v39 =	vand.u32 $0xFFFF0000, v41;
	[tilespmem:v43+s29+$0x0] =	vst.idx.add.f32.msk vm10, v38;
	v38 =	vand.u32 $0xFFFF0000, v36;
	v36 =	vand.u32 $0xFFFF0000, v42  }
.Ltmp19:
0x1df: {  	_ = 	snop;
	(pc) =	sbr.rel .LBB2_26-.Ltmp19, $1  }
0x1e0: {  	_ =	sdelay $0x3  }
.LBB2_28:
0x1e1: {  	s1 =	sor.u32 $0x20, s1  }
0x1e2: {  	p1 =	sgt.u32 s1, $0x4E1  }
.Ltmp20:
0x1e3: {  	_ = 	snop;
	(pc) =	sbr.rel @p1 .LBB2_38-.Ltmp20, $3  }
0x1e4: {  	_ =	sdelay $0x1  }
0x1e5: {  	s5 =	sadd.s32 s2, s19  }
0x1e6: {  	[hbm4b:s5+s24] =	stream.strided.scatter [tilespmem:s29], [sflag:$0x1], $0x4000, s25, s24, $0x38;
	[tilespmem:$0x1EC40] =	vst v63  }
0x1e7: {  	s1 =	sshll.u32 s1, $0x1  }
0x1e8: {  	s5 =	sadd.s32 s4, s1  }
0x1e9: {  	[tilespmem:s26], [sflag:$0x3] =	stream.strided.gather [hbm4b:s5+s24], $0x400, s25, s24, $0x38;
	[tilespmem:$0x1EC40] =	vst v63  }
0x1ea: {  	s5 =	simm.s32 @!p0 $0x2  }
0x1eb: {  	_ =	swait.ge @!p0 [sflag:s5], $0x4000  }
0x1ec: {  	[sflag:s5] =	ssyncset.done @!p0 $0x0  }
0x1ed: {  	s19 =	simm.s32 $0x400;
	[sflag:s5] =	ssyncadd.s32 @!p0 $0xFFFFC000;
	s5 =	simm.s32 $0x0  }
.LBB2_30:
0x1ee: {  	p0 =	sne.s32 s19, $0xFC00;
	[tilespmem:s5+$0x184F0] =	vst v0  }
0x1ef: {  	[tilespmem:s5+$0x18400] =	vst v0  }
0x1f0: {  	[tilespmem:s5+$0x18410] =	vst v0  }
0x1f1: {  	[tilespmem:s5+$0x18420] =	vst v0  }
0x1f2: {  	[tilespmem:s5+$0x18430] =	vst v0  }
0x1f3: {  	[tilespmem:s5+$0x18440] =	vst v0  }
0x1f4: {  	[tilespmem:s5+$0x18450] =	vst v0  }
0x1f5: {  	[tilespmem:s5+$0x18460] =	vst v0  }
0x1f6: {  	[tilespmem:s5+$0x18470] =	vst v0  }
0x1f7: {  	[tilespmem:s5+$0x18480] =	vst v0  }
0x1f8: {  	[tilespmem:s5+$0x18490] =	vst v0  }
.Ltmp21:
0x1f9: {  	[tilespmem:s5+$0x184A0] =	vst v0;
	(pc) =	sbr.rel @p0 .LBB2_30-.Ltmp21, $4  }
0x1fa: {  	[tilespmem:s5+$0x184B0] =	vst v0  }
0x1fb: {  	[tilespmem:s5+$0x184C0] =	vst v0  }
0x1fc: {  	[tilespmem:s5+$0x184D0] =	vst v0  }
0x1fd: {  	[tilespmem:s5+$0x184E0] =	vst v0;
	s5 =	sshra.s32 s19, $0x2;
	s19 =	sadd.s32 $0x400, s19  }
0x1fe: {  	[tilespmem:s5+$0x184F0] =	vst v0  }
0x1ff: {  	[tilespmem:s5+$0x18400] =	vst v0  }
0x200: {  	[tilespmem:s5+$0x18410] =	vst v0  }
0x201: {  	[tilespmem:s5+$0x18420] =	vst v0  }
0x202: {  	[tilespmem:s5+$0x18430] =	vst v0  }
0x203: {  	[tilespmem:s5+$0x18440] =	vst v0  }
0x204: {  	[tilespmem:s5+$0x18450] =	vst v0  }
0x205: {  	[tilespmem:s5+$0x18460] =	vst v0  }
0x206: {  	[tilespmem:s5+$0x18470] =	vst v0  }
0x207: {  	[tilespmem:s5+$0x18480] =	vst v0  }
0x208: {  	[tilespmem:s5+$0x18490] =	vst v0  }
0x209: {  	[tilespmem:s5+$0x184A0] =	vst v0  }
0x20a: {  	[tilespmem:s5+$0x184B0] =	vst v0  }
0x20b: {  	[tilespmem:s5+$0x184C0] =	vst v0  }
.Ltmp22:
0x20c: {  	[tilespmem:s5+$0x184D0] =	vst v0;
	(pc) =	sbr.rel .LBB2_32-.Ltmp22, $4  }
0x20d: {  	[tilespmem:s5+$0x184E0] =	vst v0  }
0x20e: {  	_ =	swait.ge [sflag:s28], $0x400  }
0x20f: {  	[sflag:s28] =	ssyncset.done $0x0  }
0x210: {  	s19 =	simm.s32 $0x0;
	[sflag:s28] =	ssyncadd.s32 $0xFFFFFC00  }
.LBB2_35:
0x211: {  	_ =	sdelay $0x4  }
0x212: {  	[tilespmem:v32+s30+$0x0] =	vst.idx.add.f32.msk vm1, v39  }
0x213: {  	v2 =	vand.u32 $0xFFFF0000, v26;
	[tilespmem:v34+s30+$0x0] =	vst.idx.add.f32.msk vm0, v30  }
0x214: {  	[tilespmem:v37+s30+$0x0] =	vst.idx.add.f32.msk vm6, v2  }
0x215: {  	[tilespmem:v35+s30+$0x0] =	vst.idx.add.f32.msk vm7, v38  }
0x216: {  	v2 =	vand.u32 $0xFFFF0000, v27;
	[tilespmem:v29+s30+$0x0] =	vst.idx.add.f32.msk vm5, v28  }
0x217: {  	[tilespmem:v33+s30+$0x0] =	vst.idx.add.f32.msk vm9, v2  }
0x218: {  	[tilespmem:v31+s30+$0x0] =	vst.idx.add.f32.msk vm4, v36  }
.LBB2_36:
0x219: {  	s19 =	sadd.s32 $0x1, s19  }
0x21a: {  	p0 =	sne.s32 s19, $0x8  }
.Ltmp23:
0x21b: {  	_ = 	snop;
	(pc) =	sbr.rel @!p0 .LBB2_37-.Ltmp23, $1  }
0x21c: {  	_ =	sdelay $0x3  }
.LBB2_32:
0x21d: {  	s5 =	sshll.u32 s19, $0x7  }
0x21e: {  	s5 =	sand.u32 $0x3FFFFF80, s5  }
0x21f: {  	v2 =	vld [tilespmem:s5+$0x1C400];
	_ =	sdelay $0x2  }
0x220: {  	s5 =	sshll.u32 s19, $0x3  }
0x221: {  	v18 =	vmov s5  }
0x222: {  	v4 =	vmul.u32 $0x110, v18;
	v3 =	vshrl.u32 v2, $0x1  }
0x223: {  	s8 =	sor.u32 $0x1, s5;
	v5 =	vand.u32 $0x7FFFFFF8, v3;
	v6 =	vadd.s32 $0x1, v3  }
0x224: {  	s20 =	sshll.u32 s8, $0x4;
	v3 =	vand.u32 $0x7, v3;
	v5 =	vadd.s32 v4, v5;
	v7 =	vand.u32 $0xFFFFFFF8, v6  }
0x225: {  	s20 =	sand.u32 $0x3FFFFF90, s20;
	v3 =	vor.u32 v3, v5;
	v5 =	vand.u32 $0x7, v6;
	v4 =	vadd.s32 v4, v7  }
0x226: {  	v4 =	vor.u32 v5, v4;
	v5 =	vld [tilespmem:s20+$0x1C400]  }
0x227: {  	s20 =	sor.u32 $0x2, s5  }
0x228: {  	v19 =	vmov s8;
	s8 =	sor.u32 $0x3, s5;
	s21 =	sshll.u32 s20, $0x4  }
0x229: {  	s23 =	sshll.u32 s8, $0x4;
	v21 =	vmov s8;
	s8 =	sor.u32 $0x5, s5;
	v2 =	vand.u32 $0x1, v2;
	s21 =	sand.u32 $0x3FFFFFA0, s21  }
0x22a: {  	v23 =	vmov s8;
	vm0 =	veq.s32 v2, $0x0;
	v6 =	vld [tilespmem:s21+$0x1C400]  }
0x22b: {  	v7 =	vmul.u32 $0x110, v19;
	v20 =	vmov s20;
	s20 =	sor.u32 $0x4, s5;
	v3 =	vld.idx.msk [tilespmem:v3+s17+$0x0], $0xffff;
	v2 =	vshrl.u32 v5, $0x1  }
0x22c: {  	s5 =	sor.u32 $0x6, s5;
	v12 =	vmul.u32 $0x110, v20;
	v22 =	vmov s20;
	v9 =	vand.u32 $0x7FFFFFF8, v2  }
0x22d: {  	v24 =	vmov s5;
	v10 =	vand.u32 $0x7, v2;
	v9 =	vadd.s32 v7, v9  }
0x22e: {  	s21 =	sand.u32 $0x3FFFFFB0, s23;
	v28 =	vmul.u32 $0x110, v24;
	v2 =	vadd.s32 $0x1, v2;
	v9 =	vor.u32 v10, v9  }
0x22f: {  	v13 =	vld [tilespmem:s21+$0x1C400];
	v10 =	vand.u32 $0xFFFFFFF8, v2;
	v11 =	vshrl.u32 v6, $0x1;
	v2 =	vand.u32 $0x7, v2  }
0x230: {  	v4 =	vld.idx.msk [tilespmem:v4+s17+$0x0], $0xffff;
	v8 =	vand.u32 $0xFFFF, v3;
	v3 =	vshrl.u32 v3, $0x10;
	v7 =	vadd.s32 v7, v10  }
0x231: {  	v10 =	vand.u32 $0x7FFFFFF8, v11;
	v14 =	vand.u32 $0x7, v11;
	v11 =	vadd.s32 $0x1, v11  }
0x232: {  	s23 =	sshll.u32 s20, $0x4;
	v10 =	vadd.s32 v12, v10;
	v7 =	vor.u32 v2, v7;
	v2 =	vand.u32 $0xFFFFFFF8, v11  }
0x233: {  	s23 =	sand.u32 $0x3FFFFFC0, s23;
	v11 =	vand.u32 $0x7, v11;
	v10 =	vor.u32 v14, v10;
	v2 =	vadd.s32 v12, v2  }
0x234: {  	v15 =	vld [tilespmem:s23+$0x1C400];
	v12 =	vshrl.u32 v13, $0x1;
	v14 =	vmul.u32 $0x110, v21;
	v11 =	vor.u32 v11, v2  }
0x235: {  	v4 =	vand.u32 $0xFFFF, v4;
	v2 =	vsel vm0, v8, v3;
	v8 =	vand.u32 $0x7FFFFFF8, v12  }
0x236: {  	v16 =	vadd.s32 $0x1, v12;
	v12 =	vand.u32 $0x7, v12;
	v9 =	vld.idx.msk [tilespmem:v9+s17+$0x0], $0xffff;
	v8 =	vadd.s32 v14, v8  }
0x237: {  	v3 =	vsel vm0, v3, v4;
	v17 =	vand.u32 $0xFFFFFFF8, v16;
	v8 =	vor.u32 v12, v8;
	v7 =	vld.idx.msk [tilespmem:v7+s17+$0x0], $0xffff  }
0x238: {  	v4 =	vand.u32 $0x1, v5;
	v12 =	vand.u32 $0x7, v16;
	v14 =	vadd.s32 v14, v17;
	v10 =	vld.idx.msk [tilespmem:v10+s17+$0x0], $0xffff  }
0x239: {  	v12 =	vor.u32 v12, v14;
	v14 =	vmul.u32 $0x110, v22;
	v5 =	vld.idx.msk [tilespmem:v11+s17+$0x0], $0xffff;
	v11 =	vshrl.u32 v15, $0x1  }
0x23a: {  	v6 =	vand.u32 $0x1, v6;
	vm5 =	veq.s32 v4, $0x0;
	v4 =	vand.u32 $0x7FFFFFF8, v11  }
0x23b: {  	vm1 =	veq.s32 v6, $0x0;
	v17 =	vand.u32 $0x7, v11;
	v4 =	vadd.s32 v14, v4  }
0x23c: {  	v16 =	vand.u32 $0xFFFF, v9;
	v9 =	vshrl.u32 v9, $0x10;
	v8 =	vld.idx.msk [tilespmem:v8+s17+$0x0], $0xffff;
	v17 =	vor.u32 v17, v4  }
0x23d: {  	v3 =	vsub.s32 v3, v2;
	v7 =	vand.u32 $0xFFFF, v7;
	v4 =	vsel vm5, v16, v9  }
0x23e: {  	s21 =	sshll.u32 s8, $0x4;
	v12 =	vld.idx.msk [tilespmem:v12+s17+$0x0], $0xffff;
	v6 =	vand.u32 $0xFFFF, v10;
	v10 =	vshrl.u32 v10, $0x10;
	v16 =	vand.u32 $0xFFFF, v5  }
0x23f: {  	s20 =	sand.u32 $0x3FFFFFD0, s21;
	v7 =	vsel vm5, v9, v7;
	v5 =	vsel vm1, v6, v10;
	v9 =	vsel vm1, v10, v16  }
0x240: {  	v6 =	vsub.s32 v7, v4;
	v7 =	vsub.s32 v9, v5;
	v9 =	vand.u32 $0x1, v13;
	v13 =	vld [tilespmem:s20+$0x1C400]  }
0x241: {  	v10 =	vshrl.u32 v8, $0x10;
	vm6 =	veq.s32 v9, $0x0;
	v9 =	vand.u32 $0xFFFF, v8;
	v16 =	vld.idx.msk [tilespmem:v17+s17+$0x0], $0xffff  }
0x242: {  	s23 =	sshll.u32 s5, $0x4;
	s21 =	sshllo.u32 s19, $0x3;
	vm8 =	vgt.s32 v3, v6;
	v8 =	vsel vm6, v9, v10;
	v9 =	vand.u32 $0x1, v15  }
0x243: {  	s20 =	sand.u32 $0x3FFFFFE0, s23;
	s23 =	sshll.u32 s21, $0x4;
	v12 =	vand.u32 $0xFFFF, v12;
	vm7 =	veq.s32 v9, $0x0;
	v9 =	vadd.s32 $0x1, v11  }
0x244: {  	v61 =	vsel vm8, v3, v6;
	v10 =	vsel vm6, v10, v12;
	v15 =	vld [tilespmem:s20+$0x1C400];
	s20 =	sand.u32 $0x3FFFFFF0, s23;
	v11 =	vand.u32 $0xFFFFFFF8, v9  }
0x245: {  	v27 =	vld [tilespmem:s20+$0x1C400];
	v9 =	vand.u32 $0x7, v9;
	v11 =	vadd.s32 v14, v11;
	v12 =	vshrl.u32 v13, $0x1  }
0x246: {  	v14 =	vmul.u32 $0x110, v23;
	v9 =	vor.u32 v9, v11;
	v11 =	vand.u32 $0xFFFF, v16  }
0x247: {  	v17 =	vand.u32 $0x7FFFFFF8, v12;
	v25 =	vand.u32 $0x7, v12;
	v12 =	vadd.s32 $0x1, v12  }
0x248: {  	v17 =	vadd.s32 v14, v17;
	v26 =	vand.u32 $0xFFFFFFF8, v12;
	v12 =	vand.u32 $0x7, v12  }
0x249: {  	v14 =	vadd.s32 v14, v26;
	v26 =	vshrl.u32 v15, $0x1;
	v17 =	vor.u32 v25, v17  }
0x24a: {  	v57 =	vshrl.u32 v27, $0x1;
	v12 =	vor.u32 v12, v14;
	v14 =	vand.u32 $0x7FFFFFF8, v26  }
0x24b: {  	v29 =	vand.u32 $0x7, v26;
	v25 =	vadd.s32 $0x1, v26;
	v58 =	vand.u32 $0x7FFFFFF8, v57  }
0x24c: {  	v26 =	vand.u32 $0xFFFFFFF8, v25;
	v30 =	vand.u32 $0x7, v25;
	v25 =	vmov s21;
	v9 =	vld.idx.msk [tilespmem:v9+s17+$0x0], $0xffff  }
0x24d: {  	v59 =	vand.u32 $0x7, v57;
	v14 =	vadd.s32 v28, v14;
	v31 =	vmul.u32 $0x110, v25  }
0x24e: {  	v26 =	vadd.s32 v28, v26;
	v14 =	vor.u32 v29, v14;
	v28 =	vadd.s32 $0x1, v57  }
0x24f: {  	v26 =	vor.u32 v30, v26;
	v60 =	vand.u32 $0xFFFFFFF8, v28;
	v29 =	vadd.s32 v31, v58  }
0x250: {  	v16 =	vshrl.u32 v16, $0x10;
	v17 =	vld.idx.msk [tilespmem:v17+s17+$0x0], $0xffff;
	v30 =	vadd.s32 v31, v60;
	v29 =	vor.u32 v59, v29  }
0x251: {  	v12 =	vld.idx.msk [tilespmem:v12+s17+$0x0], $0xffff;
	v32 =	vand.u32 $0xFFFF, v9;
	v9 =	vsel vm7, v11, v16;
	v11 =	vand.u32 $0x7, v28  }
0x252: {  	vm9 =	vgt.s32 v61, v7;
	v13 =	vand.u32 $0x1, v13;
	v30 =	vor.u32 v11, v30  }
0x253: {  	v10 =	vsub.s32 v10, v8;
	vm10 =	veq.s32 v13, $0x0;
	v14 =	vld.idx.msk [tilespmem:v14+s17+$0x0], $0xffff;
	v16 =	vsel vm7, v16, v32  }
0x254: {  	v15 =	vand.u32 $0x1, v15;
	v28 =	vsel vm9, v61, v7;
	v11 =	vsub.s32 v16, v9;
	v16 =	vld.idx.msk [tilespmem:v26+s17+$0x0], $0xffff  }
0x255: {  	vm12 =	veq.s32 v15, $0x0;
	vm11 =	vgt.s32 v28, v10;
	v13 =	vand.u32 $0xFFFF, v17  }
0x256: {  	v17 =	vshrl.u32 v17, $0x10;
	v26 =	vsel vm11, v28, v10;
	v62 =	vand.u32 $0xFFFF, v12;
	v29 =	vld.idx.msk [tilespmem:v29+s17+$0x0], $0xffff  }
0x257: {  	v12 =	vsel vm10, v13, v17;
	vm1 =	vgt.s32 v26, v11;
	v13 =	vsel vm10, v17, v62;
	v17 =	vld.idx.msk [tilespmem:v30+s17+$0x0], $0xffff  }
0x258: {  	v26 =	vsel vm1, v26, v11;
	v15 =	vand.u32 $0xFFFF, v14;
	v13 =	vsub.s32 v13, v12  }
0x259: {  	v63 =	vshrl.u32 v14, $0x10;
	vm13 =	vgt.s32 v26, v13;
	v16 =	vand.u32 $0xFFFF, v16  }
0x25a: {  	v14 =	vsel vm12, v15, v63;
	v26 =	vsel vm13, v26, v13;
	v15 =	vsel vm12, v63, v16  }
0x25b: {  	v16 =	vand.u32 $0x1, v27;
	v27 =	vshrl.u32 v29, $0x10;
	v15 =	vsub.s32 v15, v14  }
0x25c: {  	vm14 =	veq.s32 v16, $0x0;
	v16 =	vand.u32 $0xFFFF, v29;
	v17 =	vand.u32 $0xFFFF, v17  }
0x25d: {  	v16 =	vsel vm14, v16, v27;
	vm15 =	vgt.s32 v26, v15;
	v17 =	vsel vm14, v27, v17  }
0x25e: {  	v26 =	vsel vm15, v26, v15;
	v17 =	vsub.s32 v17, v16  }
0x25f: {  	vm0 =	vgt.s32 v26, v17  }
0x260: {  	v26 =	vsel vm0, v26, v17  }
0x261: {  	v26 =	vxor.u32 $0x80000000, v26  }
0x262: {  	(xrf0) =	vmax.scan.msk.u32 $0xffff, v26;
	_ =	sdelay $0x5  }
0x263: {  	v26, _, _ =	vpop (xrf0)  }
0x264: {  	(v2sf) =	vpush v26, $0xF;
	_ =	sdelay $0xe  }
0x265: {  	s21 =	spop (v2sf)  }
0x266: {  	s5 =	simm.s32 $0x1;
	s8 =	sadd.s32 $0x80000001, s21;
	p0 =	slt.s32 s21, $0xFFFFFFFF  }
0x267: {  	s5 =	simm.s32 @!p0 $0x0;
	s23 =	sshra.s32 s8, $0x1F  }
0x268: {  	s21 =	sand.u32 $0x1, s8;
	s5 =	sadd.s32 s5, s23  }
0x269: {  	p1 =	seq.s32 s21, $0x1;
	p6 =	sne.s32 s5, $0x1  }
0x26a: {  	s23 =	sshrl.u32 s8, $0x1F;
	p0 =	por !p6, !p1  }
0x26b: {  	s5 =	sadd.s32 s23, s8;
	s8 =	simm.s32 $0x1;
	p0 =	por !p0, !p0  }
0x26c: {  	s5 =	sshra.s32 s5, $0x1;
	s8 =	simm.s32 @!p0 $0x0  }
0x26d: {  	s5 =	ssub.s32 s5, s8  }
0x26e: {  	p0 =	slt.s32 s5, $0x1  }
.Ltmp24:
0x26f: {  	_ = 	snop;
	(pc) =	sbr.rel @p0 .LBB2_36-.Ltmp24, $1  }
0x270: {  	_ =	sdelay $0x3  }
0x271: {  	v18 =	vshll.u32 v18, $0xA;
	v19 =	vshll.u32 v19, $0xA  }
0x272: {  	v20 =	vshll.u32 v20, $0xA;
	v21 =	vshll.u32 v21, $0xA;
	v22 =	vshll.u32 v22, $0xA  }
0x273: {  	v23 =	vshll.u32 v23, $0xA;
	v24 =	vshll.u32 v24, $0xA;
	v25 =	vshll.u32 v25, $0xA;
	s20 =	simm.s32 $0x1;
	s21 =	simm.s32 $0x0  }
0x274: {  	vm2 =	vgt.s32 v7, s20;
	v26 =	vadd.s32 s21, v2;
	v27 =	vadd.s32 s21, v4  }
0x275: {  	vm7 =	vgt.s32 v15, s21;
	vm0 =	vgt.s32 v13, s21;
	vm1 =	vgt.s32 v11, s20  }
0x276: {  	vm3 =	vgt.s32 v10, s21;
	vm5 =	vgt.s32 v3, s21;
	v33 =	vadd.s32 s21, v8  }
0x277: {  	v35 =	vadd.s32 s21, v16;
	v36 =	vadd.s32 s21, v14;
	v38 =	vadd.s32 s21, v5  }
0x278: {  	v43 =	vadd.s32 s21, v9;
	v44 =	vadd.s32 s21, v12;
	vm11 =	vgt.s32 v7, s21  }
0x279: {  	vm12 =	vgt.s32 v6, s21;
	vm13 =	vgt.s32 v3, s20;
	vm10 =	vgt.s32 v10, s20  }
0x27a: {  	vm8 =	vgt.s32 v11, s21;
	vm14 =	vgt.s32 v6, s20;
	vm6 =	vgt.s32 v13, s20  }
0x27b: {  	vm4 =	vgt.s32 v17, s20;
	vm9 =	vgt.s32 v17, s21;
	v28 =	vand.u32 $0xFFFFFFF8, v26  }
0x27c: {  	v29 =	vadd.s32 $0x1, v26;
	v26 =	vand.u32 $0x7, v26;
	v31 =	vadd.s32 $0x1, v27  }
0x27d: {  	v34 =	vand.u32 $0xFFFFFFF8, v27;
	v63 =	vadd.s32 $0x1, v35;
	v27 =	vand.u32 $0x7, v27  }
0x27e: {  	v37 =	vand.u32 $0xFFFFFFF8, v35;
	v56 =	vadd.s32 $0x1, v36;
	v35 =	vand.u32 $0x7, v35  }
0x27f: {  	v39 =	vand.u32 $0xFFFFFFF8, v33;
	v40 =	vadd.s32 $0x1, v33;
	v33 =	vand.u32 $0x7, v33  }
0x280: {  	v41 =	vadd.s32 $0x1, v38;
	v42 =	vand.u32 $0xFFFFFFF8, v38;
	v45 =	vand.u32 $0xFFFFFFF8, v36  }
0x281: {  	v36 =	vand.u32 $0x7, v36;
	v58 =	vadd.s32 $0x1, v44;
	v48 =	vadd.s32 $0x1, v43  }
0x282: {  	v38 =	vand.u32 $0x7, v38;
	v61 =	vand.u32 $0xFFFFFFF8, v43;
	v43 =	vand.u32 $0x7, v43  }
0x283: {  	vm7 =	vmmov vm7;
	v28 =	vadd.s32 v18, v28;
	v30 =	vand.u32 $0xFFFFFFF8, v29  }
0x284: {  	v29 =	vand.u32 $0x7, v29;
	v32 =	vand.u32 $0xFFFFFFF8, v31;
	v31 =	vand.u32 $0x7, v31  }
0x285: {  	v34 =	vadd.s32 v19, v34;
	v39 =	vadd.s32 v21, v39;
	v57 =	vand.u32 $0xFFFFFFF8, v40  }
0x286: {  	v46 =	vand.u32 $0xFFFFFFF8, v58;
	v47 =	vand.u32 $0x7, v41;
	v49 =	vand.u32 $0x7, v56  }
0x287: {  	v59 =	vand.u32 $0x7, v58;
	v45 =	vadd.s32 v24, v45;
	v33 =	vor.u32 v33, v39  }
0x288: {  	v41 =	vand.u32 $0xFFFFFFF8, v41;
	v40 =	vand.u32 $0x7, v40;
	v51 =	vand.u32 $0xFFFFFFF8, v48  }
0x289: {  	v48 =	vand.u32 $0x7, v48;
	v53 =	vand.u32 $0xFFFFFFF8, v63;
	v37 =	vadd.s32 v25, v37  }
0x28a: {  	v30 =	vadd.s32 v18, v30;
	v32 =	vadd.s32 v19, v32;
	v27 =	vor.u32 v27, v34  }
0x28b: {  	v26 =	vor.u32 v26, v28;
	v28 =	vand.u32 $0xFFFFFFF8, v44;
	v39 =	vadd.s32 v21, v57  }
0x28c: {  	v44 =	vand.u32 $0x7, v44;
	v41 =	vadd.s32 v20, v41;
	v31 =	vor.u32 v31, v32;
	v33 =	vld.idx.msk [tilespmem:v33+s3+$0x0], $0xffff  }
0x28d: {  	v60 =	vadd.s32 v23, v46;
	v34 =	vand.u32 $0xFFFFFFF8, v56;
	v41 =	vor.u32 v47, v41  }
0x28e: {  	v46 =	vadd.s32 v22, v61;
	v29 =	vor.u32 v29, v30;
	v30 =	vadd.s32 v20, v42  }
0x28f: {  	v62 =	vadd.s32 v25, v53;
	v32 =	vand.u32 $0x7, v63;
	v30 =	vor.u32 v38, v30;
	v27 =	vld.idx.msk [tilespmem:v27+s3+$0x0], $0xffff  }
0x290: {  	v35 =	vor.u32 v35, v37;
	v28 =	vadd.s32 v23, v28;
	v32 =	vor.u32 v32, v62;
	v52 =	vld.idx.msk [tilespmem:v26+s3+$0x0], $0xffff  }
0x291: {  	v36 =	vor.u32 v36, v45;
	v28 =	vor.u32 v44, v28;
	v31 =	vld.idx.msk [tilespmem:v31+s3+$0x0], $0xffff;
	v26 =	vshll.u32 v33, $0x4  }
0x292: {  	v34 =	vadd.s32 v24, v34;
	v43 =	vor.u32 v43, v46;
	v41 =	vld.idx.msk [tilespmem:v41+s3+$0x0], $0xffff;
	v26 =	vand.u32 $0xFFFF0, v26  }
0x293: {  	v39 =	vor.u32 v40, v39;
	v29 =	vld.idx.msk [tilespmem:v29+s3+$0x0], $0xffff;
	v54 =	vor.u32 v1, v26;
	v26 =	vadd.s32 v22, v51  }
0x294: {  	v38 =	vor.u32 v59, v60;
	v34 =	vor.u32 v49, v34;
	v30 =	vld.idx.msk [tilespmem:v30+s3+$0x0], $0xffff;
	v26 =	vor.u32 v48, v26  }
0x295: {  	v42 =	vld.idx.msk [tilespmem:v32+s3+$0x0], $0xffff;
	v63 =	vshll.u32 v27, $0x4;
	v47 =	vshll.u32 v52, $0x4;
	v58 =	vand.u32 $0xFFFF0000, v52  }
0x296: {  	v46 =	vld.idx.msk [tilespmem:v28+s3+$0x0], $0xffff;
	v59 =	vand.u32 $0xFFFF0000, v27;
	v33 =	vand.u32 $0xFFFF0000, v33;
	v50 =	vand.u32 $0xFFFF0000, v31  }
0x297: {  	v31 =	vshll.u32 v31, $0x4;
	v56 =	vand.u32 $0xFFFF0, v63;
	v28 =	vshll.u32 v41, $0x4  }
0x298: {  	v36 =	vld.idx.msk [tilespmem:v36+s3+$0x0], $0xffff;
	v31 =	vand.u32 $0xFFFF0, v31;
	v51 =	vshll.u32 v29, $0x4;
	v32 =	vor.u32 v1, v56  }
0x299: {  	v57 =	vshll.u32 v30, $0x4;
	v29 =	vand.u32 $0xFFFF0000, v29;
	v48 =	vand.u32 $0xFFFF0, v47;
	v44 =	vld.idx.msk [tilespmem:v26+s3+$0x0], $0xffff  }
0x29a: {  	v39 =	vld.idx.msk [tilespmem:v39+s3+$0x0], $0xffff;
	v27 =	vshll.u32 v42, $0x4;
	v55 =	vand.u32 $0xFFFF0, v51;
	v37 =	vor.u32 v1, v48  }
0x29b: {  	v43 =	vld.idx.msk [tilespmem:v43+s3+$0x0], $0xffff;
	v61 =	vand.u32 $0xFFFF0000, v30;
	v62 =	vshll.u32 v46, $0x4;
	v40 =	vor.u32 v1, v55  }
0x29c: {  	v34 =	vld.idx.msk [tilespmem:v34+s3+$0x0], $0xffff;
	v56 =	vand.u32 $0xFFFF0000, v41;
	v31 =	vor.u32 v1, v31;
	v45 =	vand.u32 $0xFFFF0, v57  }
0x29d: {  	v57 =	vshll.u32 v36, $0x4;
	v48 =	vand.u32 $0xFFFF0, v27;
	v27 =	vand.u32 $0xFFFF0, v28;
	v26 =	vld.idx.msk [tilespmem:v38+s3+$0x0], $0xffff  }
0x29e: {  	v45 =	vor.u32 v1, v45;
	v49 =	vor.u32 v1, v27;
	v27 =	vld.idx.msk [tilespmem:v35+s3+$0x0], $0xffff;
	v28 =	vshll.u32 v44, $0x4  }
0x29f: {  	v35 =	vand.u32 $0xFFFF0, v62;
	[tilespmem:v37+s30+$0x0] =	vst.idx.add.f32.msk vm5, v58;
	v60 =	vand.u32 $0xFFFF0, v28;
	v28 =	vshll.u32 v39, $0x4  }
0x2a0: {  	v38 =	vand.u32 $0xFFFF0000, v36;
	v36 =	vand.u32 $0xFFFF0000, v42;
	[tilespmem:v40+s30+$0x0] =	vst.idx.add.f32.msk vm13, v29;
	v28 =	vand.u32 $0xFFFF0, v28  }
0x2a1: {  	vm5 =	vgt.s32 v15, s20;
	[tilespmem:v32+s30+$0x0] =	vst.idx.add.f32.msk vm12, v59;
	v55 =	vor.u32 v1, v28;
	v28 =	vshll.u32 v43, $0x4  }
0x2a2: {  	[tilespmem:v31+s30+$0x0] =	vst.idx.add.f32.msk vm14, v50;
	v31 =	vand.u32 $0xFFFF0000, v39;
	v30 =	vshll.u32 v26, $0x4;
	v29 =	vand.u32 $0xFFFF0, v28  }
0x2a3: {  	p0 =	sne.s32 s5, $0x1;
	[tilespmem:v45+s30+$0x0] =	vst.idx.add.f32.msk vm11, v61;
	v61 =	vshll.u32 v27, $0x4;
	v63 =	vand.u32 $0xFFFF0, v30;
	v59 =	vor.u32 v1, v29  }
.Ltmp25:
0x2a4: {  	v30 =	vshll.u32 v34, $0x4;
	v62 =	vand.u32 $0xFFFF0, v61;
	v32 =	vor.u32 v1, v60;
	(pc) =	sbr.rel @!p0 .LBB2_35-.Ltmp25, $4  }
0x2a5: {  	[tilespmem:v49+s30+$0x0] =	vst.idx.add.f32.msk vm2, v56;
	v39 =	vand.u32 $0xFFFF0000, v44;
	v28 =	vand.u32 $0xFFFF0000, v34;
	v34 =	vor.u32 v1, v35  }
0x2a6: {  	v58 =	vand.u32 $0xFFFF0, v30;
	v60 =	vand.u32 $0xFFFF0, v57;
	[tilespmem:v54+s30+$0x0] =	vst.idx.add.f32.msk vm3, v33;
	v37 =	vor.u32 v1, v63  }
0x2a7: {  	v63 =	vand.u32 $0xFFFF0000, v43;
	v33 =	vor.u32 v1, v62;
	v35 =	vor.u32 v1, v60;
	[tilespmem:v55+s30+$0x0] =	vst.idx.add.f32.msk vm10, v31  }
0x2a8: {  	s20 =	sadd.s32 $0xFFFFFFFF, s5;
	s5 =	simm.s32 $0x3;
	v30 =	vand.u32 $0xFFFF0000, v46;
	v29 =	vor.u32 v1, v58;
	v31 =	vor.u32 v1, v48;
	[tilespmem:v59+s30+$0x0] =	vst.idx.add.f32.msk vm8, v63  }
.LBB2_34:
0x2a9: {  	s21 =	sadd.s32 $0xFFFFFFFF, s5;
	vm2 =	vgt.s32 v7, s5;
	p0 =	sne.s32 s20, $0x1;
	s20 =	sadd.s32 $0xFFFFFFFF, s20;
	[tilespmem:v32+s30+$0x0] =	vst.idx.add.f32.msk vm1, v39;
	v26 =	vand.u32 $0xFFFF0000, v26;
	v27 =	vand.u32 $0xFFFF0000, v27  }
0x2aa: {  	v32 =	vadd.s32 s21, v2;
	v39 =	vadd.s32 s21, v4;
	vm8 =	vgt.s32 v15, s21;
	[tilespmem:v34+s30+$0x0] =	vst.idx.add.f32.msk vm0, v30  }
0x2ab: {  	vm0 =	vgt.s32 v13, s21;
	v30 =	vand.u32 $0xFFFFFFF8, v32;
	v34 =	vadd.s32 $0x1, v32;
	[tilespmem:v37+s30+$0x0] =	vst.idx.add.f32.msk vm6, v26  }
0x2ac: {  	vm1 =	vgt.s32 v11, s5;
	v26 =	vadd.s32 v18, v30;
	v30 =	vand.u32 $0xFFFFFFF8, v34;
	[tilespmem:v35+s30+$0x0] =	vst.idx.add.f32.msk vm7, v38  }
0x2ad: {  	vm3 =	vgt.s32 v10, s21;
	v32 =	vand.u32 $0x7, v32;
	v30 =	vadd.s32 v18, v30;
	[tilespmem:v29+s30+$0x0] =	vst.idx.add.f32.msk vm5, v28  }
0x2ae: {  	vm5 =	vgt.s32 v3, s21;
	v28 =	vand.u32 $0x7, v34;
	v29 =	vadd.s32 $0x1, v39;
	[tilespmem:v33+s30+$0x0] =	vst.idx.add.f32.msk vm9, v27  }
0x2af: {  	v27 =	vand.u32 $0xFFFFFFF8, v29;
	v29 =	vand.u32 $0x7, v29;
	v33 =	vadd.s32 s21, v8;
	[tilespmem:v31+s30+$0x0] =	vst.idx.add.f32.msk vm4, v36  }
0x2b0: {  	v34 =	vadd.s32 s21, v16;
	v31 =	vand.u32 $0xFFFFFFF8, v39;
	v27 =	vadd.s32 v19, v27  }
0x2b1: {  	v31 =	vadd.s32 v19, v31;
	v27 =	vor.u32 v29, v27;
	v29 =	vadd.s32 $0x1, v34  }
0x2b2: {  	v35 =	vand.u32 $0x7, v39;
	v37 =	vand.u32 $0xFFFFFFF8, v34;
	v36 =	vadd.s32 s21, v14  }
0x2b3: {  	v34 =	vand.u32 $0x7, v34;
	v31 =	vor.u32 v35, v31;
	v35 =	vadd.s32 $0x1, v36  }
0x2b4: {  	v38 =	vadd.s32 s21, v5;
	v39 =	vand.u32 $0xFFFFFFF8, v33;
	v40 =	vadd.s32 $0x1, v33  }
0x2b5: {  	v41 =	vadd.s32 $0x1, v38;
	v33 =	vand.u32 $0x7, v33;
	v39 =	vadd.s32 v21, v39  }
0x2b6: {  	v42 =	vand.u32 $0xFFFFFFF8, v38;
	v33 =	vor.u32 v33, v39;
	v39 =	vand.u32 $0xFFFFFFF8, v40;
	v27 =	vld.idx.msk [tilespmem:v27+s3+$0x0], $0xffff  }
0x2b7: {  	v43 =	vadd.s32 s21, v9;
	v44 =	vadd.s32 s21, v12;
	v45 =	vand.u32 $0xFFFFFFF8, v36  }
0x2b8: {  	v26 =	vor.u32 v32, v26;
	v32 =	vand.u32 $0xFFFFFFF8, v44;
	v36 =	vand.u32 $0x7, v36  }
0x2b9: {  	v28 =	vor.u32 v28, v30;
	v30 =	vadd.s32 v20, v42;
	v42 =	vadd.s32 $0x1, v44  }
0x2ba: {  	v44 =	vand.u32 $0x7, v44;
	v46 =	vand.u32 $0xFFFFFFF8, v42;
	v39 =	vadd.s32 v21, v39  }
0x2bb: {  	v48 =	vadd.s32 $0x1, v43;
	v47 =	vand.u32 $0x7, v41;
	v49 =	vand.u32 $0x7, v35;
	v33 =	vld.idx.msk [tilespmem:v33+s3+$0x0], $0xffff  }
0x2bc: {  	v38 =	vand.u32 $0x7, v38;
	v50 =	vand.u32 $0xFFFF0000, v27;
	v27 =	vshll.u32 v27, $0x4  }
0x2bd: {  	v30 =	vor.u32 v38, v30;
	v38 =	vand.u32 $0x7, v42;
	v27 =	vand.u32 $0xFFFF0, v27  }
0x2be: {  	v42 =	vadd.s32 v23, v46;
	v35 =	vand.u32 $0xFFFFFFF8, v35;
	v46 =	vor.u32 v1, v27;
	v31 =	vld.idx.msk [tilespmem:v31+s3+$0x0], $0xffff  }
0x2bf: {  	v45 =	vadd.s32 v24, v45;
	v35 =	vadd.s32 v24, v35;
	v27 =	vand.u32 $0xFFFFFFF8, v43  }
0x2c0: {  	v40 =	vand.u32 $0x7, v40;
	v51 =	vld.idx.msk [tilespmem:v26+s3+$0x0], $0xffff;
	v26 =	vand.u32 $0xFFFFFFF8, v41;
	v41 =	vand.u32 $0xFFFFFFF8, v48  }
0x2c1: {  	v48 =	vand.u32 $0x7, v48;
	v52 =	vshll.u32 v33, $0x4;
	v26 =	vadd.s32 v20, v26  }
0x2c2: {  	v53 =	vand.u32 $0xFFFFFFF8, v29;
	v27 =	vadd.s32 v22, v27;
	v52 =	vand.u32 $0xFFFF0, v52;
	v28 =	vld.idx.msk [tilespmem:v28+s3+$0x0], $0xffff  }
0x2c3: {  	v29 =	vand.u32 $0x7, v29;
	v43 =	vand.u32 $0x7, v43;
	v52 =	vor.u32 v1, v52  }
0x2c4: {  	v53 =	vadd.s32 v25, v53;
	v41 =	vadd.s32 v22, v41;
	v54 =	vshll.u32 v31, $0x4  }
0x2c5: {  	v29 =	vor.u32 v29, v53;
	v27 =	vor.u32 v43, v27;
	v41 =	vor.u32 v48, v41;
	v30 =	vld.idx.msk [tilespmem:v30+s3+$0x0], $0xffff  }
0x2c6: {  	v32 =	vadd.s32 v23, v32;
	v38 =	vor.u32 v38, v42;
	v26 =	vor.u32 v47, v26  }
0x2c7: {  	v32 =	vor.u32 v44, v32;
	v37 =	vadd.s32 v25, v37;
	v42 =	vshll.u32 v51, $0x4  }
0x2c8: {  	v34 =	vor.u32 v34, v37;
	v37 =	vand.u32 $0xFFFF0, v42;
	v42 =	vshll.u32 v28, $0x4  }
0x2c9: {  	v39 =	vor.u32 v40, v39;
	v37 =	vor.u32 v1, v37;
	v40 =	vand.u32 $0xFFFF0, v42  }
0x2ca: {  	vm12 =	vgt.s32 v7, s21;
	v36 =	vor.u32 v36, v45;
	v42 =	vld.idx.msk [tilespmem:v29+s3+$0x0], $0xffff;
	v29 =	vand.u32 $0xFFFF0, v54  }
0x2cb: {  	vm13 =	vgt.s32 v6, s21;
	v35 =	vor.u32 v49, v35;
	v40 =	vor.u32 v1, v40;
	v43 =	vld.idx.msk [tilespmem:v26+s3+$0x0], $0xffff  }
0x2cc: {  	vm14 =	vgt.s32 v3, s5;
	v44 =	vshll.u32 v30, $0x4;
	v29 =	vor.u32 v1, v29;
	v41 =	vld.idx.msk [tilespmem:v41+s3+$0x0], $0xffff  }
0x2cd: {  	vm11 =	vgt.s32 v10, s5;
	vm10 =	vgt.s32 v11, s21;
	v26 =	vld.idx.msk [tilespmem:v38+s3+$0x0], $0xffff;
	v38 =	vand.u32 $0xFFFF0000, v51  }
0x2ce: {  	vm15 =	vgt.s32 v6, s5;
	vm6 =	vgt.s32 v13, s5;
	v44 =	vand.u32 $0xFFFF0, v44;
	v39 =	vld.idx.msk [tilespmem:v39+s3+$0x0], $0xffff  }
0x2cf: {  	vm7 =	vmmov vm8;
	vm4 =	vgt.s32 v17, s5;
	v28 =	vand.u32 $0xFFFF0000, v28;
	v45 =	vld.idx.msk [tilespmem:v32+s3+$0x0], $0xffff  }
0x2d0: {  	v31 =	vand.u32 $0xFFFF0000, v31;
	v32 =	vor.u32 v1, v44;
	v47 =	vld.idx.msk [tilespmem:v27+s3+$0x0], $0xffff;
	v27 =	vshll.u32 v42, $0x4  }
0x2d1: {  	v44 =	vshll.u32 v43, $0x4;
	v35 =	vld.idx.msk [tilespmem:v35+s3+$0x0], $0xffff;
	v48 =	vand.u32 $0xFFFF0, v27  }
0x2d2: {  	vm9 =	vgt.s32 v17, s21;
	v27 =	vand.u32 $0xFFFF0, v44;
	v44 =	vshll.u32 v41, $0x4;
	v36 =	vld.idx.msk [tilespmem:v36+s3+$0x0], $0xffff  }
0x2d3: {  	v33 =	vand.u32 $0xFFFF0000, v33;
	v49 =	vor.u32 v1, v27;
	v44 =	vand.u32 $0xFFFF0, v44  }
0x2d4: {  	v30 =	vand.u32 $0xFFFF0000, v30;
	v51 =	vshll.u32 v26, $0x4;
	v27 =	vld.idx.msk [tilespmem:v34+s3+$0x0], $0xffff;
	v34 =	vshll.u32 v39, $0x4  }
0x2d5: {  	[tilespmem:v37+s30+$0x0] =	vst.idx.add.f32.msk vm5, v38;
	v34 =	vand.u32 $0xFFFF0, v34;
	v37 =	vshll.u32 v45, $0x4;
	v38 =	vand.u32 $0xFFFF0, v51  }
0x2d6: {  	[tilespmem:v40+s30+$0x0] =	vst.idx.add.f32.msk vm14, v28;
	v40 =	vor.u32 v1, v34;
	v28 =	vshll.u32 v47, $0x4;
	v34 =	vand.u32 $0xFFFF0, v37  }
0x2d7: {  	[tilespmem:v29+s30+$0x0] =	vst.idx.add.f32.msk vm13, v31;
	v29 =	vand.u32 $0xFFFF0, v28;
	v28 =	vand.u32 $0xFFFF0000, v35;
	v31 =	vshll.u32 v35, $0x4  }
0x2d8: {  	v35 =	vand.u32 $0xFFFF0000, v43;
	v37 =	vshll.u32 v36, $0x4;
	[tilespmem:v46+s30+$0x0] =	vst.idx.add.f32.msk vm15, v50;
	v31 =	vand.u32 $0xFFFF0, v31  }
0x2d9: {  	v43 =	vor.u32 v1, v29;
	[tilespmem:v32+s30+$0x0] =	vst.idx.add.f32.msk vm12, v30;
	v32 =	vor.u32 v1, v44;
	v30 =	vand.u32 $0xFFFF0000, v45  }
.Ltmp26:
0x2da: {  	[tilespmem:v49+s30+$0x0] =	vst.idx.add.f32.msk vm2, v35;
	v35 =	vand.u32 $0xFFFF0000, v39;
	v39 =	vand.u32 $0xFFFF0, v37;
	v37 =	vshll.u32 v27, $0x4;
	(pc) =	sbr.rel @p0 .LBB2_34-.Ltmp26, $4  }
0x2db: {  	v34 =	vor.u32 v1, v34;
	v29 =	vor.u32 v1, v31;
	[tilespmem:v52+s30+$0x0] =	vst.idx.add.f32.msk vm3, v33;
	v31 =	vand.u32 $0xFFFF0, v37  }
0x2dc: {  	vm5 =	vgt.s32 v15, s5;
	v37 =	vor.u32 v1, v38;
	[tilespmem:v40+s30+$0x0] =	vst.idx.add.f32.msk vm11, v35;
	v35 =	vor.u32 v1, v39  }
0x2dd: {  	v38 =	vand.u32 $0xFFFF0000, v47;
	v33 =	vor.u32 v1, v31;
	v31 =	vor.u32 v1, v48  }
0x2de: {  	s5 =	sadd.s32 $0x2, s5;
	v39 =	vand.u32 $0xFFFF0000, v41;
	[tilespmem:v43+s30+$0x0] =	vst.idx.add.f32.msk vm10, v38;
	v38 =	vand.u32 $0xFFFF0000, v36;
	v36 =	vand.u32 $0xFFFF0000, v42  }
.Ltmp27:
0x2df: {  	_ = 	snop;
	(pc) =	sbr.rel .LBB2_35-.Ltmp27, $1  }
0x2e0: {  	_ =	sdelay $0x3  }
.LBB2_40:
0x2e1: {  	_ =	sfence.sel $0x180000  }
0x2e2: {  	[bflag:$0x0] =	sbarrier.arrive $0xFFFF  }
0x2e3: {  	_ =	strace $0x9000004A  }
0x2e4: {  	s0 =	stileid.u32;
	[bflag:$0x2] =	sbarrier.arrive $0xFFFF  }
0x2e5: {  	p0 =	sne.s32 s0, $0x0;
	s0 =	rddreg [dreg:$0x2]  }
0x2e6: {  	s0 =	sadd.s32 @!p0 $0x100000, s0  }
0x2e7: {  	[sflag:s0] =	ssyncadd.tile.s32 @!p0 $0x1;
	_ =	shalt  }
.Lfunc_end2:
_tile_overlayer_lowered:
.L_overlay_start_2:
0x2e8: {  	(tag) =	ssettag $0x2  }
0x2e9: {  	s0 =	rddreg [dreg:$0x0];
	s2 =	stileid.u32  }
0x2ea: {  	s1 =	rddreg [dreg:$0x1];
	p0 =	sne.s32 s2, $0x0  }
0x2eb: {  	s3 =	rddreg [dreg:$0x2];
	[bflag:$0x3] =	sbarrier.arrive $0xFFFF;
	s2 =	simm.s32 @!p0 $0x1C04  }
0x2ec: {  	[timem:s3], [sflag:s2] =	dma.local @!p0 [hbm:s0], s1  }
0x2ed: {  	s0 =	simm.s32 @!p0 $0x4  }
0x2ee: {  	_ =	swait.ge @!p0 [sflag:s0], s1  }
0x2ef: {  	s1 =	ssub.s32 @!p0 $0x0, s1;
	[sflag:s0] =	ssyncset.done @!p0 $0x0  }
0x2f0: {  	[sflag:s0] =	ssyncadd.s32 @!p0 s1  }
0x2f1: {  	[bflag:$0x3] =	sbarrier.arrive $0xFFFF  }
0x2f2: {  	_ =	shalt  }

// kernel: sparse-core-data-format-call.cloned.1.call-start
scs
called_computation_lowered:
.L_overlay_start_0:
0x0: {  	s2 =	sld [smem:$0x3FD9]  }
0x1: {  	s3 =	sld [smem:$0x3FFE];
	_ =	sdelay $0x1  }
0x2: {  	s1 =	srdreg.scid  }
0x3: {  	s0 =	sand.u32 $0x1, s1  }
0x4: {  	s18 =	sshll.u32 s0, $0xA;
	s2 =	sadd.s32 s3, s2  }
0x5: {  	s2 =	sadd.s32 s2, s18  }
0x6: {  	[smem:$0x3FC6] =	sst s2  }
0x7: {  	_ = 	snop  }
0x8: {  	s2 =	sld [smem:$0x3FD0];
	(tm) =	ssettm $0x1  }
0x9: {  	s19 =	sld [smem:$0x3FFB];
	_ =	sdelay $0x3  }
0xa: {  	_ =	strace s19  }
0xb: {  	s3 =	sld [smem:$0x3FFC];
	_ =	sdelay $0x3  }
0xc: {  	_ =	strace s3  }
0xd: {  	s3 =	sld [smem:$0x3FFD];
	_ =	sdelay $0x3  }
0xe: {  	_ =	strace s3  }
0xf: {  	_ =	strace $0x8FFFFFFF  }
0x10: {  	s20 =	sld [smem:$0x3FDB];
	_ =	sdelay $0x1  }
0x11: {  	s4 =	simm.s32 $_scs_section_size  }
0x12: {  	s5 =	simm.s32 $_size__tile_overlayer_lowered;
	s6 =	simm.s32 $_tile_overlayer_lowered  }
0x13: {  	s23 =	simm.s32 $0x1BFF;
	s22 =	sshll.u32 s6, $0x1;
	s3 =	sadd.s32 s4, s20  }
0x14: {  	s7 =	simm.s32 $0x0;
	s21 =	sshll.u32 s5, $0x1;
	s5 =	sadd.s32 s22, s3  }
0x15: {  	[timem:s7], [sflag:s23] =	dma.local [hbm:s5], s21  }
0x16: {  	_ =	swait.ge [sflag:s23], s21  }
0x17: {  	s4 =	ssub.s32 $0x0, s21;
	[sflag:s23] =	ssyncset.done $0x0  }
0x18: {  	[sflag:s23] =	ssyncadd.s32 s4;
	_ =	sdelay $0x1  }
0x19: {  	s24 =	simm.s32 $0x1B8B  }
0x1a: {  	_ =	swait.ge [sflag:s24], $0x1  }
0x1b: {  	[sflag:s24] =	ssyncset.done $0x0  }
0x1c: {  	s26 =	simm.s32 $0x1B8E;
	s25 =	sld [smem:$0x3FFE];
	[sflag:s24] =	ssyncadd.s32 $0xFFFFFFFF  }
0x1d: {  	s27 =	simm.s32 $execute0_lowered;
	[smem:$0x3FD2] =	sst s26  }
0x1e: {  	s5 =	sshll.u32 s27, $0x1;
	_ =	strace $0x8000004C;
	[dreg:$0x1] =	wrdreg $0xFFFFFFFF  }
0x1f: {  	s28 =	simm.s32 $_size_execute0_lowered;
	s3 =	sadd.s32 s3, s5;
	[dreg:$0x0] =	wrdreg $0x0  }
0x20: {  	s5 =	sshll.u32 s28, $0x1;
	[dreg:$0x2] =	wrdreg s3  }
0x21: {  	[dreg:$0x3] =	wrdreg s5  }
0x22: {  	[dreg:$0x4] =	wrdreg $0xC0  }
0x23: {  	_ =	task [dreg:s7], $0x5FFFF  }
0x24: {  	[dreg:$0x1] =	wrdreg $0xFFFFFFFF  }
0x25: {  	[dreg:$0x0] =	wrdreg $0x60  }
0x26: {  	[dreg:$0x2] =	wrdreg s25  }
0x27: {  	[dreg:$0x3] =	wrdreg s2  }
0x28: {  	[dreg:$0x4] =	wrdreg $0x9  }
0x29: {  	_ =	task.clear_ibuf [dreg:s7], $0x5FFFF;
	_ =	strace $0x9000004C  }
0x2a: {  	s29 =	simm.s32 $0x9;
	_ =	strace $0x8000004E  }
0x2b: {  	_ =	swait.ge [sflag:s29], $0x1  }
0x2c: {  	[sflag:s29] =	ssyncadd.s32 $0xFFFFFFFF  }
0x2d: {  	_ =	strace $0x9000004E  }
0x2e: {  	_ =	sfence  }
0x2f: {  	s30 =	sld [smem:$0x0];
	_ =	sdelay $0x2  }
0x30: {  	s31 =	sshll.u32 s1, $0xD;
	s1 =	sshrl.u32 s1, $0x2  }
0x31: {  	s3 =	sand.u32 $0x4000, s31;
	s1 =	sadd.s32 s1, s30  }
0x32: {  	s0 =	sor.u32 s3, s0;
	s1 =	sshll.u32 s1, $0x11  }
0x33: {  	s0 =	sor.u32 s1, s0  }
0x34: {  	s0 =	sadd.s32 $0x8F2B, s0  }
0x35: {  	[sflag:s0] =	ssyncadd.remote.s32 $0x1  }
0x36: {  	_ =	sfence.sel $0xFFFF  }
0x37: {  	[dreg:$0x0] =	wrdreg $0xFFFFFFFF;
	(pc) =	sbr.abs _section_cstart, $3  }
0x38: {  	[dreg:$0x1] =	wrdreg $0xFFFFFFFF  }
0x39: {  	_ =	task.clear_ibuf [dreg:s7], $0x2FFFF;
	_ =	strace $0x9FFFFFFF  }
0x3a: {  	(tm) =	ssettm $0x7FFFFFFF  }
0x3b: {  	_ =	shalt  }
tec
execute0_lowered:
.L_overlay_start_1:
0x0: {  	(tag) =	ssettag $0x1  }
0x1: {  	s0 =	stileid.u32  }
0x2: {  	s2 =	srdreg.scid;
	s7 =	rddreg [dreg:$0x0]  }
0x3: {  	s6 =	simm.s32 $0x1;
	s31 =	simm.s32 $0x2;
	s16 =	simm.s32 $0x0  }
0x4: {  	s9 =	simm.s32 $0x2000;
	s15 =	simm.s32 $0x0;
	s10 =	simm.s32 $0x0  }
0x5: {  	s11 =	simm.s32 $0x0;
	s14 =	simm.s32 $0x0;
	s1 =	sshll.u32 s0, $0x7  }
0x6: {  	s3 =	sshll.u32 s0, $0x4;
	s2 =	sshll.u32 s2, $0x8;
	s1 =	sand.u32 $0x380, s1  }
0x7: {  	s7 =	sadd.s32 $0x1400, s7;
	s2 =	sor.u32 s3, s2;
	s5 =	ssub.s32 $0x400, s1  }
0x8: {  	s3 =	rddreg [dreg:$0x1];
	s4 =	sand.u32 $0x180, s2;
	s29 =	sand.u32 $0x380, s5  }
0x9: {  	s30 =	ssub.s32 $0x4E00, s4;
	s5 =	sshrl.u32 s5, $0xA;
	p0 =	sne.s32 s29, $0x0  }
.Ltmp0:
0xa: {  	s8 =	sshrl.u32 s30, $0x9;
	s6 =	simm.s32 @!p0 $0x0;
	(pc) =	sbr.rel .LBB1_1-.Ltmp0, $4  }
0xb: {  	s2 =	rddreg [dreg:$0x2];
	s8 =	sadd.s32 $0x1, s8;
	s6 =	sadd.s32 s6, s5  }
0xc: {  	_ =	strace $0x8000004D;
	s5 =	simm.s32 $0x1;
	s6 =	smul.u32 s6, s8  }
0xd: {  	s13 =	smov.u32 s1;
	s12 =	smov.u32 s4;
	[sflag:s5] =	ssyncpa.u1 $0x0  }
0xe: {  	p0 =	por $0x0, $0x0;
	[sflag:s31] =	ssyncpa.u1 $0x0;
	s8 =	sadd.s32 $0x1, s6  }
.LBB1_4:
0xf: {  	s21 =	sshra.s32 s21, $0x2;
	s27 =	sshll.u32 s10, $0xA;
	s22 =	sshll.u32 s11, $0x3  }
0x10: {  	s23 =	sshll.u32 s10, $0x7;
	s24 =	sand.u32 $0x78, s11;
	p1 =	sgt.s32 s10, $0x4DA0  }
0x11: {  	s25 =	sshra.s32 s10, $0x1F;
	s26 =	sshra.s32 s11, $0x1F;
	s20 =	sadd.s32 s21, s20  }
0x12: {  	v5 =	vld [tilespmem:s18+$0xFFFFFFD0];
	[tilespmem:s19+$0x2040 ss:$0x81] =	vst.msk $0xffff, v4;
	s21 =	sand.u32 $0xFFFFE000, s27;
	s22 =	sand.u32 $0xFFFFFC00, s22;
	s28 =	sand.u32 $0x380, s23  }
0x13: {  	v58 =	vld [tilespmem:s18+$0xFFFFFFE0];
	[tilespmem:s19+$0x2850 ss:$0x81] =	vst.msk $0xffff, v3;
	s23 =	smov.u32 s10;
	s30 =	sand.u32 s25, s10;
	s25 =	smov.u32 s11  }
0x14: {  	v59 =	vld [tilespmem:s18+$0xFFFFFFF0];
	[tilespmem:s19+$0x3060 ss:$0x81] =	vst.msk $0xffff, v2;
	s31 =	sand.u32 s26, s11;
	s21 =	sadd.s32 s22, s21;
	s22 =	sor.u32 s24, s28  }
0x15: {  	v60 =	vld [tilespmem:s18+$0x0];
	[tilespmem:s19+$0x0 ss:$0x81] =	vst.msk $0xffff, v1;
	s23 =	simm.s32 @!p1 $0x4DA0;
	p1 =	sgt.s32 s11, $0x380;
	s21 =	sshrl.u32 s21, $0xA  }
0x16: {  	v61 =	vld [tilespmem:s18+$0x10];
	[tilespmem:s20+$0x3870 ss:$0x81] =	vst.msk $0xffff, v0;
	s19 =	ssub.s32 s23, s30;
	s25 =	simm.s32 @!p1 $0x380;
	s29 =	smulhi.u32 $0x1A36E3, s21  }
0x17: {  	v62 =	vld [tilespmem:s18+$0x20];
	s23 =	ssub.s32 s25, s31;
	s26 =	sadd.s32 $0xFFFFB260, s19;
	s19 =	ssub.s32 $0x4E20, s19;
	[tilespmem:s20+$0x810 ss:$0x81] =	vst.msk $0xffff, v5  }
0x18: {  	v63 =	vld [tilespmem:s18+$0xFFFFFFC0];
	[tilespmem:s20+$0x1020 ss:$0x81] =	vst.msk $0xffff, v58;
	p1 =	sgt.s32 s26, $0x7F;
	s28 =	sadd.s32 $0xFFFFFC80, s23;
	s24 =	sshrl.u32 s29, $0x3  }
0x19: {  	[tilespmem:s20+$0x1830 ss:$0x81] =	vst.msk $0xffff, v59;
	s23 =	ssub.s32 $0x400, s23;
	p2 =	sgt.s32 s28, $0x7F;
	s27 =	smul.u32 $0x4E20, s24  }
0x1a: {  	s30 =	sand.u32 $0x7, s11;
	[tilespmem:s20+$0x2040 ss:$0x81] =	vst.msk $0xffff, v60;
	s19 =	simm.s32 @p1 $0x0;
	s23 =	simm.s32 @p2 $0x0  }
0x1b: {  	[tilespmem:s20+$0x2850 ss:$0x81] =	vst.msk $0xffff, v61;
	s29 =	sshrl.u32 s22, $0x3;
	s19 =	smul.u32 s23, s19;
	s18 =	ssub.s32 s21, s27  }
0x1c: {  	[tilespmem:s20+$0x3060 ss:$0x81] =	vst.msk $0xffff, v62;
	s22 =	sshll.u32 s30, $0x12;
	s21 =	sadd.s32 s3, s29;
	s18 =	sshll.u32 s18, $0x7  }
0x1d: {  	[tilespmem:s20+$0x0 ss:$0x81] =	vst.msk $0xffff, v63;
	s31 =	sor.u32 $0x400, s22;
	s19 =	sand.u32 $0x3FFFFFFF, s19;
	s18 =	sadd.s32 s18, s21  }
0x1e: {  	[hbm4b:s18+s31] =	stream.strided.scatter [tilespmem:s17], [sflag:$0x2], s19, s9, s31, $0x20;
	[tilespmem:$0x10100] =	vst v63  }
.LBB1_5:
0x1f: {  	p1 =	slt.u32 s14, $0x2  }
0x20: {  	s18 =	smov.u32 s16;
	p2 =	sgt.s32 @!p1 s16, $0x4DA0;
	s17 =	sshra.s32 @!p1 s16, $0x1F  }
0x21: {  	p3 =	sgt.s32 @!p1 s15, $0x380;
	s19 =	sshra.s32 @!p1 s15, $0x1F;
	p2 =	por !p2, p1  }
0x22: {  	s16 =	sand.u32 @!p1 s17, s16;
	p3 =	por !p3, p1;
	s17 =	smov.u32 s15  }
0x23: {  	s15 =	sand.u32 @!p1 s19, s15;
	s18 =	simm.s32 @p2 $0x4DA0;
	s17 =	simm.s32 @p3 $0x380  }
0x24: {  	s16 =	ssub.s32 @!p1 s18, s16;
	s15 =	ssub.s32 @!p1 s17, s15  }
0x25: {  	s19 =	smov.u32 s13;
	s17 =	sadd.s32 @!p1 $0xFFFFB260, s16;
	s18 =	sadd.s32 @!p1 $0xFFFFFC80, s15  }
0x26: {  	s16 =	ssub.s32 @!p1 $0x4E20, s16;
	p2 =	sgt.s32 @!p1 s17, $0x7F;
	p3 =	sgt.s32 @!p1 s18, $0x7F  }
0x27: {  	s15 =	ssub.s32 @!p1 $0x400, s15;
	p2 =	por !p2, p1;
	p3 =	por !p3, p1  }
0x28: {  	s17 =	sadd.s32 $0x200, s12;
	s16 =	simm.s32 @!p2 $0x0;
	s15 =	simm.s32 @!p3 $0x0  }
0x29: {  	p2 =	sgt.s32 s17, $0x4E1F;
	s15 =	smul.u32 @!p1 s15, s16;
	s16 =	sadd.s32 $0x400, s13  }
0x2a: {  	s19 =	smov.u32 @p2 s16  }
0x2b: {  	s17 =	smov.u32 @p2 s4;
	p2 =	sgt.s32 s19, $0x3FF  }
0x2c: {  	s19 =	smov.u32 @p2 s1;
	p2 =	sne.s32 s14, s8  }
.Ltmp1:
0x2d: {  	p0 =	por !p0, !p0;
	s18 =	simm.s32 @!p1 $0x2;
	(pc) =	sbr.rel @!p2 .LBB1_6-.Ltmp1, $4  }
0x2e: {  	s16 =	smov.u32 s10;
	s10 =	smov.u32 s12;
	s15 =	sand.u32 @!p1 $0x3FFFFFFF, s15  }
0x2f: {  	s12 =	smov.u32 s17;
	_ =	swait.ge @!p1 [sflag:s18], s15;
	s20 =	ssub.s32 @!p1 $0x0, s15  }
0x30: {  	s15 =	smov.u32 s11;
	s14 =	sadd.s32 $0x1, s14;
	[sflag:s18] =	ssyncset.done @!p1 $0x0  }
0x31: {  	s11 =	smov.u32 s13;
	s13 =	smov.u32 s19;
	[sflag:s18] =	ssyncadd.s32 @!p1 s20  }
.LBB1_1:
0x32: {  	p1 =	sge.u32 s14, s6  }
0x33: {  	s17 =	sshrl.u32 @!p1 s13, $0x3  }
0x34: {  	s18 =	sshll.u32 @!p1 s12, $0x3;
	s17 =	smul.u32 @!p1 $0x27400, s17  }
0x35: {  	s19 =	sshll.u32 @!p1 s13, $0x7;
	s18 =	sand.u32 @!p1 $0xFFFFFC00, s18  }
0x36: {  	s17 =	sadd.s32 @!p1 s17, s18;
	s18 =	sand.u32 @!p1 $0x380, s19  }
0x37: {  	s19 =	sand.u32 @!p1 $0x7F, s12;
	s17 =	sor.u32 @!p1 s18, s17  }
0x38: {  	s18 =	sor.u32 @!p1 s19, s17  }
0x39: {  	s19 =	smulhi.u32 @!p1 $0x342DA7F3, s18;
	_ =	sdelay $0x1  }
0x3a: {  	s17 =	smulhi.u32 @!p1 $0x342DA7F3, s17;
	s19 =	sshrl.u32 @!p1 s19, $0xC  }
0x3b: {  	s19 =	smul.u32 @!p1 $0x4E80, s19  }
0x3c: {  	s31 =	sadd.s32 $0xFFFFFFFF, s14;
	s20 =	sxor.u32 @!p1 $0xFFFFFFFF, s14;
	s17 =	sshrl.u32 @!p1 s17, $0xC  }
0x3d: {  	s20 =	sshll.u32 @!p1 s20, $0xE;
	s17 =	sand.u32 @!p1 $0x3FF, s17;
	s18 =	ssub.s32 @!p1 s18, s19  }
0x3e: {  	s17 =	smul.u32 @!p1 $0x9D0, s17;
	s19 =	sshrl.u32 @!p1 s18, $0x3;
	s18 =	sand.u32 @!p1 $0x7, s18  }
0x3f: {  	s20 =	sand.u32 @!p1 $0x4000, s20;
	s19 =	sadd.s32 @!p1 s7, s19;
	s18 =	sshll.u32 @!p1 s18, $0x12  }
0x40: {  	s17 =	sadd.s32 @!p1 s17, s19;
	s18 =	sor.u32 @!p1 $0x400, s18;
	s19 =	simm.s32 @!p1 $0x27400  }
0x41: {  	[tilespmem:s20], [sflag:$0x1] =	stream.strided.gather @!p1 [hbm4b:s17+s18], $0x4000, s19, s18, $0x38;
	[tilespmem:$0x10100] =	vst v63  }
0x42: {  	p1 =	sge.u32 s31, s6  }
.Ltmp2:
0x43: {  	_ = 	snop;
	(pc) =	sbr.rel @p1 .LBB1_5-.Ltmp2, $1  }
0x44: {  	_ =	sdelay $0x3  }
0x45: {  	s17 =	simm.s32 $0x1  }
0x46: {  	_ =	swait.ge [sflag:s5], $0x4000;
	s17 =	simm.s32 @!p0 $0x0  }
0x47: {  	[sflag:s5] =	ssyncset.done $0x0;
	s18 =	sshll.u32 s17, $0xE  }
0x48: {  	[sflag:s5] =	ssyncadd.s32 $0xFFFFC000;
	s18 =	sor.u32 $0x40, s18  }
0x49: {  	s17 =	smul.u32 $0x10200, s17;
	v0 =	vld [tilespmem:s18+$0x30]  }
0x4a: {  	v1 =	vld [tilespmem:s18+$0xFFFFFFD0]  }
0x4b: {  	s17 =	sshrl.u32 s17, $0x2;
	v5 =	vld [tilespmem:s18+$0xFFFFFFE0]  }
0x4c: {  	v6 =	vld [tilespmem:s18+$0xFFFFFFF0];
	s20 =	sor.u32 $0x8000, s17  }
0x4d: {  	s31 =	sand.u32 $0x1, s14;
	v4 =	vld [tilespmem:s18+$0x0];
	s19 =	sadd.s32 $0x0, s20  }
0x4e: {  	v3 =	vld [tilespmem:s18+$0x10];
	s17 =	smul.u32 $0x10200, s31;
	[tilespmem:s19+$0x3870 ss:$0x81] =	vst.msk $0xffff, v0  }
0x4f: {  	v2 =	vld [tilespmem:s18+$0x20];
	[tilespmem:s19+$0x810 ss:$0x81] =	vst.msk $0xffff, v1  }
0x50: {  	s17 =	sshrl.u32 s17, $0x2;
	v1 =	vld [tilespmem:s18+$0xFFFFFFC0];
	[tilespmem:s19+$0x1020 ss:$0x81] =	vst.msk $0xffff, v5;
	s18 =	sadd.s32 $0x80, s18  }
0x51: {  	s21 =	simm.s32 $0x4;
	s22 =	simm.s32 $0x8;
	s17 =	sor.u32 $0x8000, s17;
	[tilespmem:s19+$0x1830 ss:$0x81] =	vst.msk $0xffff, v6;
	v0 =	vld [tilespmem:s18+$0x30]  }
.LBB1_3:
0x52: {  	p1 =	sne.s32 s22, $0x1FC;
	v5 =	vld [tilespmem:s18+$0xFFFFFFD0];
	[tilespmem:s19+$0x2040 ss:$0x81] =	vst.msk $0xffff, v4  }
0x53: {  	v6 =	vld [tilespmem:s18+$0xFFFFFFE0];
	[tilespmem:s19+$0x2850 ss:$0x81] =	vst.msk $0xffff, v3  }
0x54: {  	s23 =	sshra.s32 s21, $0x2;
	s21 =	smov.u32 s22;
	v7 =	vld [tilespmem:s18+$0xFFFFFFF0];
	[tilespmem:s19+$0x3060 ss:$0x81] =	vst.msk $0xffff, v2  }
.Ltmp3:
0x55: {  	v4 =	vld [tilespmem:s18+$0x0];
	[tilespmem:s19+$0x0 ss:$0x81] =	vst.msk $0xffff, v1;
	s19 =	sadd.s32 s23, s20;
	(pc) =	sbr.rel @p1 .LBB1_3-.Ltmp3, $4  }
0x56: {  	v3 =	vld [tilespmem:s18+$0x10];
	[tilespmem:s19+$0x3870 ss:$0x81] =	vst.msk $0xffff, v0  }
0x57: {  	[tilespmem:s19+$0x810 ss:$0x81] =	vst.msk $0xffff, v5;
	v2 =	vld [tilespmem:s18+$0x20]  }
0x58: {  	v1 =	vld [tilespmem:s18+$0xFFFFFFC0];
	[tilespmem:s19+$0x1020 ss:$0x81] =	vst.msk $0xffff, v6;
	s18 =	sadd.s32 $0x80, s18  }
0x59: {  	s22 =	sadd.s32 $0x4, s22;
	v0 =	vld [tilespmem:s18+$0x30];
	[tilespmem:s19+$0x1830 ss:$0x81] =	vst.msk $0xffff, v7  }
.Ltmp4:
0x5a: {  	_ = 	snop;
	(pc) =	sbr.rel .LBB1_4-.Ltmp4, $1  }
0x5b: {  	_ =	sdelay $0x3  }
.LBB1_6:
0x5c: {  	_ =	sfence.sel $0x180000  }
0x5d: {  	s1 =	simm.s32 $0x1;
	[bflag:$0x0] =	sbarrier.arrive $0xFFFF  }
0x5e: {  	s31 =	simm.s32 $0x2;
	[sflag:s1] =	ssyncpa.u1 $0x1  }
0x5f: {  	[sflag:s31] =	ssyncpa.u1 $0x1  }
0x60: {  	p0 =	sne.s32 s0, $0x0;
	_ =	strace $0x9000004D  }
0x61: {  	s0 =	sadd.s32 @!p0 $0x100000, s2;
	[bflag:$0x2] =	sbarrier.arrive $0xFFFF  }
0x62: {  	[sflag:s0] =	ssyncadd.tile.s32 @!p0 $0x1;
	_ =	shalt  }
.Lfunc_end1:
_tile_overlayer_lowered:
.L_overlay_start_2:
0x63: {  	(tag) =	ssettag $0x2  }
0x64: {  	s0 =	rddreg [dreg:$0x0];
	s2 =	stileid.u32  }
0x65: {  	s1 =	rddreg [dreg:$0x1];
	p0 =	sne.s32 s2, $0x0  }
0x66: {  	s3 =	rddreg [dreg:$0x2];
	[bflag:$0x3] =	sbarrier.arrive $0xFFFF;
	s2 =	simm.s32 @!p0 $0x1C01  }
0x67: {  	[timem:s3], [sflag:s2] =	dma.local @!p0 [hbm:s0], s1  }
0x68: {  	s0 =	simm.s32 @!p0 $0x1  }
0x69: {  	_ =	swait.ge @!p0 [sflag:s0], s1  }
0x6a: {  	s1 =	ssub.s32 @!p0 $0x0, s1;
	[sflag:s0] =	ssyncset.done @!p0 $0x0  }
0x6b: {  	[sflag:s0] =	ssyncadd.s32 @!p0 s1  }
0x6c: {  	[bflag:$0x3] =	sbarrier.arrive $0xFFFF  }
0x6d: {  	_ =	shalt  }

</sc_bundles>
